<compile_context>
chip_gen: v7x
topology: tpu7x:2x2x1
jax: 0.10.2.dev20260603
libtpu: 0.0.44.dev20260713+nightly
codegen_flags: <defaults>
</compile_context>

<pallas_src>
import functools

import jax
import jax.numpy as jnp
from jax import lax
from jax.experimental import pallas as pl
from jax.experimental.pallas import tpu as pltpu
from jax.experimental.pallas import tpu_sc as plsc

N = 10000
E = 320000
D_IN = 128
D_H = 128
D_OUT = 40
D_PAD = 128

NC = 2
NS = 16
LANES = 16
NW = NC * NS
EPW = E // NW
K = 25
NCHUNK = EPW // K
NB = 5
G = NCHUNK // NB
DNB = 5
DG = NCHUNK // DNB
NP = 10240
RPS = NP // NS
DEGW = 16


def _mesh():
  return plsc.VectorSubcoreMesh(core_axis_name="c", subcore_axis_name="s")


def _fill(buf, rows, width, value):
  @pl.loop(0, rows)
  def _(i):
    @pl.loop(0, width, step=LANES)
    def _(j):
      buf[i, pl.ds(j, LANES)] = jnp.full((LANES,), value, jnp.float32)


def _degrees(src3, dst3):

  @functools.partial(
      pl.kernel,
      out_type=[
          jax.ShapeDtypeStruct((NC, NP, DEGW), jnp.float32),
          jax.ShapeDtypeStruct((NC, NP, DEGW), jnp.float32),
      ],
      mesh=_mesh(),
      scratch_types=[
          pltpu.VMEM((NCHUNK, K), jnp.int32),
          pltpu.VMEM((NCHUNK, K), jnp.int32),
          pltpu.VMEM((K, DEGW), jnp.float32),
          pltpu.VMEM((80, DEGW), jnp.float32),
          pltpu.VMEM_SHARED((NP, DEGW), jnp.float32),
          pltpu.VMEM_SHARED((NP, DEGW), jnp.float32),
          pltpu.SemaphoreType.DMA,
      ],
      compiler_params=pltpu.CompilerParams(use_tc_tiling_on_sc=False),
  )
  def deg_kernel(src_hbm, dst_hbm, dego_hbm, degi_hbm,
                 sidx, didx, ones_v, zbuf, acco, acci, sem):
    cid = lax.axis_index("c")
    sid = lax.axis_index("s")
    wid = sid * NC + cid

    pltpu.sync_copy(src_hbm.at[wid], sidx)
    pltpu.sync_copy(dst_hbm.at[wid], didx)
    _fill(ones_v, K, DEGW, 1.0)
    _fill(zbuf, 80, DEGW, 0.0)

    @pl.loop(0, RPS // 80)
    def _(i):
      r0 = sid * RPS + i * 80
      pltpu.sync_copy(zbuf, acco.at[pl.ds(r0, 80)])
      pltpu.sync_copy(zbuf, acci.at[pl.ds(r0, 80)])

    plsc.subcore_barrier()

    def fire(g):
      for b in range(DNB):
        c = g * DNB + b
        pltpu.make_async_copy(ones_v, acco.at[sidx.at[c]], sem).start(add=True)
        pltpu.make_async_copy(ones_v, acci.at[didx.at[c]], sem).start(add=True)

    def drain(g):
      for b in range(DNB):
        c = g * DNB + b
        pltpu.make_async_copy(ones_v, acco.at[sidx.at[c]], sem).wait()
        pltpu.make_async_copy(ones_v, acci.at[didx.at[c]], sem).wait()

    fire(0)

    @pl.loop(1, DG)
    def _(g):
      fire(g)
      drain(g - 1)

    drain(DG - 1)

    plsc.subcore_barrier()
    r0 = sid * RPS
    pltpu.sync_copy(acco.at[pl.ds(r0, RPS)], dego_hbm.at[cid, pl.ds(r0, RPS)])
    pltpu.sync_copy(acci.at[pl.ds(r0, RPS)], degi_hbm.at[cid, pl.ds(r0, RPS)])

  return deg_kernel(src3, dst3)


def _aggregate(h, src4, dst3, width):

  @functools.partial(
      pl.kernel,
      out_type=jax.ShapeDtypeStruct((NC, NP, width), jnp.float32),
      mesh=_mesh(),
      scratch_types=(
          [pltpu.VMEM((NB, K), jnp.int32),
           pltpu.VMEM((NB, K), jnp.int32),
           pltpu.VMEM((NCHUNK, K), jnp.int32)]
          + [pltpu.VMEM((K, width), jnp.float32) for _ in range(2 * NB)]
          + [pltpu.VMEM_SHARED((NP, width), jnp.float32),
             pltpu.SemaphoreType.DMA,
             pltpu.SemaphoreType.DMA,
             pltpu.SemaphoreType.DMA,
             pltpu.SemaphoreType.DMA]
      ),
      compiler_params=pltpu.CompilerParams(use_tc_tiling_on_sc=False),
  )
  def agg_kernel(h_hbm, src_hbm, dst_hbm, out_hbm, *scr):
    sidx = [scr[0], scr[1]]
    didx = scr[2]
    rows = [[scr[3 + s * NB + b] for b in range(NB)] for s in range(2)]
    acc, gsem, ssem = scr[3 + 2 * NB], scr[4 + 2 * NB], scr[5 + 2 * NB]
    isem = [scr[6 + 2 * NB], scr[7 + 2 * NB]]

    cid = lax.axis_index("c")
    sid = lax.axis_index("s")
    wid = sid * NC + cid

    pltpu.make_async_copy(dst_hbm.at[wid], didx, ssem).start()

    z = rows[0][0]
    z2 = rows[0][1]
    _fill(z, K, width, 0.0)
    _fill(z2, K, width, 0.0)
    rem = RPS - (RPS // K) * K

    @pl.loop(0, RPS // K)
    def _(i):
      pltpu.make_async_copy(z, acc.at[pl.ds(sid * RPS + i * K, K)],
                            gsem).start()

    pltpu.make_async_copy(z2.at[pl.ds(0, rem)],
                          acc.at[pl.ds(sid * RPS + (RPS // K) * K, rem)],
                          gsem).start()

    @pl.loop(0, RPS // K)
    def _(i):
      pltpu.make_async_copy(z, acc.at[pl.ds(sid * RPS + i * K, K)],
                            gsem).wait()

    pltpu.make_async_copy(z2.at[pl.ds(0, rem)],
                          acc.at[pl.ds(sid * RPS + (RPS // K) * K, rem)],
                          gsem).wait()
    pltpu.make_async_copy(dst_hbm.at[wid], didx, ssem).wait()

    plsc.subcore_barrier()

    def g_copy(b, s):
      return pltpu.make_async_copy(h_hbm.at[sidx[s].at[b]], rows[s][b], gsem)

    def s_copy(c, buf):
      return pltpu.make_async_copy(buf, acc.at[didx.at[c]], ssem)

    def i_copy(g, s):
      return pltpu.make_async_copy(src_hbm.at[wid * G + g], sidx[s], isem[s])

    def fire_g(s):
      for b in range(NB):
        g_copy(b, s).start()

    def drain_g(s):
      for b in range(NB):
        g_copy(b, s).wait()

    def fire_s(g, s):
      for b in range(NB):
        s_copy(g * NB + b, rows[s][b]).start(add=True)

    def drain_s(g, s):
      for b in range(NB):
        s_copy(g * NB + b, rows[s][b]).wait()

    i_copy(0, 0).start()
    i_copy(0, 0).wait()
    fire_g(0)

    @pl.loop(0, G, step=2)
    def _(g):
      i_copy(g + 1, 1).start()
      drain_g(0)

      @pl.when(g + 2 < G)
      def _():
        i_copy(g + 2, 0).start()

      @pl.when(g > 0)
      def _():
        drain_s(g - 1, 1)

      i_copy(g + 1, 1).wait()
      fire_g(1)
      fire_s(g, 0)
      drain_g(1)
      drain_s(g, 0)

      @pl.when(g + 2 < G)
      def _():
        i_copy(g + 2, 0).wait()
        fire_g(0)

      fire_s(g + 1, 1)

    drain_s(G - 1, 1)

    plsc.subcore_barrier()
    r0 = sid * RPS
    pltpu.sync_copy(acc.at[pl.ds(r0, RPS)], out_hbm.at[cid, pl.ds(r0, RPS)])

  return agg_kernel(h, src4, dst3)


BR = 2000


def _prep(x, dego, degi):

  def body(x_ref, do_ref, di_ref, xs_ref, no_ref, ni_ref):
    do = do_ref[0, :, 0:1] + do_ref[1, :, 0:1]
    di = di_ref[0, :, 0:1] + di_ref[1, :, 0:1]
    no = jnp.where(do > 0, lax.rsqrt(jnp.maximum(do, 1.0)), 0.0)
    ni = jnp.where(di > 0, lax.rsqrt(jnp.maximum(di, 1.0)), 0.0)
    no_ref[...] = no
    ni_ref[...] = ni
    xs_ref[...] = x_ref[...] * no

  return pl.pallas_call(
      body,
      grid=(N // BR,),
      in_specs=[
          pl.BlockSpec((BR, D_IN), lambda i: (i, 0)),
          pl.BlockSpec((2, BR, DEGW), lambda i: (0, i, 0)),
          pl.BlockSpec((2, BR, DEGW), lambda i: (0, i, 0)),
      ],
      out_specs=[
          pl.BlockSpec((BR, D_IN), lambda i: (i, 0)),
          pl.BlockSpec((BR, 1), lambda i: (i, 0)),
          pl.BlockSpec((BR, 1), lambda i: (i, 0)),
      ],
      out_shape=[
          jax.ShapeDtypeStruct((N, D_IN), jnp.float32),
          jax.ShapeDtypeStruct((N, 1), jnp.float32),
          jax.ShapeDtypeStruct((N, 1), jnp.float32),
      ],
  )(x, dego, degi)


def _layer_mid(p, ni, no, W, b):

  def body(p_ref, ni_ref, no_ref, w_ref, b_ref, out_ref):
    agg = (p_ref[0] + p_ref[1]) * ni_ref[...]
    h = lax.dot_general(agg, w_ref[...], (((1,), (0,)), ((), ())),
                        preferred_element_type=jnp.float32,
                        precision=lax.Precision.HIGHEST)
    h = jnp.maximum(h + b_ref[...], 0.0)
    out_ref[...] = h * no_ref[...]

  return pl.pallas_call(
      body,
      grid=(N // BR,),
      in_specs=[
          pl.BlockSpec((2, BR, D_H), lambda i: (0, i, 0)),
          pl.BlockSpec((BR, 1), lambda i: (i, 0)),
          pl.BlockSpec((BR, 1), lambda i: (i, 0)),
          pl.BlockSpec((D_H, D_H), lambda i: (0, 0)),
          pl.BlockSpec((1, D_H), lambda i: (0, 0)),
      ],
      out_specs=pl.BlockSpec((BR, D_H), lambda i: (i, 0)),
      out_shape=jax.ShapeDtypeStruct((N, D_H), jnp.float32),
  )(p, ni, no, W.reshape(D_H, D_H), b.reshape(1, D_H))


def _layer_mid_fused(p, ni, no, W, b, W2p):

  def body(p_ref, ni_ref, no_ref, w_ref, b_ref, w2_ref, out_ref):
    agg = (p_ref[0] + p_ref[1]) * ni_ref[...]
    h = lax.dot_general(agg, w_ref[...], (((1,), (0,)), ((), ())),
                        preferred_element_type=jnp.float32,
                        precision=lax.Precision.HIGHEST)
    h = jnp.maximum(h + b_ref[...], 0.0)
    y = lax.dot_general(h, w2_ref[...], (((1,), (0,)), ((), ())),
                        preferred_element_type=jnp.float32,
                        precision=lax.Precision.HIGHEST)
    out_ref[...] = y * no_ref[...]

  return pl.pallas_call(
      body,
      grid=(N // BR,),
      in_specs=[
          pl.BlockSpec((2, BR, D_H), lambda i: (0, i, 0)),
          pl.BlockSpec((BR, 1), lambda i: (i, 0)),
          pl.BlockSpec((BR, 1), lambda i: (i, 0)),
          pl.BlockSpec((D_H, D_H), lambda i: (0, 0)),
          pl.BlockSpec((1, D_H), lambda i: (0, 0)),
          pl.BlockSpec((D_H, D_PAD), lambda i: (0, 0)),
      ],
      out_specs=pl.BlockSpec((BR, D_PAD), lambda i: (i, 0)),
      out_shape=jax.ShapeDtypeStruct((N, D_PAD), jnp.float32),
  )(p, ni, no, W.reshape(D_H, D_H), b.reshape(1, D_H), W2p)


def _final(p, ni, b2):

  def body(p_ref, ni_ref, b_ref, out_ref):
    agg = p_ref[0, :, :D_OUT] + p_ref[1, :, :D_OUT]
    out_ref[...] = agg * ni_ref[...] + b_ref[...]

  return pl.pallas_call(
      body,
      grid=(N // BR,),
      in_specs=[
          pl.BlockSpec((2, BR, D_PAD), lambda i: (0, i, 0)),
          pl.BlockSpec((BR, 1), lambda i: (i, 0)),
          pl.BlockSpec((1, D_OUT), lambda i: (0, 0)),
      ],
      out_specs=pl.BlockSpec((BR, D_OUT), lambda i: (i, 0)),
      out_shape=jax.ShapeDtypeStruct((N, D_OUT), jnp.float32),
  )(p, ni, b2.reshape(1, D_OUT))


def kernel(x, edge_index, W0, b0, W1, b1, W2, b2):
  src3 = edge_index[0].reshape(NW, NCHUNK, K)
  dst3 = edge_index[1].reshape(NW, NCHUNK, K)
  src4 = edge_index[0].reshape(NW * G, NB, K)

  dego, degi = _degrees(src3, dst3)
  xs, no, ni = _prep(x, dego, degi)

  p1 = _aggregate(xs, src4, dst3, D_IN)
  h1s = _layer_mid(p1, ni, no, W0, b0)

  W2p = jnp.pad(W2, ((0, 0), (0, D_PAD - D_OUT)))
  p2 = _aggregate(h1s, src4, dst3, D_H)
  y2 = _layer_mid_fused(p2, ni, no, W1, b1, W2p)

  p3 = _aggregate(y2, src4, dst3, D_PAD)
  return _final(p3, ni, b2)

# --- scband reference (transcript-rebuilt; emitter-appended) ---
"""Pipeline reference for scband-gcn-74491912782152 (READ-ONLY COPY).

The authoritative reference and input builder live on the scoring server;
editing this copy changes nothing except your own understanding.
"""

import jax, jax.numpy as jnp
import numpy as np

N = 10000
E = 320000
D_IN = 128
D_H = 128
D_OUT = 40


def _glorot(key, fan_in, fan_out):
    scale = jnp.sqrt(6.0 / (fan_in + fan_out))
    return jax.random.uniform(key, (fan_in, fan_out), dtype=jnp.float32, minval=-scale, maxval=scale)


def setup_inputs(seed: int = 0) -> dict:
    key = jax.random.key(seed)
    ks = jax.random.split(key, 8)
    x = jax.random.normal(ks[0], (N, D_IN), dtype=jnp.float32)
    edge_index = jax.random.randint(ks[1], (2, E), 0, N, dtype=jnp.int32)
    W0 = _glorot(ks[2], D_IN, D_H)
    b0 = jnp.zeros((D_H,), dtype=jnp.float32)
    W1 = _glorot(ks[3], D_H, D_H)
    b1 = jnp.zeros((D_H,), dtype=jnp.float32)
    W2 = _glorot(ks[4], D_H, D_OUT)
    b2 = jnp.zeros((D_OUT,), dtype=jnp.float32)
    return {"x": x, "edge_index": edge_index, "W0": W0, "b0": b0, "W1": W1, "b1": b1, "W2": W2, "b2": b2}


def gcn_layer(x, src, dst, W, b):
    # DGL GraphConv with norm='both': h = D_in^{-1/2} A D_out^{-1/2} x W + b
    n = x.shape[0]
    ones = jnp.ones((src.shape[0],), dtype=x.dtype)
    deg_out = jax.ops.segment_sum(ones, src, num_segments=n)
    deg_in = jax.ops.segment_sum(ones, dst, num_segments=n)
    norm_out = jnp.where(deg_out > 0, jax.lax.rsqrt(jnp.maximum(deg_out, 1.0)), 0.0)
    norm_in = jnp.where(deg_in > 0, jax.lax.rsqrt(jnp.maximum(deg_in, 1.0)), 0.0)
    h = x * norm_out[:, None]
    msg = jnp.take(h, src, axis=0)
    agg = jax.ops.segment_sum(msg, dst, num_segments=n)
    h = agg * norm_in[:, None]
    return h @ W + b


def reference(x, edge_index, W0, b0, W1, b1, W2, b2):
    src = edge_index[0]
    dst = edge_index[1]
    h = gcn_layer(x, src, dst, W0, b0)
    h = jax.nn.relu(h)
    # dropout is identity in eval mode (training=False)
    h = gcn_layer(h, src, dst, W1, b1)
    h = jax.nn.relu(h)
    logits = gcn_layer(h, src, dst, W2, b2)
    return logits

if __name__ == "__main__":
    import jax
    _d = setup_inputs()
    print(jax.jit(kernel)(*tuple(_d.values())))

</pallas_src>

<mosaic_0001>
#map = affine_map<(d0, d1) -> (0, 0)>
#map1 = affine_map<(d0, d1) -> (0, 0, 0)>
module attributes {stable_mosaic.version = 14 : i64} {
  func.func @agg_kernel(%arg0: i32, %arg1: i32, %arg2: memref<10000x128xf32, #tpu.memory_space<hbm>>, %arg3: memref<2560x5x25xi32, #tpu.memory_space<hbm>>, %arg4: memref<32x400x25xi32, #tpu.memory_space<hbm>>, %arg5: memref<2x10240x128xf32, #tpu.memory_space<hbm>>, %arg6: memref<5x25xi32, #tpu.memory_space<vmem>>, %arg7: memref<5x25xi32, #tpu.memory_space<vmem>>, %arg8: memref<400x25xi32, #tpu.memory_space<vmem>>, %arg9: memref<25x128xf32, #tpu.memory_space<vmem>>, %arg10: memref<25x128xf32, #tpu.memory_space<vmem>>, %arg11: memref<25x128xf32, #tpu.memory_space<vmem>>, %arg12: memref<25x128xf32, #tpu.memory_space<vmem>>, %arg13: memref<25x128xf32, #tpu.memory_space<vmem>>, %arg14: memref<25x128xf32, #tpu.memory_space<vmem>>, %arg15: memref<25x128xf32, #tpu.memory_space<vmem>>, %arg16: memref<25x128xf32, #tpu.memory_space<vmem>>, %arg17: memref<25x128xf32, #tpu.memory_space<vmem>>, %arg18: memref<25x128xf32, #tpu.memory_space<vmem>>, %arg19: memref<10240x128xf32, #tpu.memory_space<vmem_shared>>, %arg20: memref<!tpu.dma_semaphore, #tpu.memory_space<semaphore_mem>>, %arg21: memref<!tpu.dma_semaphore, #tpu.memory_space<semaphore_mem>>, %arg22: memref<!tpu.dma_semaphore, #tpu.memory_space<semaphore_mem>>, %arg23: memref<!tpu.dma_semaphore, #tpu.memory_space<semaphore_mem>>) attributes {dimension_semantics = [#tpu.dimension_semantics<core_parallel>, #tpu.dimension_semantics<subcore_parallel>], iteration_bounds = array<i64: 2, 16>, scalar_prefetch = 0 : i64, scratch_operands = 18 : i64, tpu.core_type = #tpu.core_type<sc_vector_subcore>, window_params = [{transform_indices = #map}, {transform_indices = #map1}, {transform_indices = #map1}, {transform_indices = #map1}]} {
    %mul3A = arith.constant 2 : i32
    %mul3A_0 = arith.muli %arg1, %mul3A : i32
    %add3A = arith.addi %mul3A_0, %arg0 : i32
    %dma_start3A = arith.constant 0 : i32
    %dma_start3A_1 = arith.constant 0 : i32
    %dma_start3A_2 = tpu.memref_slice %arg4[%add3A, %dma_start3A, %dma_start3A_1] : memref<32x400x25xi32, #tpu.memory_space<hbm>> -> memref<1x400x25xi32, #tpu.memory_space<hbm>>
    %dma_start3A_3 = tpu.memref_squeeze %dma_start3A_2 : memref<1x400x25xi32, #tpu.memory_space<hbm>> -> memref<400x25xi32, #tpu.memory_space<hbm>>
    %dma_start3A_4 = arith.constant 0 : i32
    %dma_start3A_5 = arith.constant 0 : i32
    %dma_start3A_6 = tpu.memref_slice %arg4[%add3A, %dma_start3A_4, %dma_start3A_5] : memref<32x400x25xi32, #tpu.memory_space<hbm>> -> memref<1x400x25xi32, #tpu.memory_space<hbm>>
    %dma_start3A_7 = tpu.memref_squeeze %dma_start3A_6 : memref<1x400x25xi32, #tpu.memory_space<hbm>> -> memref<400x25xi32, #tpu.memory_space<hbm>>
    tpu.enqueue_dma source(%dma_start3A_7 : memref<400x25xi32, #tpu.memory_space<hbm>>) target(%arg8 : memref<400x25xi32, #tpu.memory_space<vmem>>) target_semaphore(%arg21 : memref<!tpu.dma_semaphore, #tpu.memory_space<semaphore_mem>>)
    %scan3A = arith.constant 0 : i32
    %scan3A_8 = arith.constant 25 : i32
    %scan3A_9 = arith.addi %scan3A, %scan3A_8 : i32
    %scan3A_10 = arith.constant 1 : i32
    scf.for %scan3A_164 = %scan3A to %scan3A_9 step %scan3A_10  : i32 {
      %mul3A_165 = arith.constant 1 : i32
      %mul3A_166 = arith.muli %scan3A_164, %mul3A_165 : i32
      %add3A_167 = arith.constant 0 : i32
      %add3A_168 = arith.addi %add3A_167, %mul3A_166 : i32
      %scan3A_169 = arith.constant 0 : i32
      %scan3A_170 = arith.constant 8 : i32
      %scan3A_171 = arith.addi %scan3A_169, %scan3A_170 : i32
      %scan3A_172 = arith.constant 1 : i32
      scf.for %scan3A_174 = %scan3A_169 to %scan3A_171 step %scan3A_172  : i32 {
        %mul3A_175 = arith.constant 16 : i32
        %mul3A_176 = arith.muli %scan3A_174, %mul3A_175 : i32
        %add3A_177 = arith.constant 0 : i32
        %add3A_178 = arith.addi %add3A_177, %mul3A_176 : i32
        %broadcast_in_dim3A = arith.constant 0.000000e+00 : f32
        %broadcast_in_dim3A_179 = vector.broadcast %broadcast_in_dim3A : f32 to vector<16xf32>
        %swap3A = arith.index_cast %add3A_168 : i32 to index
        %swap3A_180 = arith.index_cast %add3A_178 : i32 to index
        %swap3A_181 = tpu.vector_load %arg9[%swap3A, %swap3A_180] {strides = array<i32>} : memref<25x128xf32, #tpu.memory_space<vmem>>, vector<1x16xf32>,
        %swap3A_182 = vector.shape_cast %swap3A_181 : vector<1x16xf32> to vector<16xf32>
        %swap3A_183 = vector.shape_cast %broadcast_in_dim3A_179 : vector<16xf32> to vector<1x16xf32>
        tpu.vector_store %arg9[%swap3A, %swap3A_180], %swap3A_183 {strides = array<i32>} : memref<25x128xf32, #tpu.memory_space<vmem>>, vector<1x16xf32>,
      }
      %scan3A_173 = arith.constant 8 : i32
    }
    %scan3A_11 = arith.constant 25 : i32
    %scan3A_12 = arith.constant 0 : i32
    %scan3A_13 = arith.constant 25 : i32
    %scan3A_14 = arith.addi %scan3A_12, %scan3A_13 : i32
    %scan3A_15 = arith.constant 1 : i32
    scf.for %scan3A_164 = %scan3A_12 to %scan3A_14 step %scan3A_15  : i32 {
      %mul3A_165 = arith.constant 1 : i32
      %mul3A_166 = arith.muli %scan3A_164, %mul3A_165 : i32
      %add3A_167 = arith.constant 0 : i32
      %add3A_168 = arith.addi %add3A_167, %mul3A_166 : i32
      %scan3A_169 = arith.constant 0 : i32
      %scan3A_170 = arith.constant 8 : i32
      %scan3A_171 = arith.addi %scan3A_169, %scan3A_170 : i32
      %scan3A_172 = arith.constant 1 : i32
      scf.for %scan3A_174 = %scan3A_169 to %scan3A_171 step %scan3A_172  : i32 {
        %mul3A_175 = arith.constant 16 : i32
        %mul3A_176 = arith.muli %scan3A_174, %mul3A_175 : i32
        %add3A_177 = arith.constant 0 : i32
        %add3A_178 = arith.addi %add3A_177, %mul3A_176 : i32
        %broadcast_in_dim3A = arith.constant 0.000000e+00 : f32
        %broadcast_in_dim3A_179 = vector.broadcast %broadcast_in_dim3A : f32 to vector<16xf32>
        %swap3A = arith.index_cast %add3A_168 : i32 to index
        %swap3A_180 = arith.index_cast %add3A_178 : i32 to index
        %swap3A_181 = tpu.vector_load %arg10[%swap3A, %swap3A_180] {strides = array<i32>} : memref<25x128xf32, #tpu.memory_space<vmem>>, vector<1x16xf32>,
        %swap3A_182 = vector.shape_cast %swap3A_181 : vector<1x16xf32> to vector<16xf32>
        %swap3A_183 = vector.shape_cast %broadcast_in_dim3A_179 : vector<16xf32> to vector<1x16xf32>
        tpu.vector_store %arg10[%swap3A, %swap3A_180], %swap3A_183 {strides = array<i32>} : memref<25x128xf32, #tpu.memory_space<vmem>>, vector<1x16xf32>,
      }
      %scan3A_173 = arith.constant 8 : i32
    }
    %scan3A_16 = arith.constant 25 : i32
    %scan3A_17 = arith.constant 0 : i32
    %scan3A_18 = arith.constant 25 : i32
    %scan3A_19 = arith.addi %scan3A_17, %scan3A_18 : i32
    %scan3A_20 = arith.constant 1 : i32
    scf.for %scan3A_164 = %scan3A_17 to %scan3A_19 step %scan3A_20  : i32 {
      %mul3A_165 = arith.constant 1 : i32
      %mul3A_166 = arith.muli %scan3A_164, %mul3A_165 : i32
      %add3A_167 = arith.constant 0 : i32
      %add3A_168 = arith.addi %add3A_167, %mul3A_166 : i32
      %mul3A_169 = arith.constant 640 : i32
      %mul3A_170 = arith.muli %arg1, %mul3A_169 : i32
      %mul3A_171 = arith.constant 25 : i32
      %mul3A_172 = arith.muli %add3A_168, %mul3A_171 : i32
      %add3A_173 = arith.addi %mul3A_170, %mul3A_172 : i32
      %dma_start3A_174 = arith.constant 0 : i32
      %dma_start3A_175 = tpu.memref_slice %arg19[%add3A_173, %dma_start3A_174] : memref<10240x128xf32, #tpu.memory_space<vmem_shared>> -> memref<25x128xf32, #tpu.memory_space<vmem_shared>>
      %dma_start3A_176 = arith.constant 0 : i32
      %dma_start3A_177 = tpu.memref_slice %arg19[%add3A_173, %dma_start3A_176] : memref<10240x128xf32, #tpu.memory_space<vmem_shared>> -> memref<25x128xf32, #tpu.memory_space<vmem_shared>>
      tpu.enqueue_dma source(%arg9 : memref<25x128xf32, #tpu.memory_space<vmem>>) target(%dma_start3A_177 : memref<25x128xf32, #tpu.memory_space<vmem_shared>>) target_semaphore(%arg20 : memref<!tpu.dma_semaphore, #tpu.memory_space<semaphore_mem>>)
    }
    %scan3A_21 = arith.constant 25 : i32
    %mul3A_22 = arith.constant 640 : i32
    %mul3A_23 = arith.muli %arg1, %mul3A_22 : i32
    %add3A_24 = arith.constant 625 : i32
    %add3A_25 = arith.addi %mul3A_23, %add3A_24 : i32
    %dma_start3A_26 = arith.constant 0 : i32
    %dma_start3A_27 = arith.constant 0 : i32
    %dma_start3A_28 = tpu.memref_slice %arg10[%dma_start3A_26, %dma_start3A_27] : memref<25x128xf32, #tpu.memory_space<vmem>> -> memref<15x128xf32, #tpu.memory_space<vmem>>
    %dma_start3A_29 = arith.constant 0 : i32
    %dma_start3A_30 = tpu.memref_slice %arg19[%add3A_25, %dma_start3A_29] : memref<10240x128xf32, #tpu.memory_space<vmem_shared>> -> memref<15x128xf32, #tpu.memory_space<vmem_shared>>
    %dma_start3A_31 = arith.constant 0 : i32
    %dma_start3A_32 = tpu.memref_slice %arg19[%add3A_25, %dma_start3A_31] : memref<10240x128xf32, #tpu.memory_space<vmem_shared>> -> memref<15x128xf32, #tpu.memory_space<vmem_shared>>
    %dma_start3A_33 = arith.constant 0 : i32
    %dma_start3A_34 = arith.constant 0 : i32
    %dma_start3A_35 = tpu.memref_slice %arg10[%dma_start3A_33, %dma_start3A_34] : memref<25x128xf32, #tpu.memory_space<vmem>> -> memref<15x128xf32, #tpu.memory_space<vmem>>
    tpu.enqueue_dma source(%dma_start3A_35 : memref<15x128xf32, #tpu.memory_space<vmem>>) target(%dma_start3A_32 : memref<15x128xf32, #tpu.memory_space<vmem_shared>>) target_semaphore(%arg20 : memref<!tpu.dma_semaphore, #tpu.memory_space<semaphore_mem>>)
    %scan3A_36 = arith.constant 0 : i32
    %scan3A_37 = arith.constant 25 : i32
    %scan3A_38 = arith.addi %scan3A_36, %scan3A_37 : i32
    %scan3A_39 = arith.constant 1 : i32
    scf.for %scan3A_164 = %scan3A_36 to %scan3A_38 step %scan3A_39  : i32 {
      %mul3A_165 = arith.constant 1 : i32
      %mul3A_166 = arith.muli %scan3A_164, %mul3A_165 : i32
      %add3A_167 = arith.constant 0 : i32
      %add3A_168 = arith.addi %add3A_167, %mul3A_166 : i32
      %mul3A_169 = arith.constant 640 : i32
      %mul3A_170 = arith.muli %arg1, %mul3A_169 : i32
      %mul3A_171 = arith.constant 25 : i32
      %mul3A_172 = arith.muli %add3A_168, %mul3A_171 : i32
      %add3A_173 = arith.addi %mul3A_170, %mul3A_172 : i32
      %dma_wait3A_174 = arith.constant 0 : i32
      %dma_wait3A_175 = tpu.memref_slice %arg19[%add3A_173, %dma_wait3A_174] : memref<10240x128xf32, #tpu.memory_space<vmem_shared>> -> memref<25x128xf32, #tpu.memory_space<vmem_shared>>
      %dma_wait3A_176 = arith.constant 0 : i32
      %dma_wait3A_177 = tpu.memref_slice %arg19[%add3A_173, %dma_wait3A_176] : memref<10240x128xf32, #tpu.memory_space<vmem_shared>> -> memref<25x128xf32, #tpu.memory_space<vmem_shared>>
      tpu.wait_dma2 semaphore(%arg20 : memref<!tpu.dma_semaphore, #tpu.memory_space<semaphore_mem>>) src(%arg9 : memref<25x128xf32, #tpu.memory_space<vmem>>) dst(%dma_wait3A_177 : memref<25x128xf32, #tpu.memory_space<vmem_shared>>)
    }
    %scan3A_40 = arith.constant 25 : i32
    %mul3A_41 = arith.constant 640 : i32
    %mul3A_42 = arith.muli %arg1, %mul3A_41 : i32
    %add3A_43 = arith.constant 625 : i32
    %add3A_44 = arith.addi %mul3A_42, %add3A_43 : i32
    %dma_wait3A = arith.constant 0 : i32
    %dma_wait3A_45 = arith.constant 0 : i32
    %dma_wait3A_46 = tpu.memref_slice %arg10[%dma_wait3A, %dma_wait3A_45] : memref<25x128xf32, #tpu.memory_space<vmem>> -> memref<15x128xf32, #tpu.memory_space<vmem>>
    %dma_wait3A_47 = arith.constant 0 : i32
    %dma_wait3A_48 = tpu.memref_slice %arg19[%add3A_44, %dma_wait3A_47] : memref<10240x128xf32, #tpu.memory_space<vmem_shared>> -> memref<15x128xf32, #tpu.memory_space<vmem_shared>>
    %dma_wait3A_49 = arith.constant 0 : i32
    %dma_wait3A_50 = tpu.memref_slice %arg19[%add3A_44, %dma_wait3A_49] : memref<10240x128xf32, #tpu.memory_space<vmem_shared>> -> memref<15x128xf32, #tpu.memory_space<vmem_shared>>
    %dma_wait3A_51 = arith.constant 0 : i32
    %dma_wait3A_52 = arith.constant 0 : i32
    %dma_wait3A_53 = tpu.memref_slice %arg10[%dma_wait3A_51, %dma_wait3A_52] : memref<25x128xf32, #tpu.memory_space<vmem>> -> memref<15x128xf32, #tpu.memory_space<vmem>>
    tpu.wait_dma2 semaphore(%arg20 : memref<!tpu.dma_semaphore, #tpu.memory_space<semaphore_mem>>) src(%dma_wait3A_53 : memref<15x128xf32, #tpu.memory_space<vmem>>) dst(%dma_wait3A_50 : memref<15x128xf32, #tpu.memory_space<vmem_shared>>)
    %dma_wait3A_54 = arith.constant 0 : i32
    %dma_wait3A_55 = arith.constant 0 : i32
    %dma_wait3A_56 = tpu.memref_slice %arg4[%add3A, %dma_wait3A_54, %dma_wait3A_55] : memref<32x400x25xi32, #tpu.memory_space<hbm>> -> memref<1x400x25xi32, #tpu.memory_space<hbm>>
    %dma_wait3A_57 = tpu.memref_squeeze %dma_wait3A_56 : memref<1x400x25xi32, #tpu.memory_space<hbm>> -> memref<400x25xi32, #tpu.memory_space<hbm>>
    %dma_wait3A_58 = arith.constant 0 : i32
    %dma_wait3A_59 = arith.constant 0 : i32
    %dma_wait3A_60 = tpu.memref_slice %arg4[%add3A, %dma_wait3A_58, %dma_wait3A_59] : memref<32x400x25xi32, #tpu.memory_space<hbm>> -> memref<1x400x25xi32, #tpu.memory_space<hbm>>
    %dma_wait3A_61 = tpu.memref_squeeze %dma_wait3A_60 : memref<1x400x25xi32, #tpu.memory_space<hbm>> -> memref<400x25xi32, #tpu.memory_space<hbm>>
    tpu.wait_dma2 semaphore(%arg21 : memref<!tpu.dma_semaphore, #tpu.memory_space<semaphore_mem>>) src(%dma_wait3A_61 : memref<400x25xi32, #tpu.memory_space<hbm>>) dst(%arg8 : memref<400x25xi32, #tpu.memory_space<vmem>>)
    %barrier3A = arith.constant 0 : index
    tpu.barrier barrier_id(%barrier3A)
    %mul3A_62 = arith.constant 80 : i32
    %mul3A_63 = arith.muli %add3A, %mul3A_62 : i32
    %add3A_64 = arith.constant 0 : i32
    %add3A_65 = arith.addi %mul3A_63, %add3A_64 : i32
    %dma_start3A_66 = arith.constant 0 : i32
    %dma_start3A_67 = arith.constant 0 : i32
    %dma_start3A_68 = tpu.memref_slice %arg3[%add3A_65, %dma_start3A_66, %dma_start3A_67] : memref<2560x5x25xi32, #tpu.memory_space<hbm>> -> memref<1x5x25xi32, #tpu.memory_space<hbm>>
    %dma_start3A_69 = tpu.memref_squeeze %dma_start3A_68 : memref<1x5x25xi32, #tpu.memory_space<hbm>> -> memref<5x25xi32, #tpu.memory_space<hbm>>
    %dma_start3A_70 = arith.constant 0 : i32
    %dma_start3A_71 = arith.constant 0 : i32
    %dma_start3A_72 = tpu.memref_slice %arg3[%add3A_65, %dma_start3A_70, %dma_start3A_71] : memref<2560x5x25xi32, #tpu.memory_space<hbm>> -> memref<1x5x25xi32, #tpu.memory_space<hbm>>
    %dma_start3A_73 = tpu.memref_squeeze %dma_start3A_72 : memref<1x5x25xi32, #tpu.memory_space<hbm>> -> memref<5x25xi32, #tpu.memory_space<hbm>>
    tpu.enqueue_dma source(%dma_start3A_73 : memref<5x25xi32, #tpu.memory_space<hbm>>) target(%arg6 : memref<5x25xi32, #tpu.memory_space<vmem>>) target_semaphore(%arg22 : memref<!tpu.dma_semaphore, #tpu.memory_space<semaphore_mem>>)
    %mul3A_74 = arith.constant 80 : i32
    %mul3A_75 = arith.muli %add3A, %mul3A_74 : i32
    %add3A_76 = arith.constant 0 : i32
    %add3A_77 = arith.addi %mul3A_75, %add3A_76 : i32
    %dma_wait3A_78 = arith.constant 0 : i32
    %dma_wait3A_79 = arith.constant 0 : i32
    %dma_wait3A_80 = tpu.memref_slice %arg3[%add3A_77, %dma_wait3A_78, %dma_wait3A_79] : memref<2560x5x25xi32, #tpu.memory_space<hbm>> -> memref<1x5x25xi32, #tpu.memory_space<hbm>>
    %dma_wait3A_81 = tpu.memref_squeeze %dma_wait3A_80 : memref<1x5x25xi32, #tpu.memory_space<hbm>> -> memref<5x25xi32, #tpu.memory_space<hbm>>
    %dma_wait3A_82 = arith.constant 0 : i32
    %dma_wait3A_83 = arith.constant 0 : i32
    %dma_wait3A_84 = tpu.memref_slice %arg3[%add3A_77, %dma_wait3A_82, %dma_wait3A_83] : memref<2560x5x25xi32, #tpu.memory_space<hbm>> -> memref<1x5x25xi32, #tpu.memory_space<hbm>>
    %dma_wait3A_85 = tpu.memref_squeeze %dma_wait3A_84 : memref<1x5x25xi32, #tpu.memory_space<hbm>> -> memref<5x25xi32, #tpu.memory_space<hbm>>
    tpu.wait_dma2 semaphore(%arg22 : memref<!tpu.dma_semaphore, #tpu.memory_space<semaphore_mem>>) src(%dma_wait3A_85 : memref<5x25xi32, #tpu.memory_space<hbm>>) dst(%arg6 : memref<5x25xi32, #tpu.memory_space<vmem>>)
    %dma_start3A_86 = arith.constant 0 : i32
    %dma_start3A_87 = arith.constant 0 : i32
    %dma_start3A_88 = tpu.memref_slice %arg6[%dma_start3A_86, %dma_start3A_87] : memref<5x25xi32, #tpu.memory_space<vmem>> -> memref<1x25xi32, #tpu.memory_space<vmem>>
    %dma_start3A_89 = tpu.memref_squeeze %dma_start3A_88 : memref<1x25xi32, #tpu.memory_space<vmem>> -> memref<25xi32, #tpu.memory_space<vmem>>
    %dma_start3A_90 = arith.constant 0 : i32
    %dma_start3A_91 = arith.constant 0 : i32
    %dma_start3A_92 = tpu.memref_slice %arg2[%dma_start3A_90, %dma_start3A_91] : memref<10000x128xf32, #tpu.memory_space<hbm>> -> memref<10000x128xf32, #tpu.memory_space<hbm>>
    tpu.enqueue_indirect_dma source(%dma_start3A_92 : memref<10000x128xf32, #tpu.memory_space<hbm>>) target(%arg9 : memref<25x128xf32, #tpu.memory_space<vmem>>) offsets(%dma_start3A_89 : memref<25xi32, #tpu.memory_space<vmem>>) semaphore(%arg20 : memref<!tpu.dma_semaphore, #tpu.memory_space<semaphore_mem>>)
    %dma_start3A_93 = arith.constant 1 : i32
    %dma_start3A_94 = arith.constant 0 : i32
    %dma_start3A_95 = tpu.memref_slice %arg6[%dma_start3A_93, %dma_start3A_94] : memref<5x25xi32, #tpu.memory_space<vmem>> -> memref<1x25xi32, #tpu.memory_space<vmem>>
    %dma_start3A_96 = tpu.memref_squeeze %dma_start3A_95 : memref<1x25xi32, #tpu.memory_space<vmem>> -> memref<25xi32, #tpu.memory_space<vmem>>
    %dma_start3A_97 = arith.constant 0 : i32
    %dma_start3A_98 = arith.constant 0 : i32
    %dma_start3A_99 = tpu.memref_slice %arg2[%dma_start3A_97, %dma_start3A_98] : memref<10000x128xf32, #tpu.memory_space<hbm>> -> memref<10000x128xf32, #tpu.memory_space<hbm>>
    tpu.enqueue_indirect_dma source(%dma_start3A_99 : memref<10000x128xf32, #tpu.memory_space<hbm>>) target(%arg10 : memref<25x128xf32, #tpu.memory_space<vmem>>) offsets(%dma_start3A_96 : memref<25xi32, #tpu.memory_space<vmem>>) semaphore(%arg20 : memref<!tpu.dma_semaphore, #tpu.memory_space<semaphore_mem>>)
    %dma_start3A_100 = arith.constant 2 : i32
    %dma_start3A_101 = arith.constant 0 : i32
    %dma_start3A_102 = tpu.memref_slice %arg6[%dma_start3A_100, %dma_start3A_101] : memref<5x25xi32, #tpu.memory_space<vmem>> -> memref<1x25xi32, #tpu.memory_space<vmem>>
    %dma_start3A_103 = tpu.memref_squeeze %dma_start3A_102 : memref<1x25xi32, #tpu.memory_space<vmem>> -> memref<25xi32, #tpu.memory_space<vmem>>
    %dma_start3A_104 = arith.constant 0 : i32
    %dma_start3A_105 = arith.constant 0 : i32
    %dma_start3A_106 = tpu.memref_slice %arg2[%dma_start3A_104, %dma_start3A_105] : memref<10000x128xf32, #tpu.memory_space<hbm>> -> memref<10000x128xf32, #tpu.memory_space<hbm>>
    tpu.enqueue_indirect_dma source(%dma_start3A_106 : memref<10000x128xf32, #tpu.memory_space<hbm>>) target(%arg11 : memref<25x128xf32, #tpu.memory_space<vmem>>) offsets(%dma_start3A_103 : memref<25xi32, #tpu.memory_space<vmem>>) semaphore(%arg20 : memref<!tpu.dma_semaphore, #tpu.memory_space<semaphore_mem>>)
    %dma_start3A_107 = arith.constant 3 : i32
    %dma_start3A_108 = arith.constant 0 : i32
    %dma_start3A_109 = tpu.memref_slice %arg6[%dma_start3A_107, %dma_start3A_108] : memref<5x25xi32, #tpu.memory_space<vmem>> -> memref<1x25xi32, #tpu.memory_space<vmem>>
    %dma_start3A_110 = tpu.memref_squeeze %dma_start3A_109 : memref<1x25xi32, #tpu.memory_space<vmem>> -> memref<25xi32, #tpu.memory_space<vmem>>
    %dma_start3A_111 = arith.constant 0 : i32
    %dma_start3A_112 = arith.constant 0 : i32
    %dma_start3A_113 = tpu.memref_slice %arg2[%dma_start3A_111, %dma_start3A_112] : memref<10000x128xf32, #tpu.memory_space<hbm>> -> memref<10000x128xf32, #tpu.memory_space<hbm>>
    tpu.enqueue_indirect_dma source(%dma_start3A_113 : memref<10000x128xf32, #tpu.memory_space<hbm>>) target(%arg12 : memref<25x128xf32, #tpu.memory_space<vmem>>) offsets(%dma_start3A_110 : memref<25xi32, #tpu.memory_space<vmem>>) semaphore(%arg20 : memref<!tpu.dma_semaphore, #tpu.memory_space<semaphore_mem>>)
    %dma_start3A_114 = arith.constant 4 : i32
    %dma_start3A_115 = arith.constant 0 : i32
    %dma_start3A_116 = tpu.memref_slice %arg6[%dma_start3A_114, %dma_start3A_115] : memref<5x25xi32, #tpu.memory_space<vmem>> -> memref<1x25xi32, #tpu.memory_space<vmem>>
    %dma_start3A_117 = tpu.memref_squeeze %dma_start3A_116 : memref<1x25xi32, #tpu.memory_space<vmem>> -> memref<25xi32, #tpu.memory_space<vmem>>
    %dma_start3A_118 = arith.constant 0 : i32
    %dma_start3A_119 = arith.constant 0 : i32
    %dma_start3A_120 = tpu.memref_slice %arg2[%dma_start3A_118, %dma_start3A_119] : memref<10000x128xf32, #tpu.memory_space<hbm>> -> memref<10000x128xf32, #tpu.memory_space<hbm>>
    tpu.enqueue_indirect_dma source(%dma_start3A_120 : memref<10000x128xf32, #tpu.memory_space<hbm>>) target(%arg13 : memref<25x128xf32, #tpu.memory_space<vmem>>) offsets(%dma_start3A_117 : memref<25xi32, #tpu.memory_space<vmem>>) semaphore(%arg20 : memref<!tpu.dma_semaphore, #tpu.memory_space<semaphore_mem>>)
    %scan3A_121 = arith.constant 0 : i32
    %scan3A_122 = arith.constant 40 : i32
    %scan3A_123 = arith.addi %scan3A_121, %scan3A_122 : i32
    %scan3A_124 = arith.constant 1 : i32
    scf.for %scan3A_164 = %scan3A_121 to %scan3A_123 step %scan3A_124  : i32 {
      %mul3A_165 = arith.constant 2 : i32
      %mul3A_166 = arith.muli %scan3A_164, %mul3A_165 : i32
      %add3A_167 = arith.constant 0 : i32
      %add3A_168 = arith.addi %add3A_167, %mul3A_166 : i32
      %add3A_169 = arith.constant 1 : i32
      %add3A_170 = arith.addi %add3A_168, %add3A_169 : i32
      %mul3A_171 = arith.constant 80 : i32
      %mul3A_172 = arith.muli %add3A, %mul3A_171 : i32
      %add3A_173 = arith.addi %mul3A_172, %add3A_170 : i32
      %dma_start3A_174 = arith.constant 0 : i32
      %dma_start3A_175 = arith.constant 0 : i32
      %dma_start3A_176 = tpu.memref_slice %arg3[%add3A_173, %dma_start3A_174, %dma_start3A_175] : memref<2560x5x25xi32, #tpu.memory_space<hbm>> -> memref<1x5x25xi32, #tpu.memory_space<hbm>>
      %dma_start3A_177 = tpu.memref_squeeze %dma_start3A_176 : memref<1x5x25xi32, #tpu.memory_space<hbm>> -> memref<5x25xi32, #tpu.memory_space<hbm>>
      %dma_start3A_178 = arith.constant 0 : i32
      %dma_start3A_179 = arith.constant 0 : i32
      %dma_start3A_180 = tpu.memref_slice %arg3[%add3A_173, %dma_start3A_178, %dma_start3A_179] : memref<2560x5x25xi32, #tpu.memory_space<hbm>> -> memref<1x5x25xi32, #tpu.memory_space<hbm>>
      %dma_start3A_181 = tpu.memref_squeeze %dma_start3A_180 : memref<1x5x25xi32, #tpu.memory_space<hbm>> -> memref<5x25xi32, #tpu.memory_space<hbm>>
      tpu.enqueue_dma source(%dma_start3A_181 : memref<5x25xi32, #tpu.memory_space<hbm>>) target(%arg7 : memref<5x25xi32, #tpu.memory_space<vmem>>) target_semaphore(%arg23 : memref<!tpu.dma_semaphore, #tpu.memory_space<semaphore_mem>>)
      %dma_wait3A_182 = arith.constant 0 : i32
      %dma_wait3A_183 = arith.constant 0 : i32
      %dma_wait3A_184 = tpu.memref_slice %arg6[%dma_wait3A_182, %dma_wait3A_183] : memref<5x25xi32, #tpu.memory_space<vmem>> -> memref<1x25xi32, #tpu.memory_space<vmem>>
      %dma_wait3A_185 = tpu.memref_squeeze %dma_wait3A_184 : memref<1x25xi32, #tpu.memory_space<vmem>> -> memref<25xi32, #tpu.memory_space<vmem>>
      %dma_wait3A_186 = arith.constant 0 : i32
      %dma_wait3A_187 = arith.constant 0 : i32
      %dma_wait3A_188 = tpu.memref_slice %arg2[%dma_wait3A_186, %dma_wait3A_187] : memref<10000x128xf32, #tpu.memory_space<hbm>> -> memref<10000x128xf32, #tpu.memory_space<hbm>>
      tpu.wait_indirect_dma semaphore(%arg20 : memref<!tpu.dma_semaphore, #tpu.memory_space<semaphore_mem>>) src(%dma_wait3A_188 : memref<10000x128xf32, #tpu.memory_space<hbm>>) dst(%arg9 : memref<25x128xf32, #tpu.memory_space<vmem>>)
      %dma_wait3A_189 = arith.constant 1 : i32
      %dma_wait3A_190 = arith.constant 0 : i32
      %dma_wait3A_191 = tpu.memref_slice %arg6[%dma_wait3A_189, %dma_wait3A_190] : memref<5x25xi32, #tpu.memory_space<vmem>> -> memref<1x25xi32, #tpu.memory_space<vmem>>
      %dma_wait3A_192 = tpu.memref_squeeze %dma_wait3A_191 : memref<1x25xi32, #tpu.memory_space<vmem>> -> memref<25xi32, #tpu.memory_space<vmem>>
      %dma_wait3A_193 = arith.constant 0 : i32
      %dma_wait3A_194 = arith.constant 0 : i32
      %dma_wait3A_195 = tpu.memref_slice %arg2[%dma_wait3A_193, %dma_wait3A_194] : memref<10000x128xf32, #tpu.memory_space<hbm>> -> memref<10000x128xf32, #tpu.memory_space<hbm>>
      tpu.wait_indirect_dma semaphore(%arg20 : memref<!tpu.dma_semaphore, #tpu.memory_space<semaphore_mem>>) src(%dma_wait3A_195 : memref<10000x128xf32, #tpu.memory_space<hbm>>) dst(%arg10 : memref<25x128xf32, #tpu.memory_space<vmem>>)
      %dma_wait3A_196 = arith.constant 2 : i32
      %dma_wait3A_197 = arith.constant 0 : i32
      %dma_wait3A_198 = tpu.memref_slice %arg6[%dma_wait3A_196, %dma_wait3A_197] : memref<5x25xi32, #tpu.memory_space<vmem>> -> memref<1x25xi32, #tpu.memory_space<vmem>>
      %dma_wait3A_199 = tpu.memref_squeeze %dma_wait3A_198 : memref<1x25xi32, #tpu.memory_space<vmem>> -> memref<25xi32, #tpu.memory_space<vmem>>
      %dma_wait3A_200 = arith.constant 0 : i32
      %dma_wait3A_201 = arith.constant 0 : i32
      %dma_wait3A_202 = tpu.memref_slice %arg2[%dma_wait3A_200, %dma_wait3A_201] : memref<10000x128xf32, #tpu.memory_space<hbm>> -> memref<10000x128xf32, #tpu.memory_space<hbm>>
      tpu.wait_indirect_dma semaphore(%arg20 : memref<!tpu.dma_semaphore, #tpu.memory_space<semaphore_mem>>) src(%dma_wait3A_202 : memref<10000x128xf32, #tpu.memory_space<hbm>>) dst(%arg11 : memref<25x128xf32, #tpu.memory_space<vmem>>)
      %dma_wait3A_203 = arith.constant 3 : i32
      %dma_wait3A_204 = arith.constant 0 : i32
      %dma_wait3A_205 = tpu.memref_slice %arg6[%dma_wait3A_203, %dma_wait3A_204] : memref<5x25xi32, #tpu.memory_space<vmem>> -> memref<1x25xi32, #tpu.memory_space<vmem>>
      %dma_wait3A_206 = tpu.memref_squeeze %dma_wait3A_205 : memref<1x25xi32, #tpu.memory_space<vmem>> -> memref<25xi32, #tpu.memory_space<vmem>>
      %dma_wait3A_207 = arith.constant 0 : i32
      %dma_wait3A_208 = arith.constant 0 : i32
      %dma_wait3A_209 = tpu.memref_slice %arg2[%dma_wait3A_207, %dma_wait3A_208] : memref<10000x128xf32, #tpu.memory_space<hbm>> -> memref<10000x128xf32, #tpu.memory_space<hbm>>
      tpu.wait_indirect_dma semaphore(%arg20 : memref<!tpu.dma_semaphore, #tpu.memory_space<semaphore_mem>>) src(%dma_wait3A_209 : memref<10000x128xf32, #tpu.memory_space<hbm>>) dst(%arg12 : memref<25x128xf32, #tpu.memory_space<vmem>>)
      %dma_wait3A_210 = arith.constant 4 : i32
      %dma_wait3A_211 = arith.constant 0 : i32
      %dma_wait3A_212 = tpu.memref_slice %arg6[%dma_wait3A_210, %dma_wait3A_211] : memref<5x25xi32, #tpu.memory_space<vmem>> -> memref<1x25xi32, #tpu.memory_space<vmem>>
      %dma_wait3A_213 = tpu.memref_squeeze %dma_wait3A_212 : memref<1x25xi32, #tpu.memory_space<vmem>> -> memref<25xi32, #tpu.memory_space<vmem>>
      %dma_wait3A_214 = arith.constant 0 : i32
      %dma_wait3A_215 = arith.constant 0 : i32
      %dma_wait3A_216 = tpu.memref_slice %arg2[%dma_wait3A_214, %dma_wait3A_215] : memref<10000x128xf32, #tpu.memory_space<hbm>> -> memref<10000x128xf32, #tpu.memory_space<hbm>>
      tpu.wait_indirect_dma semaphore(%arg20 : memref<!tpu.dma_semaphore, #tpu.memory_space<semaphore_mem>>) src(%dma_wait3A_216 : memref<10000x128xf32, #tpu.memory_space<hbm>>) dst(%arg13 : memref<25x128xf32, #tpu.memory_space<vmem>>)
      %add3A_217 = arith.constant 2 : i32
      %add3A_218 = arith.addi %add3A_168, %add3A_217 : i32
      %lt3A = arith.constant 80 : i32
      %lt3A_219 = arith.cmpi slt, %add3A_218, %lt3A : i32
      %convert_element_type3A = arith.extui %lt3A_219 : i1 to i32
      %cond3A = arith.constant 0 : i32
      %cond3A_220 = arith.cmpi ne, %convert_element_type3A, %cond3A : i32
      scf.if %cond3A_220 {
        %add3A_467 = arith.constant 2 : i32
        %add3A_468 = arith.addi %add3A_168, %add3A_467 : i32
        %mul3A_469 = arith.constant 80 : i32
        %mul3A_470 = arith.muli %add3A, %mul3A_469 : i32
        %add3A_471 = arith.addi %mul3A_470, %add3A_468 : i32
        %dma_start3A_472 = arith.constant 0 : i32
        %dma_start3A_473 = arith.constant 0 : i32
        %dma_start3A_474 = tpu.memref_slice %arg3[%add3A_471, %dma_start3A_472, %dma_start3A_473] : memref<2560x5x25xi32, #tpu.memory_space<hbm>> -> memref<1x5x25xi32, #tpu.memory_space<hbm>>
        %dma_start3A_475 = tpu.memref_squeeze %dma_start3A_474 : memref<1x5x25xi32, #tpu.memory_space<hbm>> -> memref<5x25xi32, #tpu.memory_space<hbm>>
        %dma_start3A_476 = arith.constant 0 : i32
        %dma_start3A_477 = arith.constant 0 : i32
        %dma_start3A_478 = tpu.memref_slice %arg3[%add3A_471, %dma_start3A_476, %dma_start3A_477] : memref<2560x5x25xi32, #tpu.memory_space<hbm>> -> memref<1x5x25xi32, #tpu.memory_space<hbm>>
        %dma_start3A_479 = tpu.memref_squeeze %dma_start3A_478 : memref<1x5x25xi32, #tpu.memory_space<hbm>> -> memref<5x25xi32, #tpu.memory_space<hbm>>
        tpu.enqueue_dma source(%dma_start3A_479 : memref<5x25xi32, #tpu.memory_space<hbm>>) target(%arg6 : memref<5x25xi32, #tpu.memory_space<vmem>>) target_semaphore(%arg22 : memref<!tpu.dma_semaphore, #tpu.memory_space<semaphore_mem>>)
      } else {
      }
      %gt3A = arith.constant 0 : i32
      %gt3A_221 = arith.cmpi sgt, %add3A_168, %gt3A : i32
      %convert_element_type3A_222 = arith.extui %gt3A_221 : i1 to i32
      %cond3A_223 = arith.constant 0 : i32
      %cond3A_224 = arith.cmpi ne, %convert_element_type3A_222, %cond3A_223 : i32
      scf.if %cond3A_224 {
        %sub3A = arith.constant 1 : i32
        %sub3A_467 = arith.subi %add3A_168, %sub3A : i32
        %mul3A_468 = arith.constant 5 : i32
        %mul3A_469 = arith.muli %sub3A_467, %mul3A_468 : i32
        %add3A_470 = arith.constant 0 : i32
        %add3A_471 = arith.addi %mul3A_469, %add3A_470 : i32
        %dma_wait3A_472 = arith.constant 0 : i32
        %dma_wait3A_473 = tpu.memref_slice %arg8[%add3A_471, %dma_wait3A_472] : memref<400x25xi32, #tpu.memory_space<vmem>> -> memref<1x25xi32, #tpu.memory_space<vmem>>
        %dma_wait3A_474 = tpu.memref_squeeze %dma_wait3A_473 : memref<1x25xi32, #tpu.memory_space<vmem>> -> memref<25xi32, #tpu.memory_space<vmem>>
        %dma_wait3A_475 = arith.constant 0 : i32
        %dma_wait3A_476 = arith.constant 0 : i32
        %dma_wait3A_477 = tpu.memref_slice %arg19[%dma_wait3A_475, %dma_wait3A_476] : memref<10240x128xf32, #tpu.memory_space<vmem_shared>> -> memref<10240x128xf32, #tpu.memory_space<vmem_shared>>
        tpu.wait_indirect_dma semaphore(%arg21 : memref<!tpu.dma_semaphore, #tpu.memory_space<semaphore_mem>>) src(%arg14 : memref<25x128xf32, #tpu.memory_space<vmem>>) dst(%dma_wait3A_477 : memref<10240x128xf32, #tpu.memory_space<vmem_shared>>)
        %mul3A_478 = arith.constant 5 : i32
        %mul3A_479 = arith.muli %sub3A_467, %mul3A_478 : i32
        %add3A_480 = arith.constant 1 : i32
        %add3A_481 = arith.addi %mul3A_479, %add3A_480 : i32
        %dma_wait3A_482 = arith.constant 0 : i32
        %dma_wait3A_483 = tpu.memref_slice %arg8[%add3A_481, %dma_wait3A_482] : memref<400x25xi32, #tpu.memory_space<vmem>> -> memref<1x25xi32, #tpu.memory_space<vmem>>
        %dma_wait3A_484 = tpu.memref_squeeze %dma_wait3A_483 : memref<1x25xi32, #tpu.memory_space<vmem>> -> memref<25xi32, #tpu.memory_space<vmem>>
        %dma_wait3A_485 = arith.constant 0 : i32
        %dma_wait3A_486 = arith.constant 0 : i32
        %dma_wait3A_487 = tpu.memref_slice %arg19[%dma_wait3A_485, %dma_wait3A_486] : memref<10240x128xf32, #tpu.memory_space<vmem_shared>> -> memref<10240x128xf32, #tpu.memory_space<vmem_shared>>
        tpu.wait_indirect_dma semaphore(%arg21 : memref<!tpu.dma_semaphore, #tpu.memory_space<semaphore_mem>>) src(%arg15 : memref<25x128xf32, #tpu.memory_space<vmem>>) dst(%dma_wait3A_487 : memref<10240x128xf32, #tpu.memory_space<vmem_shared>>)
        %mul3A_488 = arith.constant 5 : i32
        %mul3A_489 = arith.muli %sub3A_467, %mul3A_488 : i32
        %add3A_490 = arith.constant 2 : i32
        %add3A_491 = arith.addi %mul3A_489, %add3A_490 : i32
        %dma_wait3A_492 = arith.constant 0 : i32
        %dma_wait3A_493 = tpu.memref_slice %arg8[%add3A_491, %dma_wait3A_492] : memref<400x25xi32, #tpu.memory_space<vmem>> -> memref<1x25xi32, #tpu.memory_space<vmem>>
        %dma_wait3A_494 = tpu.memref_squeeze %dma_wait3A_493 : memref<1x25xi32, #tpu.memory_space<vmem>> -> memref<25xi32, #tpu.memory_space<vmem>>
        %dma_wait3A_495 = arith.constant 0 : i32
        %dma_wait3A_496 = arith.constant 0 : i32
        %dma_wait3A_497 = tpu.memref_slice %arg19[%dma_wait3A_495, %dma_wait3A_496] : memref<10240x128xf32, #tpu.memory_space<vmem_shared>> -> memref<10240x128xf32, #tpu.memory_space<vmem_shared>>
        tpu.wait_indirect_dma semaphore(%arg21 : memref<!tpu.dma_semaphore, #tpu.memory_space<semaphore_mem>>) src(%arg16 : memref<25x128xf32, #tpu.memory_space<vmem>>) dst(%dma_wait3A_497 : memref<10240x128xf32, #tpu.memory_space<vmem_shared>>)
        %mul3A_498 = arith.constant 5 : i32
        %mul3A_499 = arith.muli %sub3A_467, %mul3A_498 : i32
        %add3A_500 = arith.constant 3 : i32
        %add3A_501 = arith.addi %mul3A_499, %add3A_500 : i32
        %dma_wait3A_502 = arith.constant 0 : i32
        %dma_wait3A_503 = tpu.memref_slice %arg8[%add3A_501, %dma_wait3A_502] : memref<400x25xi32, #tpu.memory_space<vmem>> -> memref<1x25xi32, #tpu.memory_space<vmem>>
        %dma_wait3A_504 = tpu.memref_squeeze %dma_wait3A_503 : memref<1x25xi32, #tpu.memory_space<vmem>> -> memref<25xi32, #tpu.memory_space<vmem>>
        %dma_wait3A_505 = arith.constant 0 : i32
        %dma_wait3A_506 = arith.constant 0 : i32
        %dma_wait3A_507 = tpu.memref_slice %arg19[%dma_wait3A_505, %dma_wait3A_506] : memref<10240x128xf32, #tpu.memory_space<vmem_shared>> -> memref<10240x128xf32, #tpu.memory_space<vmem_shared>>
        tpu.wait_indirect_dma semaphore(%arg21 : memref<!tpu.dma_semaphore, #tpu.memory_space<semaphore_mem>>) src(%arg17 : memref<25x128xf32, #tpu.memory_space<vmem>>) dst(%dma_wait3A_507 : memref<10240x128xf32, #tpu.memory_space<vmem_shared>>)
        %mul3A_508 = arith.constant 5 : i32
        %mul3A_509 = arith.muli %sub3A_467, %mul3A_508 : i32
        %add3A_510 = arith.constant 4 : i32
        %add3A_511 = arith.addi %mul3A_509, %add3A_510 : i32
        %dma_wait3A_512 = arith.constant 0 : i32
        %dma_wait3A_513 = tpu.memref_slice %arg8[%add3A_511, %dma_wait3A_512] : memref<400x25xi32, #tpu.memory_space<vmem>> -> memref<1x25xi32, #tpu.memory_space<vmem>>
        %dma_wait3A_514 = tpu.memref_squeeze %dma_wait3A_513 : memref<1x25xi32, #tpu.memory_space<vmem>> -> memref<25xi32, #tpu.memory_space<vmem>>
        %dma_wait3A_515 = arith.constant 0 : i32
        %dma_wait3A_516 = arith.constant 0 : i32
        %dma_wait3A_517 = tpu.memref_slice %arg19[%dma_wait3A_515, %dma_wait3A_516] : memref<10240x128xf32, #tpu.memory_space<vmem_shared>> -> memref<10240x128xf32, #tpu.memory_space<vmem_shared>>
        tpu.wait_indirect_dma semaphore(%arg21 : memref<!tpu.dma_semaphore, #tpu.memory_space<semaphore_mem>>) src(%arg18 : memref<25x128xf32, #tpu.memory_space<vmem>>) dst(%dma_wait3A_517 : memref<10240x128xf32, #tpu.memory_space<vmem_shared>>)
      } else {
      }
      %add3A_225 = arith.constant 1 : i32
      %add3A_226 = arith.addi %add3A_168, %add3A_225 : i32
      %mul3A_227 = arith.constant 80 : i32
      %mul3A_228 = arith.muli %add3A, %mul3A_227 : i32
      %add3A_229 = arith.addi %mul3A_228, %add3A_226 : i32
      %dma_wait3A_230 = arith.constant 0 : i32
      %dma_wait3A_231 = arith.constant 0 : i32
      %dma_wait3A_232 = tpu.memref_slice %arg3[%add3A_229, %dma_wait3A_230, %dma_wait3A_231] : memref<2560x5x25xi32, #tpu.memory_space<hbm>> -> memref<1x5x25xi32, #tpu.memory_space<hbm>>
      %dma_wait3A_233 = tpu.memref_squeeze %dma_wait3A_232 : memref<1x5x25xi32, #tpu.memory_space<hbm>> -> memref<5x25xi32, #tpu.memory_space<hbm>>
      %dma_wait3A_234 = arith.constant 0 : i32
      %dma_wait3A_235 = arith.constant 0 : i32
      %dma_wait3A_236 = tpu.memref_slice %arg3[%add3A_229, %dma_wait3A_234, %dma_wait3A_235] : memref<2560x5x25xi32, #tpu.memory_space<hbm>> -> memref<1x5x25xi32, #tpu.memory_space<hbm>>
      %dma_wait3A_237 = tpu.memref_squeeze %dma_wait3A_236 : memref<1x5x25xi32, #tpu.memory_space<hbm>> -> memref<5x25xi32, #tpu.memory_space<hbm>>
      tpu.wait_dma2 semaphore(%arg23 : memref<!tpu.dma_semaphore, #tpu.memory_space<semaphore_mem>>) src(%dma_wait3A_237 : memref<5x25xi32, #tpu.memory_space<hbm>>) dst(%arg7 : memref<5x25xi32, #tpu.memory_space<vmem>>)
      %dma_start3A_238 = arith.constant 0 : i32
      %dma_start3A_239 = arith.constant 0 : i32
      %dma_start3A_240 = tpu.memref_slice %arg7[%dma_start3A_238, %dma_start3A_239] : memref<5x25xi32, #tpu.memory_space<vmem>> -> memref<1x25xi32, #tpu.memory_space<vmem>>
      %dma_start3A_241 = tpu.memref_squeeze %dma_start3A_240 : memref<1x25xi32, #tpu.memory_space<vmem>> -> memref<25xi32, #tpu.memory_space<vmem>>
      %dma_start3A_242 = arith.constant 0 : i32
      %dma_start3A_243 = arith.constant 0 : i32
      %dma_start3A_244 = tpu.memref_slice %arg2[%dma_start3A_242, %dma_start3A_243] : memref<10000x128xf32, #tpu.memory_space<hbm>> -> memref<10000x128xf32, #tpu.memory_space<hbm>>
      tpu.enqueue_indirect_dma source(%dma_start3A_244 : memref<10000x128xf32, #tpu.memory_space<hbm>>) target(%arg14 : memref<25x128xf32, #tpu.memory_space<vmem>>) offsets(%dma_start3A_241 : memref<25xi32, #tpu.memory_space<vmem>>) semaphore(%arg20 : memref<!tpu.dma_semaphore, #tpu.memory_space<semaphore_mem>>)
      %dma_start3A_245 = arith.constant 1 : i32
      %dma_start3A_246 = arith.constant 0 : i32
      %dma_start3A_247 = tpu.memref_slice %arg7[%dma_start3A_245, %dma_start3A_246] : memref<5x25xi32, #tpu.memory_space<vmem>> -> memref<1x25xi32, #tpu.memory_space<vmem>>
      %dma_start3A_248 = tpu.memref_squeeze %dma_start3A_247 : memref<1x25xi32, #tpu.memory_space<vmem>> -> memref<25xi32, #tpu.memory_space<vmem>>
      %dma_start3A_249 = arith.constant 0 : i32
      %dma_start3A_250 = arith.constant 0 : i32
      %dma_start3A_251 = tpu.memref_slice %arg2[%dma_start3A_249, %dma_start3A_250] : memref<10000x128xf32, #tpu.memory_space<hbm>> -> memref<10000x128xf32, #tpu.memory_space<hbm>>
      tpu.enqueue_indirect_dma source(%dma_start3A_251 : memref<10000x128xf32, #tpu.memory_space<hbm>>) target(%arg15 : memref<25x128xf32, #tpu.memory_space<vmem>>) offsets(%dma_start3A_248 : memref<25xi32, #tpu.memory_space<vmem>>) semaphore(%arg20 : memref<!tpu.dma_semaphore, #tpu.memory_space<semaphore_mem>>)
      %dma_start3A_252 = arith.constant 2 : i32
      %dma_start3A_253 = arith.constant 0 : i32
      %dma_start3A_254 = tpu.memref_slice %arg7[%dma_start3A_252, %dma_start3A_253] : memref<5x25xi32, #tpu.memory_space<vmem>> -> memref<1x25xi32, #tpu.memory_space<vmem>>
      %dma_start3A_255 = tpu.memref_squeeze %dma_start3A_254 : memref<1x25xi32, #tpu.memory_space<vmem>> -> memref<25xi32, #tpu.memory_space<vmem>>
      %dma_start3A_256 = arith.constant 0 : i32
      %dma_start3A_257 = arith.constant 0 : i32
      %dma_start3A_258 = tpu.memref_slice %arg2[%dma_start3A_256, %dma_start3A_257] : memref<10000x128xf32, #tpu.memory_space<hbm>> -> memref<10000x128xf32, #tpu.memory_space<hbm>>
      tpu.enqueue_indirect_dma source(%dma_start3A_258 : memref<10000x128xf32, #tpu.memory_space<hbm>>) target(%arg16 : memref<25x128xf32, #tpu.memory_space<vmem>>) offsets(%dma_start3A_255 : memref<25xi32, #tpu.memory_space<vmem>>) semaphore(%arg20 : memref<!tpu.dma_semaphore, #tpu.memory_space<semaphore_mem>>)
      %dma_start3A_259 = arith.constant 3 : i32
      %dma_start3A_260 = arith.constant 0 : i32
      %dma_start3A_261 = tpu.memref_slice %arg7[%dma_start3A_259, %dma_start3A_260] : memref<5x25xi32, #tpu.memory_space<vmem>> -> memref<1x25xi32, #tpu.memory_space<vmem>>
      %dma_start3A_262 = tpu.memref_squeeze %dma_start3A_261 : memref<1x25xi32, #tpu.memory_space<vmem>> -> memref<25xi32, #tpu.memory_space<vmem>>
      %dma_start3A_263 = arith.constant 0 : i32
      %dma_start3A_264 = arith.constant 0 : i32
      %dma_start3A_265 = tpu.memref_slice %arg2[%dma_start3A_263, %dma_start3A_264] : memref<10000x128xf32, #tpu.memory_space<hbm>> -> memref<10000x128xf32, #tpu.memory_space<hbm>>
      tpu.enqueue_indirect_dma source(%dma_start3A_265 : memref<10000x128xf32, #tpu.memory_space<hbm>>) target(%arg17 : memref<25x128xf32, #tpu.memory_space<vmem>>) offsets(%dma_start3A_262 : memref<25xi32, #tpu.memory_space<vmem>>) semaphore(%arg20 : memref<!tpu.dma_semaphore, #tpu.memory_space<semaphore_mem>>)
      %dma_start3A_266 = arith.constant 4 : i32
      %dma_start3A_267 = arith.constant 0 : i32
      %dma_start3A_268 = tpu.memref_slice %arg7[%dma_start3A_266, %dma_start3A_267] : memref<5x25xi32, #tpu.memory_space<vmem>> -> memref<1x25xi32, #tpu.memory_space<vmem>>
      %dma_start3A_269 = tpu.memref_squeeze %dma_start3A_268 : memref<1x25xi32, #tpu.memory_space<vmem>> -> memref<25xi32, #tpu.memory_space<vmem>>
      %dma_start3A_270 = arith.constant 0 : i32
      %dma_start3A_271 = arith.constant 0 : i32
      %dma_start3A_272 = tpu.memref_slice %arg2[%dma_start3A_270, %dma_start3A_271] : memref<10000x128xf32, #tpu.memory_space<hbm>> -> memref<10000x128xf32, #tpu.memory_space<hbm>>
      tpu.enqueue_indirect_dma source(%dma_start3A_272 : memref<10000x128xf32, #tpu.memory_space<hbm>>) target(%arg18 : memref<25x128xf32, #tpu.memory_space<vmem>>) offsets(%dma_start3A_269 : memref<25xi32, #tpu.memory_space<vmem>>) semaphore(%arg20 : memref<!tpu.dma_semaphore, #tpu.memory_space<semaphore_mem>>)
      %mul3A_273 = arith.constant 5 : i32
      %mul3A_274 = arith.muli %add3A_168, %mul3A_273 : i32
      %add3A_275 = arith.constant 0 : i32
      %add3A_276 = arith.addi %mul3A_274, %add3A_275 : i32
      %dma_start3A_277 = arith.constant 0 : i32
      %dma_start3A_278 = tpu.memref_slice %arg8[%add3A_276, %dma_start3A_277] : memref<400x25xi32, #tpu.memory_space<vmem>> -> memref<1x25xi32, #tpu.memory_space<vmem>>
      %dma_start3A_279 = tpu.memref_squeeze %dma_start3A_278 : memref<1x25xi32, #tpu.memory_space<vmem>> -> memref<25xi32, #tpu.memory_space<vmem>>
      %dma_start3A_280 = arith.constant 0 : i32
      %dma_start3A_281 = arith.constant 0 : i32
      %dma_start3A_282 = tpu.memref_slice %arg19[%dma_start3A_280, %dma_start3A_281] : memref<10240x128xf32, #tpu.memory_space<vmem_shared>> -> memref<10240x128xf32, #tpu.memory_space<vmem_shared>>
      tpu.enqueue_indirect_dma source(%arg9 : memref<25x128xf32, #tpu.memory_space<vmem>>) target(%dma_start3A_282 : memref<10240x128xf32, #tpu.memory_space<vmem_shared>>) offsets(%dma_start3A_279 : memref<25xi32, #tpu.memory_space<vmem>>) semaphore(%arg21 : memref<!tpu.dma_semaphore, #tpu.memory_space<semaphore_mem>>) {add = true}
      %mul3A_283 = arith.constant 5 : i32
      %mul3A_284 = arith.muli %add3A_168, %mul3A_283 : i32
      %add3A_285 = arith.constant 1 : i32
      %add3A_286 = arith.addi %mul3A_284, %add3A_285 : i32
      %dma_start3A_287 = arith.constant 0 : i32
      %dma_start3A_288 = tpu.memref_slice %arg8[%add3A_286, %dma_start3A_287] : memref<400x25xi32, #tpu.memory_space<vmem>> -> memref<1x25xi32, #tpu.memory_space<vmem>>
      %dma_start3A_289 = tpu.memref_squeeze %dma_start3A_288 : memref<1x25xi32, #tpu.memory_space<vmem>> -> memref<25xi32, #tpu.memory_space<vmem>>
      %dma_start3A_290 = arith.constant 0 : i32
      %dma_start3A_291 = arith.constant 0 : i32
      %dma_start3A_292 = tpu.memref_slice %arg19[%dma_start3A_290, %dma_start3A_291] : memref<10240x128xf32, #tpu.memory_space<vmem_shared>> -> memref<10240x128xf32, #tpu.memory_space<vmem_shared>>
      tpu.enqueue_indirect_dma source(%arg10 : memref<25x128xf32, #tpu.memory_space<vmem>>) target(%dma_start3A_292 : memref<10240x128xf32, #tpu.memory_space<vmem_shared>>) offsets(%dma_start3A_289 : memref<25xi32, #tpu.memory_space<vmem>>) semaphore(%arg21 : memref<!tpu.dma_semaphore, #tpu.memory_space<semaphore_mem>>) {add = true}
      %mul3A_293 = arith.constant 5 : i32
      %mul3A_294 = arith.muli %add3A_168, %mul3A_293 : i32
      %add3A_295 = arith.constant 2 : i32
      %add3A_296 = arith.addi %mul3A_294, %add3A_295 : i32
      %dma_start3A_297 = arith.constant 0 : i32
      %dma_start3A_298 = tpu.memref_slice %arg8[%add3A_296, %dma_start3A_297] : memref<400x25xi32, #tpu.memory_space<vmem>> -> memref<1x25xi32, #tpu.memory_space<vmem>>
      %dma_start3A_299 = tpu.memref_squeeze %dma_start3A_298 : memref<1x25xi32, #tpu.memory_space<vmem>> -> memref<25xi32, #tpu.memory_space<vmem>>
      %dma_start3A_300 = arith.constant 0 : i32
      %dma_start3A_301 = arith.constant 0 : i32
      %dma_start3A_302 = tpu.memref_slice %arg19[%dma_start3A_300, %dma_start3A_301] : memref<10240x128xf32, #tpu.memory_space<vmem_shared>> -> memref<10240x128xf32, #tpu.memory_space<vmem_shared>>
      tpu.enqueue_indirect_dma source(%arg11 : memref<25x128xf32, #tpu.memory_space<vmem>>) target(%dma_start3A_302 : memref<10240x128xf32, #tpu.memory_space<vmem_shared>>) offsets(%dma_start3A_299 : memref<25xi32, #tpu.memory_space<vmem>>) semaphore(%arg21 : memref<!tpu.dma_semaphore, #tpu.memory_space<semaphore_mem>>) {add = true}
      %mul3A_303 = arith.constant 5 : i32
      %mul3A_304 = arith.muli %add3A_168, %mul3A_303 : i32
      %add3A_305 = arith.constant 3 : i32
      %add3A_306 = arith.addi %mul3A_304, %add3A_305 : i32
      %dma_start3A_307 = arith.constant 0 : i32
      %dma_start3A_308 = tpu.memref_slice %arg8[%add3A_306, %dma_start3A_307] : memref<400x25xi32, #tpu.memory_space<vmem>> -> memref<1x25xi32, #tpu.memory_space<vmem>>
      %dma_start3A_309 = tpu.memref_squeeze %dma_start3A_308 : memref<1x25xi32, #tpu.memory_space<vmem>> -> memref<25xi32, #tpu.memory_space<vmem>>
      %dma_start3A_310 = arith.constant 0 : i32
      %dma_start3A_311 = arith.constant 0 : i32
      %dma_start3A_312 = tpu.memref_slice %arg19[%dma_start3A_310, %dma_start3A_311] : memref<10240x128xf32, #tpu.memory_space<vmem_shared>> -> memref<10240x128xf32, #tpu.memory_space<vmem_shared>>
      tpu.enqueue_indirect_dma source(%arg12 : memref<25x128xf32, #tpu.memory_space<vmem>>) target(%dma_start3A_312 : memref<10240x128xf32, #tpu.memory_space<vmem_shared>>) offsets(%dma_start3A_309 : memref<25xi32, #tpu.memory_space<vmem>>) semaphore(%arg21 : memref<!tpu.dma_semaphore, #tpu.memory_space<semaphore_mem>>) {add = true}
      %mul3A_313 = arith.constant 5 : i32
      %mul3A_314 = arith.muli %add3A_168, %mul3A_313 : i32
      %add3A_315 = arith.constant 4 : i32
      %add3A_316 = arith.addi %mul3A_314, %add3A_315 : i32
      %dma_start3A_317 = arith.constant 0 : i32
      %dma_start3A_318 = tpu.memref_slice %arg8[%add3A_316, %dma_start3A_317] : memref<400x25xi32, #tpu.memory_space<vmem>> -> memref<1x25xi32, #tpu.memory_space<vmem>>
      %dma_start3A_319 = tpu.memref_squeeze %dma_start3A_318 : memref<1x25xi32, #tpu.memory_space<vmem>> -> memref<25xi32, #tpu.memory_space<vmem>>
      %dma_start3A_320 = arith.constant 0 : i32
      %dma_start3A_321 = arith.constant 0 : i32
      %dma_start3A_322 = tpu.memref_slice %arg19[%dma_start3A_320, %dma_start3A_321] : memref<10240x128xf32, #tpu.memory_space<vmem_shared>> -> memref<10240x128xf32, #tpu.memory_space<vmem_shared>>
      tpu.enqueue_indirect_dma source(%arg13 : memref<25x128xf32, #tpu.memory_space<vmem>>) target(%dma_start3A_322 : memref<10240x128xf32, #tpu.memory_space<vmem_shared>>) offsets(%dma_start3A_319 : memref<25xi32, #tpu.memory_space<vmem>>) semaphore(%arg21 : memref<!tpu.dma_semaphore, #tpu.memory_space<semaphore_mem>>) {add = true}
      %dma_wait3A_323 = arith.constant 0 : i32
      %dma_wait3A_324 = arith.constant 0 : i32
      %dma_wait3A_325 = tpu.memref_slice %arg7[%dma_wait3A_323, %dma_wait3A_324] : memref<5x25xi32, #tpu.memory_space<vmem>> -> memref<1x25xi32, #tpu.memory_space<vmem>>
      %dma_wait3A_326 = tpu.memref_squeeze %dma_wait3A_325 : memref<1x25xi32, #tpu.memory_space<vmem>> -> memref<25xi32, #tpu.memory_space<vmem>>
      %dma_wait3A_327 = arith.constant 0 : i32
      %dma_wait3A_328 = arith.constant 0 : i32
      %dma_wait3A_329 = tpu.memref_slice %arg2[%dma_wait3A_327, %dma_wait3A_328] : memref<10000x128xf32, #tpu.memory_space<hbm>> -> memref<10000x128xf32, #tpu.memory_space<hbm>>
      tpu.wait_indirect_dma semaphore(%arg20 : memref<!tpu.dma_semaphore, #tpu.memory_space<semaphore_mem>>) src(%dma_wait3A_329 : memref<10000x128xf32, #tpu.memory_space<hbm>>) dst(%arg14 : memref<25x128xf32, #tpu.memory_space<vmem>>)
      %dma_wait3A_330 = arith.constant 1 : i32
      %dma_wait3A_331 = arith.constant 0 : i32
      %dma_wait3A_332 = tpu.memref_slice %arg7[%dma_wait3A_330, %dma_wait3A_331] : memref<5x25xi32, #tpu.memory_space<vmem>> -> memref<1x25xi32, #tpu.memory_space<vmem>>
      %dma_wait3A_333 = tpu.memref_squeeze %dma_wait3A_332 : memref<1x25xi32, #tpu.memory_space<vmem>> -> memref<25xi32, #tpu.memory_space<vmem>>
      %dma_wait3A_334 = arith.constant 0 : i32
      %dma_wait3A_335 = arith.constant 0 : i32
      %dma_wait3A_336 = tpu.memref_slice %arg2[%dma_wait3A_334, %dma_wait3A_335] : memref<10000x128xf32, #tpu.memory_space<hbm>> -> memref<10000x128xf32, #tpu.memory_space<hbm>>
      tpu.wait_indirect_dma semaphore(%arg20 : memref<!tpu.dma_semaphore, #tpu.memory_space<semaphore_mem>>) src(%dma_wait3A_336 : memref<10000x128xf32, #tpu.memory_space<hbm>>) dst(%arg15 : memref<25x128xf32, #tpu.memory_space<vmem>>)
      %dma_wait3A_337 = arith.constant 2 : i32
      %dma_wait3A_338 = arith.constant 0 : i32
      %dma_wait3A_339 = tpu.memref_slice %arg7[%dma_wait3A_337, %dma_wait3A_338] : memref<5x25xi32, #tpu.memory_space<vmem>> -> memref<1x25xi32, #tpu.memory_space<vmem>>
      %dma_wait3A_340 = tpu.memref_squeeze %dma_wait3A_339 : memref<1x25xi32, #tpu.memory_space<vmem>> -> memref<25xi32, #tpu.memory_space<vmem>>
      %dma_wait3A_341 = arith.constant 0 : i32
      %dma_wait3A_342 = arith.constant 0 : i32
      %dma_wait3A_343 = tpu.memref_slice %arg2[%dma_wait3A_341, %dma_wait3A_342] : memref<10000x128xf32, #tpu.memory_space<hbm>> -> memref<10000x128xf32, #tpu.memory_space<hbm>>
      tpu.wait_indirect_dma semaphore(%arg20 : memref<!tpu.dma_semaphore, #tpu.memory_space<semaphore_mem>>) src(%dma_wait3A_343 : memref<10000x128xf32, #tpu.memory_space<hbm>>) dst(%arg16 : memref<25x128xf32, #tpu.memory_space<vmem>>)
      %dma_wait3A_344 = arith.constant 3 : i32
      %dma_wait3A_345 = arith.constant 0 : i32
      %dma_wait3A_346 = tpu.memref_slice %arg7[%dma_wait3A_344, %dma_wait3A_345] : memref<5x25xi32, #tpu.memory_space<vmem>> -> memref<1x25xi32, #tpu.memory_space<vmem>>
      %dma_wait3A_347 = tpu.memref_squeeze %dma_wait3A_346 : memref<1x25xi32, #tpu.memory_space<vmem>> -> memref<25xi32, #tpu.memory_space<vmem>>
      %dma_wait3A_348 = arith.constant 0 : i32
      %dma_wait3A_349 = arith.constant 0 : i32
      %dma_wait3A_350 = tpu.memref_slice %arg2[%dma_wait3A_348, %dma_wait3A_349] : memref<10000x128xf32, #tpu.memory_space<hbm>> -> memref<10000x128xf32, #tpu.memory_space<hbm>>
      tpu.wait_indirect_dma semaphore(%arg20 : memref<!tpu.dma_semaphore, #tpu.memory_space<semaphore_mem>>) src(%dma_wait3A_350 : memref<10000x128xf32, #tpu.memory_space<hbm>>) dst(%arg17 : memref<25x128xf32, #tpu.memory_space<vmem>>)
      %dma_wait3A_351 = arith.constant 4 : i32
      %dma_wait3A_352 = arith.constant 0 : i32
      %dma_wait3A_353 = tpu.memref_slice %arg7[%dma_wait3A_351, %dma_wait3A_352] : memref<5x25xi32, #tpu.memory_space<vmem>> -> memref<1x25xi32, #tpu.memory_space<vmem>>
      %dma_wait3A_354 = tpu.memref_squeeze %dma_wait3A_353 : memref<1x25xi32, #tpu.memory_space<vmem>> -> memref<25xi32, #tpu.memory_space<vmem>>
      %dma_wait3A_355 = arith.constant 0 : i32
      %dma_wait3A_356 = arith.constant 0 : i32
      %dma_wait3A_357 = tpu.memref_slice %arg2[%dma_wait3A_355, %dma_wait3A_356] : memref<10000x128xf32, #tpu.memory_space<hbm>> -> memref<10000x128xf32, #tpu.memory_space<hbm>>
      tpu.wait_indirect_dma semaphore(%arg20 : memref<!tpu.dma_semaphore, #tpu.memory_space<semaphore_mem>>) src(%dma_wait3A_357 : memref<10000x128xf32, #tpu.memory_space<hbm>>) dst(%arg18 : memref<25x128xf32, #tpu.memory_space<vmem>>)
      %mul3A_358 = arith.constant 5 : i32
      %mul3A_359 = arith.muli %add3A_168, %mul3A_358 : i32
      %add3A_360 = arith.constant 0 : i32
      %add3A_361 = arith.addi %mul3A_359, %add3A_360 : i32
      %dma_wait3A_362 = arith.constant 0 : i32
      %dma_wait3A_363 = tpu.memref_slice %arg8[%add3A_361, %dma_wait3A_362] : memref<400x25xi32, #tpu.memory_space<vmem>> -> memref<1x25xi32, #tpu.memory_space<vmem>>
      %dma_wait3A_364 = tpu.memref_squeeze %dma_wait3A_363 : memref<1x25xi32, #tpu.memory_space<vmem>> -> memref<25xi32, #tpu.memory_space<vmem>>
      %dma_wait3A_365 = arith.constant 0 : i32
      %dma_wait3A_366 = arith.constant 0 : i32
      %dma_wait3A_367 = tpu.memref_slice %arg19[%dma_wait3A_365, %dma_wait3A_366] : memref<10240x128xf32, #tpu.memory_space<vmem_shared>> -> memref<10240x128xf32, #tpu.memory_space<vmem_shared>>
      tpu.wait_indirect_dma semaphore(%arg21 : memref<!tpu.dma_semaphore, #tpu.memory_space<semaphore_mem>>) src(%arg9 : memref<25x128xf32, #tpu.memory_space<vmem>>) dst(%dma_wait3A_367 : memref<10240x128xf32, #tpu.memory_space<vmem_shared>>)
      %mul3A_368 = arith.constant 5 : i32
      %mul3A_369 = arith.muli %add3A_168, %mul3A_368 : i32
      %add3A_370 = arith.constant 1 : i32
      %add3A_371 = arith.addi %mul3A_369, %add3A_370 : i32
      %dma_wait3A_372 = arith.constant 0 : i32
      %dma_wait3A_373 = tpu.memref_slice %arg8[%add3A_371, %dma_wait3A_372] : memref<400x25xi32, #tpu.memory_space<vmem>> -> memref<1x25xi32, #tpu.memory_space<vmem>>
      %dma_wait3A_374 = tpu.memref_squeeze %dma_wait3A_373 : memref<1x25xi32, #tpu.memory_space<vmem>> -> memref<25xi32, #tpu.memory_space<vmem>>
      %dma_wait3A_375 = arith.constant 0 : i32
      %dma_wait3A_376 = arith.constant 0 : i32
      %dma_wait3A_377 = tpu.memref_slice %arg19[%dma_wait3A_375, %dma_wait3A_376] : memref<10240x128xf32, #tpu.memory_space<vmem_shared>> -> memref<10240x128xf32, #tpu.memory_space<vmem_shared>>
      tpu.wait_indirect_dma semaphore(%arg21 : memref<!tpu.dma_semaphore, #tpu.memory_space<semaphore_mem>>) src(%arg10 : memref<25x128xf32, #tpu.memory_space<vmem>>) dst(%dma_wait3A_377 : memref<10240x128xf32, #tpu.memory_space<vmem_shared>>)
      %mul3A_378 = arith.constant 5 : i32
      %mul3A_379 = arith.muli %add3A_168, %mul3A_378 : i32
      %add3A_380 = arith.constant 2 : i32
      %add3A_381 = arith.addi %mul3A_379, %add3A_380 : i32
      %dma_wait3A_382 = arith.constant 0 : i32
      %dma_wait3A_383 = tpu.memref_slice %arg8[%add3A_381, %dma_wait3A_382] : memref<400x25xi32, #tpu.memory_space<vmem>> -> memref<1x25xi32, #tpu.memory_space<vmem>>
      %dma_wait3A_384 = tpu.memref_squeeze %dma_wait3A_383 : memref<1x25xi32, #tpu.memory_space<vmem>> -> memref<25xi32, #tpu.memory_space<vmem>>
      %dma_wait3A_385 = arith.constant 0 : i32
      %dma_wait3A_386 = arith.constant 0 : i32
      %dma_wait3A_387 = tpu.memref_slice %arg19[%dma_wait3A_385, %dma_wait3A_386] : memref<10240x128xf32, #tpu.memory_space<vmem_shared>> -> memref<10240x128xf32, #tpu.memory_space<vmem_shared>>
      tpu.wait_indirect_dma semaphore(%arg21 : memref<!tpu.dma_semaphore, #tpu.memory_space<semaphore_mem>>) src(%arg11 : memref<25x128xf32, #tpu.memory_space<vmem>>) dst(%dma_wait3A_387 : memref<10240x128xf32, #tpu.memory_space<vmem_shared>>)
      %mul3A_388 = arith.constant 5 : i32
      %mul3A_389 = arith.muli %add3A_168, %mul3A_388 : i32
      %add3A_390 = arith.constant 3 : i32
      %add3A_391 = arith.addi %mul3A_389, %add3A_390 : i32
      %dma_wait3A_392 = arith.constant 0 : i32
      %dma_wait3A_393 = tpu.memref_slice %arg8[%add3A_391, %dma_wait3A_392] : memref<400x25xi32, #tpu.memory_space<vmem>> -> memref<1x25xi32, #tpu.memory_space<vmem>>
      %dma_wait3A_394 = tpu.memref_squeeze %dma_wait3A_393 : memref<1x25xi32, #tpu.memory_space<vmem>> -> memref<25xi32, #tpu.memory_space<vmem>>
      %dma_wait3A_395 = arith.constant 0 : i32
      %dma_wait3A_396 = arith.constant 0 : i32
      %dma_wait3A_397 = tpu.memref_slice %arg19[%dma_wait3A_395, %dma_wait3A_396] : memref<10240x128xf32, #tpu.memory_space<vmem_shared>> -> memref<10240x128xf32, #tpu.memory_space<vmem_shared>>
      tpu.wait_indirect_dma semaphore(%arg21 : memref<!tpu.dma_semaphore, #tpu.memory_space<semaphore_mem>>) src(%arg12 : memref<25x128xf32, #tpu.memory_space<vmem>>) dst(%dma_wait3A_397 : memref<10240x128xf32, #tpu.memory_space<vmem_shared>>)
      %mul3A_398 = arith.constant 5 : i32
      %mul3A_399 = arith.muli %add3A_168, %mul3A_398 : i32
      %add3A_400 = arith.constant 4 : i32
      %add3A_401 = arith.addi %mul3A_399, %add3A_400 : i32
      %dma_wait3A_402 = arith.constant 0 : i32
      %dma_wait3A_403 = tpu.memref_slice %arg8[%add3A_401, %dma_wait3A_402] : memref<400x25xi32, #tpu.memory_space<vmem>> -> memref<1x25xi32, #tpu.memory_space<vmem>>
      %dma_wait3A_404 = tpu.memref_squeeze %dma_wait3A_403 : memref<1x25xi32, #tpu.memory_space<vmem>> -> memref<25xi32, #tpu.memory_space<vmem>>
      %dma_wait3A_405 = arith.constant 0 : i32
      %dma_wait3A_406 = arith.constant 0 : i32
      %dma_wait3A_407 = tpu.memref_slice %arg19[%dma_wait3A_405, %dma_wait3A_406] : memref<10240x128xf32, #tpu.memory_space<vmem_shared>> -> memref<10240x128xf32, #tpu.memory_space<vmem_shared>>
      tpu.wait_indirect_dma semaphore(%arg21 : memref<!tpu.dma_semaphore, #tpu.memory_space<semaphore_mem>>) src(%arg13 : memref<25x128xf32, #tpu.memory_space<vmem>>) dst(%dma_wait3A_407 : memref<10240x128xf32, #tpu.memory_space<vmem_shared>>)
      %add3A_408 = arith.constant 2 : i32
      %add3A_409 = arith.addi %add3A_168, %add3A_408 : i32
      %lt3A_410 = arith.constant 80 : i32
      %lt3A_411 = arith.cmpi slt, %add3A_409, %lt3A_410 : i32
      %convert_element_type3A_412 = arith.extui %lt3A_411 : i1 to i32
      %cond3A_413 = arith.constant 0 : i32
      %cond3A_414 = arith.cmpi ne, %convert_element_type3A_412, %cond3A_413 : i32
      scf.if %cond3A_414 {
        %add3A_467 = arith.constant 2 : i32
        %add3A_468 = arith.addi %add3A_168, %add3A_467 : i32
        %mul3A_469 = arith.constant 80 : i32
        %mul3A_470 = arith.muli %add3A, %mul3A_469 : i32
        %add3A_471 = arith.addi %mul3A_470, %add3A_468 : i32
        %dma_wait3A_472 = arith.constant 0 : i32
        %dma_wait3A_473 = arith.constant 0 : i32
        %dma_wait3A_474 = tpu.memref_slice %arg3[%add3A_471, %dma_wait3A_472, %dma_wait3A_473] : memref<2560x5x25xi32, #tpu.memory_space<hbm>> -> memref<1x5x25xi32, #tpu.memory_space<hbm>>
        %dma_wait3A_475 = tpu.memref_squeeze %dma_wait3A_474 : memref<1x5x25xi32, #tpu.memory_space<hbm>> -> memref<5x25xi32, #tpu.memory_space<hbm>>
        %dma_wait3A_476 = arith.constant 0 : i32
        %dma_wait3A_477 = arith.constant 0 : i32
        %dma_wait3A_478 = tpu.memref_slice %arg3[%add3A_471, %dma_wait3A_476, %dma_wait3A_477] : memref<2560x5x25xi32, #tpu.memory_space<hbm>> -> memref<1x5x25xi32, #tpu.memory_space<hbm>>
        %dma_wait3A_479 = tpu.memref_squeeze %dma_wait3A_478 : memref<1x5x25xi32, #tpu.memory_space<hbm>> -> memref<5x25xi32, #tpu.memory_space<hbm>>
        tpu.wait_dma2 semaphore(%arg22 : memref<!tpu.dma_semaphore, #tpu.memory_space<semaphore_mem>>) src(%dma_wait3A_479 : memref<5x25xi32, #tpu.memory_space<hbm>>) dst(%arg6 : memref<5x25xi32, #tpu.memory_space<vmem>>)
        %dma_start3A_480 = arith.constant 0 : i32
        %dma_start3A_481 = arith.constant 0 : i32
        %dma_start3A_482 = tpu.memref_slice %arg6[%dma_start3A_480, %dma_start3A_481] : memref<5x25xi32, #tpu.memory_space<vmem>> -> memref<1x25xi32, #tpu.memory_space<vmem>>
        %dma_start3A_483 = tpu.memref_squeeze %dma_start3A_482 : memref<1x25xi32, #tpu.memory_space<vmem>> -> memref<25xi32, #tpu.memory_space<vmem>>
        %dma_start3A_484 = arith.constant 0 : i32
        %dma_start3A_485 = arith.constant 0 : i32
        %dma_start3A_486 = tpu.memref_slice %arg2[%dma_start3A_484, %dma_start3A_485] : memref<10000x128xf32, #tpu.memory_space<hbm>> -> memref<10000x128xf32, #tpu.memory_space<hbm>>
        tpu.enqueue_indirect_dma source(%dma_start3A_486 : memref<10000x128xf32, #tpu.memory_space<hbm>>) target(%arg9 : memref<25x128xf32, #tpu.memory_space<vmem>>) offsets(%dma_start3A_483 : memref<25xi32, #tpu.memory_space<vmem>>) semaphore(%arg20 : memref<!tpu.dma_semaphore, #tpu.memory_space<semaphore_mem>>)
        %dma_start3A_487 = arith.constant 1 : i32
        %dma_start3A_488 = arith.constant 0 : i32
        %dma_start3A_489 = tpu.memref_slice %arg6[%dma_start3A_487, %dma_start3A_488] : memref<5x25xi32, #tpu.memory_space<vmem>> -> memref<1x25xi32, #tpu.memory_space<vmem>>
        %dma_start3A_490 = tpu.memref_squeeze %dma_start3A_489 : memref<1x25xi32, #tpu.memory_space<vmem>> -> memref<25xi32, #tpu.memory_space<vmem>>
        %dma_start3A_491 = arith.constant 0 : i32
        %dma_start3A_492 = arith.constant 0 : i32
        %dma_start3A_493 = tpu.memref_slice %arg2[%dma_start3A_491, %dma_start3A_492] : memref<10000x128xf32, #tpu.memory_space<hbm>> -> memref<10000x128xf32, #tpu.memory_space<hbm>>
        tpu.enqueue_indirect_dma source(%dma_start3A_493 : memref<10000x128xf32, #tpu.memory_space<hbm>>) target(%arg10 : memref<25x128xf32, #tpu.memory_space<vmem>>) offsets(%dma_start3A_490 : memref<25xi32, #tpu.memory_space<vmem>>) semaphore(%arg20 : memref<!tpu.dma_semaphore, #tpu.memory_space<semaphore_mem>>)
        %dma_start3A_494 = arith.constant 2 : i32
        %dma_start3A_495 = arith.constant 0 : i32
        %dma_start3A_496 = tpu.memref_slice %arg6[%dma_start3A_494, %dma_start3A_495] : memref<5x25xi32, #tpu.memory_space<vmem>> -> memref<1x25xi32, #tpu.memory_space<vmem>>
        %dma_start3A_497 = tpu.memref_squeeze %dma_start3A_496 : memref<1x25xi32, #tpu.memory_space<vmem>> -> memref<25xi32, #tpu.memory_space<vmem>>
        %dma_start3A_498 = arith.constant 0 : i32
        %dma_start3A_499 = arith.constant 0 : i32
        %dma_start3A_500 = tpu.memref_slice %arg2[%dma_start3A_498, %dma_start3A_499] : memref<10000x128xf32, #tpu.memory_space<hbm>> -> memref<10000x128xf32, #tpu.memory_space<hbm>>
        tpu.enqueue_indirect_dma source(%dma_start3A_500 : memref<10000x128xf32, #tpu.memory_space<hbm>>) target(%arg11 : memref<25x128xf32, #tpu.memory_space<vmem>>) offsets(%dma_start3A_497 : memref<25xi32, #tpu.memory_space<vmem>>) semaphore(%arg20 : memref<!tpu.dma_semaphore, #tpu.memory_space<semaphore_mem>>)
        %dma_start3A_501 = arith.constant 3 : i32
        %dma_start3A_502 = arith.constant 0 : i32
        %dma_start3A_503 = tpu.memref_slice %arg6[%dma_start3A_501, %dma_start3A_502] : memref<5x25xi32, #tpu.memory_space<vmem>> -> memref<1x25xi32, #tpu.memory_space<vmem>>
        %dma_start3A_504 = tpu.memref_squeeze %dma_start3A_503 : memref<1x25xi32, #tpu.memory_space<vmem>> -> memref<25xi32, #tpu.memory_space<vmem>>
        %dma_start3A_505 = arith.constant 0 : i32
        %dma_start3A_506 = arith.constant 0 : i32
        %dma_start3A_507 = tpu.memref_slice %arg2[%dma_start3A_505, %dma_start3A_506] : memref<10000x128xf32, #tpu.memory_space<hbm>> -> memref<10000x128xf32, #tpu.memory_space<hbm>>
        tpu.enqueue_indirect_dma source(%dma_start3A_507 : memref<10000x128xf32, #tpu.memory_space<hbm>>) target(%arg12 : memref<25x128xf32, #tpu.memory_space<vmem>>) offsets(%dma_start3A_504 : memref<25xi32, #tpu.memory_space<vmem>>) semaphore(%arg20 : memref<!tpu.dma_semaphore, #tpu.memory_space<semaphore_mem>>)
        %dma_start3A_508 = arith.constant 4 : i32
        %dma_start3A_509 = arith.constant 0 : i32
        %dma_start3A_510 = tpu.memref_slice %arg6[%dma_start3A_508, %dma_start3A_509] : memref<5x25xi32, #tpu.memory_space<vmem>> -> memref<1x25xi32, #tpu.memory_space<vmem>>
        %dma_start3A_511 = tpu.memref_squeeze %dma_start3A_510 : memref<1x25xi32, #tpu.memory_space<vmem>> -> memref<25xi32, #tpu.memory_space<vmem>>
        %dma_start3A_512 = arith.constant 0 : i32
        %dma_start3A_513 = arith.constant 0 : i32
        %dma_start3A_514 = tpu.memref_slice %arg2[%dma_start3A_512, %dma_start3A_513] : memref<10000x128xf32, #tpu.memory_space<hbm>> -> memref<10000x128xf32, #tpu.memory_space<hbm>>
        tpu.enqueue_indirect_dma source(%dma_start3A_514 : memref<10000x128xf32, #tpu.memory_space<hbm>>) target(%arg13 : memref<25x128xf32, #tpu.memory_space<vmem>>) offsets(%dma_start3A_511 : memref<25xi32, #tpu.memory_space<vmem>>) semaphore(%arg20 : memref<!tpu.dma_semaphore, #tpu.memory_space<semaphore_mem>>)
      } else {
      }
      %add3A_415 = arith.constant 1 : i32
      %add3A_416 = arith.addi %add3A_168, %add3A_415 : i32
      %mul3A_417 = arith.constant 5 : i32
      %mul3A_418 = arith.muli %add3A_416, %mul3A_417 : i32
      %add3A_419 = arith.constant 0 : i32
      %add3A_420 = arith.addi %mul3A_418, %add3A_419 : i32
      %dma_start3A_421 = arith.constant 0 : i32
      %dma_start3A_422 = tpu.memref_slice %arg8[%add3A_420, %dma_start3A_421] : memref<400x25xi32, #tpu.memory_space<vmem>> -> memref<1x25xi32, #tpu.memory_space<vmem>>
      %dma_start3A_423 = tpu.memref_squeeze %dma_start3A_422 : memref<1x25xi32, #tpu.memory_space<vmem>> -> memref<25xi32, #tpu.memory_space<vmem>>
      %dma_start3A_424 = arith.constant 0 : i32
      %dma_start3A_425 = arith.constant 0 : i32
      %dma_start3A_426 = tpu.memref_slice %arg19[%dma_start3A_424, %dma_start3A_425] : memref<10240x128xf32, #tpu.memory_space<vmem_shared>> -> memref<10240x128xf32, #tpu.memory_space<vmem_shared>>
      tpu.enqueue_indirect_dma source(%arg14 : memref<25x128xf32, #tpu.memory_space<vmem>>) target(%dma_start3A_426 : memref<10240x128xf32, #tpu.memory_space<vmem_shared>>) offsets(%dma_start3A_423 : memref<25xi32, #tpu.memory_space<vmem>>) semaphore(%arg21 : memref<!tpu.dma_semaphore, #tpu.memory_space<semaphore_mem>>) {add = true}
      %mul3A_427 = arith.constant 5 : i32
      %mul3A_428 = arith.muli %add3A_416, %mul3A_427 : i32
      %add3A_429 = arith.constant 1 : i32
      %add3A_430 = arith.addi %mul3A_428, %add3A_429 : i32
      %dma_start3A_431 = arith.constant 0 : i32
      %dma_start3A_432 = tpu.memref_slice %arg8[%add3A_430, %dma_start3A_431] : memref<400x25xi32, #tpu.memory_space<vmem>> -> memref<1x25xi32, #tpu.memory_space<vmem>>
      %dma_start3A_433 = tpu.memref_squeeze %dma_start3A_432 : memref<1x25xi32, #tpu.memory_space<vmem>> -> memref<25xi32, #tpu.memory_space<vmem>>
      %dma_start3A_434 = arith.constant 0 : i32
      %dma_start3A_435 = arith.constant 0 : i32
      %dma_start3A_436 = tpu.memref_slice %arg19[%dma_start3A_434, %dma_start3A_435] : memref<10240x128xf32, #tpu.memory_space<vmem_shared>> -> memref<10240x128xf32, #tpu.memory_space<vmem_shared>>
      tpu.enqueue_indirect_dma source(%arg15 : memref<25x128xf32, #tpu.memory_space<vmem>>) target(%dma_start3A_436 : memref<10240x128xf32, #tpu.memory_space<vmem_shared>>) offsets(%dma_start3A_433 : memref<25xi32, #tpu.memory_space<vmem>>) semaphore(%arg21 : memref<!tpu.dma_semaphore, #tpu.memory_space<semaphore_mem>>) {add = true}
      %mul3A_437 = arith.constant 5 : i32
      %mul3A_438 = arith.muli %add3A_416, %mul3A_437 : i32
      %add3A_439 = arith.constant 2 : i32
      %add3A_440 = arith.addi %mul3A_438, %add3A_439 : i32
      %dma_start3A_441 = arith.constant 0 : i32
      %dma_start3A_442 = tpu.memref_slice %arg8[%add3A_440, %dma_start3A_441] : memref<400x25xi32, #tpu.memory_space<vmem>> -> memref<1x25xi32, #tpu.memory_space<vmem>>
      %dma_start3A_443 = tpu.memref_squeeze %dma_start3A_442 : memref<1x25xi32, #tpu.memory_space<vmem>> -> memref<25xi32, #tpu.memory_space<vmem>>
      %dma_start3A_444 = arith.constant 0 : i32
      %dma_start3A_445 = arith.constant 0 : i32
      %dma_start3A_446 = tpu.memref_slice %arg19[%dma_start3A_444, %dma_start3A_445] : memref<10240x128xf32, #tpu.memory_space<vmem_shared>> -> memref<10240x128xf32, #tpu.memory_space<vmem_shared>>
      tpu.enqueue_indirect_dma source(%arg16 : memref<25x128xf32, #tpu.memory_space<vmem>>) target(%dma_start3A_446 : memref<10240x128xf32, #tpu.memory_space<vmem_shared>>) offsets(%dma_start3A_443 : memref<25xi32, #tpu.memory_space<vmem>>) semaphore(%arg21 : memref<!tpu.dma_semaphore, #tpu.memory_space<semaphore_mem>>) {add = true}
      %mul3A_447 = arith.constant 5 : i32
      %mul3A_448 = arith.muli %add3A_416, %mul3A_447 : i32
      %add3A_449 = arith.constant 3 : i32
      %add3A_450 = arith.addi %mul3A_448, %add3A_449 : i32
      %dma_start3A_451 = arith.constant 0 : i32
      %dma_start3A_452 = tpu.memref_slice %arg8[%add3A_450, %dma_start3A_451] : memref<400x25xi32, #tpu.memory_space<vmem>> -> memref<1x25xi32, #tpu.memory_space<vmem>>
      %dma_start3A_453 = tpu.memref_squeeze %dma_start3A_452 : memref<1x25xi32, #tpu.memory_space<vmem>> -> memref<25xi32, #tpu.memory_space<vmem>>
      %dma_start3A_454 = arith.constant 0 : i32
      %dma_start3A_455 = arith.constant 0 : i32
      %dma_start3A_456 = tpu.memref_slice %arg19[%dma_start3A_454, %dma_start3A_455] : memref<10240x128xf32, #tpu.memory_space<vmem_shared>> -> memref<10240x128xf32, #tpu.memory_space<vmem_shared>>
      tpu.enqueue_indirect_dma source(%arg17 : memref<25x128xf32, #tpu.memory_space<vmem>>) target(%dma_start3A_456 : memref<10240x128xf32, #tpu.memory_space<vmem_shared>>) offsets(%dma_start3A_453 : memref<25xi32, #tpu.memory_space<vmem>>) semaphore(%arg21 : memref<!tpu.dma_semaphore, #tpu.memory_space<semaphore_mem>>) {add = true}
      %mul3A_457 = arith.constant 5 : i32
      %mul3A_458 = arith.muli %add3A_416, %mul3A_457 : i32
      %add3A_459 = arith.constant 4 : i32
      %add3A_460 = arith.addi %mul3A_458, %add3A_459 : i32
      %dma_start3A_461 = arith.constant 0 : i32
      %dma_start3A_462 = tpu.memref_slice %arg8[%add3A_460, %dma_start3A_461] : memref<400x25xi32, #tpu.memory_space<vmem>> -> memref<1x25xi32, #tpu.memory_space<vmem>>
      %dma_start3A_463 = tpu.memref_squeeze %dma_start3A_462 : memref<1x25xi32, #tpu.memory_space<vmem>> -> memref<25xi32, #tpu.memory_space<vmem>>
      %dma_start3A_464 = arith.constant 0 : i32
      %dma_start3A_465 = arith.constant 0 : i32
      %dma_start3A_466 = tpu.memref_slice %arg19[%dma_start3A_464, %dma_start3A_465] : memref<10240x128xf32, #tpu.memory_space<vmem_shared>> -> memref<10240x128xf32, #tpu.memory_space<vmem_shared>>
      tpu.enqueue_indirect_dma source(%arg18 : memref<25x128xf32, #tpu.memory_space<vmem>>) target(%dma_start3A_466 : memref<10240x128xf32, #tpu.memory_space<vmem_shared>>) offsets(%dma_start3A_463 : memref<25xi32, #tpu.memory_space<vmem>>) semaphore(%arg21 : memref<!tpu.dma_semaphore, #tpu.memory_space<semaphore_mem>>) {add = true}
    }
    %scan3A_125 = arith.constant 40 : i32
    %dma_wait3A_126 = arith.constant 395 : i32
    %dma_wait3A_127 = arith.constant 0 : i32
    %dma_wait3A_128 = tpu.memref_slice %arg8[%dma_wait3A_126, %dma_wait3A_127] : memref<400x25xi32, #tpu.memory_space<vmem>> -> memref<1x25xi32, #tpu.memory_space<vmem>>
    %dma_wait3A_129 = tpu.memref_squeeze %dma_wait3A_128 : memref<1x25xi32, #tpu.memory_space<vmem>> -> memref<25xi32, #tpu.memory_space<vmem>>
    %dma_wait3A_130 = arith.constant 0 : i32
    %dma_wait3A_131 = arith.constant 0 : i32
    %dma_wait3A_132 = tpu.memref_slice %arg19[%dma_wait3A_130, %dma_wait3A_131] : memref<10240x128xf32, #tpu.memory_space<vmem_shared>> -> memref<10240x128xf32, #tpu.memory_space<vmem_shared>>
    tpu.wait_indirect_dma semaphore(%arg21 : memref<!tpu.dma_semaphore, #tpu.memory_space<semaphore_mem>>) src(%arg14 : memref<25x128xf32, #tpu.memory_space<vmem>>) dst(%dma_wait3A_132 : memref<10240x128xf32, #tpu.memory_space<vmem_shared>>)
    %dma_wait3A_133 = arith.constant 396 : i32
    %dma_wait3A_134 = arith.constant 0 : i32
    %dma_wait3A_135 = tpu.memref_slice %arg8[%dma_wait3A_133, %dma_wait3A_134] : memref<400x25xi32, #tpu.memory_space<vmem>> -> memref<1x25xi32, #tpu.memory_space<vmem>>
    %dma_wait3A_136 = tpu.memref_squeeze %dma_wait3A_135 : memref<1x25xi32, #tpu.memory_space<vmem>> -> memref<25xi32, #tpu.memory_space<vmem>>
    %dma_wait3A_137 = arith.constant 0 : i32
    %dma_wait3A_138 = arith.constant 0 : i32
    %dma_wait3A_139 = tpu.memref_slice %arg19[%dma_wait3A_137, %dma_wait3A_138] : memref<10240x128xf32, #tpu.memory_space<vmem_shared>> -> memref<10240x128xf32, #tpu.memory_space<vmem_shared>>
    tpu.wait_indirect_dma semaphore(%arg21 : memref<!tpu.dma_semaphore, #tpu.memory_space<semaphore_mem>>) src(%arg15 : memref<25x128xf32, #tpu.memory_space<vmem>>) dst(%dma_wait3A_139 : memref<10240x128xf32, #tpu.memory_space<vmem_shared>>)
    %dma_wait3A_140 = arith.constant 397 : i32
    %dma_wait3A_141 = arith.constant 0 : i32
    %dma_wait3A_142 = tpu.memref_slice %arg8[%dma_wait3A_140, %dma_wait3A_141] : memref<400x25xi32, #tpu.memory_space<vmem>> -> memref<1x25xi32, #tpu.memory_space<vmem>>
    %dma_wait3A_143 = tpu.memref_squeeze %dma_wait3A_142 : memref<1x25xi32, #tpu.memory_space<vmem>> -> memref<25xi32, #tpu.memory_space<vmem>>
    %dma_wait3A_144 = arith.constant 0 : i32
    %dma_wait3A_145 = arith.constant 0 : i32
    %dma_wait3A_146 = tpu.memref_slice %arg19[%dma_wait3A_144, %dma_wait3A_145] : memref<10240x128xf32, #tpu.memory_space<vmem_shared>> -> memref<10240x128xf32, #tpu.memory_space<vmem_shared>>
    tpu.wait_indirect_dma semaphore(%arg21 : memref<!tpu.dma_semaphore, #tpu.memory_space<semaphore_mem>>) src(%arg16 : memref<25x128xf32, #tpu.memory_space<vmem>>) dst(%dma_wait3A_146 : memref<10240x128xf32, #tpu.memory_space<vmem_shared>>)
    %dma_wait3A_147 = arith.constant 398 : i32
    %dma_wait3A_148 = arith.constant 0 : i32
    %dma_wait3A_149 = tpu.memref_slice %arg8[%dma_wait3A_147, %dma_wait3A_148] : memref<400x25xi32, #tpu.memory_space<vmem>> -> memref<1x25xi32, #tpu.memory_space<vmem>>
    %dma_wait3A_150 = tpu.memref_squeeze %dma_wait3A_149 : memref<1x25xi32, #tpu.memory_space<vmem>> -> memref<25xi32, #tpu.memory_space<vmem>>
    %dma_wait3A_151 = arith.constant 0 : i32
    %dma_wait3A_152 = arith.constant 0 : i32
    %dma_wait3A_153 = tpu.memref_slice %arg19[%dma_wait3A_151, %dma_wait3A_152] : memref<10240x128xf32, #tpu.memory_space<vmem_shared>> -> memref<10240x128xf32, #tpu.memory_space<vmem_shared>>
    tpu.wait_indirect_dma semaphore(%arg21 : memref<!tpu.dma_semaphore, #tpu.memory_space<semaphore_mem>>) src(%arg17 : memref<25x128xf32, #tpu.memory_space<vmem>>) dst(%dma_wait3A_153 : memref<10240x128xf32, #tpu.memory_space<vmem_shared>>)
    %dma_wait3A_154 = arith.constant 399 : i32
    %dma_wait3A_155 = arith.constant 0 : i32
    %dma_wait3A_156 = tpu.memref_slice %arg8[%dma_wait3A_154, %dma_wait3A_155] : memref<400x25xi32, #tpu.memory_space<vmem>> -> memref<1x25xi32, #tpu.memory_space<vmem>>
    %dma_wait3A_157 = tpu.memref_squeeze %dma_wait3A_156 : memref<1x25xi32, #tpu.memory_space<vmem>> -> memref<25xi32, #tpu.memory_space<vmem>>
    %dma_wait3A_158 = arith.constant 0 : i32
    %dma_wait3A_159 = arith.constant 0 : i32
    %dma_wait3A_160 = tpu.memref_slice %arg19[%dma_wait3A_158, %dma_wait3A_159] : memref<10240x128xf32, #tpu.memory_space<vmem_shared>> -> memref<10240x128xf32, #tpu.memory_space<vmem_shared>>
    tpu.wait_indirect_dma semaphore(%arg21 : memref<!tpu.dma_semaphore, #tpu.memory_space<semaphore_mem>>) src(%arg18 : memref<25x128xf32, #tpu.memory_space<vmem>>) dst(%dma_wait3A_160 : memref<10240x128xf32, #tpu.memory_space<vmem_shared>>)
    %barrier3A_161 = arith.constant 0 : index
    tpu.barrier barrier_id(%barrier3A_161)
    %mul3A_162 = arith.constant 640 : i32
    %mul3A_163 = arith.muli %arg1, %mul3A_162 : i32
    "tpu.region"() ({
      %run_scoped3A = tpu.sem_alloc : memref<!tpu.dma_semaphore, #tpu.memory_space<semaphore_mem>>
      %dma_start3A_164 = arith.constant 0 : i32
      %dma_start3A_165 = tpu.memref_slice %arg5[%arg0, %mul3A_163, %dma_start3A_164] : memref<2x10240x128xf32, #tpu.memory_space<hbm>> -> memref<1x640x128xf32, #tpu.memory_space<hbm>>
      %dma_start3A_166 = tpu.memref_squeeze %dma_start3A_165 : memref<1x640x128xf32, #tpu.memory_space<hbm>> -> memref<640x128xf32, #tpu.memory_space<hbm>>
      %dma_start3A_167 = arith.constant 0 : i32
      %dma_start3A_168 = tpu.memref_slice %arg19[%mul3A_163, %dma_start3A_167] : memref<10240x128xf32, #tpu.memory_space<vmem_shared>> -> memref<640x128xf32, #tpu.memory_space<vmem_shared>>
      tpu.enqueue_dma source(%dma_start3A_168 : memref<640x128xf32, #tpu.memory_space<vmem_shared>>) target(%dma_start3A_166 : memref<640x128xf32, #tpu.memory_space<hbm>>) target_semaphore(%run_scoped3A : memref<!tpu.dma_semaphore, #tpu.memory_space<semaphore_mem>>)
      %dma_wait3A_169 = arith.constant 0 : i32
      %dma_wait3A_170 = tpu.memref_slice %arg5[%arg0, %mul3A_163, %dma_wait3A_169] : memref<2x10240x128xf32, #tpu.memory_space<hbm>> -> memref<1x640x128xf32, #tpu.memory_space<hbm>>
      %dma_wait3A_171 = tpu.memref_squeeze %dma_wait3A_170 : memref<1x640x128xf32, #tpu.memory_space<hbm>> -> memref<640x128xf32, #tpu.memory_space<hbm>>
      %dma_wait3A_172 = arith.constant 0 : i32
      %dma_wait3A_173 = tpu.memref_slice %arg19[%mul3A_163, %dma_wait3A_172] : memref<10240x128xf32, #tpu.memory_space<vmem_shared>> -> memref<640x128xf32, #tpu.memory_space<vmem_shared>>
      tpu.wait_dma2 semaphore(%run_scoped3A : memref<!tpu.dma_semaphore, #tpu.memory_space<semaphore_mem>>) src(%dma_wait3A_173 : memref<640x128xf32, #tpu.memory_space<vmem_shared>>) dst(%dma_wait3A_171 : memref<640x128xf32, #tpu.memory_space<hbm>>)
      tpu.yield
    }) : () -> ()
    return
  }
}

#map = affine_map<(d0, d1) -> (0, 0)>
#map1 = affine_map<(d0, d1) -> (0, 0, 0)>
module attributes {stable_mosaic.version = 14 : i64} {
  func.func @agg_kernel(%arg0: i32, %arg1: i32, %arg2: memref<10000x128xf32, #tpu.memory_space<hbm>>, %arg3: memref<2560x5x25xi32, #tpu.memory_space<hbm>>, %arg4: memref<32x400x25xi32, #tpu.memory_space<hbm>>, %arg5: memref<2x10240x128xf32, #tpu.memory_space<hbm>>, %arg6: memref<5x25xi32, #tpu.memory_space<vmem>>, %arg7: memref<5x25xi32, #tpu.memory_space<vmem>>, %arg8: memref<400x25xi32, #tpu.memory_space<vmem>>, %arg9: memref<25x128xf32, #tpu.memory_space<vmem>>, %arg10: memref<25x128xf32, #tpu.memory_space<vmem>>, %arg11: memref<25x128xf32, #tpu.memory_space<vmem>>, %arg12: memref<25x128xf32, #tpu.memory_space<vmem>>, %arg13: memref<25x128xf32, #tpu.memory_space<vmem>>, %arg14: memref<25x128xf32, #tpu.memory_space<vmem>>, %arg15: memref<25x128xf32, #tpu.memory_space<vmem>>, %arg16: memref<25x128xf32, #tpu.memory_space<vmem>>, %arg17: memref<25x128xf32, #tpu.memory_space<vmem>>, %arg18: memref<25x128xf32, #tpu.memory_space<vmem>>, %arg19: memref<10240x128xf32, #tpu.memory_space<vmem_shared>>, %arg20: memref<!tpu.dma_semaphore, #tpu.memory_space<semaphore_mem>>, %arg21: memref<!tpu.dma_semaphore, #tpu.memory_space<semaphore_mem>>, %arg22: memref<!tpu.dma_semaphore, #tpu.memory_space<semaphore_mem>>, %arg23: memref<!tpu.dma_semaphore, #tpu.memory_space<semaphore_mem>>) attributes {dimension_semantics = [#tpu.dimension_semantics<core_parallel>, #tpu.dimension_semantics<subcore_parallel>], iteration_bounds = array<i64: 2, 16>, scalar_prefetch = 0 : i64, scratch_operands = 18 : i64, tpu.core_type = #tpu.core_type<sc_vector_subcore>, window_params = [{transform_indices = #map}, {transform_indices = #map1}, {transform_indices = #map1}, {transform_indices = #map1}]} {
    %mul3A = arith.constant 2 : i32
    %mul3A_0 = arith.muli %arg1, %mul3A : i32
    %add3A = arith.addi %mul3A_0, %arg0 : i32
    %dma_start3A = arith.constant 0 : i32
    %dma_start3A_1 = arith.constant 0 : i32
    %dma_start3A_2 = tpu.memref_slice %arg4[%add3A, %dma_start3A, %dma_start3A_1] : memref<32x400x25xi32, #tpu.memory_space<hbm>> -> memref<1x400x25xi32, #tpu.memory_space<hbm>>
    %dma_start3A_3 = tpu.memref_squeeze %dma_start3A_2 : memref<1x400x25xi32, #tpu.memory_space<hbm>> -> memref<400x25xi32, #tpu.memory_space<hbm>>
    %dma_start3A_4 = arith.constant 0 : i32
    %dma_start3A_5 = arith.constant 0 : i32
    %dma_start3A_6 = tpu.memref_slice %arg4[%add3A, %dma_start3A_4, %dma_start3A_5] : memref<32x400x25xi32, #tpu.memory_space<hbm>> -> memref<1x400x25xi32, #tpu.memory_space<hbm>>
    %dma_start3A_7 = tpu.memref_squeeze %dma_start3A_6 : memref<1x400x25xi32, #tpu.memory_space<hbm>> -> memref<400x25xi32, #tpu.memory_space<hbm>>
    tpu.enqueue_dma source(%dma_start3A_7 : memref<400x25xi32, #tpu.memory_space<hbm>>) target(%arg8 : memref<400x25xi32, #tpu.memory_space<vmem>>) target_semaphore(%arg21 : memref<!tpu.dma_semaphore, #tpu.memory_space<semaphore_mem>>)
    %scan3A = arith.constant 0 : i32
    %scan3A_8 = arith.constant 25 : i32
    %scan3A_9 = arith.addi %scan3A, %scan3A_8 : i32
    %scan3A_10 = arith.constant 1 : i32
    scf.for %scan3A_164 = %scan3A to %scan3A_9 step %scan3A_10  : i32 {
      %mul3A_165 = arith.constant 1 : i32
      %mul3A_166 = arith.muli %scan3A_164, %mul3A_165 : i32
      %add3A_167 = arith.constant 0 : i32
      %add3A_168 = arith.addi %add3A_167, %mul3A_166 : i32
      %scan3A_169 = arith.constant 0 : i32
      %scan3A_170 = arith.constant 8 : i32
      %scan3A_171 = arith.addi %scan3A_169, %scan3A_170 : i32
      %scan3A_172 = arith.constant 1 : i32
      scf.for %scan3A_174 = %scan3A_169 to %scan3A_171 step %scan3A_172  : i32 {
        %mul3A_175 = arith.constant 16 : i32
        %mul3A_176 = arith.muli %scan3A_174, %mul3A_175 : i32
        %add3A_177 = arith.constant 0 : i32
        %add3A_178 = arith.addi %add3A_177, %mul3A_176 : i32
        %broadcast_in_dim3A = arith.constant 0.000000e+00 : f32
        %broadcast_in_dim3A_179 = vector.broadcast %broadcast_in_dim3A : f32 to vector<16xf32>
        %swap3A = arith.index_cast %add3A_168 : i32 to index
        %swap3A_180 = arith.index_cast %add3A_178 : i32 to index
        %swap3A_181 = tpu.vector_load %arg9[%swap3A, %swap3A_180] {strides = array<i32>} : memref<25x128xf32, #tpu.memory_space<vmem>>, vector<1x16xf32>,
        %swap3A_182 = vector.shape_cast %swap3A_181 : vector<1x16xf32> to vector<16xf32>
        %swap3A_183 = vector.shape_cast %broadcast_in_dim3A_179 : vector<16xf32> to vector<1x16xf32>
        tpu.vector_store %arg9[%swap3A, %swap3A_180], %swap3A_183 {strides = array<i32>} : memref<25x128xf32, #tpu.memory_space<vmem>>, vector<1x16xf32>,
      }
      %scan3A_173 = arith.constant 8 : i32
    }
    %scan3A_11 = arith.constant 25 : i32
    %scan3A_12 = arith.constant 0 : i32
    %scan3A_13 = arith.constant 25 : i32
    %scan3A_14 = arith.addi %scan3A_12, %scan3A_13 : i32
    %scan3A_15 = arith.constant 1 : i32
    scf.for %scan3A_164 = %scan3A_12 to %scan3A_14 step %scan3A_15  : i32 {
      %mul3A_165 = arith.constant 1 : i32
      %mul3A_166 = arith.muli %scan3A_164, %mul3A_165 : i32
      %add3A_167 = arith.constant 0 : i32
      %add3A_168 = arith.addi %add3A_167, %mul3A_166 : i32
      %scan3A_169 = arith.constant 0 : i32
      %scan3A_170 = arith.constant 8 : i32
      %scan3A_171 = arith.addi %scan3A_169, %scan3A_170 : i32
      %scan3A_172 = arith.constant 1 : i32
      scf.for %scan3A_174 = %scan3A_169 to %scan3A_171 step %scan3A_172  : i32 {
        %mul3A_175 = arith.constant 16 : i32
        %mul3A_176 = arith.muli %scan3A_174, %mul3A_175 : i32
        %add3A_177 = arith.constant 0 : i32
        %add3A_178 = arith.addi %add3A_177, %mul3A_176 : i32
        %broadcast_in_dim3A = arith.constant 0.000000e+00 : f32
        %broadcast_in_dim3A_179 = vector.broadcast %broadcast_in_dim3A : f32 to vector<16xf32>
        %swap3A = arith.index_cast %add3A_168 : i32 to index
        %swap3A_180 = arith.index_cast %add3A_178 : i32 to index
        %swap3A_181 = tpu.vector_load %arg10[%swap3A, %swap3A_180] {strides = array<i32>} : memref<25x128xf32, #tpu.memory_space<vmem>>, vector<1x16xf32>,
        %swap3A_182 = vector.shape_cast %swap3A_181 : vector<1x16xf32> to vector<16xf32>
        %swap3A_183 = vector.shape_cast %broadcast_in_dim3A_179 : vector<16xf32> to vector<1x16xf32>
        tpu.vector_store %arg10[%swap3A, %swap3A_180], %swap3A_183 {strides = array<i32>} : memref<25x128xf32, #tpu.memory_space<vmem>>, vector<1x16xf32>,
      }
      %scan3A_173 = arith.constant 8 : i32
    }
    %scan3A_16 = arith.constant 25 : i32
    %scan3A_17 = arith.constant 0 : i32
    %scan3A_18 = arith.constant 25 : i32
    %scan3A_19 = arith.addi %scan3A_17, %scan3A_18 : i32
    %scan3A_20 = arith.constant 1 : i32
    scf.for %scan3A_164 = %scan3A_17 to %scan3A_19 step %scan3A_20  : i32 {
      %mul3A_165 = arith.constant 1 : i32
      %mul3A_166 = arith.muli %scan3A_164, %mul3A_165 : i32
      %add3A_167 = arith.constant 0 : i32
      %add3A_168 = arith.addi %add3A_167, %mul3A_166 : i32
      %mul3A_169 = arith.constant 640 : i32
      %mul3A_170 = arith.muli %arg1, %mul3A_169 : i32
      %mul3A_171 = arith.constant 25 : i32
      %mul3A_172 = arith.muli %add3A_168, %mul3A_171 : i32
      %add3A_173 = arith.addi %mul3A_170, %mul3A_172 : i32
      %dma_start3A_174 = arith.constant 0 : i32
      %dma_start3A_175 = tpu.memref_slice %arg19[%add3A_173, %dma_start3A_174] : memref<10240x128xf32, #tpu.memory_space<vmem_shared>> -> memref<25x128xf32, #tpu.memory_space<vmem_shared>>
      %dma_start3A_176 = arith.constant 0 : i32
      %dma_start3A_177 = tpu.memref_slice %arg19[%add3A_173, %dma_start3A_176] : memref<10240x128xf32, #tpu.memory_space<vmem_shared>> -> memref<25x128xf32, #tpu.memory_space<vmem_shared>>
      tpu.enqueue_dma source(%arg9 : memref<25x128xf32, #tpu.memory_space<vmem>>) target(%dma_start3A_177 : memref<25x128xf32, #tpu.memory_space<vmem_shared>>) target_semaphore(%arg20 : memref<!tpu.dma_semaphore, #tpu.memory_space<semaphore_mem>>)
    }
    %scan3A_21 = arith.constant 25 : i32
    %mul3A_22 = arith.constant 640 : i32
    %mul3A_23 = arith.muli %arg1, %mul3A_22 : i32
    %add3A_24 = arith.constant 625 : i32
    %add3A_25 = arith.addi %mul3A_23, %add3A_24 : i32
    %dma_start3A_26 = arith.constant 0 : i32
    %dma_start3A_27 = arith.constant 0 : i32
    %dma_start3A_28 = tpu.memref_slice %arg10[%dma_start3A_26, %dma_start3A_27] : memref<25x128xf32, #tpu.memory_space<vmem>> -> memref<15x128xf32, #tpu.memory_space<vmem>>
    %dma_start3A_29 = arith.constant 0 : i32
    %dma_start3A_30 = tpu.memref_slice %arg19[%add3A_25, %dma_start3A_29] : memref<10240x128xf32, #tpu.memory_space<vmem_shared>> -> memref<15x128xf32, #tpu.memory_space<vmem_shared>>
    %dma_start3A_31 = arith.constant 0 : i32
    %dma_start3A_32 = tpu.memref_slice %arg19[%add3A_25, %dma_start3A_31] : memref<10240x128xf32, #tpu.memory_space<vmem_shared>> -> memref<15x128xf32, #tpu.memory_space<vmem_shared>>
    %dma_start3A_33 = arith.constant 0 : i32
    %dma_start3A_34 = arith.constant 0 : i32
    %dma_start3A_35 = tpu.memref_slice %arg10[%dma_start3A_33, %dma_start3A_34] : memref<25x128xf32, #tpu.memory_space<vmem>> -> memref<15x128xf32, #tpu.memory_space<vmem>>
    tpu.enqueue_dma source(%dma_start3A_35 : memref<15x128xf32, #tpu.memory_space<vmem>>) target(%dma_start3A_32 : memref<15x128xf32, #tpu.memory_space<vmem_shared>>) target_semaphore(%arg20 : memref<!tpu.dma_semaphore, #tpu.memory_space<semaphore_mem>>)
    %scan3A_36 = arith.constant 0 : i32
    %scan3A_37 = arith.constant 25 : i32
    %scan3A_38 = arith.addi %scan3A_36, %scan3A_37 : i32
    %scan3A_39 = arith.constant 1 : i32
    scf.for %scan3A_164 = %scan3A_36 to %scan3A_38 step %scan3A_39  : i32 {
      %mul3A_165 = arith.constant 1 : i32
      %mul3A_166 = arith.muli %scan3A_164, %mul3A_165 : i32
      %add3A_167 = arith.constant 0 : i32
      %add3A_168 = arith.addi %add3A_167, %mul3A_166 : i32
      %mul3A_169 = arith.constant 640 : i32
      %mul3A_170 = arith.muli %arg1, %mul3A_169 : i32
      %mul3A_171 = arith.constant 25 : i32
      %mul3A_172 = arith.muli %add3A_168, %mul3A_171 : i32
      %add3A_173 = arith.addi %mul3A_170, %mul3A_172 : i32
      %dma_wait3A_174 = arith.constant 0 : i32
      %dma_wait3A_175 = tpu.memref_slice %arg19[%add3A_173, %dma_wait3A_174] : memref<10240x128xf32, #tpu.memory_space<vmem_shared>> -> memref<25x128xf32, #tpu.memory_space<vmem_shared>>
      %dma_wait3A_176 = arith.constant 0 : i32
      %dma_wait3A_177 = tpu.memref_slice %arg19[%add3A_173, %dma_wait3A_176] : memref<10240x128xf32, #tpu.memory_space<vmem_shared>> -> memref<25x128xf32, #tpu.memory_space<vmem_shared>>
      tpu.wait_dma2 semaphore(%arg20 : memref<!tpu.dma_semaphore, #tpu.memory_space<semaphore_mem>>) src(%arg9 : memref<25x128xf32, #tpu.memory_space<vmem>>) dst(%dma_wait3A_177 : memref<25x128xf32, #tpu.memory_space<vmem_shared>>)
    }
    %scan3A_40 = arith.constant 25 : i32
    %mul3A_41 = arith.constant 640 : i32
    %mul3A_42 = arith.muli %arg1, %mul3A_41 : i32
    %add3A_43 = arith.constant 625 : i32
    %add3A_44 = arith.addi %mul3A_42, %add3A_43 : i32
    %dma_wait3A = arith.constant 0 : i32
    %dma_wait3A_45 = arith.constant 0 : i32
    %dma_wait3A_46 = tpu.memref_slice %arg10[%dma_wait3A, %dma_wait3A_45] : memref<25x128xf32, #tpu.memory_space<vmem>> -> memref<15x128xf32, #tpu.memory_space<vmem>>
    %dma_wait3A_47 = arith.constant 0 : i32
    %dma_wait3A_48 = tpu.memref_slice %arg19[%add3A_44, %dma_wait3A_47] : memref<10240x128xf32, #tpu.memory_space<vmem_shared>> -> memref<15x128xf32, #tpu.memory_space<vmem_shared>>
    %dma_wait3A_49 = arith.constant 0 : i32
    %dma_wait3A_50 = tpu.memref_slice %arg19[%add3A_44, %dma_wait3A_49] : memref<10240x128xf32, #tpu.memory_space<vmem_shared>> -> memref<15x128xf32, #tpu.memory_space<vmem_shared>>
    %dma_wait3A_51 = arith.constant 0 : i32
    %dma_wait3A_52 = arith.constant 0 : i32
    %dma_wait3A_53 = tpu.memref_slice %arg10[%dma_wait3A_51, %dma_wait3A_52] : memref<25x128xf32, #tpu.memory_space<vmem>> -> memref<15x128xf32, #tpu.memory_space<vmem>>
    tpu.wait_dma2 semaphore(%arg20 : memref<!tpu.dma_semaphore, #tpu.memory_space<semaphore_mem>>) src(%dma_wait3A_53 : memref<15x128xf32, #tpu.memory_space<vmem>>) dst(%dma_wait3A_50 : memref<15x128xf32, #tpu.memory_space<vmem_shared>>)
    %dma_wait3A_54 = arith.constant 0 : i32
    %dma_wait3A_55 = arith.constant 0 : i32
    %dma_wait3A_56 = tpu.memref_slice %arg4[%add3A, %dma_wait3A_54, %dma_wait3A_55] : memref<32x400x25xi32, #tpu.memory_space<hbm>> -> memref<1x400x25xi32, #tpu.memory_space<hbm>>
    %dma_wait3A_57 = tpu.memref_squeeze %dma_wait3A_56 : memref<1x400x25xi32, #tpu.memory_space<hbm>> -> memref<400x25xi32, #tpu.memory_space<hbm>>
    %dma_wait3A_58 = arith.constant 0 : i32
    %dma_wait3A_59 = arith.constant 0 : i32
    %dma_wait3A_60 = tpu.memref_slice %arg4[%add3A, %dma_wait3A_58, %dma_wait3A_59] : memref<32x400x25xi32, #tpu.memory_space<hbm>> -> memref<1x400x25xi32, #tpu.memory_space<hbm>>
    %dma_wait3A_61 = tpu.memref_squeeze %dma_wait3A_60 : memref<1x400x25xi32, #tpu.memory_space<hbm>> -> memref<400x25xi32, #tpu.memory_space<hbm>>
    tpu.wait_dma2 semaphore(%arg21 : memref<!tpu.dma_semaphore, #tpu.memory_space<semaphore_mem>>) src(%dma_wait3A_61 : memref<400x25xi32, #tpu.memory_space<hbm>>) dst(%arg8 : memref<400x25xi32, #tpu.memory_space<vmem>>)
    %barrier3A = arith.constant 0 : index
    tpu.barrier barrier_id(%barrier3A)
    %mul3A_62 = arith.constant 80 : i32
    %mul3A_63 = arith.muli %add3A, %mul3A_62 : i32
    %add3A_64 = arith.constant 0 : i32
    %add3A_65 = arith.addi %mul3A_63, %add3A_64 : i32
    %dma_start3A_66 = arith.constant 0 : i32
    %dma_start3A_67 = arith.constant 0 : i32
    %dma_start3A_68 = tpu.memref_slice %arg3[%add3A_65, %dma_start3A_66, %dma_start3A_67] : memref<2560x5x25xi32, #tpu.memory_space<hbm>> -> memref<1x5x25xi32, #tpu.memory_space<hbm>>
    %dma_start3A_69 = tpu.memref_squeeze %dma_start3A_68 : memref<1x5x25xi32, #tpu.memory_space<hbm>> -> memref<5x25xi32, #tpu.memory_space<hbm>>
    %dma_start3A_70 = arith.constant 0 : i32
    %dma_start3A_71 = arith.constant 0 : i32
    %dma_start3A_72 = tpu.memref_slice %arg3[%add3A_65, %dma_start3A_70, %dma_start3A_71] : memref<2560x5x25xi32, #tpu.memory_space<hbm>> -> memref<1x5x25xi32, #tpu.memory_space<hbm>>
    %dma_start3A_73 = tpu.memref_squeeze %dma_start3A_72 : memref<1x5x25xi32, #tpu.memory_space<hbm>> -> memref<5x25xi32, #tpu.memory_space<hbm>>
    tpu.enqueue_dma source(%dma_start3A_73 : memref<5x25xi32, #tpu.memory_space<hbm>>) target(%arg6 : memref<5x25xi32, #tpu.memory_space<vmem>>) target_semaphore(%arg22 : memref<!tpu.dma_semaphore, #tpu.memory_space<semaphore_mem>>)
    %mul3A_74 = arith.constant 80 : i32
    %mul3A_75 = arith.muli %add3A, %mul3A_74 : i32
    %add3A_76 = arith.constant 0 : i32
    %add3A_77 = arith.addi %mul3A_75, %add3A_76 : i32
    %dma_wait3A_78 = arith.constant 0 : i32
    %dma_wait3A_79 = arith.constant 0 : i32
    %dma_wait3A_80 = tpu.memref_slice %arg3[%add3A_77, %dma_wait3A_78, %dma_wait3A_79] : memref<2560x5x25xi32, #tpu.memory_space<hbm>> -> memref<1x5x25xi32, #tpu.memory_space<hbm>>
    %dma_wait3A_81 = tpu.memref_squeeze %dma_wait3A_80 : memref<1x5x25xi32, #tpu.memory_space<hbm>> -> memref<5x25xi32, #tpu.memory_space<hbm>>
    %dma_wait3A_82 = arith.constant 0 : i32
    %dma_wait3A_83 = arith.constant 0 : i32
    %dma_wait3A_84 = tpu.memref_slice %arg3[%add3A_77, %dma_wait3A_82, %dma_wait3A_83] : memref<2560x5x25xi32, #tpu.memory_space<hbm>> -> memref<1x5x25xi32, #tpu.memory_space<hbm>>
    %dma_wait3A_85 = tpu.memref_squeeze %dma_wait3A_84 : memref<1x5x25xi32, #tpu.memory_space<hbm>> -> memref<5x25xi32, #tpu.memory_space<hbm>>
    tpu.wait_dma2 semaphore(%arg22 : memref<!tpu.dma_semaphore, #tpu.memory_space<semaphore_mem>>) src(%dma_wait3A_85 : memref<5x25xi32, #tpu.memory_space<hbm>>) dst(%arg6 : memref<5x25xi32, #tpu.memory_space<vmem>>)
    %dma_start3A_86 = arith.constant 0 : i32
    %dma_start3A_87 = arith.constant 0 : i32
    %dma_start3A_88 = tpu.memref_slice %arg6[%dma_start3A_86, %dma_start3A_87] : memref<5x25xi32, #tpu.memory_space<vmem>> -> memref<1x25xi32, #tpu.memory_space<vmem>>
    %dma_start3A_89 = tpu.memref_squeeze %dma_start3A_88 : memref<1x25xi32, #tpu.memory_space<vmem>> -> memref<25xi32, #tpu.memory_space<vmem>>
    %dma_start3A_90 = arith.constant 0 : i32
    %dma_start3A_91 = arith.constant 0 : i32
    %dma_start3A_92 = tpu.memref_slice %arg2[%dma_start3A_90, %dma_start3A_91] : memref<10000x128xf32, #tpu.memory_space<hbm>> -> memref<10000x128xf32, #tpu.memory_space<hbm>>
    tpu.enqueue_indirect_dma source(%dma_start3A_92 : memref<10000x128xf32, #tpu.memory_space<hbm>>) target(%arg9 : memref<25x128xf32, #tpu.memory_space<vmem>>) offsets(%dma_start3A_89 : memref<25xi32, #tpu.memory_space<vmem>>) semaphore(%arg20 : memref<!tpu.dma_semaphore, #tpu.memory_space<semaphore_mem>>)
    %dma_start3A_93 = arith.constant 1 : i32
    %dma_start3A_94 = arith.constant 0 : i32
    %dma_start3A_95 = tpu.memref_slice %arg6[%dma_start3A_93, %dma_start3A_94] : memref<5x25xi32, #tpu.memory_space<vmem>> -> memref<1x25xi32, #tpu.memory_space<vmem>>
    %dma_start3A_96 = tpu.memref_squeeze %dma_start3A_95 : memref<1x25xi32, #tpu.memory_space<vmem>> -> memref<25xi32, #tpu.memory_space<vmem>>
    %dma_start3A_97 = arith.constant 0 : i32
    %dma_start3A_98 = arith.constant 0 : i32
    %dma_start3A_99 = tpu.memref_slice %arg2[%dma_start3A_97, %dma_start3A_98] : memref<10000x128xf32, #tpu.memory_space<hbm>> -> memref<10000x128xf32, #tpu.memory_space<hbm>>
    tpu.enqueue_indirect_dma source(%dma_start3A_99 : memref<10000x128xf32, #tpu.memory_space<hbm>>) target(%arg10 : memref<25x128xf32, #tpu.memory_space<vmem>>) offsets(%dma_start3A_96 : memref<25xi32, #tpu.memory_space<vmem>>) semaphore(%arg20 : memref<!tpu.dma_semaphore, #tpu.memory_space<semaphore_mem>>)
    %dma_start3A_100 = arith.constant 2 : i32
    %dma_start3A_101 = arith.constant 0 : i32
    %dma_start3A_102 = tpu.memref_slice %arg6[%dma_start3A_100, %dma_start3A_101] : memref<5x25xi32, #tpu.memory_space<vmem>> -> memref<1x25xi32, #tpu.memory_space<vmem>>
    %dma_start3A_103 = tpu.memref_squeeze %dma_start3A_102 : memref<1x25xi32, #tpu.memory_space<vmem>> -> memref<25xi32, #tpu.memory_space<vmem>>
    %dma_start3A_104 = arith.constant 0 : i32
    %dma_start3A_105 = arith.constant 0 : i32
    %dma_start3A_106 = tpu.memref_slice %arg2[%dma_start3A_104, %dma_start3A_105] : memref<10000x128xf32, #tpu.memory_space<hbm>> -> memref<10000x128xf32, #tpu.memory_space<hbm>>
    tpu.enqueue_indirect_dma source(%dma_start3A_106 : memref<10000x128xf32, #tpu.memory_space<hbm>>) target(%arg11 : memref<25x128xf32, #tpu.memory_space<vmem>>) offsets(%dma_start3A_103 : memref<25xi32, #tpu.memory_space<vmem>>) semaphore(%arg20 : memref<!tpu.dma_semaphore, #tpu.memory_space<semaphore_mem>>)
    %dma_start3A_107 = arith.constant 3 : i32
    %dma_start3A_108 = arith.constant 0 : i32
    %dma_start3A_109 = tpu.memref_slice %arg6[%dma_start3A_107, %dma_start3A_108] : memref<5x25xi32, #tpu.memory_space<vmem>> -> memref<1x25xi32, #tpu.memory_space<vmem>>
    %dma_start3A_110 = tpu.memref_squeeze %dma_start3A_109 : memref<1x25xi32, #tpu.memory_space<vmem>> -> memref<25xi32, #tpu.memory_space<vmem>>
    %dma_start3A_111 = arith.constant 0 : i32
    %dma_start3A_112 = arith.constant 0 : i32
    %dma_start3A_113 = tpu.memref_slice %arg2[%dma_start3A_111, %dma_start3A_112] : memref<10000x128xf32, #tpu.memory_space<hbm>> -> memref<10000x128xf32, #tpu.memory_space<hbm>>
    tpu.enqueue_indirect_dma source(%dma_start3A_113 : memref<10000x128xf32, #tpu.memory_space<hbm>>) target(%arg12 : memref<25x128xf32, #tpu.memory_space<vmem>>) offsets(%dma_start3A_110 : memref<25xi32, #tpu.memory_space<vmem>>) semaphore(%arg20 : memref<!tpu.dma_semaphore, #tpu.memory_space<semaphore_mem>>)
    %dma_start3A_114 = arith.constant 4 : i32
    %dma_start3A_115 = arith.constant 0 : i32
    %dma_start3A_116 = tpu.memref_slice %arg6[%dma_start3A_114, %dma_start3A_115] : memref<5x25xi32, #tpu.memory_space<vmem>> -> memref<1x25xi32, #tpu.memory_space<vmem>>
    %dma_start3A_117 = tpu.memref_squeeze %dma_start3A_116 : memref<1x25xi32, #tpu.memory_space<vmem>> -> memref<25xi32, #tpu.memory_space<vmem>>
    %dma_start3A_118 = arith.constant 0 : i32
    %dma_start3A_119 = arith.constant 0 : i32
    %dma_start3A_120 = tpu.memref_slice %arg2[%dma_start3A_118, %dma_start3A_119] : memref<10000x128xf32, #tpu.memory_space<hbm>> -> memref<10000x128xf32, #tpu.memory_space<hbm>>
    tpu.enqueue_indirect_dma source(%dma_start3A_120 : memref<10000x128xf32, #tpu.memory_space<hbm>>) target(%arg13 : memref<25x128xf32, #tpu.memory_space<vmem>>) offsets(%dma_start3A_117 : memref<25xi32, #tpu.memory_space<vmem>>) semaphore(%arg20 : memref<!tpu.dma_semaphore, #tpu.memory_space<semaphore_mem>>)
    %scan3A_121 = arith.constant 0 : i32
    %scan3A_122 = arith.constant 40 : i32
    %scan3A_123 = arith.addi %scan3A_121, %scan3A_122 : i32
    %scan3A_124 = arith.constant 1 : i32
    scf.for %scan3A_164 = %scan3A_121 to %scan3A_123 step %scan3A_124  : i32 {
      %mul3A_165 = arith.constant 2 : i32
      %mul3A_166 = arith.muli %scan3A_164, %mul3A_165 : i32
      %add3A_167 = arith.constant 0 : i32
      %add3A_168 = arith.addi %add3A_167, %mul3A_166 : i32
      %add3A_169 = arith.constant 1 : i32
      %add3A_170 = arith.addi %add3A_168, %add3A_169 : i32
      %mul3A_171 = arith.constant 80 : i32
      %mul3A_172 = arith.muli %add3A, %mul3A_171 : i32
      %add3A_173 = arith.addi %mul3A_172, %add3A_170 : i32
      %dma_start3A_174 = arith.constant 0 : i32
      %dma_start3A_175 = arith.constant 0 : i32
      %dma_start3A_176 = tpu.memref_slice %arg3[%add3A_173, %dma_start3A_174, %dma_start3A_175] : memref<2560x5x25xi32, #tpu.memory_space<hbm>> -> memref<1x5x25xi32, #tpu.memory_space<hbm>>
      %dma_start3A_177 = tpu.memref_squeeze %dma_start3A_176 : memref<1x5x25xi32, #tpu.memory_space<hbm>> -> memref<5x25xi32, #tpu.memory_space<hbm>>
      %dma_start3A_178 = arith.constant 0 : i32
      %dma_start3A_179 = arith.constant 0 : i32
      %dma_start3A_180 = tpu.memref_slice %arg3[%add3A_173, %dma_start3A_178, %dma_start3A_179] : memref<2560x5x25xi32, #tpu.memory_space<hbm>> -> memref<1x5x25xi32, #tpu.memory_space<hbm>>
      %dma_start3A_181 = tpu.memref_squeeze %dma_start3A_180 : memref<1x5x25xi32, #tpu.memory_space<hbm>> -> memref<5x25xi32, #tpu.memory_space<hbm>>
      tpu.enqueue_dma source(%dma_start3A_181 : memref<5x25xi32, #tpu.memory_space<hbm>>) target(%arg7 : memref<5x25xi32, #tpu.memory_space<vmem>>) target_semaphore(%arg23 : memref<!tpu.dma_semaphore, #tpu.memory_space<semaphore_mem>>)
      %dma_wait3A_182 = arith.constant 0 : i32
      %dma_wait3A_183 = arith.constant 0 : i32
      %dma_wait3A_184 = tpu.memref_slice %arg6[%dma_wait3A_182, %dma_wait3A_183] : memref<5x25xi32, #tpu.memory_space<vmem>> -> memref<1x25xi32, #tpu.memory_space<vmem>>
      %dma_wait3A_185 = tpu.memref_squeeze %dma_wait3A_184 : memref<1x25xi32, #tpu.memory_space<vmem>> -> memref<25xi32, #tpu.memory_space<vmem>>
      %dma_wait3A_186 = arith.constant 0 : i32
      %dma_wait3A_187 = arith.constant 0 : i32
      %dma_wait3A_188 = tpu.memref_slice %arg2[%dma_wait3A_186, %dma_wait3A_187] : memref<10000x128xf32, #tpu.memory_space<hbm>> -> memref<10000x128xf32, #tpu.memory_space<hbm>>
      tpu.wait_indirect_dma semaphore(%arg20 : memref<!tpu.dma_semaphore, #tpu.memory_space<semaphore_mem>>) src(%dma_wait3A_188 : memref<10000x128xf32, #tpu.memory_space<hbm>>) dst(%arg9 : memref<25x128xf32, #tpu.memory_space<vmem>>)
      %dma_wait3A_189 = arith.constant 1 : i32
      %dma_wait3A_190 = arith.constant 0 : i32
      %dma_wait3A_191 = tpu.memref_slice %arg6[%dma_wait3A_189, %dma_wait3A_190] : memref<5x25xi32, #tpu.memory_space<vmem>> -> memref<1x25xi32, #tpu.memory_space<vmem>>
      %dma_wait3A_192 = tpu.memref_squeeze %dma_wait3A_191 : memref<1x25xi32, #tpu.memory_space<vmem>> -> memref<25xi32, #tpu.memory_space<vmem>>
      %dma_wait3A_193 = arith.constant 0 : i32
      %dma_wait3A_194 = arith.constant 0 : i32
      %dma_wait3A_195 = tpu.memref_slice %arg2[%dma_wait3A_193, %dma_wait3A_194] : memref<10000x128xf32, #tpu.memory_space<hbm>> -> memref<10000x128xf32, #tpu.memory_space<hbm>>
      tpu.wait_indirect_dma semaphore(%arg20 : memref<!tpu.dma_semaphore, #tpu.memory_space<semaphore_mem>>) src(%dma_wait3A_195 : memref<10000x128xf32, #tpu.memory_space<hbm>>) dst(%arg10 : memref<25x128xf32, #tpu.memory_space<vmem>>)
      %dma_wait3A_196 = arith.constant 2 : i32
      %dma_wait3A_197 = arith.constant 0 : i32
      %dma_wait3A_198 = tpu.memref_slice %arg6[%dma_wait3A_196, %dma_wait3A_197] : memref<5x25xi32, #tpu.memory_space<vmem>> -> memref<1x25xi32, #tpu.memory_space<vmem>>
      %dma_wait3A_199 = tpu.memref_squeeze %dma_wait3A_198 : memref<1x25xi32, #tpu.memory_space<vmem>> -> memref<25xi32, #tpu.memory_space<vmem>>
      %dma_wait3A_200 = arith.constant 0 : i32
      %dma_wait3A_201 = arith.constant 0 : i32
      %dma_wait3A_202 = tpu.memref_slice %arg2[%dma_wait3A_200, %dma_wait3A_201] : memref<10000x128xf32, #tpu.memory_space<hbm>> -> memref<10000x128xf32, #tpu.memory_space<hbm>>
      tpu.wait_indirect_dma semaphore(%arg20 : memref<!tpu.dma_semaphore, #tpu.memory_space<semaphore_mem>>) src(%dma_wait3A_202 : memref<10000x128xf32, #tpu.memory_space<hbm>>) dst(%arg11 : memref<25x128xf32, #tpu.memory_space<vmem>>)
      %dma_wait3A_203 = arith.constant 3 : i32
      %dma_wait3A_204 = arith.constant 0 : i32
      %dma_wait3A_205 = tpu.memref_slice %arg6[%dma_wait3A_203, %dma_wait3A_204] : memref<5x25xi32, #tpu.memory_space<vmem>> -> memref<1x25xi32, #tpu.memory_space<vmem>>
      %dma_wait3A_206 = tpu.memref_squeeze %dma_wait3A_205 : memref<1x25xi32, #tpu.memory_space<vmem>> -> memref<25xi32, #tpu.memory_space<vmem>>
      %dma_wait3A_207 = arith.constant 0 : i32
      %dma_wait3A_208 = arith.constant 0 : i32
      %dma_wait3A_209 = tpu.memref_slice %arg2[%dma_wait3A_207, %dma_wait3A_208] : memref<10000x128xf32, #tpu.memory_space<hbm>> -> memref<10000x128xf32, #tpu.memory_space<hbm>>
      tpu.wait_indirect_dma semaphore(%arg20 : memref<!tpu.dma_semaphore, #tpu.memory_space<semaphore_mem>>) src(%dma_wait3A_209 : memref<10000x128xf32, #tpu.memory_space<hbm>>) dst(%arg12 : memref<25x128xf32, #tpu.memory_space<vmem>>)
      %dma_wait3A_210 = arith.constant 4 : i32
      %dma_wait3A_211 = arith.constant 0 : i32
      %dma_wait3A_212 = tpu.memref_slice %arg6[%dma_wait3A_210, %dma_wait3A_211] : memref<5x25xi32, #tpu.memory_space<vmem>> -> memref<1x25xi32, #tpu.memory_space<vmem>>
      %dma_wait3A_213 = tpu.memref_squeeze %dma_wait3A_212 : memref<1x25xi32, #tpu.memory_space<vmem>> -> memref<25xi32, #tpu.memory_space<vmem>>
      %dma_wait3A_214 = arith.constant 0 : i32
      %dma_wait3A_215 = arith.constant 0 : i32
      %dma_wait3A_216 = tpu.memref_slice %arg2[%dma_wait3A_214, %dma_wait3A_215] : memref<10000x128xf32, #tpu.memory_space<hbm>> -> memref<10000x128xf32, #tpu.memory_space<hbm>>
      tpu.wait_indirect_dma semaphore(%arg20 : memref<!tpu.dma_semaphore, #tpu.memory_space<semaphore_mem>>) src(%dma_wait3A_216 : memref<10000x128xf32, #tpu.memory_space<hbm>>) dst(%arg13 : memref<25x128xf32, #tpu.memory_space<vmem>>)
      %add3A_217 = arith.constant 2 : i32
      %add3A_218 = arith.addi %add3A_168, %add3A_217 : i32
      %lt3A = arith.constant 80 : i32
      %lt3A_219 = arith.cmpi slt, %add3A_218, %lt3A : i32
      %convert_element_type3A = arith.extui %lt3A_219 : i1 to i32
      %cond3A = arith.constant 0 : i32
      %cond3A_220 = arith.cmpi ne, %convert_element_type3A, %cond3A : i32
      scf.if %cond3A_220 {
        %add3A_467 = arith.constant 2 : i32
        %add3A_468 = arith.addi %add3A_168, %add3A_467 : i32
        %mul3A_469 = arith.constant 80 : i32
        %mul3A_470 = arith.muli %add3A, %mul3A_469 : i32
        %add3A_471 = arith.addi %mul3A_470, %add3A_468 : i32
        %dma_start3A_472 = arith.constant 0 : i32
        %dma_start3A_473 = arith.constant 0 : i32
        %dma_start3A_474 = tpu.memref_slice %arg3[%add3A_471, %dma_start3A_472, %dma_start3A_473] : memref<2560x5x25xi32, #tpu.memory_space<hbm>> -> memref<1x5x25xi32, #tpu.memory_space<hbm>>
        %dma_start3A_475 = tpu.memref_squeeze %dma_start3A_474 : memref<1x5x25xi32, #tpu.memory_space<hbm>> -> memref<5x25xi32, #tpu.memory_space<hbm>>
        %dma_start3A_476 = arith.constant 0 : i32
        %dma_start3A_477 = arith.constant 0 : i32
        %dma_start3A_478 = tpu.memref_slice %arg3[%add3A_471, %dma_start3A_476, %dma_start3A_477] : memref<2560x5x25xi32, #tpu.memory_space<hbm>> -> memref<1x5x25xi32, #tpu.memory_space<hbm>>
        %dma_start3A_479 = tpu.memref_squeeze %dma_start3A_478 : memref<1x5x25xi32, #tpu.memory_space<hbm>> -> memref<5x25xi32, #tpu.memory_space<hbm>>
        tpu.enqueue_dma source(%dma_start3A_479 : memref<5x25xi32, #tpu.memory_space<hbm>>) target(%arg6 : memref<5x25xi32, #tpu.memory_space<vmem>>) target_semaphore(%arg22 : memref<!tpu.dma_semaphore, #tpu.memory_space<semaphore_mem>>)
      } else {
      }
      %gt3A = arith.constant 0 : i32
      %gt3A_221 = arith.cmpi sgt, %add3A_168, %gt3A : i32
      %convert_element_type3A_222 = arith.extui %gt3A_221 : i1 to i32
      %cond3A_223 = arith.constant 0 : i32
      %cond3A_224 = arith.cmpi ne, %convert_element_type3A_222, %cond3A_223 : i32
      scf.if %cond3A_224 {
        %sub3A = arith.constant 1 : i32
        %sub3A_467 = arith.subi %add3A_168, %sub3A : i32
        %mul3A_468 = arith.constant 5 : i32
        %mul3A_469 = arith.muli %sub3A_467, %mul3A_468 : i32
        %add3A_470 = arith.constant 0 : i32
        %add3A_471 = arith.addi %mul3A_469, %add3A_470 : i32
        %dma_wait3A_472 = arith.constant 0 : i32
        %dma_wait3A_473 = tpu.memref_slice %arg8[%add3A_471, %dma_wait3A_472] : memref<400x25xi32, #tpu.memory_space<vmem>> -> memref<1x25xi32, #tpu.memory_space<vmem>>
        %dma_wait3A_474 = tpu.memref_squeeze %dma_wait3A_473 : memref<1x25xi32, #tpu.memory_space<vmem>> -> memref<25xi32, #tpu.memory_space<vmem>>
        %dma_wait3A_475 = arith.constant 0 : i32
        %dma_wait3A_476 = arith.constant 0 : i32
        %dma_wait3A_477 = tpu.memref_slice %arg19[%dma_wait3A_475, %dma_wait3A_476] : memref<10240x128xf32, #tpu.memory_space<vmem_shared>> -> memref<10240x128xf32, #tpu.memory_space<vmem_shared>>
        tpu.wait_indirect_dma semaphore(%arg21 : memref<!tpu.dma_semaphore, #tpu.memory_space<semaphore_mem>>) src(%arg14 : memref<25x128xf32, #tpu.memory_space<vmem>>) dst(%dma_wait3A_477 : memref<10240x128xf32, #tpu.memory_space<vmem_shared>>)
        %mul3A_478 = arith.constant 5 : i32
        %mul3A_479 = arith.muli %sub3A_467, %mul3A_478 : i32
        %add3A_480 = arith.constant 1 : i32
        %add3A_481 = arith.addi %mul3A_479, %add3A_480 : i32
        %dma_wait3A_482 = arith.constant 0 : i32
        %dma_wait3A_483 = tpu.memref_slice %arg8[%add3A_481, %dma_wait3A_482] : memref<400x25xi32, #tpu.memory_space<vmem>> -> memref<1x25xi32, #tpu.memory_space<vmem>>
        %dma_wait3A_484 = tpu.memref_squeeze %dma_wait3A_483 : memref<1x25xi32, #tpu.memory_space<vmem>> -> memref<25xi32, #tpu.memory_space<vmem>>
        %dma_wait3A_485 = arith.constant 0 : i32
        %dma_wait3A_486 = arith.constant 0 : i32
        %dma_wait3A_487 = tpu.memref_slice %arg19[%dma_wait3A_485, %dma_wait3A_486] : memref<10240x128xf32, #tpu.memory_space<vmem_shared>> -> memref<10240x128xf32, #tpu.memory_space<vmem_shared>>
        tpu.wait_indirect_dma semaphore(%arg21 : memref<!tpu.dma_semaphore, #tpu.memory_space<semaphore_mem>>) src(%arg15 : memref<25x128xf32, #tpu.memory_space<vmem>>) dst(%dma_wait3A_487 : memref<10240x128xf32, #tpu.memory_space<vmem_shared>>)
        %mul3A_488 = arith.constant 5 : i32
        %mul3A_489 = arith.muli %sub3A_467, %mul3A_488 : i32
        %add3A_490 = arith.constant 2 : i32
        %add3A_491 = arith.addi %mul3A_489, %add3A_490 : i32
        %dma_wait3A_492 = arith.constant 0 : i32
        %dma_wait3A_493 = tpu.memref_slice %arg8[%add3A_491, %dma_wait3A_492] : memref<400x25xi32, #tpu.memory_space<vmem>> -> memref<1x25xi32, #tpu.memory_space<vmem>>
        %dma_wait3A_494 = tpu.memref_squeeze %dma_wait3A_493 : memref<1x25xi32, #tpu.memory_space<vmem>> -> memref<25xi32, #tpu.memory_space<vmem>>
        %dma_wait3A_495 = arith.constant 0 : i32
        %dma_wait3A_496 = arith.constant 0 : i32
        %dma_wait3A_497 = tpu.memref_slice %arg19[%dma_wait3A_495, %dma_wait3A_496] : memref<10240x128xf32, #tpu.memory_space<vmem_shared>> -> memref<10240x128xf32, #tpu.memory_space<vmem_shared>>
        tpu.wait_indirect_dma semaphore(%arg21 : memref<!tpu.dma_semaphore, #tpu.memory_space<semaphore_mem>>) src(%arg16 : memref<25x128xf32, #tpu.memory_space<vmem>>) dst(%dma_wait3A_497 : memref<10240x128xf32, #tpu.memory_space<vmem_shared>>)
        %mul3A_498 = arith.constant 5 : i32
        %mul3A_499 = arith.muli %sub3A_467, %mul3A_498 : i32
        %add3A_500 = arith.constant 3 : i32
        %add3A_501 = arith.addi %mul3A_499, %add3A_500 : i32
        %dma_wait3A_502 = arith.constant 0 : i32
        %dma_wait3A_503 = tpu.memref_slice %arg8[%add3A_501, %dma_wait3A_502] : memref<400x25xi32, #tpu.memory_space<vmem>> -> memref<1x25xi32, #tpu.memory_space<vmem>>
        %dma_wait3A_504 = tpu.memref_squeeze %dma_wait3A_503 : memref<1x25xi32, #tpu.memory_space<vmem>> -> memref<25xi32, #tpu.memory_space<vmem>>
        %dma_wait3A_505 = arith.constant 0 : i32
        %dma_wait3A_506 = arith.constant 0 : i32
        %dma_wait3A_507 = tpu.memref_slice %arg19[%dma_wait3A_505, %dma_wait3A_506] : memref<10240x128xf32, #tpu.memory_space<vmem_shared>> -> memref<10240x128xf32, #tpu.memory_space<vmem_shared>>
        tpu.wait_indirect_dma semaphore(%arg21 : memref<!tpu.dma_semaphore, #tpu.memory_space<semaphore_mem>>) src(%arg17 : memref<25x128xf32, #tpu.memory_space<vmem>>) dst(%dma_wait3A_507 : memref<10240x128xf32, #tpu.memory_space<vmem_shared>>)
        %mul3A_508 = arith.constant 5 : i32
        %mul3A_509 = arith.muli %sub3A_467, %mul3A_508 : i32
        %add3A_510 = arith.constant 4 : i32
        %add3A_511 = arith.addi %mul3A_509, %add3A_510 : i32
        %dma_wait3A_512 = arith.constant 0 : i32
        %dma_wait3A_513 = tpu.memref_slice %arg8[%add3A_511, %dma_wait3A_512] : memref<400x25xi32, #tpu.memory_space<vmem>> -> memref<1x25xi32, #tpu.memory_space<vmem>>
        %dma_wait3A_514 = tpu.memref_squeeze %dma_wait3A_513 : memref<1x25xi32, #tpu.memory_space<vmem>> -> memref<25xi32, #tpu.memory_space<vmem>>
        %dma_wait3A_515 = arith.constant 0 : i32
        %dma_wait3A_516 = arith.constant 0 : i32
        %dma_wait3A_517 = tpu.memref_slice %arg19[%dma_wait3A_515, %dma_wait3A_516] : memref<10240x128xf32, #tpu.memory_space<vmem_shared>> -> memref<10240x128xf32, #tpu.memory_space<vmem_shared>>
        tpu.wait_indirect_dma semaphore(%arg21 : memref<!tpu.dma_semaphore, #tpu.memory_space<semaphore_mem>>) src(%arg18 : memref<25x128xf32, #tpu.memory_space<vmem>>) dst(%dma_wait3A_517 : memref<10240x128xf32, #tpu.memory_space<vmem_shared>>)
      } else {
      }
      %add3A_225 = arith.constant 1 : i32
      %add3A_226 = arith.addi %add3A_168, %add3A_225 : i32
      %mul3A_227 = arith.constant 80 : i32
      %mul3A_228 = arith.muli %add3A, %mul3A_227 : i32
      %add3A_229 = arith.addi %mul3A_228, %add3A_226 : i32
      %dma_wait3A_230 = arith.constant 0 : i32
      %dma_wait3A_231 = arith.constant 0 : i32
      %dma_wait3A_232 = tpu.memref_slice %arg3[%add3A_229, %dma_wait3A_230, %dma_wait3A_231] : memref<2560x5x25xi32, #tpu.memory_space<hbm>> -> memref<1x5x25xi32, #tpu.memory_space<hbm>>
      %dma_wait3A_233 = tpu.memref_squeeze %dma_wait3A_232 : memref<1x5x25xi32, #tpu.memory_space<hbm>> -> memref<5x25xi32, #tpu.memory_space<hbm>>
      %dma_wait3A_234 = arith.constant 0 : i32
      %dma_wait3A_235 = arith.constant 0 : i32
      %dma_wait3A_236 = tpu.memref_slice %arg3[%add3A_229, %dma_wait3A_234, %dma_wait3A_235] : memref<2560x5x25xi32, #tpu.memory_space<hbm>> -> memref<1x5x25xi32, #tpu.memory_space<hbm>>
      %dma_wait3A_237 = tpu.memref_squeeze %dma_wait3A_236 : memref<1x5x25xi32, #tpu.memory_space<hbm>> -> memref<5x25xi32, #tpu.memory_space<hbm>>
      tpu.wait_dma2 semaphore(%arg23 : memref<!tpu.dma_semaphore, #tpu.memory_space<semaphore_mem>>) src(%dma_wait3A_237 : memref<5x25xi32, #tpu.memory_space<hbm>>) dst(%arg7 : memref<5x25xi32, #tpu.memory_space<vmem>>)
      %dma_start3A_238 = arith.constant 0 : i32
      %dma_start3A_239 = arith.constant 0 : i32
      %dma_start3A_240 = tpu.memref_slice %arg7[%dma_start3A_238, %dma_start3A_239] : memref<5x25xi32, #tpu.memory_space<vmem>> -> memref<1x25xi32, #tpu.memory_space<vmem>>
      %dma_start3A_241 = tpu.memref_squeeze %dma_start3A_240 : memref<1x25xi32, #tpu.memory_space<vmem>> -> memref<25xi32, #tpu.memory_space<vmem>>
      %dma_start3A_242 = arith.constant 0 : i32
      %dma_start3A_243 = arith.constant 0 : i32
      %dma_start3A_244 = tpu.memref_slice %arg2[%dma_start3A_242, %dma_start3A_243] : memref<10000x128xf32, #tpu.memory_space<hbm>> -> memref<10000x128xf32, #tpu.memory_space<hbm>>
      tpu.enqueue_indirect_dma source(%dma_start3A_244 : memref<10000x128xf32, #tpu.memory_space<hbm>>) target(%arg14 : memref<25x128xf32, #tpu.memory_space<vmem>>) offsets(%dma_start3A_241 : memref<25xi32, #tpu.memory_space<vmem>>) semaphore(%arg20 : memref<!tpu.dma_semaphore, #tpu.memory_space<semaphore_mem>>)
      %dma_start3A_245 = arith.constant 1 : i32
      %dma_start3A_246 = arith.constant 0 : i32
      %dma_start3A_247 = tpu.memref_slice %arg7[%dma_start3A_245, %dma_start3A_246] : memref<5x25xi32, #tpu.memory_space<vmem>> -> memref<1x25xi32, #tpu.memory_space<vmem>>
      %dma_start3A_248 = tpu.memref_squeeze %dma_start3A_247 : memref<1x25xi32, #tpu.memory_space<vmem>> -> memref<25xi32, #tpu.memory_space<vmem>>
      %dma_start3A_249 = arith.constant 0 : i32
      %dma_start3A_250 = arith.constant 0 : i32
      %dma_start3A_251 = tpu.memref_slice %arg2[%dma_start3A_249, %dma_start3A_250] : memref<10000x128xf32, #tpu.memory_space<hbm>> -> memref<10000x128xf32, #tpu.memory_space<hbm>>
      tpu.enqueue_indirect_dma source(%dma_start3A_251 : memref<10000x128xf32, #tpu.memory_space<hbm>>) target(%arg15 : memref<25x128xf32, #tpu.memory_space<vmem>>) offsets(%dma_start3A_248 : memref<25xi32, #tpu.memory_space<vmem>>) semaphore(%arg20 : memref<!tpu.dma_semaphore, #tpu.memory_space<semaphore_mem>>)
      %dma_start3A_252 = arith.constant 2 : i32
      %dma_start3A_253 = arith.constant 0 : i32
      %dma_start3A_254 = tpu.memref_slice %arg7[%dma_start3A_252, %dma_start3A_253] : memref<5x25xi32, #tpu.memory_space<vmem>> -> memref<1x25xi32, #tpu.memory_space<vmem>>
      %dma_start3A_255 = tpu.memref_squeeze %dma_start3A_254 : memref<1x25xi32, #tpu.memory_space<vmem>> -> memref<25xi32, #tpu.memory_space<vmem>>
      %dma_start3A_256 = arith.constant 0 : i32
      %dma_start3A_257 = arith.constant 0 : i32
      %dma_start3A_258 = tpu.memref_slice %arg2[%dma_start3A_256, %dma_start3A_257] : memref<10000x128xf32, #tpu.memory_space<hbm>> -> memref<10000x128xf32, #tpu.memory_space<hbm>>
      tpu.enqueue_indirect_dma source(%dma_start3A_258 : memref<10000x128xf32, #tpu.memory_space<hbm>>) target(%arg16 : memref<25x128xf32, #tpu.memory_space<vmem>>) offsets(%dma_start3A_255 : memref<25xi32, #tpu.memory_space<vmem>>) semaphore(%arg20 : memref<!tpu.dma_semaphore, #tpu.memory_space<semaphore_mem>>)
      %dma_start3A_259 = arith.constant 3 : i32
      %dma_start3A_260 = arith.constant 0 : i32
      %dma_start3A_261 = tpu.memref_slice %arg7[%dma_start3A_259, %dma_start3A_260] : memref<5x25xi32, #tpu.memory_space<vmem>> -> memref<1x25xi32, #tpu.memory_space<vmem>>
      %dma_start3A_262 = tpu.memref_squeeze %dma_start3A_261 : memref<1x25xi32, #tpu.memory_space<vmem>> -> memref<25xi32, #tpu.memory_space<vmem>>
      %dma_start3A_263 = arith.constant 0 : i32
      %dma_start3A_264 = arith.constant 0 : i32
      %dma_start3A_265 = tpu.memref_slice %arg2[%dma_start3A_263, %dma_start3A_264] : memref<10000x128xf32, #tpu.memory_space<hbm>> -> memref<10000x128xf32, #tpu.memory_space<hbm>>
      tpu.enqueue_indirect_dma source(%dma_start3A_265 : memref<10000x128xf32, #tpu.memory_space<hbm>>) target(%arg17 : memref<25x128xf32, #tpu.memory_space<vmem>>) offsets(%dma_start3A_262 : memref<25xi32, #tpu.memory_space<vmem>>) semaphore(%arg20 : memref<!tpu.dma_semaphore, #tpu.memory_space<semaphore_mem>>)
      %dma_start3A_266 = arith.constant 4 : i32
      %dma_start3A_267 = arith.constant 0 : i32
      %dma_start3A_268 = tpu.memref_slice %arg7[%dma_start3A_266, %dma_start3A_267] : memref<5x25xi32, #tpu.memory_space<vmem>> -> memref<1x25xi32, #tpu.memory_space<vmem>>
      %dma_start3A_269 = tpu.memref_squeeze %dma_start3A_268 : memref<1x25xi32, #tpu.memory_space<vmem>> -> memref<25xi32, #tpu.memory_space<vmem>>
      %dma_start3A_270 = arith.constant 0 : i32
      %dma_start3A_271 = arith.constant 0 : i32
      %dma_start3A_272 = tpu.memref_slice %arg2[%dma_start3A_270, %dma_start3A_271] : memref<10000x128xf32, #tpu.memory_space<hbm>> -> memref<10000x128xf32, #tpu.memory_space<hbm>>
      tpu.enqueue_indirect_dma source(%dma_start3A_272 : memref<10000x128xf32, #tpu.memory_space<hbm>>) target(%arg18 : memref<25x128xf32, #tpu.memory_space<vmem>>) offsets(%dma_start3A_269 : memref<25xi32, #tpu.memory_space<vmem>>) semaphore(%arg20 : memref<!tpu.dma_semaphore, #tpu.memory_space<semaphore_mem>>)
      %mul3A_273 = arith.constant 5 : i32
      %mul3A_274 = arith.muli %add3A_168, %mul3A_273 : i32
      %add3A_275 = arith.constant 0 : i32
      %add3A_276 = arith.addi %mul3A_274, %add3A_275 : i32
      %dma_start3A_277 = arith.constant 0 : i32
      %dma_start3A_278 = tpu.memref_slice %arg8[%add3A_276, %dma_start3A_277] : memref<400x25xi32, #tpu.memory_space<vmem>> -> memref<1x25xi32, #tpu.memory_space<vmem>>
      %dma_start3A_279 = tpu.memref_squeeze %dma_start3A_278 : memref<1x25xi32, #tpu.memory_space<vmem>> -> memref<25xi32, #tpu.memory_space<vmem>>
      %dma_start3A_280 = arith.constant 0 : i32
      %dma_start3A_281 = arith.constant 0 : i32
      %dma_start3A_282 = tpu.memref_slice %arg19[%dma_start3A_280, %dma_start3A_281] : memref<10240x128xf32, #tpu.memory_space<vmem_shared>> -> memref<10240x128xf32, #tpu.memory_space<vmem_shared>>
      tpu.enqueue_indirect_dma source(%arg9 : memref<25x128xf32, #tpu.memory_space<vmem>>) target(%dma_start3A_282 : memref<10240x128xf32, #tpu.memory_space<vmem_shared>>) offsets(%dma_start3A_279 : memref<25xi32, #tpu.memory_space<vmem>>) semaphore(%arg21 : memref<!tpu.dma_semaphore, #tpu.memory_space<semaphore_mem>>) {add = true}
      %mul3A_283 = arith.constant 5 : i32
      %mul3A_284 = arith.muli %add3A_168, %mul3A_283 : i32
      %add3A_285 = arith.constant 1 : i32
      %add3A_286 = arith.addi %mul3A_284, %add3A_285 : i32
      %dma_start3A_287 = arith.constant 0 : i32
      %dma_start3A_288 = tpu.memref_slice %arg8[%add3A_286, %dma_start3A_287] : memref<400x25xi32, #tpu.memory_space<vmem>> -> memref<1x25xi32, #tpu.memory_space<vmem>>
      %dma_start3A_289 = tpu.memref_squeeze %dma_start3A_288 : memref<1x25xi32, #tpu.memory_space<vmem>> -> memref<25xi32, #tpu.memory_space<vmem>>
      %dma_start3A_290 = arith.constant 0 : i32
      %dma_start3A_291 = arith.constant 0 : i32
      %dma_start3A_292 = tpu.memref_slice %arg19[%dma_start3A_290, %dma_start3A_291] : memref<10240x128xf32, #tpu.memory_space<vmem_shared>> -> memref<10240x128xf32, #tpu.memory_space<vmem_shared>>
      tpu.enqueue_indirect_dma source(%arg10 : memref<25x128xf32, #tpu.memory_space<vmem>>) target(%dma_start3A_292 : memref<10240x128xf32, #tpu.memory_space<vmem_shared>>) offsets(%dma_start3A_289 : memref<25xi32, #tpu.memory_space<vmem>>) semaphore(%arg21 : memref<!tpu.dma_semaphore, #tpu.memory_space<semaphore_mem>>) {add = true}
      %mul3A_293 = arith.constant 5 : i32
      %mul3A_294 = arith.muli %add3A_168, %mul3A_293 : i32
      %add3A_295 = arith.constant 2 : i32
      %add3A_296 = arith.addi %mul3A_294, %add3A_295 : i32
      %dma_start3A_297 = arith.constant 0 : i32
      %dma_start3A_298 = tpu.memref_slice %arg8[%add3A_296, %dma_start3A_297] : memref<400x25xi32, #tpu.memory_space<vmem>> -> memref<1x25xi32, #tpu.memory_space<vmem>>
      %dma_start3A_299 = tpu.memref_squeeze %dma_start3A_298 : memref<1x25xi32, #tpu.memory_space<vmem>> -> memref<25xi32, #tpu.memory_space<vmem>>
      %dma_start3A_300 = arith.constant 0 : i32
      %dma_start3A_301 = arith.constant 0 : i32
      %dma_start3A_302 = tpu.memref_slice %arg19[%dma_start3A_300, %dma_start3A_301] : memref<10240x128xf32, #tpu.memory_space<vmem_shared>> -> memref<10240x128xf32, #tpu.memory_space<vmem_shared>>
      tpu.enqueue_indirect_dma source(%arg11 : memref<25x128xf32, #tpu.memory_space<vmem>>) target(%dma_start3A_302 : memref<10240x128xf32, #tpu.memory_space<vmem_shared>>) offsets(%dma_start3A_299 : memref<25xi32, #tpu.memory_space<vmem>>) semaphore(%arg21 : memref<!tpu.dma_semaphore, #tpu.memory_space<semaphore_mem>>) {add = true}
      %mul3A_303 = arith.constant 5 : i32
      %mul3A_304 = arith.muli %add3A_168, %mul3A_303 : i32
      %add3A_305 = arith.constant 3 : i32
      %add3A_306 = arith.addi %mul3A_304, %add3A_305 : i32
      %dma_start3A_307 = arith.constant 0 : i32
      %dma_start3A_308 = tpu.memref_slice %arg8[%add3A_306, %dma_start3A_307] : memref<400x25xi32, #tpu.memory_space<vmem>> -> memref<1x25xi32, #tpu.memory_space<vmem>>
      %dma_start3A_309 = tpu.memref_squeeze %dma_start3A_308 : memref<1x25xi32, #tpu.memory_space<vmem>> -> memref<25xi32, #tpu.memory_space<vmem>>
      %dma_start3A_310 = arith.constant 0 : i32
      %dma_start3A_311 = arith.constant 0 : i32
      %dma_start3A_312 = tpu.memref_slice %arg19[%dma_start3A_310, %dma_start3A_311] : memref<10240x128xf32, #tpu.memory_space<vmem_shared>> -> memref<10240x128xf32, #tpu.memory_space<vmem_shared>>
      tpu.enqueue_indirect_dma source(%arg12 : memref<25x128xf32, #tpu.memory_space<vmem>>) target(%dma_start3A_312 : memref<10240x128xf32, #tpu.memory_space<vmem_shared>>) offsets(%dma_start3A_309 : memref<25xi32, #tpu.memory_space<vmem>>) semaphore(%arg21 : memref<!tpu.dma_semaphore, #tpu.memory_space<semaphore_mem>>) {add = true}
      %mul3A_313 = arith.constant 5 : i32
      %mul3A_314 = arith.muli %add3A_168, %mul3A_313 : i32
      %add3A_315 = arith.constant 4 : i32
      %add3A_316 = arith.addi %mul3A_314, %add3A_315 : i32
      %dma_start3A_317 = arith.constant 0 : i32
      %dma_start3A_318 = tpu.memref_slice %arg8[%add3A_316, %dma_start3A_317] : memref<400x25xi32, #tpu.memory_space<vmem>> -> memref<1x25xi32, #tpu.memory_space<vmem>>
      %dma_start3A_319 = tpu.memref_squeeze %dma_start3A_318 : memref<1x25xi32, #tpu.memory_space<vmem>> -> memref<25xi32, #tpu.memory_space<vmem>>
      %dma_start3A_320 = arith.constant 0 : i32
      %dma_start3A_321 = arith.constant 0 : i32
      %dma_start3A_322 = tpu.memref_slice %arg19[%dma_start3A_320, %dma_start3A_321] : memref<10240x128xf32, #tpu.memory_space<vmem_shared>> -> memref<10240x128xf32, #tpu.memory_space<vmem_shared>>
      tpu.enqueue_indirect_dma source(%arg13 : memref<25x128xf32, #tpu.memory_space<vmem>>) target(%dma_start3A_322 : memref<10240x128xf32, #tpu.memory_space<vmem_shared>>) offsets(%dma_start3A_319 : memref<25xi32, #tpu.memory_space<vmem>>) semaphore(%arg21 : memref<!tpu.dma_semaphore, #tpu.memory_space<semaphore_mem>>) {add = true}
      %dma_wait3A_323 = arith.constant 0 : i32
      %dma_wait3A_324 = arith.constant 0 : i32
      %dma_wait3A_325 = tpu.memref_slice %arg7[%dma_wait3A_323, %dma_wait3A_324] : memref<5x25xi32, #tpu.memory_space<vmem>> -> memref<1x25xi32, #tpu.memory_space<vmem>>
      %dma_wait3A_326 = tpu.memref_squeeze %dma_wait3A_325 : memref<1x25xi32, #tpu.memory_space<vmem>> -> memref<25xi32, #tpu.memory_space<vmem>>
      %dma_wait3A_327 = arith.constant 0 : i32
      %dma_wait3A_328 = arith.constant 0 : i32
      %dma_wait3A_329 = tpu.memref_slice %arg2[%dma_wait3A_327, %dma_wait3A_328] : memref<10000x128xf32, #tpu.memory_space<hbm>> -> memref<10000x128xf32, #tpu.memory_space<hbm>>
      tpu.wait_indirect_dma semaphore(%arg20 : memref<!tpu.dma_semaphore, #tpu.memory_space<semaphore_mem>>) src(%dma_wait3A_329 : memref<10000x128xf32, #tpu.memory_space<hbm>>) dst(%arg14 : memref<25x128xf32, #tpu.memory_space<vmem>>)
      %dma_wait3A_330 = arith.constant 1 : i32
      %dma_wait3A_331 = arith.constant 0 : i32
      %dma_wait3A_332 = tpu.memref_slice %arg7[%dma_wait3A_330, %dma_wait3A_331] : memref<5x25xi32, #tpu.memory_space<vmem>> -> memref<1x25xi32, #tpu.memory_space<vmem>>
      %dma_wait3A_333 = tpu.memref_squeeze %dma_wait3A_332 : memref<1x25xi32, #tpu.memory_space<vmem>> -> memref<25xi32, #tpu.memory_space<vmem>>
      %dma_wait3A_334 = arith.constant 0 : i32
      %dma_wait3A_335 = arith.constant 0 : i32
      %dma_wait3A_336 = tpu.memref_slice %arg2[%dma_wait3A_334, %dma_wait3A_335] : memref<10000x128xf32, #tpu.memory_space<hbm>> -> memref<10000x128xf32, #tpu.memory_space<hbm>>
      tpu.wait_indirect_dma semaphore(%arg20 : memref<!tpu.dma_semaphore, #tpu.memory_space<semaphore_mem>>) src(%dma_wait3A_336 : memref<10000x128xf32, #tpu.memory_space<hbm>>) dst(%arg15 : memref<25x128xf32, #tpu.memory_space<vmem>>)
      %dma_wait3A_337 = arith.constant 2 : i32
      %dma_wait3A_338 = arith.constant 0 : i32
      %dma_wait3A_339 = tpu.memref_slice %arg7[%dma_wait3A_337, %dma_wait3A_338] : memref<5x25xi32, #tpu.memory_space<vmem>> -> memref<1x25xi32, #tpu.memory_space<vmem>>
      %dma_wait3A_340 = tpu.memref_squeeze %dma_wait3A_339 : memref<1x25xi32, #tpu.memory_space<vmem>> -> memref<25xi32, #tpu.memory_space<vmem>>
      %dma_wait3A_341 = arith.constant 0 : i32
      %dma_wait3A_342 = arith.constant 0 : i32
      %dma_wait3A_343 = tpu.memref_slice %arg2[%dma_wait3A_341, %dma_wait3A_342] : memref<10000x128xf32, #tpu.memory_space<hbm>> -> memref<10000x128xf32, #tpu.memory_space<hbm>>
      tpu.wait_indirect_dma semaphore(%arg20 : memref<!tpu.dma_semaphore, #tpu.memory_space<semaphore_mem>>) src(%dma_wait3A_343 : memref<10000x128xf32, #tpu.memory_space<hbm>>) dst(%arg16 : memref<25x128xf32, #tpu.memory_space<vmem>>)
      %dma_wait3A_344 = arith.constant 3 : i32
      %dma_wait3A_345 = arith.constant 0 : i32
      %dma_wait3A_346 = tpu.memref_slice %arg7[%dma_wait3A_344, %dma_wait3A_345] : memref<5x25xi32, #tpu.memory_space<vmem>> -> memref<1x25xi32, #tpu.memory_space<vmem>>
      %dma_wait3A_347 = tpu.memref_squeeze %dma_wait3A_346 : memref<1x25xi32, #tpu.memory_space<vmem>> -> memref<25xi32, #tpu.memory_space<vmem>>
      %dma_wait3A_348 = arith.constant 0 : i32
      %dma_wait3A_349 = arith.constant 0 : i32
      %dma_wait3A_350 = tpu.memref_slice %arg2[%dma_wait3A_348, %dma_wait3A_349] : memref<10000x128xf32, #tpu.memory_space<hbm>> -> memref<10000x128xf32, #tpu.memory_space<hbm>>
      tpu.wait_indirect_dma semaphore(%arg20 : memref<!tpu.dma_semaphore, #tpu.memory_space<semaphore_mem>>) src(%dma_wait3A_350 : memref<10000x128xf32, #tpu.memory_space<hbm>>) dst(%arg17 : memref<25x128xf32, #tpu.memory_space<vmem>>)
      %dma_wait3A_351 = arith.constant 4 : i32
      %dma_wait3A_352 = arith.constant 0 : i32
      %dma_wait3A_353 = tpu.memref_slice %arg7[%dma_wait3A_351, %dma_wait3A_352] : memref<5x25xi32, #tpu.memory_space<vmem>> -> memref<1x25xi32, #tpu.memory_space<vmem>>
      %dma_wait3A_354 = tpu.memref_squeeze %dma_wait3A_353 : memref<1x25xi32, #tpu.memory_space<vmem>> -> memref<25xi32, #tpu.memory_space<vmem>>
      %dma_wait3A_355 = arith.constant 0 : i32
      %dma_wait3A_356 = arith.constant 0 : i32
      %dma_wait3A_357 = tpu.memref_slice %arg2[%dma_wait3A_355, %dma_wait3A_356] : memref<10000x128xf32, #tpu.memory_space<hbm>> -> memref<10000x128xf32, #tpu.memory_space<hbm>>
      tpu.wait_indirect_dma semaphore(%arg20 : memref<!tpu.dma_semaphore, #tpu.memory_space<semaphore_mem>>) src(%dma_wait3A_357 : memref<10000x128xf32, #tpu.memory_space<hbm>>) dst(%arg18 : memref<25x128xf32, #tpu.memory_space<vmem>>)
      %mul3A_358 = arith.constant 5 : i32
      %mul3A_359 = arith.muli %add3A_168, %mul3A_358 : i32
      %add3A_360 = arith.constant 0 : i32
      %add3A_361 = arith.addi %mul3A_359, %add3A_360 : i32
      %dma_wait3A_362 = arith.constant 0 : i32
      %dma_wait3A_363 = tpu.memref_slice %arg8[%add3A_361, %dma_wait3A_362] : memref<400x25xi32, #tpu.memory_space<vmem>> -> memref<1x25xi32, #tpu.memory_space<vmem>>
      %dma_wait3A_364 = tpu.memref_squeeze %dma_wait3A_363 : memref<1x25xi32, #tpu.memory_space<vmem>> -> memref<25xi32, #tpu.memory_space<vmem>>
      %dma_wait3A_365 = arith.constant 0 : i32
      %dma_wait3A_366 = arith.constant 0 : i32
      %dma_wait3A_367 = tpu.memref_slice %arg19[%dma_wait3A_365, %dma_wait3A_366] : memref<10240x128xf32, #tpu.memory_space<vmem_shared>> -> memref<10240x128xf32, #tpu.memory_space<vmem_shared>>
      tpu.wait_indirect_dma semaphore(%arg21 : memref<!tpu.dma_semaphore, #tpu.memory_space<semaphore_mem>>) src(%arg9 : memref<25x128xf32, #tpu.memory_space<vmem>>) dst(%dma_wait3A_367 : memref<10240x128xf32, #tpu.memory_space<vmem_shared>>)
      %mul3A_368 = arith.constant 5 : i32
      %mul3A_369 = arith.muli %add3A_168, %mul3A_368 : i32
      %add3A_370 = arith.constant 1 : i32
      %add3A_371 = arith.addi %mul3A_369, %add3A_370 : i32
      %dma_wait3A_372 = arith.constant 0 : i32
      %dma_wait3A_373 = tpu.memref_slice %arg8[%add3A_371, %dma_wait3A_372] : memref<400x25xi32, #tpu.memory_space<vmem>> -> memref<1x25xi32, #tpu.memory_space<vmem>>
      %dma_wait3A_374 = tpu.memref_squeeze %dma_wait3A_373 : memref<1x25xi32, #tpu.memory_space<vmem>> -> memref<25xi32, #tpu.memory_space<vmem>>
      %dma_wait3A_375 = arith.constant 0 : i32
      %dma_wait3A_376 = arith.constant 0 : i32
      %dma_wait3A_377 = tpu.memref_slice %arg19[%dma_wait3A_375, %dma_wait3A_376] : memref<10240x128xf32, #tpu.memory_space<vmem_shared>> -> memref<10240x128xf32, #tpu.memory_space<vmem_shared>>
      tpu.wait_indirect_dma semaphore(%arg21 : memref<!tpu.dma_semaphore, #tpu.memory_space<semaphore_mem>>) src(%arg10 : memref<25x128xf32, #tpu.memory_space<vmem>>) dst(%dma_wait3A_377 : memref<10240x128xf32, #tpu.memory_space<vmem_shared>>)
      %mul3A_378 = arith.constant 5 : i32
      %mul3A_379 = arith.muli %add3A_168, %mul3A_378 : i32
      %add3A_380 = arith.constant 2 : i32
      %add3A_381 = arith.addi %mul3A_379, %add3A_380 : i32
      %dma_wait3A_382 = arith.constant 0 : i32
      %dma_wait3A_383 = tpu.memref_slice %arg8[%add3A_381, %dma_wait3A_382] : memref<400x25xi32, #tpu.memory_space<vmem>> -> memref<1x25xi32, #tpu.memory_space<vmem>>
      %dma_wait3A_384 = tpu.memref_squeeze %dma_wait3A_383 : memref<1x25xi32, #tpu.memory_space<vmem>> -> memref<25xi32, #tpu.memory_space<vmem>>
      %dma_wait3A_385 = arith.constant 0 : i32
      %dma_wait3A_386 = arith.constant 0 : i32
      %dma_wait3A_387 = tpu.memref_slice %arg19[%dma_wait3A_385, %dma_wait3A_386] : memref<10240x128xf32, #tpu.memory_space<vmem_shared>> -> memref<10240x128xf32, #tpu.memory_space<vmem_shared>>
      tpu.wait_indirect_dma semaphore(%arg21 : memref<!tpu.dma_semaphore, #tpu.memory_space<semaphore_mem>>) src(%arg11 : memref<25x128xf32, #tpu.memory_space<vmem>>) dst(%dma_wait3A_387 : memref<10240x128xf32, #tpu.memory_space<vmem_shared>>)
      %mul3A_388 = arith.constant 5 : i32
      %mul3A_389 = arith.muli %add3A_168, %mul3A_388 : i32
      %add3A_390 = arith.constant 3 : i32
      %add3A_391 = arith.addi %mul3A_389, %add3A_390 : i32
      %dma_wait3A_392 = arith.constant 0 : i32
      %dma_wait3A_393 = tpu.memref_slice %arg8[%add3A_391, %dma_wait3A_392] : memref<400x25xi32, #tpu.memory_space<vmem>> -> memref<1x25xi32, #tpu.memory_space<vmem>>
      %dma_wait3A_394 = tpu.memref_squeeze %dma_wait3A_393 : memref<1x25xi32, #tpu.memory_space<vmem>> -> memref<25xi32, #tpu.memory_space<vmem>>
      %dma_wait3A_395 = arith.constant 0 : i32
      %dma_wait3A_396 = arith.constant 0 : i32
      %dma_wait3A_397 = tpu.memref_slice %arg19[%dma_wait3A_395, %dma_wait3A_396] : memref<10240x128xf32, #tpu.memory_space<vmem_shared>> -> memref<10240x128xf32, #tpu.memory_space<vmem_shared>>
      tpu.wait_indirect_dma semaphore(%arg21 : memref<!tpu.dma_semaphore, #tpu.memory_space<semaphore_mem>>) src(%arg12 : memref<25x128xf32, #tpu.memory_space<vmem>>) dst(%dma_wait3A_397 : memref<10240x128xf32, #tpu.memory_space<vmem_shared>>)
      %mul3A_398 = arith.constant 5 : i32
      %mul3A_399 = arith.muli %add3A_168, %mul3A_398 : i32
      %add3A_400 = arith.constant 4 : i32
      %add3A_401 = arith.addi %mul3A_399, %add3A_400 : i32
      %dma_wait3A_402 = arith.constant 0 : i32
      %dma_wait3A_403 = tpu.memref_slice %arg8[%add3A_401, %dma_wait3A_402] : memref<400x25xi32, #tpu.memory_space<vmem>> -> memref<1x25xi32, #tpu.memory_space<vmem>>
      %dma_wait3A_404 = tpu.memref_squeeze %dma_wait3A_403 : memref<1x25xi32, #tpu.memory_space<vmem>> -> memref<25xi32, #tpu.memory_space<vmem>>
      %dma_wait3A_405 = arith.constant 0 : i32
      %dma_wait3A_406 = arith.constant 0 : i32
      %dma_wait3A_407 = tpu.memref_slice %arg19[%dma_wait3A_405, %dma_wait3A_406] : memref<10240x128xf32, #tpu.memory_space<vmem_shared>> -> memref<10240x128xf32, #tpu.memory_space<vmem_shared>>
      tpu.wait_indirect_dma semaphore(%arg21 : memref<!tpu.dma_semaphore, #tpu.memory_space<semaphore_mem>>) src(%arg13 : memref<25x128xf32, #tpu.memory_space<vmem>>) dst(%dma_wait3A_407 : memref<10240x128xf32, #tpu.memory_space<vmem_shared>>)
      %add3A_408 = arith.constant 2 : i32
      %add3A_409 = arith.addi %add3A_168, %add3A_408 : i32
      %lt3A_410 = arith.constant 80 : i32
      %lt3A_411 = arith.cmpi slt, %add3A_409, %lt3A_410 : i32
      %convert_element_type3A_412 = arith.extui %lt3A_411 : i1 to i32
      %cond3A_413 = arith.constant 0 : i32
      %cond3A_414 = arith.cmpi ne, %convert_element_type3A_412, %cond3A_413 : i32
      scf.if %cond3A_414 {
        %add3A_467 = arith.constant 2 : i32
        %add3A_468 = arith.addi %add3A_168, %add3A_467 : i32
        %mul3A_469 = arith.constant 80 : i32
        %mul3A_470 = arith.muli %add3A, %mul3A_469 : i32
        %add3A_471 = arith.addi %mul3A_470, %add3A_468 : i32
        %dma_wait3A_472 = arith.constant 0 : i32
        %dma_wait3A_473 = arith.constant 0 : i32
        %dma_wait3A_474 = tpu.memref_slice %arg3[%add3A_471, %dma_wait3A_472, %dma_wait3A_473] : memref<2560x5x25xi32, #tpu.memory_space<hbm>> -> memref<1x5x25xi32, #tpu.memory_space<hbm>>
        %dma_wait3A_475 = tpu.memref_squeeze %dma_wait3A_474 : memref<1x5x25xi32, #tpu.memory_space<hbm>> -> memref<5x25xi32, #tpu.memory_space<hbm>>
        %dma_wait3A_476 = arith.constant 0 : i32
        %dma_wait3A_477 = arith.constant 0 : i32
        %dma_wait3A_478 = tpu.memref_slice %arg3[%add3A_471, %dma_wait3A_476, %dma_wait3A_477] : memref<2560x5x25xi32, #tpu.memory_space<hbm>> -> memref<1x5x25xi32, #tpu.memory_space<hbm>>
        %dma_wait3A_479 = tpu.memref_squeeze %dma_wait3A_478 : memref<1x5x25xi32, #tpu.memory_space<hbm>> -> memref<5x25xi32, #tpu.memory_space<hbm>>
        tpu.wait_dma2 semaphore(%arg22 : memref<!tpu.dma_semaphore, #tpu.memory_space<semaphore_mem>>) src(%dma_wait3A_479 : memref<5x25xi32, #tpu.memory_space<hbm>>) dst(%arg6 : memref<5x25xi32, #tpu.memory_space<vmem>>)
        %dma_start3A_480 = arith.constant 0 : i32
        %dma_start3A_481 = arith.constant 0 : i32
        %dma_start3A_482 = tpu.memref_slice %arg6[%dma_start3A_480, %dma_start3A_481] : memref<5x25xi32, #tpu.memory_space<vmem>> -> memref<1x25xi32, #tpu.memory_space<vmem>>
        %dma_start3A_483 = tpu.memref_squeeze %dma_start3A_482 : memref<1x25xi32, #tpu.memory_space<vmem>> -> memref<25xi32, #tpu.memory_space<vmem>>
        %dma_start3A_484 = arith.constant 0 : i32
        %dma_start3A_485 = arith.constant 0 : i32
        %dma_start3A_486 = tpu.memref_slice %arg2[%dma_start3A_484, %dma_start3A_485] : memref<10000x128xf32, #tpu.memory_space<hbm>> -> memref<10000x128xf32, #tpu.memory_space<hbm>>
        tpu.enqueue_indirect_dma source(%dma_start3A_486 : memref<10000x128xf32, #tpu.memory_space<hbm>>) target(%arg9 : memref<25x128xf32, #tpu.memory_space<vmem>>) offsets(%dma_start3A_483 : memref<25xi32, #tpu.memory_space<vmem>>) semaphore(%arg20 : memref<!tpu.dma_semaphore, #tpu.memory_space<semaphore_mem>>)
        %dma_start3A_487 = arith.constant 1 : i32
        %dma_start3A_488 = arith.constant 0 : i32
        %dma_start3A_489 = tpu.memref_slice %arg6[%dma_start3A_487, %dma_start3A_488] : memref<5x25xi32, #tpu.memory_space<vmem>> -> memref<1x25xi32, #tpu.memory_space<vmem>>
        %dma_start3A_490 = tpu.memref_squeeze %dma_start3A_489 : memref<1x25xi32, #tpu.memory_space<vmem>> -> memref<25xi32, #tpu.memory_space<vmem>>
        %dma_start3A_491 = arith.constant 0 : i32
        %dma_start3A_492 = arith.constant 0 : i32
        %dma_start3A_493 = tpu.memref_slice %arg2[%dma_start3A_491, %dma_start3A_492] : memref<10000x128xf32, #tpu.memory_space<hbm>> -> memref<10000x128xf32, #tpu.memory_space<hbm>>
        tpu.enqueue_indirect_dma source(%dma_start3A_493 : memref<10000x128xf32, #tpu.memory_space<hbm>>) target(%arg10 : memref<25x128xf32, #tpu.memory_space<vmem>>) offsets(%dma_start3A_490 : memref<25xi32, #tpu.memory_space<vmem>>) semaphore(%arg20 : memref<!tpu.dma_semaphore, #tpu.memory_space<semaphore_mem>>)
        %dma_start3A_494 = arith.constant 2 : i32
        %dma_start3A_495 = arith.constant 0 : i32
        %dma_start3A_496 = tpu.memref_slice %arg6[%dma_start3A_494, %dma_start3A_495] : memref<5x25xi32, #tpu.memory_space<vmem>> -> memref<1x25xi32, #tpu.memory_space<vmem>>
        %dma_start3A_497 = tpu.memref_squeeze %dma_start3A_496 : memref<1x25xi32, #tpu.memory_space<vmem>> -> memref<25xi32, #tpu.memory_space<vmem>>
        %dma_start3A_498 = arith.constant 0 : i32
        %dma_start3A_499 = arith.constant 0 : i32
        %dma_start3A_500 = tpu.memref_slice %arg2[%dma_start3A_498, %dma_start3A_499] : memref<10000x128xf32, #tpu.memory_space<hbm>> -> memref<10000x128xf32, #tpu.memory_space<hbm>>
        tpu.enqueue_indirect_dma source(%dma_start3A_500 : memref<10000x128xf32, #tpu.memory_space<hbm>>) target(%arg11 : memref<25x128xf32, #tpu.memory_space<vmem>>) offsets(%dma_start3A_497 : memref<25xi32, #tpu.memory_space<vmem>>) semaphore(%arg20 : memref<!tpu.dma_semaphore, #tpu.memory_space<semaphore_mem>>)
        %dma_start3A_501 = arith.constant 3 : i32
        %dma_start3A_502 = arith.constant 0 : i32
        %dma_start3A_503 = tpu.memref_slice %arg6[%dma_start3A_501, %dma_start3A_502] : memref<5x25xi32, #tpu.memory_space<vmem>> -> memref<1x25xi32, #tpu.memory_space<vmem>>
        %dma_start3A_504 = tpu.memref_squeeze %dma_start3A_503 : memref<1x25xi32, #tpu.memory_space<vmem>> -> memref<25xi32, #tpu.memory_space<vmem>>
        %dma_start3A_505 = arith.constant 0 : i32
        %dma_start3A_506 = arith.constant 0 : i32
        %dma_start3A_507 = tpu.memref_slice %arg2[%dma_start3A_505, %dma_start3A_506] : memref<10000x128xf32, #tpu.memory_space<hbm>> -> memref<10000x128xf32, #tpu.memory_space<hbm>>
        tpu.enqueue_indirect_dma source(%dma_start3A_507 : memref<10000x128xf32, #tpu.memory_space<hbm>>) target(%arg12 : memref<25x128xf32, #tpu.memory_space<vmem>>) offsets(%dma_start3A_504 : memref<25xi32, #tpu.memory_space<vmem>>) semaphore(%arg20 : memref<!tpu.dma_semaphore, #tpu.memory_space<semaphore_mem>>)
        %dma_start3A_508 = arith.constant 4 : i32
        %dma_start3A_509 = arith.constant 0 : i32
        %dma_start3A_510 = tpu.memref_slice %arg6[%dma_start3A_508, %dma_start3A_509] : memref<5x25xi32, #tpu.memory_space<vmem>> -> memref<1x25xi32, #tpu.memory_space<vmem>>
        %dma_start3A_511 = tpu.memref_squeeze %dma_start3A_510 : memref<1x25xi32, #tpu.memory_space<vmem>> -> memref<25xi32, #tpu.memory_space<vmem>>
        %dma_start3A_512 = arith.constant 0 : i32
        %dma_start3A_513 = arith.constant 0 : i32
        %dma_start3A_514 = tpu.memref_slice %arg2[%dma_start3A_512, %dma_start3A_513] : memref<10000x128xf32, #tpu.memory_space<hbm>> -> memref<10000x128xf32, #tpu.memory_space<hbm>>
        tpu.enqueue_indirect_dma source(%dma_start3A_514 : memref<10000x128xf32, #tpu.memory_space<hbm>>) target(%arg13 : memref<25x128xf32, #tpu.memory_space<vmem>>) offsets(%dma_start3A_511 : memref<25xi32, #tpu.memory_space<vmem>>) semaphore(%arg20 : memref<!tpu.dma_semaphore, #tpu.memory_space<semaphore_mem>>)
      } else {
      }
      %add3A_415 = arith.constant 1 : i32
      %add3A_416 = arith.addi %add3A_168, %add3A_415 : i32
      %mul3A_417 = arith.constant 5 : i32
      %mul3A_418 = arith.muli %add3A_416, %mul3A_417 : i32
      %add3A_419 = arith.constant 0 : i32
      %add3A_420 = arith.addi %mul3A_418, %add3A_419 : i32
      %dma_start3A_421 = arith.constant 0 : i32
      %dma_start3A_422 = tpu.memref_slice %arg8[%add3A_420, %dma_start3A_421] : memref<400x25xi32, #tpu.memory_space<vmem>> -> memref<1x25xi32, #tpu.memory_space<vmem>>
      %dma_start3A_423 = tpu.memref_squeeze %dma_start3A_422 : memref<1x25xi32, #tpu.memory_space<vmem>> -> memref<25xi32, #tpu.memory_space<vmem>>
      %dma_start3A_424 = arith.constant 0 : i32
      %dma_start3A_425 = arith.constant 0 : i32
      %dma_start3A_426 = tpu.memref_slice %arg19[%dma_start3A_424, %dma_start3A_425] : memref<10240x128xf32, #tpu.memory_space<vmem_shared>> -> memref<10240x128xf32, #tpu.memory_space<vmem_shared>>
      tpu.enqueue_indirect_dma source(%arg14 : memref<25x128xf32, #tpu.memory_space<vmem>>) target(%dma_start3A_426 : memref<10240x128xf32, #tpu.memory_space<vmem_shared>>) offsets(%dma_start3A_423 : memref<25xi32, #tpu.memory_space<vmem>>) semaphore(%arg21 : memref<!tpu.dma_semaphore, #tpu.memory_space<semaphore_mem>>) {add = true}
      %mul3A_427 = arith.constant 5 : i32
      %mul3A_428 = arith.muli %add3A_416, %mul3A_427 : i32
      %add3A_429 = arith.constant 1 : i32
      %add3A_430 = arith.addi %mul3A_428, %add3A_429 : i32
      %dma_start3A_431 = arith.constant 0 : i32
      %dma_start3A_432 = tpu.memref_slice %arg8[%add3A_430, %dma_start3A_431] : memref<400x25xi32, #tpu.memory_space<vmem>> -> memref<1x25xi32, #tpu.memory_space<vmem>>
      %dma_start3A_433 = tpu.memref_squeeze %dma_start3A_432 : memref<1x25xi32, #tpu.memory_space<vmem>> -> memref<25xi32, #tpu.memory_space<vmem>>
      %dma_start3A_434 = arith.constant 0 : i32
      %dma_start3A_435 = arith.constant 0 : i32
      %dma_start3A_436 = tpu.memref_slice %arg19[%dma_start3A_434, %dma_start3A_435] : memref<10240x128xf32, #tpu.memory_space<vmem_shared>> -> memref<10240x128xf32, #tpu.memory_space<vmem_shared>>
      tpu.enqueue_indirect_dma source(%arg15 : memref<25x128xf32, #tpu.memory_space<vmem>>) target(%dma_start3A_436 : memref<10240x128xf32, #tpu.memory_space<vmem_shared>>) offsets(%dma_start3A_433 : memref<25xi32, #tpu.memory_space<vmem>>) semaphore(%arg21 : memref<!tpu.dma_semaphore, #tpu.memory_space<semaphore_mem>>) {add = true}
      %mul3A_437 = arith.constant 5 : i32
      %mul3A_438 = arith.muli %add3A_416, %mul3A_437 : i32
      %add3A_439 = arith.constant 2 : i32
      %add3A_440 = arith.addi %mul3A_438, %add3A_439 : i32
      %dma_start3A_441 = arith.constant 0 : i32
      %dma_start3A_442 = tpu.memref_slice %arg8[%add3A_440, %dma_start3A_441] : memref<400x25xi32, #tpu.memory_space<vmem>> -> memref<1x25xi32, #tpu.memory_space<vmem>>
      %dma_start3A_443 = tpu.memref_squeeze %dma_start3A_442 : memref<1x25xi32, #tpu.memory_space<vmem>> -> memref<25xi32, #tpu.memory_space<vmem>>
      %dma_start3A_444 = arith.constant 0 : i32
      %dma_start3A_445 = arith.constant 0 : i32
      %dma_start3A_446 = tpu.memref_slice %arg19[%dma_start3A_444, %dma_start3A_445] : memref<10240x128xf32, #tpu.memory_space<vmem_shared>> -> memref<10240x128xf32, #tpu.memory_space<vmem_shared>>
      tpu.enqueue_indirect_dma source(%arg16 : memref<25x128xf32, #tpu.memory_space<vmem>>) target(%dma_start3A_446 : memref<10240x128xf32, #tpu.memory_space<vmem_shared>>) offsets(%dma_start3A_443 : memref<25xi32, #tpu.memory_space<vmem>>) semaphore(%arg21 : memref<!tpu.dma_semaphore, #tpu.memory_space<semaphore_mem>>) {add = true}
      %mul3A_447 = arith.constant 5 : i32
      %mul3A_448 = arith.muli %add3A_416, %mul3A_447 : i32
      %add3A_449 = arith.constant 3 : i32
      %add3A_450 = arith.addi %mul3A_448, %add3A_449 : i32
      %dma_start3A_451 = arith.constant 0 : i32
      %dma_start3A_452 = tpu.memref_slice %arg8[%add3A_450, %dma_start3A_451] : memref<400x25xi32, #tpu.memory_space<vmem>> -> memref<1x25xi32, #tpu.memory_space<vmem>>
      %dma_start3A_453 = tpu.memref_squeeze %dma_start3A_452 : memref<1x25xi32, #tpu.memory_space<vmem>> -> memref<25xi32, #tpu.memory_space<vmem>>
      %dma_start3A_454 = arith.constant 0 : i32
      %dma_start3A_455 = arith.constant 0 : i32
      %dma_start3A_456 = tpu.memref_slice %arg19[%dma_start3A_454, %dma_start3A_455] : memref<10240x128xf32, #tpu.memory_space<vmem_shared>> -> memref<10240x128xf32, #tpu.memory_space<vmem_shared>>
      tpu.enqueue_indirect_dma source(%arg17 : memref<25x128xf32, #tpu.memory_space<vmem>>) target(%dma_start3A_456 : memref<10240x128xf32, #tpu.memory_space<vmem_shared>>) offsets(%dma_start3A_453 : memref<25xi32, #tpu.memory_space<vmem>>) semaphore(%arg21 : memref<!tpu.dma_semaphore, #tpu.memory_space<semaphore_mem>>) {add = true}
      %mul3A_457 = arith.constant 5 : i32
      %mul3A_458 = arith.muli %add3A_416, %mul3A_457 : i32
      %add3A_459 = arith.constant 4 : i32
      %add3A_460 = arith.addi %mul3A_458, %add3A_459 : i32
      %dma_start3A_461 = arith.constant 0 : i32
      %dma_start3A_462 = tpu.memref_slice %arg8[%add3A_460, %dma_start3A_461] : memref<400x25xi32, #tpu.memory_space<vmem>> -> memref<1x25xi32, #tpu.memory_space<vmem>>
      %dma_start3A_463 = tpu.memref_squeeze %dma_start3A_462 : memref<1x25xi32, #tpu.memory_space<vmem>> -> memref<25xi32, #tpu.memory_space<vmem>>
      %dma_start3A_464 = arith.constant 0 : i32
      %dma_start3A_465 = arith.constant 0 : i32
      %dma_start3A_466 = tpu.memref_slice %arg19[%dma_start3A_464, %dma_start3A_465] : memref<10240x128xf32, #tpu.memory_space<vmem_shared>> -> memref<10240x128xf32, #tpu.memory_space<vmem_shared>>
      tpu.enqueue_indirect_dma source(%arg18 : memref<25x128xf32, #tpu.memory_space<vmem>>) target(%dma_start3A_466 : memref<10240x128xf32, #tpu.memory_space<vmem_shared>>) offsets(%dma_start3A_463 : memref<25xi32, #tpu.memory_space<vmem>>) semaphore(%arg21 : memref<!tpu.dma_semaphore, #tpu.memory_space<semaphore_mem>>) {add = true}
    }
    %scan3A_125 = arith.constant 40 : i32
    %dma_wait3A_126 = arith.constant 395 : i32
    %dma_wait3A_127 = arith.constant 0 : i32
    %dma_wait3A_128 = tpu.memref_slice %arg8[%dma_wait3A_126, %dma_wait3A_127] : memref<400x25xi32, #tpu.memory_space<vmem>> -> memref<1x25xi32, #tpu.memory_space<vmem>>
    %dma_wait3A_129 = tpu.memref_squeeze %dma_wait3A_128 : memref<1x25xi32, #tpu.memory_space<vmem>> -> memref<25xi32, #tpu.memory_space<vmem>>
    %dma_wait3A_130 = arith.constant 0 : i32
    %dma_wait3A_131 = arith.constant 0 : i32
    %dma_wait3A_132 = tpu.memref_slice %arg19[%dma_wait3A_130, %dma_wait3A_131] : memref<10240x128xf32, #tpu.memory_space<vmem_shared>> -> memref<10240x128xf32, #tpu.memory_space<vmem_shared>>
    tpu.wait_indirect_dma semaphore(%arg21 : memref<!tpu.dma_semaphore, #tpu.memory_space<semaphore_mem>>) src(%arg14 : memref<25x128xf32, #tpu.memory_space<vmem>>) dst(%dma_wait3A_132 : memref<10240x128xf32, #tpu.memory_space<vmem_shared>>)
    %dma_wait3A_133 = arith.constant 396 : i32
    %dma_wait3A_134 = arith.constant 0 : i32
    %dma_wait3A_135 = tpu.memref_slice %arg8[%dma_wait3A_133, %dma_wait3A_134] : memref<400x25xi32, #tpu.memory_space<vmem>> -> memref<1x25xi32, #tpu.memory_space<vmem>>
    %dma_wait3A_136 = tpu.memref_squeeze %dma_wait3A_135 : memref<1x25xi32, #tpu.memory_space<vmem>> -> memref<25xi32, #tpu.memory_space<vmem>>
    %dma_wait3A_137 = arith.constant 0 : i32
    %dma_wait3A_138 = arith.constant 0 : i32
    %dma_wait3A_139 = tpu.memref_slice %arg19[%dma_wait3A_137, %dma_wait3A_138] : memref<10240x128xf32, #tpu.memory_space<vmem_shared>> -> memref<10240x128xf32, #tpu.memory_space<vmem_shared>>
    tpu.wait_indirect_dma semaphore(%arg21 : memref<!tpu.dma_semaphore, #tpu.memory_space<semaphore_mem>>) src(%arg15 : memref<25x128xf32, #tpu.memory_space<vmem>>) dst(%dma_wait3A_139 : memref<10240x128xf32, #tpu.memory_space<vmem_shared>>)
    %dma_wait3A_140 = arith.constant 397 : i32
    %dma_wait3A_141 = arith.constant 0 : i32
    %dma_wait3A_142 = tpu.memref_slice %arg8[%dma_wait3A_140, %dma_wait3A_141] : memref<400x25xi32, #tpu.memory_space<vmem>> -> memref<1x25xi32, #tpu.memory_space<vmem>>
    %dma_wait3A_143 = tpu.memref_squeeze %dma_wait3A_142 : memref<1x25xi32, #tpu.memory_space<vmem>> -> memref<25xi32, #tpu.memory_space<vmem>>
    %dma_wait3A_144 = arith.constant 0 : i32
    %dma_wait3A_145 = arith.constant 0 : i32
    %dma_wait3A_146 = tpu.memref_slice %arg19[%dma_wait3A_144, %dma_wait3A_145] : memref<10240x128xf32, #tpu.memory_space<vmem_shared>> -> memref<10240x128xf32, #tpu.memory_space<vmem_shared>>
    tpu.wait_indirect_dma semaphore(%arg21 : memref<!tpu.dma_semaphore, #tpu.memory_space<semaphore_mem>>) src(%arg16 : memref<25x128xf32, #tpu.memory_space<vmem>>) dst(%dma_wait3A_146 : memref<10240x128xf32, #tpu.memory_space<vmem_shared>>)
    %dma_wait3A_147 = arith.constant 398 : i32
    %dma_wait3A_148 = arith.constant 0 : i32
    %dma_wait3A_149 = tpu.memref_slice %arg8[%dma_wait3A_147, %dma_wait3A_148] : memref<400x25xi32, #tpu.memory_space<vmem>> -> memref<1x25xi32, #tpu.memory_space<vmem>>
    %dma_wait3A_150 = tpu.memref_squeeze %dma_wait3A_149 : memref<1x25xi32, #tpu.memory_space<vmem>> -> memref<25xi32, #tpu.memory_space<vmem>>
    %dma_wait3A_151 = arith.constant 0 : i32
    %dma_wait3A_152 = arith.constant 0 : i32
    %dma_wait3A_153 = tpu.memref_slice %arg19[%dma_wait3A_151, %dma_wait3A_152] : memref<10240x128xf32, #tpu.memory_space<vmem_shared>> -> memref<10240x128xf32, #tpu.memory_space<vmem_shared>>
    tpu.wait_indirect_dma semaphore(%arg21 : memref<!tpu.dma_semaphore, #tpu.memory_space<semaphore_mem>>) src(%arg17 : memref<25x128xf32, #tpu.memory_space<vmem>>) dst(%dma_wait3A_153 : memref<10240x128xf32, #tpu.memory_space<vmem_shared>>)
    %dma_wait3A_154 = arith.constant 399 : i32
    %dma_wait3A_155 = arith.constant 0 : i32
    %dma_wait3A_156 = tpu.memref_slice %arg8[%dma_wait3A_154, %dma_wait3A_155] : memref<400x25xi32, #tpu.memory_space<vmem>> -> memref<1x25xi32, #tpu.memory_space<vmem>>
    %dma_wait3A_157 = tpu.memref_squeeze %dma_wait3A_156 : memref<1x25xi32, #tpu.memory_space<vmem>> -> memref<25xi32, #tpu.memory_space<vmem>>
    %dma_wait3A_158 = arith.constant 0 : i32
    %dma_wait3A_159 = arith.constant 0 : i32
    %dma_wait3A_160 = tpu.memref_slice %arg19[%dma_wait3A_158, %dma_wait3A_159] : memref<10240x128xf32, #tpu.memory_space<vmem_shared>> -> memref<10240x128xf32, #tpu.memory_space<vmem_shared>>
    tpu.wait_indirect_dma semaphore(%arg21 : memref<!tpu.dma_semaphore, #tpu.memory_space<semaphore_mem>>) src(%arg18 : memref<25x128xf32, #tpu.memory_space<vmem>>) dst(%dma_wait3A_160 : memref<10240x128xf32, #tpu.memory_space<vmem_shared>>)
    %barrier3A_161 = arith.constant 0 : index
    tpu.barrier barrier_id(%barrier3A_161)
    %mul3A_162 = arith.constant 640 : i32
    %mul3A_163 = arith.muli %arg1, %mul3A_162 : i32
    "tpu.region"() ({
      %run_scoped3A = tpu.sem_alloc : memref<!tpu.dma_semaphore, #tpu.memory_space<semaphore_mem>>
      %dma_start3A_164 = arith.constant 0 : i32
      %dma_start3A_165 = tpu.memref_slice %arg5[%arg0, %mul3A_163, %dma_start3A_164] : memref<2x10240x128xf32, #tpu.memory_space<hbm>> -> memref<1x640x128xf32, #tpu.memory_space<hbm>>
      %dma_start3A_166 = tpu.memref_squeeze %dma_start3A_165 : memref<1x640x128xf32, #tpu.memory_space<hbm>> -> memref<640x128xf32, #tpu.memory_space<hbm>>
      %dma_start3A_167 = arith.constant 0 : i32
      %dma_start3A_168 = tpu.memref_slice %arg19[%mul3A_163, %dma_start3A_167] : memref<10240x128xf32, #tpu.memory_space<vmem_shared>> -> memref<640x128xf32, #tpu.memory_space<vmem_shared>>
      tpu.enqueue_dma source(%dma_start3A_168 : memref<640x128xf32, #tpu.memory_space<vmem_shared>>) target(%dma_start3A_166 : memref<640x128xf32, #tpu.memory_space<hbm>>) target_semaphore(%run_scoped3A : memref<!tpu.dma_semaphore, #tpu.memory_space<semaphore_mem>>)
      %dma_wait3A_169 = arith.constant 0 : i32
      %dma_wait3A_170 = tpu.memref_slice %arg5[%arg0, %mul3A_163, %dma_wait3A_169] : memref<2x10240x128xf32, #tpu.memory_space<hbm>> -> memref<1x640x128xf32, #tpu.memory_space<hbm>>
      %dma_wait3A_171 = tpu.memref_squeeze %dma_wait3A_170 : memref<1x640x128xf32, #tpu.memory_space<hbm>> -> memref<640x128xf32, #tpu.memory_space<hbm>>
      %dma_wait3A_172 = arith.constant 0 : i32
      %dma_wait3A_173 = tpu.memref_slice %arg19[%mul3A_163, %dma_wait3A_172] : memref<10240x128xf32, #tpu.memory_space<vmem_shared>> -> memref<640x128xf32, #tpu.memory_space<vmem_shared>>
      tpu.wait_dma2 semaphore(%run_scoped3A : memref<!tpu.dma_semaphore, #tpu.memory_space<semaphore_mem>>) src(%dma_wait3A_173 : memref<640x128xf32, #tpu.memory_space<vmem_shared>>) dst(%dma_wait3A_171 : memref<640x128xf32, #tpu.memory_space<hbm>>)
      tpu.yield
    }) : () -> ()
    return
  }
}

#map = affine_map<(d0, d1) -> (0, 0, 0)>
module attributes {stable_mosaic.version = 14 : i64} {
  func.func @deg_kernel(%arg0: i32, %arg1: i32, %arg2: memref<32x400x25xi32, #tpu.memory_space<hbm>>, %arg3: memref<32x400x25xi32, #tpu.memory_space<hbm>>, %arg4: memref<2x10240x16xf32, #tpu.memory_space<hbm>>, %arg5: memref<2x10240x16xf32, #tpu.memory_space<hbm>>, %arg6: memref<400x25xi32, #tpu.memory_space<vmem>>, %arg7: memref<400x25xi32, #tpu.memory_space<vmem>>, %arg8: memref<25x16xf32, #tpu.memory_space<vmem>>, %arg9: memref<80x16xf32, #tpu.memory_space<vmem>>, %arg10: memref<10240x16xf32, #tpu.memory_space<vmem_shared>>, %arg11: memref<10240x16xf32, #tpu.memory_space<vmem_shared>>, %arg12: memref<!tpu.dma_semaphore, #tpu.memory_space<semaphore_mem>>) attributes {dimension_semantics = [#tpu.dimension_semantics<core_parallel>, #tpu.dimension_semantics<subcore_parallel>], iteration_bounds = array<i64: 2, 16>, scalar_prefetch = 0 : i64, scratch_operands = 7 : i64, tpu.core_type = #tpu.core_type<sc_vector_subcore>, window_params = [{transform_indices = #map}, {transform_indices = #map}, {transform_indices = #map}, {transform_indices = #map}]} {
    %mul3A = arith.constant 2 : i32
    %mul3A_0 = arith.muli %arg1, %mul3A : i32
    %add3A = arith.addi %mul3A_0, %arg0 : i32
    "tpu.region"() ({
      %run_scoped3A = tpu.sem_alloc : memref<!tpu.dma_semaphore, #tpu.memory_space<semaphore_mem>>
      %dma_start3A_161 = arith.constant 0 : i32
      %dma_start3A_162 = arith.constant 0 : i32
      %dma_start3A_163 = tpu.memref_slice %arg2[%add3A, %dma_start3A_161, %dma_start3A_162] : memref<32x400x25xi32, #tpu.memory_space<hbm>> -> memref<1x400x25xi32, #tpu.memory_space<hbm>>
      %dma_start3A_164 = tpu.memref_squeeze %dma_start3A_163 : memref<1x400x25xi32, #tpu.memory_space<hbm>> -> memref<400x25xi32, #tpu.memory_space<hbm>>
      %dma_start3A_165 = arith.constant 0 : i32
      %dma_start3A_166 = arith.constant 0 : i32
      %dma_start3A_167 = tpu.memref_slice %arg2[%add3A, %dma_start3A_165, %dma_start3A_166] : memref<32x400x25xi32, #tpu.memory_space<hbm>> -> memref<1x400x25xi32, #tpu.memory_space<hbm>>
      %dma_start3A_168 = tpu.memref_squeeze %dma_start3A_167 : memref<1x400x25xi32, #tpu.memory_space<hbm>> -> memref<400x25xi32, #tpu.memory_space<hbm>>
      tpu.enqueue_dma source(%dma_start3A_168 : memref<400x25xi32, #tpu.memory_space<hbm>>) target(%arg6 : memref<400x25xi32, #tpu.memory_space<vmem>>) target_semaphore(%run_scoped3A : memref<!tpu.dma_semaphore, #tpu.memory_space<semaphore_mem>>)
      %dma_wait3A_169 = arith.constant 0 : i32
      %dma_wait3A_170 = arith.constant 0 : i32
      %dma_wait3A_171 = tpu.memref_slice %arg2[%add3A, %dma_wait3A_169, %dma_wait3A_170] : memref<32x400x25xi32, #tpu.memory_space<hbm>> -> memref<1x400x25xi32, #tpu.memory_space<hbm>>
      %dma_wait3A_172 = tpu.memref_squeeze %dma_wait3A_171 : memref<1x400x25xi32, #tpu.memory_space<hbm>> -> memref<400x25xi32, #tpu.memory_space<hbm>>
      %dma_wait3A_173 = arith.constant 0 : i32
      %dma_wait3A_174 = arith.constant 0 : i32
      %dma_wait3A_175 = tpu.memref_slice %arg2[%add3A, %dma_wait3A_173, %dma_wait3A_174] : memref<32x400x25xi32, #tpu.memory_space<hbm>> -> memref<1x400x25xi32, #tpu.memory_space<hbm>>
      %dma_wait3A_176 = tpu.memref_squeeze %dma_wait3A_175 : memref<1x400x25xi32, #tpu.memory_space<hbm>> -> memref<400x25xi32, #tpu.memory_space<hbm>>
      tpu.wait_dma2 semaphore(%run_scoped3A : memref<!tpu.dma_semaphore, #tpu.memory_space<semaphore_mem>>) src(%dma_wait3A_176 : memref<400x25xi32, #tpu.memory_space<hbm>>) dst(%arg6 : memref<400x25xi32, #tpu.memory_space<vmem>>)
      tpu.yield
    }) : () -> ()
    "tpu.region"() ({
      %run_scoped3A = tpu.sem_alloc : memref<!tpu.dma_semaphore, #tpu.memory_space<semaphore_mem>>
      %dma_start3A_161 = arith.constant 0 : i32
      %dma_start3A_162 = arith.constant 0 : i32
      %dma_start3A_163 = tpu.memref_slice %arg3[%add3A, %dma_start3A_161, %dma_start3A_162] : memref<32x400x25xi32, #tpu.memory_space<hbm>> -> memref<1x400x25xi32, #tpu.memory_space<hbm>>
      %dma_start3A_164 = tpu.memref_squeeze %dma_start3A_163 : memref<1x400x25xi32, #tpu.memory_space<hbm>> -> memref<400x25xi32, #tpu.memory_space<hbm>>
      %dma_start3A_165 = arith.constant 0 : i32
      %dma_start3A_166 = arith.constant 0 : i32
      %dma_start3A_167 = tpu.memref_slice %arg3[%add3A, %dma_start3A_165, %dma_start3A_166] : memref<32x400x25xi32, #tpu.memory_space<hbm>> -> memref<1x400x25xi32, #tpu.memory_space<hbm>>
      %dma_start3A_168 = tpu.memref_squeeze %dma_start3A_167 : memref<1x400x25xi32, #tpu.memory_space<hbm>> -> memref<400x25xi32, #tpu.memory_space<hbm>>
      tpu.enqueue_dma source(%dma_start3A_168 : memref<400x25xi32, #tpu.memory_space<hbm>>) target(%arg7 : memref<400x25xi32, #tpu.memory_space<vmem>>) target_semaphore(%run_scoped3A : memref<!tpu.dma_semaphore, #tpu.memory_space<semaphore_mem>>)
      %dma_wait3A_169 = arith.constant 0 : i32
      %dma_wait3A_170 = arith.constant 0 : i32
      %dma_wait3A_171 = tpu.memref_slice %arg3[%add3A, %dma_wait3A_169, %dma_wait3A_170] : memref<32x400x25xi32, #tpu.memory_space<hbm>> -> memref<1x400x25xi32, #tpu.memory_space<hbm>>
      %dma_wait3A_172 = tpu.memref_squeeze %dma_wait3A_171 : memref<1x400x25xi32, #tpu.memory_space<hbm>> -> memref<400x25xi32, #tpu.memory_space<hbm>>
      %dma_wait3A_173 = arith.constant 0 : i32
      %dma_wait3A_174 = arith.constant 0 : i32
      %dma_wait3A_175 = tpu.memref_slice %arg3[%add3A, %dma_wait3A_173, %dma_wait3A_174] : memref<32x400x25xi32, #tpu.memory_space<hbm>> -> memref<1x400x25xi32, #tpu.memory_space<hbm>>
      %dma_wait3A_176 = tpu.memref_squeeze %dma_wait3A_175 : memref<1x400x25xi32, #tpu.memory_space<hbm>> -> memref<400x25xi32, #tpu.memory_space<hbm>>
      tpu.wait_dma2 semaphore(%run_scoped3A : memref<!tpu.dma_semaphore, #tpu.memory_space<semaphore_mem>>) src(%dma_wait3A_176 : memref<400x25xi32, #tpu.memory_space<hbm>>) dst(%arg7 : memref<400x25xi32, #tpu.memory_space<vmem>>)
      tpu.yield
    }) : () -> ()
    %scan3A = arith.constant 0 : i32
    %scan3A_1 = arith.constant 25 : i32
    %scan3A_2 = arith.addi %scan3A, %scan3A_1 : i32
    %scan3A_3 = arith.constant 1 : i32
    scf.for %scan3A_161 = %scan3A to %scan3A_2 step %scan3A_3  : i32 {
      %mul3A_162 = arith.constant 1 : i32
      %mul3A_163 = arith.muli %scan3A_161, %mul3A_162 : i32
      %add3A_164 = arith.constant 0 : i32
      %add3A_165 = arith.addi %add3A_164, %mul3A_163 : i32
      %scan3A_166 = arith.constant 0 : i32
      %mul3A_167 = arith.constant 16 : i32
      %mul3A_168 = arith.muli %scan3A_166, %mul3A_167 : i32
      %add3A_169 = arith.constant 0 : i32
      %add3A_170 = arith.addi %add3A_169, %mul3A_168 : i32
      %broadcast_in_dim3A = arith.constant 1.000000e+00 : f32
      %broadcast_in_dim3A_171 = vector.broadcast %broadcast_in_dim3A : f32 to vector<16xf32>
      %swap3A = arith.index_cast %add3A_165 : i32 to index
      %swap3A_172 = arith.index_cast %add3A_170 : i32 to index
      %swap3A_173 = tpu.vector_load %arg8[%swap3A, %swap3A_172] {strides = array<i32>} : memref<25x16xf32, #tpu.memory_space<vmem>>, vector<1x16xf32>,
      %swap3A_174 = vector.shape_cast %swap3A_173 : vector<1x16xf32> to vector<16xf32>
      %swap3A_175 = vector.shape_cast %broadcast_in_dim3A_171 : vector<16xf32> to vector<1x16xf32>
      tpu.vector_store %arg8[%swap3A, %swap3A_172], %swap3A_175 {strides = array<i32>} : memref<25x16xf32, #tpu.memory_space<vmem>>, vector<1x16xf32>,
      %scan3A_176 = arith.constant 1 : i32
    }
    %scan3A_4 = arith.constant 25 : i32
    %scan3A_5 = arith.constant 0 : i32
    %scan3A_6 = arith.constant 80 : i32
    %scan3A_7 = arith.addi %scan3A_5, %scan3A_6 : i32
    %scan3A_8 = arith.constant 1 : i32
    scf.for %scan3A_161 = %scan3A_5 to %scan3A_7 step %scan3A_8  : i32 {
      %mul3A_162 = arith.constant 1 : i32
      %mul3A_163 = arith.muli %scan3A_161, %mul3A_162 : i32
      %add3A_164 = arith.constant 0 : i32
      %add3A_165 = arith.addi %add3A_164, %mul3A_163 : i32
      %scan3A_166 = arith.constant 0 : i32
      %mul3A_167 = arith.constant 16 : i32
      %mul3A_168 = arith.muli %scan3A_166, %mul3A_167 : i32
      %add3A_169 = arith.constant 0 : i32
      %add3A_170 = arith.addi %add3A_169, %mul3A_168 : i32
      %broadcast_in_dim3A = arith.constant 0.000000e+00 : f32
      %broadcast_in_dim3A_171 = vector.broadcast %broadcast_in_dim3A : f32 to vector<16xf32>
      %swap3A = arith.index_cast %add3A_165 : i32 to index
      %swap3A_172 = arith.index_cast %add3A_170 : i32 to index
      %swap3A_173 = tpu.vector_load %arg9[%swap3A, %swap3A_172] {strides = array<i32>} : memref<80x16xf32, #tpu.memory_space<vmem>>, vector<1x16xf32>,
      %swap3A_174 = vector.shape_cast %swap3A_173 : vector<1x16xf32> to vector<16xf32>
      %swap3A_175 = vector.shape_cast %broadcast_in_dim3A_171 : vector<16xf32> to vector<1x16xf32>
      tpu.vector_store %arg9[%swap3A, %swap3A_172], %swap3A_175 {strides = array<i32>} : memref<80x16xf32, #tpu.memory_space<vmem>>, vector<1x16xf32>,
      %scan3A_176 = arith.constant 1 : i32
    }
    %scan3A_9 = arith.constant 80 : i32
    %scan3A_10 = arith.constant 0 : i32
    %scan3A_11 = arith.constant 8 : i32
    %scan3A_12 = arith.addi %scan3A_10, %scan3A_11 : i32
    %scan3A_13 = arith.constant 1 : i32
    scf.for %scan3A_161 = %scan3A_10 to %scan3A_12 step %scan3A_13  : i32 {
      %mul3A_162 = arith.constant 1 : i32
      %mul3A_163 = arith.muli %scan3A_161, %mul3A_162 : i32
      %add3A_164 = arith.constant 0 : i32
      %add3A_165 = arith.addi %add3A_164, %mul3A_163 : i32
      %mul3A_166 = arith.constant 640 : i32
      %mul3A_167 = arith.muli %arg1, %mul3A_166 : i32
      %mul3A_168 = arith.constant 80 : i32
      %mul3A_169 = arith.muli %add3A_165, %mul3A_168 : i32
      %add3A_170 = arith.addi %mul3A_167, %mul3A_169 : i32
      "tpu.region"() ({
        %run_scoped3A = tpu.sem_alloc : memref<!tpu.dma_semaphore, #tpu.memory_space<semaphore_mem>>
        %dma_start3A_171 = arith.constant 0 : i32
        %dma_start3A_172 = tpu.memref_slice %arg10[%add3A_170, %dma_start3A_171] : memref<10240x16xf32, #tpu.memory_space<vmem_shared>> -> memref<80x16xf32, #tpu.memory_space<vmem_shared>>
        %dma_start3A_173 = arith.constant 0 : i32
        %dma_start3A_174 = tpu.memref_slice %arg10[%add3A_170, %dma_start3A_173] : memref<10240x16xf32, #tpu.memory_space<vmem_shared>> -> memref<80x16xf32, #tpu.memory_space<vmem_shared>>
        tpu.enqueue_dma source(%arg9 : memref<80x16xf32, #tpu.memory_space<vmem>>) target(%dma_start3A_174 : memref<80x16xf32, #tpu.memory_space<vmem_shared>>) target_semaphore(%run_scoped3A : memref<!tpu.dma_semaphore, #tpu.memory_space<semaphore_mem>>)
        %dma_wait3A_175 = arith.constant 0 : i32
        %dma_wait3A_176 = tpu.memref_slice %arg10[%add3A_170, %dma_wait3A_175] : memref<10240x16xf32, #tpu.memory_space<vmem_shared>> -> memref<80x16xf32, #tpu.memory_space<vmem_shared>>
        %dma_wait3A_177 = arith.constant 0 : i32
        %dma_wait3A_178 = tpu.memref_slice %arg10[%add3A_170, %dma_wait3A_177] : memref<10240x16xf32, #tpu.memory_space<vmem_shared>> -> memref<80x16xf32, #tpu.memory_space<vmem_shared>>
        tpu.wait_dma2 semaphore(%run_scoped3A : memref<!tpu.dma_semaphore, #tpu.memory_space<semaphore_mem>>) src(%arg9 : memref<80x16xf32, #tpu.memory_space<vmem>>) dst(%dma_wait3A_178 : memref<80x16xf32, #tpu.memory_space<vmem_shared>>)
        tpu.yield
      }) : () -> ()
      "tpu.region"() ({
        %run_scoped3A = tpu.sem_alloc : memref<!tpu.dma_semaphore, #tpu.memory_space<semaphore_mem>>
        %dma_start3A_171 = arith.constant 0 : i32
        %dma_start3A_172 = tpu.memref_slice %arg11[%add3A_170, %dma_start3A_171] : memref<10240x16xf32, #tpu.memory_space<vmem_shared>> -> memref<80x16xf32, #tpu.memory_space<vmem_shared>>
        %dma_start3A_173 = arith.constant 0 : i32
        %dma_start3A_174 = tpu.memref_slice %arg11[%add3A_170, %dma_start3A_173] : memref<10240x16xf32, #tpu.memory_space<vmem_shared>> -> memref<80x16xf32, #tpu.memory_space<vmem_shared>>
        tpu.enqueue_dma source(%arg9 : memref<80x16xf32, #tpu.memory_space<vmem>>) target(%dma_start3A_174 : memref<80x16xf32, #tpu.memory_space<vmem_shared>>) target_semaphore(%run_scoped3A : memref<!tpu.dma_semaphore, #tpu.memory_space<semaphore_mem>>)
        %dma_wait3A_175 = arith.constant 0 : i32
        %dma_wait3A_176 = tpu.memref_slice %arg11[%add3A_170, %dma_wait3A_175] : memref<10240x16xf32, #tpu.memory_space<vmem_shared>> -> memref<80x16xf32, #tpu.memory_space<vmem_shared>>
        %dma_wait3A_177 = arith.constant 0 : i32
        %dma_wait3A_178 = tpu.memref_slice %arg11[%add3A_170, %dma_wait3A_177] : memref<10240x16xf32, #tpu.memory_space<vmem_shared>> -> memref<80x16xf32, #tpu.memory_space<vmem_shared>>
        tpu.wait_dma2 semaphore(%run_scoped3A : memref<!tpu.dma_semaphore, #tpu.memory_space<semaphore_mem>>) src(%arg9 : memref<80x16xf32, #tpu.memory_space<vmem>>) dst(%dma_wait3A_178 : memref<80x16xf32, #tpu.memory_space<vmem_shared>>)
        tpu.yield
      }) : () -> ()
    }
    %scan3A_14 = arith.constant 8 : i32
    %barrier3A = arith.constant 0 : index
    tpu.barrier barrier_id(%barrier3A)
    %dma_start3A = arith.constant 0 : i32
    %dma_start3A_15 = arith.constant 0 : i32
    %dma_start3A_16 = tpu.memref_slice %arg6[%dma_start3A, %dma_start3A_15] : memref<400x25xi32, #tpu.memory_space<vmem>> -> memref<1x25xi32, #tpu.memory_space<vmem>>
    %dma_start3A_17 = tpu.memref_squeeze %dma_start3A_16 : memref<1x25xi32, #tpu.memory_space<vmem>> -> memref<25xi32, #tpu.memory_space<vmem>>
    %dma_start3A_18 = arith.constant 0 : i32
    %dma_start3A_19 = arith.constant 0 : i32
    %dma_start3A_20 = tpu.memref_slice %arg10[%dma_start3A_18, %dma_start3A_19] : memref<10240x16xf32, #tpu.memory_space<vmem_shared>> -> memref<10240x16xf32, #tpu.memory_space<vmem_shared>>
    tpu.enqueue_indirect_dma source(%arg8 : memref<25x16xf32, #tpu.memory_space<vmem>>) target(%dma_start3A_20 : memref<10240x16xf32, #tpu.memory_space<vmem_shared>>) offsets(%dma_start3A_17 : memref<25xi32, #tpu.memory_space<vmem>>) semaphore(%arg12 : memref<!tpu.dma_semaphore, #tpu.memory_space<semaphore_mem>>) {add = true}
    %dma_start3A_21 = arith.constant 0 : i32
    %dma_start3A_22 = arith.constant 0 : i32
    %dma_start3A_23 = tpu.memref_slice %arg7[%dma_start3A_21, %dma_start3A_22] : memref<400x25xi32, #tpu.memory_space<vmem>> -> memref<1x25xi32, #tpu.memory_space<vmem>>
    %dma_start3A_24 = tpu.memref_squeeze %dma_start3A_23 : memref<1x25xi32, #tpu.memory_space<vmem>> -> memref<25xi32, #tpu.memory_space<vmem>>
    %dma_start3A_25 = arith.constant 0 : i32
    %dma_start3A_26 = arith.constant 0 : i32
    %dma_start3A_27 = tpu.memref_slice %arg11[%dma_start3A_25, %dma_start3A_26] : memref<10240x16xf32, #tpu.memory_space<vmem_shared>> -> memref<10240x16xf32, #tpu.memory_space<vmem_shared>>
    tpu.enqueue_indirect_dma source(%arg8 : memref<25x16xf32, #tpu.memory_space<vmem>>) target(%dma_start3A_27 : memref<10240x16xf32, #tpu.memory_space<vmem_shared>>) offsets(%dma_start3A_24 : memref<25xi32, #tpu.memory_space<vmem>>) semaphore(%arg12 : memref<!tpu.dma_semaphore, #tpu.memory_space<semaphore_mem>>) {add = true}
    %dma_start3A_28 = arith.constant 1 : i32
    %dma_start3A_29 = arith.constant 0 : i32
    %dma_start3A_30 = tpu.memref_slice %arg6[%dma_start3A_28, %dma_start3A_29] : memref<400x25xi32, #tpu.memory_space<vmem>> -> memref<1x25xi32, #tpu.memory_space<vmem>>
    %dma_start3A_31 = tpu.memref_squeeze %dma_start3A_30 : memref<1x25xi32, #tpu.memory_space<vmem>> -> memref<25xi32, #tpu.memory_space<vmem>>
    %dma_start3A_32 = arith.constant 0 : i32
    %dma_start3A_33 = arith.constant 0 : i32
    %dma_start3A_34 = tpu.memref_slice %arg10[%dma_start3A_32, %dma_start3A_33] : memref<10240x16xf32, #tpu.memory_space<vmem_shared>> -> memref<10240x16xf32, #tpu.memory_space<vmem_shared>>
    tpu.enqueue_indirect_dma source(%arg8 : memref<25x16xf32, #tpu.memory_space<vmem>>) target(%dma_start3A_34 : memref<10240x16xf32, #tpu.memory_space<vmem_shared>>) offsets(%dma_start3A_31 : memref<25xi32, #tpu.memory_space<vmem>>) semaphore(%arg12 : memref<!tpu.dma_semaphore, #tpu.memory_space<semaphore_mem>>) {add = true}
    %dma_start3A_35 = arith.constant 1 : i32
    %dma_start3A_36 = arith.constant 0 : i32
    %dma_start3A_37 = tpu.memref_slice %arg7[%dma_start3A_35, %dma_start3A_36] : memref<400x25xi32, #tpu.memory_space<vmem>> -> memref<1x25xi32, #tpu.memory_space<vmem>>
    %dma_start3A_38 = tpu.memref_squeeze %dma_start3A_37 : memref<1x25xi32, #tpu.memory_space<vmem>> -> memref<25xi32, #tpu.memory_space<vmem>>
    %dma_start3A_39 = arith.constant 0 : i32
    %dma_start3A_40 = arith.constant 0 : i32
    %dma_start3A_41 = tpu.memref_slice %arg11[%dma_start3A_39, %dma_start3A_40] : memref<10240x16xf32, #tpu.memory_space<vmem_shared>> -> memref<10240x16xf32, #tpu.memory_space<vmem_shared>>
    tpu.enqueue_indirect_dma source(%arg8 : memref<25x16xf32, #tpu.memory_space<vmem>>) target(%dma_start3A_41 : memref<10240x16xf32, #tpu.memory_space<vmem_shared>>) offsets(%dma_start3A_38 : memref<25xi32, #tpu.memory_space<vmem>>) semaphore(%arg12 : memref<!tpu.dma_semaphore, #tpu.memory_space<semaphore_mem>>) {add = true}
    %dma_start3A_42 = arith.constant 2 : i32
    %dma_start3A_43 = arith.constant 0 : i32
    %dma_start3A_44 = tpu.memref_slice %arg6[%dma_start3A_42, %dma_start3A_43] : memref<400x25xi32, #tpu.memory_space<vmem>> -> memref<1x25xi32, #tpu.memory_space<vmem>>
    %dma_start3A_45 = tpu.memref_squeeze %dma_start3A_44 : memref<1x25xi32, #tpu.memory_space<vmem>> -> memref<25xi32, #tpu.memory_space<vmem>>
    %dma_start3A_46 = arith.constant 0 : i32
    %dma_start3A_47 = arith.constant 0 : i32
    %dma_start3A_48 = tpu.memref_slice %arg10[%dma_start3A_46, %dma_start3A_47] : memref<10240x16xf32, #tpu.memory_space<vmem_shared>> -> memref<10240x16xf32, #tpu.memory_space<vmem_shared>>
    tpu.enqueue_indirect_dma source(%arg8 : memref<25x16xf32, #tpu.memory_space<vmem>>) target(%dma_start3A_48 : memref<10240x16xf32, #tpu.memory_space<vmem_shared>>) offsets(%dma_start3A_45 : memref<25xi32, #tpu.memory_space<vmem>>) semaphore(%arg12 : memref<!tpu.dma_semaphore, #tpu.memory_space<semaphore_mem>>) {add = true}
    %dma_start3A_49 = arith.constant 2 : i32
    %dma_start3A_50 = arith.constant 0 : i32
    %dma_start3A_51 = tpu.memref_slice %arg7[%dma_start3A_49, %dma_start3A_50] : memref<400x25xi32, #tpu.memory_space<vmem>> -> memref<1x25xi32, #tpu.memory_space<vmem>>
    %dma_start3A_52 = tpu.memref_squeeze %dma_start3A_51 : memref<1x25xi32, #tpu.memory_space<vmem>> -> memref<25xi32, #tpu.memory_space<vmem>>
    %dma_start3A_53 = arith.constant 0 : i32
    %dma_start3A_54 = arith.constant 0 : i32
    %dma_start3A_55 = tpu.memref_slice %arg11[%dma_start3A_53, %dma_start3A_54] : memref<10240x16xf32, #tpu.memory_space<vmem_shared>> -> memref<10240x16xf32, #tpu.memory_space<vmem_shared>>
    tpu.enqueue_indirect_dma source(%arg8 : memref<25x16xf32, #tpu.memory_space<vmem>>) target(%dma_start3A_55 : memref<10240x16xf32, #tpu.memory_space<vmem_shared>>) offsets(%dma_start3A_52 : memref<25xi32, #tpu.memory_space<vmem>>) semaphore(%arg12 : memref<!tpu.dma_semaphore, #tpu.memory_space<semaphore_mem>>) {add = true}
    %dma_start3A_56 = arith.constant 3 : i32
    %dma_start3A_57 = arith.constant 0 : i32
    %dma_start3A_58 = tpu.memref_slice %arg6[%dma_start3A_56, %dma_start3A_57] : memref<400x25xi32, #tpu.memory_space<vmem>> -> memref<1x25xi32, #tpu.memory_space<vmem>>
    %dma_start3A_59 = tpu.memref_squeeze %dma_start3A_58 : memref<1x25xi32, #tpu.memory_space<vmem>> -> memref<25xi32, #tpu.memory_space<vmem>>
    %dma_start3A_60 = arith.constant 0 : i32
    %dma_start3A_61 = arith.constant 0 : i32
    %dma_start3A_62 = tpu.memref_slice %arg10[%dma_start3A_60, %dma_start3A_61] : memref<10240x16xf32, #tpu.memory_space<vmem_shared>> -> memref<10240x16xf32, #tpu.memory_space<vmem_shared>>
    tpu.enqueue_indirect_dma source(%arg8 : memref<25x16xf32, #tpu.memory_space<vmem>>) target(%dma_start3A_62 : memref<10240x16xf32, #tpu.memory_space<vmem_shared>>) offsets(%dma_start3A_59 : memref<25xi32, #tpu.memory_space<vmem>>) semaphore(%arg12 : memref<!tpu.dma_semaphore, #tpu.memory_space<semaphore_mem>>) {add = true}
    %dma_start3A_63 = arith.constant 3 : i32
    %dma_start3A_64 = arith.constant 0 : i32
    %dma_start3A_65 = tpu.memref_slice %arg7[%dma_start3A_63, %dma_start3A_64] : memref<400x25xi32, #tpu.memory_space<vmem>> -> memref<1x25xi32, #tpu.memory_space<vmem>>
    %dma_start3A_66 = tpu.memref_squeeze %dma_start3A_65 : memref<1x25xi32, #tpu.memory_space<vmem>> -> memref<25xi32, #tpu.memory_space<vmem>>
    %dma_start3A_67 = arith.constant 0 : i32
    %dma_start3A_68 = arith.constant 0 : i32
    %dma_start3A_69 = tpu.memref_slice %arg11[%dma_start3A_67, %dma_start3A_68] : memref<10240x16xf32, #tpu.memory_space<vmem_shared>> -> memref<10240x16xf32, #tpu.memory_space<vmem_shared>>
    tpu.enqueue_indirect_dma source(%arg8 : memref<25x16xf32, #tpu.memory_space<vmem>>) target(%dma_start3A_69 : memref<10240x16xf32, #tpu.memory_space<vmem_shared>>) offsets(%dma_start3A_66 : memref<25xi32, #tpu.memory_space<vmem>>) semaphore(%arg12 : memref<!tpu.dma_semaphore, #tpu.memory_space<semaphore_mem>>) {add = true}
    %dma_start3A_70 = arith.constant 4 : i32
    %dma_start3A_71 = arith.constant 0 : i32
    %dma_start3A_72 = tpu.memref_slice %arg6[%dma_start3A_70, %dma_start3A_71] : memref<400x25xi32, #tpu.memory_space<vmem>> -> memref<1x25xi32, #tpu.memory_space<vmem>>
    %dma_start3A_73 = tpu.memref_squeeze %dma_start3A_72 : memref<1x25xi32, #tpu.memory_space<vmem>> -> memref<25xi32, #tpu.memory_space<vmem>>
    %dma_start3A_74 = arith.constant 0 : i32
    %dma_start3A_75 = arith.constant 0 : i32
    %dma_start3A_76 = tpu.memref_slice %arg10[%dma_start3A_74, %dma_start3A_75] : memref<10240x16xf32, #tpu.memory_space<vmem_shared>> -> memref<10240x16xf32, #tpu.memory_space<vmem_shared>>
    tpu.enqueue_indirect_dma source(%arg8 : memref<25x16xf32, #tpu.memory_space<vmem>>) target(%dma_start3A_76 : memref<10240x16xf32, #tpu.memory_space<vmem_shared>>) offsets(%dma_start3A_73 : memref<25xi32, #tpu.memory_space<vmem>>) semaphore(%arg12 : memref<!tpu.dma_semaphore, #tpu.memory_space<semaphore_mem>>) {add = true}
    %dma_start3A_77 = arith.constant 4 : i32
    %dma_start3A_78 = arith.constant 0 : i32
    %dma_start3A_79 = tpu.memref_slice %arg7[%dma_start3A_77, %dma_start3A_78] : memref<400x25xi32, #tpu.memory_space<vmem>> -> memref<1x25xi32, #tpu.memory_space<vmem>>
    %dma_start3A_80 = tpu.memref_squeeze %dma_start3A_79 : memref<1x25xi32, #tpu.memory_space<vmem>> -> memref<25xi32, #tpu.memory_space<vmem>>
    %dma_start3A_81 = arith.constant 0 : i32
    %dma_start3A_82 = arith.constant 0 : i32
    %dma_start3A_83 = tpu.memref_slice %arg11[%dma_start3A_81, %dma_start3A_82] : memref<10240x16xf32, #tpu.memory_space<vmem_shared>> -> memref<10240x16xf32, #tpu.memory_space<vmem_shared>>
    tpu.enqueue_indirect_dma source(%arg8 : memref<25x16xf32, #tpu.memory_space<vmem>>) target(%dma_start3A_83 : memref<10240x16xf32, #tpu.memory_space<vmem_shared>>) offsets(%dma_start3A_80 : memref<25xi32, #tpu.memory_space<vmem>>) semaphore(%arg12 : memref<!tpu.dma_semaphore, #tpu.memory_space<semaphore_mem>>) {add = true}
    %scan3A_84 = arith.constant 0 : i32
    %scan3A_85 = arith.constant 79 : i32
    %scan3A_86 = arith.addi %scan3A_84, %scan3A_85 : i32
    %scan3A_87 = arith.constant 1 : i32
    scf.for %scan3A_161 = %scan3A_84 to %scan3A_86 step %scan3A_87  : i32 {
      %mul3A_162 = arith.constant 1 : i32
      %mul3A_163 = arith.muli %scan3A_161, %mul3A_162 : i32
      %add3A_164 = arith.constant 1 : i32
      %add3A_165 = arith.addi %add3A_164, %mul3A_163 : i32
      %mul3A_166 = arith.constant 5 : i32
      %mul3A_167 = arith.muli %add3A_165, %mul3A_166 : i32
      %add3A_168 = arith.constant 0 : i32
      %add3A_169 = arith.addi %mul3A_167, %add3A_168 : i32
      %dma_start3A_170 = arith.constant 0 : i32
      %dma_start3A_171 = tpu.memref_slice %arg6[%add3A_169, %dma_start3A_170] : memref<400x25xi32, #tpu.memory_space<vmem>> -> memref<1x25xi32, #tpu.memory_space<vmem>>
      %dma_start3A_172 = tpu.memref_squeeze %dma_start3A_171 : memref<1x25xi32, #tpu.memory_space<vmem>> -> memref<25xi32, #tpu.memory_space<vmem>>
      %dma_start3A_173 = arith.constant 0 : i32
      %dma_start3A_174 = arith.constant 0 : i32
      %dma_start3A_175 = tpu.memref_slice %arg10[%dma_start3A_173, %dma_start3A_174] : memref<10240x16xf32, #tpu.memory_space<vmem_shared>> -> memref<10240x16xf32, #tpu.memory_space<vmem_shared>>
      tpu.enqueue_indirect_dma source(%arg8 : memref<25x16xf32, #tpu.memory_space<vmem>>) target(%dma_start3A_175 : memref<10240x16xf32, #tpu.memory_space<vmem_shared>>) offsets(%dma_start3A_172 : memref<25xi32, #tpu.memory_space<vmem>>) semaphore(%arg12 : memref<!tpu.dma_semaphore, #tpu.memory_space<semaphore_mem>>) {add = true}
      %dma_start3A_176 = arith.constant 0 : i32
      %dma_start3A_177 = tpu.memref_slice %arg7[%add3A_169, %dma_start3A_176] : memref<400x25xi32, #tpu.memory_space<vmem>> -> memref<1x25xi32, #tpu.memory_space<vmem>>
      %dma_start3A_178 = tpu.memref_squeeze %dma_start3A_177 : memref<1x25xi32, #tpu.memory_space<vmem>> -> memref<25xi32, #tpu.memory_space<vmem>>
      %dma_start3A_179 = arith.constant 0 : i32
      %dma_start3A_180 = arith.constant 0 : i32
      %dma_start3A_181 = tpu.memref_slice %arg11[%dma_start3A_179, %dma_start3A_180] : memref<10240x16xf32, #tpu.memory_space<vmem_shared>> -> memref<10240x16xf32, #tpu.memory_space<vmem_shared>>
      tpu.enqueue_indirect_dma source(%arg8 : memref<25x16xf32, #tpu.memory_space<vmem>>) target(%dma_start3A_181 : memref<10240x16xf32, #tpu.memory_space<vmem_shared>>) offsets(%dma_start3A_178 : memref<25xi32, #tpu.memory_space<vmem>>) semaphore(%arg12 : memref<!tpu.dma_semaphore, #tpu.memory_space<semaphore_mem>>) {add = true}
      %mul3A_182 = arith.constant 5 : i32
      %mul3A_183 = arith.muli %add3A_165, %mul3A_182 : i32
      %add3A_184 = arith.constant 1 : i32
      %add3A_185 = arith.addi %mul3A_183, %add3A_184 : i32
      %dma_start3A_186 = arith.constant 0 : i32
      %dma_start3A_187 = tpu.memref_slice %arg6[%add3A_185, %dma_start3A_186] : memref<400x25xi32, #tpu.memory_space<vmem>> -> memref<1x25xi32, #tpu.memory_space<vmem>>
      %dma_start3A_188 = tpu.memref_squeeze %dma_start3A_187 : memref<1x25xi32, #tpu.memory_space<vmem>> -> memref<25xi32, #tpu.memory_space<vmem>>
      %dma_start3A_189 = arith.constant 0 : i32
      %dma_start3A_190 = arith.constant 0 : i32
      %dma_start3A_191 = tpu.memref_slice %arg10[%dma_start3A_189, %dma_start3A_190] : memref<10240x16xf32, #tpu.memory_space<vmem_shared>> -> memref<10240x16xf32, #tpu.memory_space<vmem_shared>>
      tpu.enqueue_indirect_dma source(%arg8 : memref<25x16xf32, #tpu.memory_space<vmem>>) target(%dma_start3A_191 : memref<10240x16xf32, #tpu.memory_space<vmem_shared>>) offsets(%dma_start3A_188 : memref<25xi32, #tpu.memory_space<vmem>>) semaphore(%arg12 : memref<!tpu.dma_semaphore, #tpu.memory_space<semaphore_mem>>) {add = true}
      %dma_start3A_192 = arith.constant 0 : i32
      %dma_start3A_193 = tpu.memref_slice %arg7[%add3A_185, %dma_start3A_192] : memref<400x25xi32, #tpu.memory_space<vmem>> -> memref<1x25xi32, #tpu.memory_space<vmem>>
      %dma_start3A_194 = tpu.memref_squeeze %dma_start3A_193 : memref<1x25xi32, #tpu.memory_space<vmem>> -> memref<25xi32, #tpu.memory_space<vmem>>
      %dma_start3A_195 = arith.constant 0 : i32
      %dma_start3A_196 = arith.constant 0 : i32
      %dma_start3A_197 = tpu.memref_slice %arg11[%dma_start3A_195, %dma_start3A_196] : memref<10240x16xf32, #tpu.memory_space<vmem_shared>> -> memref<10240x16xf32, #tpu.memory_space<vmem_shared>>
      tpu.enqueue_indirect_dma source(%arg8 : memref<25x16xf32, #tpu.memory_space<vmem>>) target(%dma_start3A_197 : memref<10240x16xf32, #tpu.memory_space<vmem_shared>>) offsets(%dma_start3A_194 : memref<25xi32, #tpu.memory_space<vmem>>) semaphore(%arg12 : memref<!tpu.dma_semaphore, #tpu.memory_space<semaphore_mem>>) {add = true}
      %mul3A_198 = arith.constant 5 : i32
      %mul3A_199 = arith.muli %add3A_165, %mul3A_198 : i32
      %add3A_200 = arith.constant 2 : i32
      %add3A_201 = arith.addi %mul3A_199, %add3A_200 : i32
      %dma_start3A_202 = arith.constant 0 : i32
      %dma_start3A_203 = tpu.memref_slice %arg6[%add3A_201, %dma_start3A_202] : memref<400x25xi32, #tpu.memory_space<vmem>> -> memref<1x25xi32, #tpu.memory_space<vmem>>
      %dma_start3A_204 = tpu.memref_squeeze %dma_start3A_203 : memref<1x25xi32, #tpu.memory_space<vmem>> -> memref<25xi32, #tpu.memory_space<vmem>>
      %dma_start3A_205 = arith.constant 0 : i32
      %dma_start3A_206 = arith.constant 0 : i32
      %dma_start3A_207 = tpu.memref_slice %arg10[%dma_start3A_205, %dma_start3A_206] : memref<10240x16xf32, #tpu.memory_space<vmem_shared>> -> memref<10240x16xf32, #tpu.memory_space<vmem_shared>>
      tpu.enqueue_indirect_dma source(%arg8 : memref<25x16xf32, #tpu.memory_space<vmem>>) target(%dma_start3A_207 : memref<10240x16xf32, #tpu.memory_space<vmem_shared>>) offsets(%dma_start3A_204 : memref<25xi32, #tpu.memory_space<vmem>>) semaphore(%arg12 : memref<!tpu.dma_semaphore, #tpu.memory_space<semaphore_mem>>) {add = true}
      %dma_start3A_208 = arith.constant 0 : i32
      %dma_start3A_209 = tpu.memref_slice %arg7[%add3A_201, %dma_start3A_208] : memref<400x25xi32, #tpu.memory_space<vmem>> -> memref<1x25xi32, #tpu.memory_space<vmem>>
      %dma_start3A_210 = tpu.memref_squeeze %dma_start3A_209 : memref<1x25xi32, #tpu.memory_space<vmem>> -> memref<25xi32, #tpu.memory_space<vmem>>
      %dma_start3A_211 = arith.constant 0 : i32
      %dma_start3A_212 = arith.constant 0 : i32
      %dma_start3A_213 = tpu.memref_slice %arg11[%dma_start3A_211, %dma_start3A_212] : memref<10240x16xf32, #tpu.memory_space<vmem_shared>> -> memref<10240x16xf32, #tpu.memory_space<vmem_shared>>
      tpu.enqueue_indirect_dma source(%arg8 : memref<25x16xf32, #tpu.memory_space<vmem>>) target(%dma_start3A_213 : memref<10240x16xf32, #tpu.memory_space<vmem_shared>>) offsets(%dma_start3A_210 : memref<25xi32, #tpu.memory_space<vmem>>) semaphore(%arg12 : memref<!tpu.dma_semaphore, #tpu.memory_space<semaphore_mem>>) {add = true}
      %mul3A_214 = arith.constant 5 : i32
      %mul3A_215 = arith.muli %add3A_165, %mul3A_214 : i32
      %add3A_216 = arith.constant 3 : i32
      %add3A_217 = arith.addi %mul3A_215, %add3A_216 : i32
      %dma_start3A_218 = arith.constant 0 : i32
      %dma_start3A_219 = tpu.memref_slice %arg6[%add3A_217, %dma_start3A_218] : memref<400x25xi32, #tpu.memory_space<vmem>> -> memref<1x25xi32, #tpu.memory_space<vmem>>
      %dma_start3A_220 = tpu.memref_squeeze %dma_start3A_219 : memref<1x25xi32, #tpu.memory_space<vmem>> -> memref<25xi32, #tpu.memory_space<vmem>>
      %dma_start3A_221 = arith.constant 0 : i32
      %dma_start3A_222 = arith.constant 0 : i32
      %dma_start3A_223 = tpu.memref_slice %arg10[%dma_start3A_221, %dma_start3A_222] : memref<10240x16xf32, #tpu.memory_space<vmem_shared>> -> memref<10240x16xf32, #tpu.memory_space<vmem_shared>>
      tpu.enqueue_indirect_dma source(%arg8 : memref<25x16xf32, #tpu.memory_space<vmem>>) target(%dma_start3A_223 : memref<10240x16xf32, #tpu.memory_space<vmem_shared>>) offsets(%dma_start3A_220 : memref<25xi32, #tpu.memory_space<vmem>>) semaphore(%arg12 : memref<!tpu.dma_semaphore, #tpu.memory_space<semaphore_mem>>) {add = true}
      %dma_start3A_224 = arith.constant 0 : i32
      %dma_start3A_225 = tpu.memref_slice %arg7[%add3A_217, %dma_start3A_224] : memref<400x25xi32, #tpu.memory_space<vmem>> -> memref<1x25xi32, #tpu.memory_space<vmem>>
      %dma_start3A_226 = tpu.memref_squeeze %dma_start3A_225 : memref<1x25xi32, #tpu.memory_space<vmem>> -> memref<25xi32, #tpu.memory_space<vmem>>
      %dma_start3A_227 = arith.constant 0 : i32
      %dma_start3A_228 = arith.constant 0 : i32
      %dma_start3A_229 = tpu.memref_slice %arg11[%dma_start3A_227, %dma_start3A_228] : memref<10240x16xf32, #tpu.memory_space<vmem_shared>> -> memref<10240x16xf32, #tpu.memory_space<vmem_shared>>
      tpu.enqueue_indirect_dma source(%arg8 : memref<25x16xf32, #tpu.memory_space<vmem>>) target(%dma_start3A_229 : memref<10240x16xf32, #tpu.memory_space<vmem_shared>>) offsets(%dma_start3A_226 : memref<25xi32, #tpu.memory_space<vmem>>) semaphore(%arg12 : memref<!tpu.dma_semaphore, #tpu.memory_space<semaphore_mem>>) {add = true}
      %mul3A_230 = arith.constant 5 : i32
      %mul3A_231 = arith.muli %add3A_165, %mul3A_230 : i32
      %add3A_232 = arith.constant 4 : i32
      %add3A_233 = arith.addi %mul3A_231, %add3A_232 : i32
      %dma_start3A_234 = arith.constant 0 : i32
      %dma_start3A_235 = tpu.memref_slice %arg6[%add3A_233, %dma_start3A_234] : memref<400x25xi32, #tpu.memory_space<vmem>> -> memref<1x25xi32, #tpu.memory_space<vmem>>
      %dma_start3A_236 = tpu.memref_squeeze %dma_start3A_235 : memref<1x25xi32, #tpu.memory_space<vmem>> -> memref<25xi32, #tpu.memory_space<vmem>>
      %dma_start3A_237 = arith.constant 0 : i32
      %dma_start3A_238 = arith.constant 0 : i32
      %dma_start3A_239 = tpu.memref_slice %arg10[%dma_start3A_237, %dma_start3A_238] : memref<10240x16xf32, #tpu.memory_space<vmem_shared>> -> memref<10240x16xf32, #tpu.memory_space<vmem_shared>>
      tpu.enqueue_indirect_dma source(%arg8 : memref<25x16xf32, #tpu.memory_space<vmem>>) target(%dma_start3A_239 : memref<10240x16xf32, #tpu.memory_space<vmem_shared>>) offsets(%dma_start3A_236 : memref<25xi32, #tpu.memory_space<vmem>>) semaphore(%arg12 : memref<!tpu.dma_semaphore, #tpu.memory_space<semaphore_mem>>) {add = true}
      %dma_start3A_240 = arith.constant 0 : i32
      %dma_start3A_241 = tpu.memref_slice %arg7[%add3A_233, %dma_start3A_240] : memref<400x25xi32, #tpu.memory_space<vmem>> -> memref<1x25xi32, #tpu.memory_space<vmem>>
      %dma_start3A_242 = tpu.memref_squeeze %dma_start3A_241 : memref<1x25xi32, #tpu.memory_space<vmem>> -> memref<25xi32, #tpu.memory_space<vmem>>
      %dma_start3A_243 = arith.constant 0 : i32
      %dma_start3A_244 = arith.constant 0 : i32
      %dma_start3A_245 = tpu.memref_slice %arg11[%dma_start3A_243, %dma_start3A_244] : memref<10240x16xf32, #tpu.memory_space<vmem_shared>> -> memref<10240x16xf32, #tpu.memory_space<vmem_shared>>
      tpu.enqueue_indirect_dma source(%arg8 : memref<25x16xf32, #tpu.memory_space<vmem>>) target(%dma_start3A_245 : memref<10240x16xf32, #tpu.memory_space<vmem_shared>>) offsets(%dma_start3A_242 : memref<25xi32, #tpu.memory_space<vmem>>) semaphore(%arg12 : memref<!tpu.dma_semaphore, #tpu.memory_space<semaphore_mem>>) {add = true}
      %sub3A = arith.constant 1 : i32
      %sub3A_246 = arith.subi %add3A_165, %sub3A : i32
      %mul3A_247 = arith.constant 5 : i32
      %mul3A_248 = arith.muli %sub3A_246, %mul3A_247 : i32
      %add3A_249 = arith.constant 0 : i32
      %add3A_250 = arith.addi %mul3A_248, %add3A_249 : i32
      %dma_wait3A_251 = arith.constant 0 : i32
      %dma_wait3A_252 = tpu.memref_slice %arg6[%add3A_250, %dma_wait3A_251] : memref<400x25xi32, #tpu.memory_space<vmem>> -> memref<1x25xi32, #tpu.memory_space<vmem>>
      %dma_wait3A_253 = tpu.memref_squeeze %dma_wait3A_252 : memref<1x25xi32, #tpu.memory_space<vmem>> -> memref<25xi32, #tpu.memory_space<vmem>>
      %dma_wait3A_254 = arith.constant 0 : i32
      %dma_wait3A_255 = arith.constant 0 : i32
      %dma_wait3A_256 = tpu.memref_slice %arg10[%dma_wait3A_254, %dma_wait3A_255] : memref<10240x16xf32, #tpu.memory_space<vmem_shared>> -> memref<10240x16xf32, #tpu.memory_space<vmem_shared>>
      tpu.wait_indirect_dma semaphore(%arg12 : memref<!tpu.dma_semaphore, #tpu.memory_space<semaphore_mem>>) src(%arg8 : memref<25x16xf32, #tpu.memory_space<vmem>>) dst(%dma_wait3A_256 : memref<10240x16xf32, #tpu.memory_space<vmem_shared>>)
      %dma_wait3A_257 = arith.constant 0 : i32
      %dma_wait3A_258 = tpu.memref_slice %arg7[%add3A_250, %dma_wait3A_257] : memref<400x25xi32, #tpu.memory_space<vmem>> -> memref<1x25xi32, #tpu.memory_space<vmem>>
      %dma_wait3A_259 = tpu.memref_squeeze %dma_wait3A_258 : memref<1x25xi32, #tpu.memory_space<vmem>> -> memref<25xi32, #tpu.memory_space<vmem>>
      %dma_wait3A_260 = arith.constant 0 : i32
      %dma_wait3A_261 = arith.constant 0 : i32
      %dma_wait3A_262 = tpu.memref_slice %arg11[%dma_wait3A_260, %dma_wait3A_261] : memref<10240x16xf32, #tpu.memory_space<vmem_shared>> -> memref<10240x16xf32, #tpu.memory_space<vmem_shared>>
      tpu.wait_indirect_dma semaphore(%arg12 : memref<!tpu.dma_semaphore, #tpu.memory_space<semaphore_mem>>) src(%arg8 : memref<25x16xf32, #tpu.memory_space<vmem>>) dst(%dma_wait3A_262 : memref<10240x16xf32, #tpu.memory_space<vmem_shared>>)
      %mul3A_263 = arith.constant 5 : i32
      %mul3A_264 = arith.muli %sub3A_246, %mul3A_263 : i32
      %add3A_265 = arith.constant 1 : i32
      %add3A_266 = arith.addi %mul3A_264, %add3A_265 : i32
      %dma_wait3A_267 = arith.constant 0 : i32
      %dma_wait3A_268 = tpu.memref_slice %arg6[%add3A_266, %dma_wait3A_267] : memref<400x25xi32, #tpu.memory_space<vmem>> -> memref<1x25xi32, #tpu.memory_space<vmem>>
      %dma_wait3A_269 = tpu.memref_squeeze %dma_wait3A_268 : memref<1x25xi32, #tpu.memory_space<vmem>> -> memref<25xi32, #tpu.memory_space<vmem>>
      %dma_wait3A_270 = arith.constant 0 : i32
      %dma_wait3A_271 = arith.constant 0 : i32
      %dma_wait3A_272 = tpu.memref_slice %arg10[%dma_wait3A_270, %dma_wait3A_271] : memref<10240x16xf32, #tpu.memory_space<vmem_shared>> -> memref<10240x16xf32, #tpu.memory_space<vmem_shared>>
      tpu.wait_indirect_dma semaphore(%arg12 : memref<!tpu.dma_semaphore, #tpu.memory_space<semaphore_mem>>) src(%arg8 : memref<25x16xf32, #tpu.memory_space<vmem>>) dst(%dma_wait3A_272 : memref<10240x16xf32, #tpu.memory_space<vmem_shared>>)
      %dma_wait3A_273 = arith.constant 0 : i32
      %dma_wait3A_274 = tpu.memref_slice %arg7[%add3A_266, %dma_wait3A_273] : memref<400x25xi32, #tpu.memory_space<vmem>> -> memref<1x25xi32, #tpu.memory_space<vmem>>
      %dma_wait3A_275 = tpu.memref_squeeze %dma_wait3A_274 : memref<1x25xi32, #tpu.memory_space<vmem>> -> memref<25xi32, #tpu.memory_space<vmem>>
      %dma_wait3A_276 = arith.constant 0 : i32
      %dma_wait3A_277 = arith.constant 0 : i32
      %dma_wait3A_278 = tpu.memref_slice %arg11[%dma_wait3A_276, %dma_wait3A_277] : memref<10240x16xf32, #tpu.memory_space<vmem_shared>> -> memref<10240x16xf32, #tpu.memory_space<vmem_shared>>
      tpu.wait_indirect_dma semaphore(%arg12 : memref<!tpu.dma_semaphore, #tpu.memory_space<semaphore_mem>>) src(%arg8 : memref<25x16xf32, #tpu.memory_space<vmem>>) dst(%dma_wait3A_278 : memref<10240x16xf32, #tpu.memory_space<vmem_shared>>)
      %mul3A_279 = arith.constant 5 : i32
      %mul3A_280 = arith.muli %sub3A_246, %mul3A_279 : i32
      %add3A_281 = arith.constant 2 : i32
      %add3A_282 = arith.addi %mul3A_280, %add3A_281 : i32
      %dma_wait3A_283 = arith.constant 0 : i32
      %dma_wait3A_284 = tpu.memref_slice %arg6[%add3A_282, %dma_wait3A_283] : memref<400x25xi32, #tpu.memory_space<vmem>> -> memref<1x25xi32, #tpu.memory_space<vmem>>
      %dma_wait3A_285 = tpu.memref_squeeze %dma_wait3A_284 : memref<1x25xi32, #tpu.memory_space<vmem>> -> memref<25xi32, #tpu.memory_space<vmem>>
      %dma_wait3A_286 = arith.constant 0 : i32
      %dma_wait3A_287 = arith.constant 0 : i32
      %dma_wait3A_288 = tpu.memref_slice %arg10[%dma_wait3A_286, %dma_wait3A_287] : memref<10240x16xf32, #tpu.memory_space<vmem_shared>> -> memref<10240x16xf32, #tpu.memory_space<vmem_shared>>
      tpu.wait_indirect_dma semaphore(%arg12 : memref<!tpu.dma_semaphore, #tpu.memory_space<semaphore_mem>>) src(%arg8 : memref<25x16xf32, #tpu.memory_space<vmem>>) dst(%dma_wait3A_288 : memref<10240x16xf32, #tpu.memory_space<vmem_shared>>)
      %dma_wait3A_289 = arith.constant 0 : i32
      %dma_wait3A_290 = tpu.memref_slice %arg7[%add3A_282, %dma_wait3A_289] : memref<400x25xi32, #tpu.memory_space<vmem>> -> memref<1x25xi32, #tpu.memory_space<vmem>>
      %dma_wait3A_291 = tpu.memref_squeeze %dma_wait3A_290 : memref<1x25xi32, #tpu.memory_space<vmem>> -> memref<25xi32, #tpu.memory_space<vmem>>
      %dma_wait3A_292 = arith.constant 0 : i32
      %dma_wait3A_293 = arith.constant 0 : i32
      %dma_wait3A_294 = tpu.memref_slice %arg11[%dma_wait3A_292, %dma_wait3A_293] : memref<10240x16xf32, #tpu.memory_space<vmem_shared>> -> memref<10240x16xf32, #tpu.memory_space<vmem_shared>>
      tpu.wait_indirect_dma semaphore(%arg12 : memref<!tpu.dma_semaphore, #tpu.memory_space<semaphore_mem>>) src(%arg8 : memref<25x16xf32, #tpu.memory_space<vmem>>) dst(%dma_wait3A_294 : memref<10240x16xf32, #tpu.memory_space<vmem_shared>>)
      %mul3A_295 = arith.constant 5 : i32
      %mul3A_296 = arith.muli %sub3A_246, %mul3A_295 : i32
      %add3A_297 = arith.constant 3 : i32
      %add3A_298 = arith.addi %mul3A_296, %add3A_297 : i32
      %dma_wait3A_299 = arith.constant 0 : i32
      %dma_wait3A_300 = tpu.memref_slice %arg6[%add3A_298, %dma_wait3A_299] : memref<400x25xi32, #tpu.memory_space<vmem>> -> memref<1x25xi32, #tpu.memory_space<vmem>>
      %dma_wait3A_301 = tpu.memref_squeeze %dma_wait3A_300 : memref<1x25xi32, #tpu.memory_space<vmem>> -> memref<25xi32, #tpu.memory_space<vmem>>
      %dma_wait3A_302 = arith.constant 0 : i32
      %dma_wait3A_303 = arith.constant 0 : i32
      %dma_wait3A_304 = tpu.memref_slice %arg10[%dma_wait3A_302, %dma_wait3A_303] : memref<10240x16xf32, #tpu.memory_space<vmem_shared>> -> memref<10240x16xf32, #tpu.memory_space<vmem_shared>>
      tpu.wait_indirect_dma semaphore(%arg12 : memref<!tpu.dma_semaphore, #tpu.memory_space<semaphore_mem>>) src(%arg8 : memref<25x16xf32, #tpu.memory_space<vmem>>) dst(%dma_wait3A_304 : memref<10240x16xf32, #tpu.memory_space<vmem_shared>>)
      %dma_wait3A_305 = arith.constant 0 : i32
      %dma_wait3A_306 = tpu.memref_slice %arg7[%add3A_298, %dma_wait3A_305] : memref<400x25xi32, #tpu.memory_space<vmem>> -> memref<1x25xi32, #tpu.memory_space<vmem>>
      %dma_wait3A_307 = tpu.memref_squeeze %dma_wait3A_306 : memref<1x25xi32, #tpu.memory_space<vmem>> -> memref<25xi32, #tpu.memory_space<vmem>>
      %dma_wait3A_308 = arith.constant 0 : i32
      %dma_wait3A_309 = arith.constant 0 : i32
      %dma_wait3A_310 = tpu.memref_slice %arg11[%dma_wait3A_308, %dma_wait3A_309] : memref<10240x16xf32, #tpu.memory_space<vmem_shared>> -> memref<10240x16xf32, #tpu.memory_space<vmem_shared>>
      tpu.wait_indirect_dma semaphore(%arg12 : memref<!tpu.dma_semaphore, #tpu.memory_space<semaphore_mem>>) src(%arg8 : memref<25x16xf32, #tpu.memory_space<vmem>>) dst(%dma_wait3A_310 : memref<10240x16xf32, #tpu.memory_space<vmem_shared>>)
      %mul3A_311 = arith.constant 5 : i32
      %mul3A_312 = arith.muli %sub3A_246, %mul3A_311 : i32
      %add3A_313 = arith.constant 4 : i32
      %add3A_314 = arith.addi %mul3A_312, %add3A_313 : i32
      %dma_wait3A_315 = arith.constant 0 : i32
      %dma_wait3A_316 = tpu.memref_slice %arg6[%add3A_314, %dma_wait3A_315] : memref<400x25xi32, #tpu.memory_space<vmem>> -> memref<1x25xi32, #tpu.memory_space<vmem>>
      %dma_wait3A_317 = tpu.memref_squeeze %dma_wait3A_316 : memref<1x25xi32, #tpu.memory_space<vmem>> -> memref<25xi32, #tpu.memory_space<vmem>>
      %dma_wait3A_318 = arith.constant 0 : i32
      %dma_wait3A_319 = arith.constant 0 : i32
      %dma_wait3A_320 = tpu.memref_slice %arg10[%dma_wait3A_318, %dma_wait3A_319] : memref<10240x16xf32, #tpu.memory_space<vmem_shared>> -> memref<10240x16xf32, #tpu.memory_space<vmem_shared>>
      tpu.wait_indirect_dma semaphore(%arg12 : memref<!tpu.dma_semaphore, #tpu.memory_space<semaphore_mem>>) src(%arg8 : memref<25x16xf32, #tpu.memory_space<vmem>>) dst(%dma_wait3A_320 : memref<10240x16xf32, #tpu.memory_space<vmem_shared>>)
      %dma_wait3A_321 = arith.constant 0 : i32
      %dma_wait3A_322 = tpu.memref_slice %arg7[%add3A_314, %dma_wait3A_321] : memref<400x25xi32, #tpu.memory_space<vmem>> -> memref<1x25xi32, #tpu.memory_space<vmem>>
      %dma_wait3A_323 = tpu.memref_squeeze %dma_wait3A_322 : memref<1x25xi32, #tpu.memory_space<vmem>> -> memref<25xi32, #tpu.memory_space<vmem>>
      %dma_wait3A_324 = arith.constant 0 : i32
      %dma_wait3A_325 = arith.constant 0 : i32
      %dma_wait3A_326 = tpu.memref_slice %arg11[%dma_wait3A_324, %dma_wait3A_325] : memref<10240x16xf32, #tpu.memory_space<vmem_shared>> -> memref<10240x16xf32, #tpu.memory_space<vmem_shared>>
      tpu.wait_indirect_dma semaphore(%arg12 : memref<!tpu.dma_semaphore, #tpu.memory_space<semaphore_mem>>) src(%arg8 : memref<25x16xf32, #tpu.memory_space<vmem>>) dst(%dma_wait3A_326 : memref<10240x16xf32, #tpu.memory_space<vmem_shared>>)
    }
    %scan3A_88 = arith.constant 79 : i32
    %dma_wait3A = arith.constant 395 : i32
    %dma_wait3A_89 = arith.constant 0 : i32
    %dma_wait3A_90 = tpu.memref_slice %arg6[%dma_wait3A, %dma_wait3A_89] : memref<400x25xi32, #tpu.memory_space<vmem>> -> memref<1x25xi32, #tpu.memory_space<vmem>>
    %dma_wait3A_91 = tpu.memref_squeeze %dma_wait3A_90 : memref<1x25xi32, #tpu.memory_space<vmem>> -> memref<25xi32, #tpu.memory_space<vmem>>
    %dma_wait3A_92 = arith.constant 0 : i32
    %dma_wait3A_93 = arith.constant 0 : i32
    %dma_wait3A_94 = tpu.memref_slice %arg10[%dma_wait3A_92, %dma_wait3A_93] : memref<10240x16xf32, #tpu.memory_space<vmem_shared>> -> memref<10240x16xf32, #tpu.memory_space<vmem_shared>>
    tpu.wait_indirect_dma semaphore(%arg12 : memref<!tpu.dma_semaphore, #tpu.memory_space<semaphore_mem>>) src(%arg8 : memref<25x16xf32, #tpu.memory_space<vmem>>) dst(%dma_wait3A_94 : memref<10240x16xf32, #tpu.memory_space<vmem_shared>>)
    %dma_wait3A_95 = arith.constant 395 : i32
    %dma_wait3A_96 = arith.constant 0 : i32
    %dma_wait3A_97 = tpu.memref_slice %arg7[%dma_wait3A_95, %dma_wait3A_96] : memref<400x25xi32, #tpu.memory_space<vmem>> -> memref<1x25xi32, #tpu.memory_space<vmem>>
    %dma_wait3A_98 = tpu.memref_squeeze %dma_wait3A_97 : memref<1x25xi32, #tpu.memory_space<vmem>> -> memref<25xi32, #tpu.memory_space<vmem>>
    %dma_wait3A_99 = arith.constant 0 : i32
    %dma_wait3A_100 = arith.constant 0 : i32
    %dma_wait3A_101 = tpu.memref_slice %arg11[%dma_wait3A_99, %dma_wait3A_100] : memref<10240x16xf32, #tpu.memory_space<vmem_shared>> -> memref<10240x16xf32, #tpu.memory_space<vmem_shared>>
    tpu.wait_indirect_dma semaphore(%arg12 : memref<!tpu.dma_semaphore, #tpu.memory_space<semaphore_mem>>) src(%arg8 : memref<25x16xf32, #tpu.memory_space<vmem>>) dst(%dma_wait3A_101 : memref<10240x16xf32, #tpu.memory_space<vmem_shared>>)
    %dma_wait3A_102 = arith.constant 396 : i32
    %dma_wait3A_103 = arith.constant 0 : i32
    %dma_wait3A_104 = tpu.memref_slice %arg6[%dma_wait3A_102, %dma_wait3A_103] : memref<400x25xi32, #tpu.memory_space<vmem>> -> memref<1x25xi32, #tpu.memory_space<vmem>>
    %dma_wait3A_105 = tpu.memref_squeeze %dma_wait3A_104 : memref<1x25xi32, #tpu.memory_space<vmem>> -> memref<25xi32, #tpu.memory_space<vmem>>
    %dma_wait3A_106 = arith.constant 0 : i32
    %dma_wait3A_107 = arith.constant 0 : i32
    %dma_wait3A_108 = tpu.memref_slice %arg10[%dma_wait3A_106, %dma_wait3A_107] : memref<10240x16xf32, #tpu.memory_space<vmem_shared>> -> memref<10240x16xf32, #tpu.memory_space<vmem_shared>>
    tpu.wait_indirect_dma semaphore(%arg12 : memref<!tpu.dma_semaphore, #tpu.memory_space<semaphore_mem>>) src(%arg8 : memref<25x16xf32, #tpu.memory_space<vmem>>) dst(%dma_wait3A_108 : memref<10240x16xf32, #tpu.memory_space<vmem_shared>>)
    %dma_wait3A_109 = arith.constant 396 : i32
    %dma_wait3A_110 = arith.constant 0 : i32
    %dma_wait3A_111 = tpu.memref_slice %arg7[%dma_wait3A_109, %dma_wait3A_110] : memref<400x25xi32, #tpu.memory_space<vmem>> -> memref<1x25xi32, #tpu.memory_space<vmem>>
    %dma_wait3A_112 = tpu.memref_squeeze %dma_wait3A_111 : memref<1x25xi32, #tpu.memory_space<vmem>> -> memref<25xi32, #tpu.memory_space<vmem>>
    %dma_wait3A_113 = arith.constant 0 : i32
    %dma_wait3A_114 = arith.constant 0 : i32
    %dma_wait3A_115 = tpu.memref_slice %arg11[%dma_wait3A_113, %dma_wait3A_114] : memref<10240x16xf32, #tpu.memory_space<vmem_shared>> -> memref<10240x16xf32, #tpu.memory_space<vmem_shared>>
    tpu.wait_indirect_dma semaphore(%arg12 : memref<!tpu.dma_semaphore, #tpu.memory_space<semaphore_mem>>) src(%arg8 : memref<25x16xf32, #tpu.memory_space<vmem>>) dst(%dma_wait3A_115 : memref<10240x16xf32, #tpu.memory_space<vmem_shared>>)
    %dma_wait3A_116 = arith.constant 397 : i32
    %dma_wait3A_117 = arith.constant 0 : i32
    %dma_wait3A_118 = tpu.memref_slice %arg6[%dma_wait3A_116, %dma_wait3A_117] : memref<400x25xi32, #tpu.memory_space<vmem>> -> memref<1x25xi32, #tpu.memory_space<vmem>>
    %dma_wait3A_119 = tpu.memref_squeeze %dma_wait3A_118 : memref<1x25xi32, #tpu.memory_space<vmem>> -> memref<25xi32, #tpu.memory_space<vmem>>
    %dma_wait3A_120 = arith.constant 0 : i32
    %dma_wait3A_121 = arith.constant 0 : i32
    %dma_wait3A_122 = tpu.memref_slice %arg10[%dma_wait3A_120, %dma_wait3A_121] : memref<10240x16xf32, #tpu.memory_space<vmem_shared>> -> memref<10240x16xf32, #tpu.memory_space<vmem_shared>>
    tpu.wait_indirect_dma semaphore(%arg12 : memref<!tpu.dma_semaphore, #tpu.memory_space<semaphore_mem>>) src(%arg8 : memref<25x16xf32, #tpu.memory_space<vmem>>) dst(%dma_wait3A_122 : memref<10240x16xf32, #tpu.memory_space<vmem_shared>>)
    %dma_wait3A_123 = arith.constant 397 : i32
    %dma_wait3A_124 = arith.constant 0 : i32
    %dma_wait3A_125 = tpu.memref_slice %arg7[%dma_wait3A_123, %dma_wait3A_124] : memref<400x25xi32, #tpu.memory_space<vmem>> -> memref<1x25xi32, #tpu.memory_space<vmem>>
    %dma_wait3A_126 = tpu.memref_squeeze %dma_wait3A_125 : memref<1x25xi32, #tpu.memory_space<vmem>> -> memref<25xi32, #tpu.memory_space<vmem>>
    %dma_wait3A_127 = arith.constant 0 : i32
    %dma_wait3A_128 = arith.constant 0 : i32
    %dma_wait3A_129 = tpu.memref_slice %arg11[%dma_wait3A_127, %dma_wait3A_128] : memref<10240x16xf32, #tpu.memory_space<vmem_shared>> -> memref<10240x16xf32, #tpu.memory_space<vmem_shared>>
    tpu.wait_indirect_dma semaphore(%arg12 : memref<!tpu.dma_semaphore, #tpu.memory_space<semaphore_mem>>) src(%arg8 : memref<25x16xf32, #tpu.memory_space<vmem>>) dst(%dma_wait3A_129 : memref<10240x16xf32, #tpu.memory_space<vmem_shared>>)
    %dma_wait3A_130 = arith.constant 398 : i32
    %dma_wait3A_131 = arith.constant 0 : i32
    %dma_wait3A_132 = tpu.memref_slice %arg6[%dma_wait3A_130, %dma_wait3A_131] : memref<400x25xi32, #tpu.memory_space<vmem>> -> memref<1x25xi32, #tpu.memory_space<vmem>>
    %dma_wait3A_133 = tpu.memref_squeeze %dma_wait3A_132 : memref<1x25xi32, #tpu.memory_space<vmem>> -> memref<25xi32, #tpu.memory_space<vmem>>
    %dma_wait3A_134 = arith.constant 0 : i32
    %dma_wait3A_135 = arith.constant 0 : i32
    %dma_wait3A_136 = tpu.memref_slice %arg10[%dma_wait3A_134, %dma_wait3A_135] : memref<10240x16xf32, #tpu.memory_space<vmem_shared>> -> memref<10240x16xf32, #tpu.memory_space<vmem_shared>>
    tpu.wait_indirect_dma semaphore(%arg12 : memref<!tpu.dma_semaphore, #tpu.memory_space<semaphore_mem>>) src(%arg8 : memref<25x16xf32, #tpu.memory_space<vmem>>) dst(%dma_wait3A_136 : memref<10240x16xf32, #tpu.memory_space<vmem_shared>>)
    %dma_wait3A_137 = arith.constant 398 : i32
    %dma_wait3A_138 = arith.constant 0 : i32
    %dma_wait3A_139 = tpu.memref_slice %arg7[%dma_wait3A_137, %dma_wait3A_138] : memref<400x25xi32, #tpu.memory_space<vmem>> -> memref<1x25xi32, #tpu.memory_space<vmem>>
    %dma_wait3A_140 = tpu.memref_squeeze %dma_wait3A_139 : memref<1x25xi32, #tpu.memory_space<vmem>> -> memref<25xi32, #tpu.memory_space<vmem>>
    %dma_wait3A_141 = arith.constant 0 : i32
    %dma_wait3A_142 = arith.constant 0 : i32
    %dma_wait3A_143 = tpu.memref_slice %arg11[%dma_wait3A_141, %dma_wait3A_142] : memref<10240x16xf32, #tpu.memory_space<vmem_shared>> -> memref<10240x16xf32, #tpu.memory_space<vmem_shared>>
    tpu.wait_indirect_dma semaphore(%arg12 : memref<!tpu.dma_semaphore, #tpu.memory_space<semaphore_mem>>) src(%arg8 : memref<25x16xf32, #tpu.memory_space<vmem>>) dst(%dma_wait3A_143 : memref<10240x16xf32, #tpu.memory_space<vmem_shared>>)
    %dma_wait3A_144 = arith.constant 399 : i32
    %dma_wait3A_145 = arith.constant 0 : i32
    %dma_wait3A_146 = tpu.memref_slice %arg6[%dma_wait3A_144, %dma_wait3A_145] : memref<400x25xi32, #tpu.memory_space<vmem>> -> memref<1x25xi32, #tpu.memory_space<vmem>>
    %dma_wait3A_147 = tpu.memref_squeeze %dma_wait3A_146 : memref<1x25xi32, #tpu.memory_space<vmem>> -> memref<25xi32, #tpu.memory_space<vmem>>
    %dma_wait3A_148 = arith.constant 0 : i32
    %dma_wait3A_149 = arith.constant 0 : i32
    %dma_wait3A_150 = tpu.memref_slice %arg10[%dma_wait3A_148, %dma_wait3A_149] : memref<10240x16xf32, #tpu.memory_space<vmem_shared>> -> memref<10240x16xf32, #tpu.memory_space<vmem_shared>>
    tpu.wait_indirect_dma semaphore(%arg12 : memref<!tpu.dma_semaphore, #tpu.memory_space<semaphore_mem>>) src(%arg8 : memref<25x16xf32, #tpu.memory_space<vmem>>) dst(%dma_wait3A_150 : memref<10240x16xf32, #tpu.memory_space<vmem_shared>>)
    %dma_wait3A_151 = arith.constant 399 : i32
    %dma_wait3A_152 = arith.constant 0 : i32
    %dma_wait3A_153 = tpu.memref_slice %arg7[%dma_wait3A_151, %dma_wait3A_152] : memref<400x25xi32, #tpu.memory_space<vmem>> -> memref<1x25xi32, #tpu.memory_space<vmem>>
    %dma_wait3A_154 = tpu.memref_squeeze %dma_wait3A_153 : memref<1x25xi32, #tpu.memory_space<vmem>> -> memref<25xi32, #tpu.memory_space<vmem>>
    %dma_wait3A_155 = arith.constant 0 : i32
    %dma_wait3A_156 = arith.constant 0 : i32
    %dma_wait3A_157 = tpu.memref_slice %arg11[%dma_wait3A_155, %dma_wait3A_156] : memref<10240x16xf32, #tpu.memory_space<vmem_shared>> -> memref<10240x16xf32, #tpu.memory_space<vmem_shared>>
    tpu.wait_indirect_dma semaphore(%arg12 : memref<!tpu.dma_semaphore, #tpu.memory_space<semaphore_mem>>) src(%arg8 : memref<25x16xf32, #tpu.memory_space<vmem>>) dst(%dma_wait3A_157 : memref<10240x16xf32, #tpu.memory_space<vmem_shared>>)
    %barrier3A_158 = arith.constant 0 : index
    tpu.barrier barrier_id(%barrier3A_158)
    %mul3A_159 = arith.constant 640 : i32
    %mul3A_160 = arith.muli %arg1, %mul3A_159 : i32
    "tpu.region"() ({
      %run_scoped3A = tpu.sem_alloc : memref<!tpu.dma_semaphore, #tpu.memory_space<semaphore_mem>>
      %dma_start3A_161 = arith.constant 0 : i32
      %dma_start3A_162 = tpu.memref_slice %arg4[%arg0, %mul3A_160, %dma_start3A_161] : memref<2x10240x16xf32, #tpu.memory_space<hbm>> -> memref<1x640x16xf32, #tpu.memory_space<hbm>>
      %dma_start3A_163 = tpu.memref_squeeze %dma_start3A_162 : memref<1x640x16xf32, #tpu.memory_space<hbm>> -> memref<640x16xf32, #tpu.memory_space<hbm>>
      %dma_start3A_164 = arith.constant 0 : i32
      %dma_start3A_165 = tpu.memref_slice %arg10[%mul3A_160, %dma_start3A_164] : memref<10240x16xf32, #tpu.memory_space<vmem_shared>> -> memref<640x16xf32, #tpu.memory_space<vmem_shared>>
      tpu.enqueue_dma source(%dma_start3A_165 : memref<640x16xf32, #tpu.memory_space<vmem_shared>>) target(%dma_start3A_163 : memref<640x16xf32, #tpu.memory_space<hbm>>) target_semaphore(%run_scoped3A : memref<!tpu.dma_semaphore, #tpu.memory_space<semaphore_mem>>)
      %dma_wait3A_166 = arith.constant 0 : i32
      %dma_wait3A_167 = tpu.memref_slice %arg4[%arg0, %mul3A_160, %dma_wait3A_166] : memref<2x10240x16xf32, #tpu.memory_space<hbm>> -> memref<1x640x16xf32, #tpu.memory_space<hbm>>
      %dma_wait3A_168 = tpu.memref_squeeze %dma_wait3A_167 : memref<1x640x16xf32, #tpu.memory_space<hbm>> -> memref<640x16xf32, #tpu.memory_space<hbm>>
      %dma_wait3A_169 = arith.constant 0 : i32
      %dma_wait3A_170 = tpu.memref_slice %arg10[%mul3A_160, %dma_wait3A_169] : memref<10240x16xf32, #tpu.memory_space<vmem_shared>> -> memref<640x16xf32, #tpu.memory_space<vmem_shared>>
      tpu.wait_dma2 semaphore(%run_scoped3A : memref<!tpu.dma_semaphore, #tpu.memory_space<semaphore_mem>>) src(%dma_wait3A_170 : memref<640x16xf32, #tpu.memory_space<vmem_shared>>) dst(%dma_wait3A_168 : memref<640x16xf32, #tpu.memory_space<hbm>>)
      tpu.yield
    }) : () -> ()
    "tpu.region"() ({
      %run_scoped3A = tpu.sem_alloc : memref<!tpu.dma_semaphore, #tpu.memory_space<semaphore_mem>>
      %dma_start3A_161 = arith.constant 0 : i32
      %dma_start3A_162 = tpu.memref_slice %arg5[%arg0, %mul3A_160, %dma_start3A_161] : memref<2x10240x16xf32, #tpu.memory_space<hbm>> -> memref<1x640x16xf32, #tpu.memory_space<hbm>>
      %dma_start3A_163 = tpu.memref_squeeze %dma_start3A_162 : memref<1x640x16xf32, #tpu.memory_space<hbm>> -> memref<640x16xf32, #tpu.memory_space<hbm>>
      %dma_start3A_164 = arith.constant 0 : i32
      %dma_start3A_165 = tpu.memref_slice %arg11[%mul3A_160, %dma_start3A_164] : memref<10240x16xf32, #tpu.memory_space<vmem_shared>> -> memref<640x16xf32, #tpu.memory_space<vmem_shared>>
      tpu.enqueue_dma source(%dma_start3A_165 : memref<640x16xf32, #tpu.memory_space<vmem_shared>>) target(%dma_start3A_163 : memref<640x16xf32, #tpu.memory_space<hbm>>) target_semaphore(%run_scoped3A : memref<!tpu.dma_semaphore, #tpu.memory_space<semaphore_mem>>)
      %dma_wait3A_166 = arith.constant 0 : i32
      %dma_wait3A_167 = tpu.memref_slice %arg5[%arg0, %mul3A_160, %dma_wait3A_166] : memref<2x10240x16xf32, #tpu.memory_space<hbm>> -> memref<1x640x16xf32, #tpu.memory_space<hbm>>
      %dma_wait3A_168 = tpu.memref_squeeze %dma_wait3A_167 : memref<1x640x16xf32, #tpu.memory_space<hbm>> -> memref<640x16xf32, #tpu.memory_space<hbm>>
      %dma_wait3A_169 = arith.constant 0 : i32
      %dma_wait3A_170 = tpu.memref_slice %arg11[%mul3A_160, %dma_wait3A_169] : memref<10240x16xf32, #tpu.memory_space<vmem_shared>> -> memref<640x16xf32, #tpu.memory_space<vmem_shared>>
      tpu.wait_dma2 semaphore(%run_scoped3A : memref<!tpu.dma_semaphore, #tpu.memory_space<semaphore_mem>>) src(%dma_wait3A_170 : memref<640x16xf32, #tpu.memory_space<vmem_shared>>) dst(%dma_wait3A_168 : memref<640x16xf32, #tpu.memory_space<hbm>>)
      tpu.yield
    }) : () -> ()
    return
  }
}

#map = affine_map<(d0, d1) -> (0, 0)>
#map1 = affine_map<(d0, d1) -> (0, 0, 0)>
module attributes {stable_mosaic.version = 14 : i64} {
  func.func @agg_kernel(%arg0: i32, %arg1: i32, %arg2: memref<10000x128xf32, #tpu.memory_space<hbm>>, %arg3: memref<2560x5x25xi32, #tpu.memory_space<hbm>>, %arg4: memref<32x400x25xi32, #tpu.memory_space<hbm>>, %arg5: memref<2x10240x128xf32, #tpu.memory_space<hbm>>, %arg6: memref<5x25xi32, #tpu.memory_space<vmem>>, %arg7: memref<5x25xi32, #tpu.memory_space<vmem>>, %arg8: memref<400x25xi32, #tpu.memory_space<vmem>>, %arg9: memref<25x128xf32, #tpu.memory_space<vmem>>, %arg10: memref<25x128xf32, #tpu.memory_space<vmem>>, %arg11: memref<25x128xf32, #tpu.memory_space<vmem>>, %arg12: memref<25x128xf32, #tpu.memory_space<vmem>>, %arg13: memref<25x128xf32, #tpu.memory_space<vmem>>, %arg14: memref<25x128xf32, #tpu.memory_space<vmem>>, %arg15: memref<25x128xf32, #tpu.memory_space<vmem>>, %arg16: memref<25x128xf32, #tpu.memory_space<vmem>>, %arg17: memref<25x128xf32, #tpu.memory_space<vmem>>, %arg18: memref<25x128xf32, #tpu.memory_space<vmem>>, %arg19: memref<10240x128xf32, #tpu.memory_space<vmem_shared>>, %arg20: memref<!tpu.dma_semaphore, #tpu.memory_space<semaphore_mem>>, %arg21: memref<!tpu.dma_semaphore, #tpu.memory_space<semaphore_mem>>, %arg22: memref<!tpu.dma_semaphore, #tpu.memory_space<semaphore_mem>>, %arg23: memref<!tpu.dma_semaphore, #tpu.memory_space<semaphore_mem>>) attributes {dimension_semantics = [#tpu.dimension_semantics<core_parallel>, #tpu.dimension_semantics<subcore_parallel>], iteration_bounds = array<i64: 2, 16>, scalar_prefetch = 0 : i64, scratch_operands = 18 : i64, tpu.core_type = #tpu.core_type<sc_vector_subcore>, window_params = [{transform_indices = #map}, {transform_indices = #map1}, {transform_indices = #map1}, {transform_indices = #map1}]} {
    %mul3A = arith.constant 2 : i32
    %mul3A_0 = arith.muli %arg1, %mul3A : i32
    %add3A = arith.addi %mul3A_0, %arg0 : i32
    %dma_start3A = arith.constant 0 : i32
    %dma_start3A_1 = arith.constant 0 : i32
    %dma_start3A_2 = tpu.memref_slice %arg4[%add3A, %dma_start3A, %dma_start3A_1] : memref<32x400x25xi32, #tpu.memory_space<hbm>> -> memref<1x400x25xi32, #tpu.memory_space<hbm>>
    %dma_start3A_3 = tpu.memref_squeeze %dma_start3A_2 : memref<1x400x25xi32, #tpu.memory_space<hbm>> -> memref<400x25xi32, #tpu.memory_space<hbm>>
    %dma_start3A_4 = arith.constant 0 : i32
    %dma_start3A_5 = arith.constant 0 : i32
    %dma_start3A_6 = tpu.memref_slice %arg4[%add3A, %dma_start3A_4, %dma_start3A_5] : memref<32x400x25xi32, #tpu.memory_space<hbm>> -> memref<1x400x25xi32, #tpu.memory_space<hbm>>
    %dma_start3A_7 = tpu.memref_squeeze %dma_start3A_6 : memref<1x400x25xi32, #tpu.memory_space<hbm>> -> memref<400x25xi32, #tpu.memory_space<hbm>>
    tpu.enqueue_dma source(%dma_start3A_7 : memref<400x25xi32, #tpu.memory_space<hbm>>) target(%arg8 : memref<400x25xi32, #tpu.memory_space<vmem>>) target_semaphore(%arg21 : memref<!tpu.dma_semaphore, #tpu.memory_space<semaphore_mem>>)
    %scan3A = arith.constant 0 : i32
    %scan3A_8 = arith.constant 25 : i32
    %scan3A_9 = arith.addi %scan3A, %scan3A_8 : i32
    %scan3A_10 = arith.constant 1 : i32
    scf.for %scan3A_164 = %scan3A to %scan3A_9 step %scan3A_10  : i32 {
      %mul3A_165 = arith.constant 1 : i32
      %mul3A_166 = arith.muli %scan3A_164, %mul3A_165 : i32
      %add3A_167 = arith.constant 0 : i32
      %add3A_168 = arith.addi %add3A_167, %mul3A_166 : i32
      %scan3A_169 = arith.constant 0 : i32
      %scan3A_170 = arith.constant 8 : i32
      %scan3A_171 = arith.addi %scan3A_169, %scan3A_170 : i32
      %scan3A_172 = arith.constant 1 : i32
      scf.for %scan3A_174 = %scan3A_169 to %scan3A_171 step %scan3A_172  : i32 {
        %mul3A_175 = arith.constant 16 : i32
        %mul3A_176 = arith.muli %scan3A_174, %mul3A_175 : i32
        %add3A_177 = arith.constant 0 : i32
        %add3A_178 = arith.addi %add3A_177, %mul3A_176 : i32
        %broadcast_in_dim3A = arith.constant 0.000000e+00 : f32
        %broadcast_in_dim3A_179 = vector.broadcast %broadcast_in_dim3A : f32 to vector<16xf32>
        %swap3A = arith.index_cast %add3A_168 : i32 to index
        %swap3A_180 = arith.index_cast %add3A_178 : i32 to index
        %swap3A_181 = tpu.vector_load %arg9[%swap3A, %swap3A_180] {strides = array<i32>} : memref<25x128xf32, #tpu.memory_space<vmem>>, vector<1x16xf32>,
        %swap3A_182 = vector.shape_cast %swap3A_181 : vector<1x16xf32> to vector<16xf32>
        %swap3A_183 = vector.shape_cast %broadcast_in_dim3A_179 : vector<16xf32> to vector<1x16xf32>
        tpu.vector_store %arg9[%swap3A, %swap3A_180], %swap3A_183 {strides = array<i32>} : memref<25x128xf32, #tpu.memory_space<vmem>>, vector<1x16xf32>,
      }
      %scan3A_173 = arith.constant 8 : i32
    }
    %scan3A_11 = arith.constant 25 : i32
    %scan3A_12 = arith.constant 0 : i32
    %scan3A_13 = arith.constant 25 : i32
    %scan3A_14 = arith.addi %scan3A_12, %scan3A_13 : i32
    %scan3A_15 = arith.constant 1 : i32
    scf.for %scan3A_164 = %scan3A_12 to %scan3A_14 step %scan3A_15  : i32 {
      %mul3A_165 = arith.constant 1 : i32
      %mul3A_166 = arith.muli %scan3A_164, %mul3A_165 : i32
      %add3A_167 = arith.constant 0 : i32
      %add3A_168 = arith.addi %add3A_167, %mul3A_166 : i32
      %scan3A_169 = arith.constant 0 : i32
      %scan3A_170 = arith.constant 8 : i32
      %scan3A_171 = arith.addi %scan3A_169, %scan3A_170 : i32
      %scan3A_172 = arith.constant 1 : i32
      scf.for %scan3A_174 = %scan3A_169 to %scan3A_171 step %scan3A_172  : i32 {
        %mul3A_175 = arith.constant 16 : i32
        %mul3A_176 = arith.muli %scan3A_174, %mul3A_175 : i32
        %add3A_177 = arith.constant 0 : i32
        %add3A_178 = arith.addi %add3A_177, %mul3A_176 : i32
        %broadcast_in_dim3A = arith.constant 0.000000e+00 : f32
        %broadcast_in_dim3A_179 = vector.broadcast %broadcast_in_dim3A : f32 to vector<16xf32>
        %swap3A = arith.index_cast %add3A_168 : i32 to index
        %swap3A_180 = arith.index_cast %add3A_178 : i32 to index
        %swap3A_181 = tpu.vector_load %arg10[%swap3A, %swap3A_180] {strides = array<i32>} : memref<25x128xf32, #tpu.memory_space<vmem>>, vector<1x16xf32>,
        %swap3A_182 = vector.shape_cast %swap3A_181 : vector<1x16xf32> to vector<16xf32>
        %swap3A_183 = vector.shape_cast %broadcast_in_dim3A_179 : vector<16xf32> to vector<1x16xf32>
        tpu.vector_store %arg10[%swap3A, %swap3A_180], %swap3A_183 {strides = array<i32>} : memref<25x128xf32, #tpu.memory_space<vmem>>, vector<1x16xf32>,
      }
      %scan3A_173 = arith.constant 8 : i32
    }
    %scan3A_16 = arith.constant 25 : i32
    %scan3A_17 = arith.constant 0 : i32
    %scan3A_18 = arith.constant 25 : i32
    %scan3A_19 = arith.addi %scan3A_17, %scan3A_18 : i32
    %scan3A_20 = arith.constant 1 : i32
    scf.for %scan3A_164 = %scan3A_17 to %scan3A_19 step %scan3A_20  : i32 {
      %mul3A_165 = arith.constant 1 : i32
      %mul3A_166 = arith.muli %scan3A_164, %mul3A_165 : i32
      %add3A_167 = arith.constant 0 : i32
      %add3A_168 = arith.addi %add3A_167, %mul3A_166 : i32
      %mul3A_169 = arith.constant 640 : i32
      %mul3A_170 = arith.muli %arg1, %mul3A_169 : i32
      %mul3A_171 = arith.constant 25 : i32
      %mul3A_172 = arith.muli %add3A_168, %mul3A_171 : i32
      %add3A_173 = arith.addi %mul3A_170, %mul3A_172 : i32
      %dma_start3A_174 = arith.constant 0 : i32
      %dma_start3A_175 = tpu.memref_slice %arg19[%add3A_173, %dma_start3A_174] : memref<10240x128xf32, #tpu.memory_space<vmem_shared>> -> memref<25x128xf32, #tpu.memory_space<vmem_shared>>
      %dma_start3A_176 = arith.constant 0 : i32
      %dma_start3A_177 = tpu.memref_slice %arg19[%add3A_173, %dma_start3A_176] : memref<10240x128xf32, #tpu.memory_space<vmem_shared>> -> memref<25x128xf32, #tpu.memory_space<vmem_shared>>
      tpu.enqueue_dma source(%arg9 : memref<25x128xf32, #tpu.memory_space<vmem>>) target(%dma_start3A_177 : memref<25x128xf32, #tpu.memory_space<vmem_shared>>) target_semaphore(%arg20 : memref<!tpu.dma_semaphore, #tpu.memory_space<semaphore_mem>>)
    }
    %scan3A_21 = arith.constant 25 : i32
    %mul3A_22 = arith.constant 640 : i32
    %mul3A_23 = arith.muli %arg1, %mul3A_22 : i32
    %add3A_24 = arith.constant 625 : i32
    %add3A_25 = arith.addi %mul3A_23, %add3A_24 : i32
    %dma_start3A_26 = arith.constant 0 : i32
    %dma_start3A_27 = arith.constant 0 : i32
    %dma_start3A_28 = tpu.memref_slice %arg10[%dma_start3A_26, %dma_start3A_27] : memref<25x128xf32, #tpu.memory_space<vmem>> -> memref<15x128xf32, #tpu.memory_space<vmem>>
    %dma_start3A_29 = arith.constant 0 : i32
    %dma_start3A_30 = tpu.memref_slice %arg19[%add3A_25, %dma_start3A_29] : memref<10240x128xf32, #tpu.memory_space<vmem_shared>> -> memref<15x128xf32, #tpu.memory_space<vmem_shared>>
    %dma_start3A_31 = arith.constant 0 : i32
    %dma_start3A_32 = tpu.memref_slice %arg19[%add3A_25, %dma_start3A_31] : memref<10240x128xf32, #tpu.memory_space<vmem_shared>> -> memref<15x128xf32, #tpu.memory_space<vmem_shared>>
    %dma_start3A_33 = arith.constant 0 : i32
    %dma_start3A_34 = arith.constant 0 : i32
    %dma_start3A_35 = tpu.memref_slice %arg10[%dma_start3A_33, %dma_start3A_34] : memref<25x128xf32, #tpu.memory_space<vmem>> -> memref<15x128xf32, #tpu.memory_space<vmem>>
    tpu.enqueue_dma source(%dma_start3A_35 : memref<15x128xf32, #tpu.memory_space<vmem>>) target(%dma_start3A_32 : memref<15x128xf32, #tpu.memory_space<vmem_shared>>) target_semaphore(%arg20 : memref<!tpu.dma_semaphore, #tpu.memory_space<semaphore_mem>>)
    %scan3A_36 = arith.constant 0 : i32
    %scan3A_37 = arith.constant 25 : i32
    %scan3A_38 = arith.addi %scan3A_36, %scan3A_37 : i32
    %scan3A_39 = arith.constant 1 : i32
    scf.for %scan3A_164 = %scan3A_36 to %scan3A_38 step %scan3A_39  : i32 {
      %mul3A_165 = arith.constant 1 : i32
      %mul3A_166 = arith.muli %scan3A_164, %mul3A_165 : i32
      %add3A_167 = arith.constant 0 : i32
      %add3A_168 = arith.addi %add3A_167, %mul3A_166 : i32
      %mul3A_169 = arith.constant 640 : i32
      %mul3A_170 = arith.muli %arg1, %mul3A_169 : i32
      %mul3A_171 = arith.constant 25 : i32
      %mul3A_172 = arith.muli %add3A_168, %mul3A_171 : i32
      %add3A_173 = arith.addi %mul3A_170, %mul3A_172 : i32
      %dma_wait3A_174 = arith.constant 0 : i32
      %dma_wait3A_175 = tpu.memref_slice %arg19[%add3A_173, %dma_wait3A_174] : memref<10240x128xf32, #tpu.memory_space<vmem_shared>> -> memref<25x128xf32, #tpu.memory_space<vmem_shared>>
      %dma_wait3A_176 = arith.constant 0 : i32
      %dma_wait3A_177 = tpu.memref_slice %arg19[%add3A_173, %dma_wait3A_176] : memref<10240x128xf32, #tpu.memory_space<vmem_shared>> -> memref<25x128xf32, #tpu.memory_space<vmem_shared>>
      tpu.wait_dma2 semaphore(%arg20 : memref<!tpu.dma_semaphore, #tpu.memory_space<semaphore_mem>>) src(%arg9 : memref<25x128xf32, #tpu.memory_space<vmem>>) dst(%dma_wait3A_177 : memref<25x128xf32, #tpu.memory_space<vmem_shared>>)
    }
    %scan3A_40 = arith.constant 25 : i32
    %mul3A_41 = arith.constant 640 : i32
    %mul3A_42 = arith.muli %arg1, %mul3A_41 : i32
    %add3A_43 = arith.constant 625 : i32
    %add3A_44 = arith.addi %mul3A_42, %add3A_43 : i32
    %dma_wait3A = arith.constant 0 : i32
    %dma_wait3A_45 = arith.constant 0 : i32
    %dma_wait3A_46 = tpu.memref_slice %arg10[%dma_wait3A, %dma_wait3A_45] : memref<25x128xf32, #tpu.memory_space<vmem>> -> memref<15x128xf32, #tpu.memory_space<vmem>>
    %dma_wait3A_47 = arith.constant 0 : i32
    %dma_wait3A_48 = tpu.memref_slice %arg19[%add3A_44, %dma_wait3A_47] : memref<10240x128xf32, #tpu.memory_space<vmem_shared>> -> memref<15x128xf32, #tpu.memory_space<vmem_shared>>
    %dma_wait3A_49 = arith.constant 0 : i32
    %dma_wait3A_50 = tpu.memref_slice %arg19[%add3A_44, %dma_wait3A_49] : memref<10240x128xf32, #tpu.memory_space<vmem_shared>> -> memref<15x128xf32, #tpu.memory_space<vmem_shared>>
    %dma_wait3A_51 = arith.constant 0 : i32
    %dma_wait3A_52 = arith.constant 0 : i32
    %dma_wait3A_53 = tpu.memref_slice %arg10[%dma_wait3A_51, %dma_wait3A_52] : memref<25x128xf32, #tpu.memory_space<vmem>> -> memref<15x128xf32, #tpu.memory_space<vmem>>
    tpu.wait_dma2 semaphore(%arg20 : memref<!tpu.dma_semaphore, #tpu.memory_space<semaphore_mem>>) src(%dma_wait3A_53 : memref<15x128xf32, #tpu.memory_space<vmem>>) dst(%dma_wait3A_50 : memref<15x128xf32, #tpu.memory_space<vmem_shared>>)
    %dma_wait3A_54 = arith.constant 0 : i32
    %dma_wait3A_55 = arith.constant 0 : i32
    %dma_wait3A_56 = tpu.memref_slice %arg4[%add3A, %dma_wait3A_54, %dma_wait3A_55] : memref<32x400x25xi32, #tpu.memory_space<hbm>> -> memref<1x400x25xi32, #tpu.memory_space<hbm>>
    %dma_wait3A_57 = tpu.memref_squeeze %dma_wait3A_56 : memref<1x400x25xi32, #tpu.memory_space<hbm>> -> memref<400x25xi32, #tpu.memory_space<hbm>>
    %dma_wait3A_58 = arith.constant 0 : i32
    %dma_wait3A_59 = arith.constant 0 : i32
    %dma_wait3A_60 = tpu.memref_slice %arg4[%add3A, %dma_wait3A_58, %dma_wait3A_59] : memref<32x400x25xi32, #tpu.memory_space<hbm>> -> memref<1x400x25xi32, #tpu.memory_space<hbm>>
    %dma_wait3A_61 = tpu.memref_squeeze %dma_wait3A_60 : memref<1x400x25xi32, #tpu.memory_space<hbm>> -> memref<400x25xi32, #tpu.memory_space<hbm>>
    tpu.wait_dma2 semaphore(%arg21 : memref<!tpu.dma_semaphore, #tpu.memory_space<semaphore_mem>>) src(%dma_wait3A_61 : memref<400x25xi32, #tpu.memory_space<hbm>>) dst(%arg8 : memref<400x25xi32, #tpu.memory_space<vmem>>)
    %barrier3A = arith.constant 0 : index
    tpu.barrier barrier_id(%barrier3A)
    %mul3A_62 = arith.constant 80 : i32
    %mul3A_63 = arith.muli %add3A, %mul3A_62 : i32
    %add3A_64 = arith.constant 0 : i32
    %add3A_65 = arith.addi %mul3A_63, %add3A_64 : i32
    %dma_start3A_66 = arith.constant 0 : i32
    %dma_start3A_67 = arith.constant 0 : i32
    %dma_start3A_68 = tpu.memref_slice %arg3[%add3A_65, %dma_start3A_66, %dma_start3A_67] : memref<2560x5x25xi32, #tpu.memory_space<hbm>> -> memref<1x5x25xi32, #tpu.memory_space<hbm>>
    %dma_start3A_69 = tpu.memref_squeeze %dma_start3A_68 : memref<1x5x25xi32, #tpu.memory_space<hbm>> -> memref<5x25xi32, #tpu.memory_space<hbm>>
    %dma_start3A_70 = arith.constant 0 : i32
    %dma_start3A_71 = arith.constant 0 : i32
    %dma_start3A_72 = tpu.memref_slice %arg3[%add3A_65, %dma_start3A_70, %dma_start3A_71] : memref<2560x5x25xi32, #tpu.memory_space<hbm>> -> memref<1x5x25xi32, #tpu.memory_space<hbm>>
    %dma_start3A_73 = tpu.memref_squeeze %dma_start3A_72 : memref<1x5x25xi32, #tpu.memory_space<hbm>> -> memref<5x25xi32, #tpu.memory_space<hbm>>
    tpu.enqueue_dma source(%dma_start3A_73 : memref<5x25xi32, #tpu.memory_space<hbm>>) target(%arg6 : memref<5x25xi32, #tpu.memory_space<vmem>>) target_semaphore(%arg22 : memref<!tpu.dma_semaphore, #tpu.memory_space<semaphore_mem>>)
    %mul3A_74 = arith.constant 80 : i32
    %mul3A_75 = arith.muli %add3A, %mul3A_74 : i32
    %add3A_76 = arith.constant 0 : i32
    %add3A_77 = arith.addi %mul3A_75, %add3A_76 : i32
    %dma_wait3A_78 = arith.constant 0 : i32
    %dma_wait3A_79 = arith.constant 0 : i32
    %dma_wait3A_80 = tpu.memref_slice %arg3[%add3A_77, %dma_wait3A_78, %dma_wait3A_79] : memref<2560x5x25xi32, #tpu.memory_space<hbm>> -> memref<1x5x25xi32, #tpu.memory_space<hbm>>
    %dma_wait3A_81 = tpu.memref_squeeze %dma_wait3A_80 : memref<1x5x25xi32, #tpu.memory_space<hbm>> -> memref<5x25xi32, #tpu.memory_space<hbm>>
    %dma_wait3A_82 = arith.constant 0 : i32
    %dma_wait3A_83 = arith.constant 0 : i32
    %dma_wait3A_84 = tpu.memref_slice %arg3[%add3A_77, %dma_wait3A_82, %dma_wait3A_83] : memref<2560x5x25xi32, #tpu.memory_space<hbm>> -> memref<1x5x25xi32, #tpu.memory_space<hbm>>
    %dma_wait3A_85 = tpu.memref_squeeze %dma_wait3A_84 : memref<1x5x25xi32, #tpu.memory_space<hbm>> -> memref<5x25xi32, #tpu.memory_space<hbm>>
    tpu.wait_dma2 semaphore(%arg22 : memref<!tpu.dma_semaphore, #tpu.memory_space<semaphore_mem>>) src(%dma_wait3A_85 : memref<5x25xi32, #tpu.memory_space<hbm>>) dst(%arg6 : memref<5x25xi32, #tpu.memory_space<vmem>>)
    %dma_start3A_86 = arith.constant 0 : i32
    %dma_start3A_87 = arith.constant 0 : i32
    %dma_start3A_88 = tpu.memref_slice %arg6[%dma_start3A_86, %dma_start3A_87] : memref<5x25xi32, #tpu.memory_space<vmem>> -> memref<1x25xi32, #tpu.memory_space<vmem>>
    %dma_start3A_89 = tpu.memref_squeeze %dma_start3A_88 : memref<1x25xi32, #tpu.memory_space<vmem>> -> memref<25xi32, #tpu.memory_space<vmem>>
    %dma_start3A_90 = arith.constant 0 : i32
    %dma_start3A_91 = arith.constant 0 : i32
    %dma_start3A_92 = tpu.memref_slice %arg2[%dma_start3A_90, %dma_start3A_91] : memref<10000x128xf32, #tpu.memory_space<hbm>> -> memref<10000x128xf32, #tpu.memory_space<hbm>>
    tpu.enqueue_indirect_dma source(%dma_start3A_92 : memref<10000x128xf32, #tpu.memory_space<hbm>>) target(%arg9 : memref<25x128xf32, #tpu.memory_space<vmem>>) offsets(%dma_start3A_89 : memref<25xi32, #tpu.memory_space<vmem>>) semaphore(%arg20 : memref<!tpu.dma_semaphore, #tpu.memory_space<semaphore_mem>>)
    %dma_start3A_93 = arith.constant 1 : i32
    %dma_start3A_94 = arith.constant 0 : i32
    %dma_start3A_95 = tpu.memref_slice %arg6[%dma_start3A_93, %dma_start3A_94] : memref<5x25xi32, #tpu.memory_space<vmem>> -> memref<1x25xi32, #tpu.memory_space<vmem>>
    %dma_start3A_96 = tpu.memref_squeeze %dma_start3A_95 : memref<1x25xi32, #tpu.memory_space<vmem>> -> memref<25xi32, #tpu.memory_space<vmem>>
    %dma_start3A_97 = arith.constant 0 : i32
    %dma_start3A_98 = arith.constant 0 : i32
    %dma_start3A_99 = tpu.memref_slice %arg2[%dma_start3A_97, %dma_start3A_98] : memref<10000x128xf32, #tpu.memory_space<hbm>> -> memref<10000x128xf32, #tpu.memory_space<hbm>>
    tpu.enqueue_indirect_dma source(%dma_start3A_99 : memref<10000x128xf32, #tpu.memory_space<hbm>>) target(%arg10 : memref<25x128xf32, #tpu.memory_space<vmem>>) offsets(%dma_start3A_96 : memref<25xi32, #tpu.memory_space<vmem>>) semaphore(%arg20 : memref<!tpu.dma_semaphore, #tpu.memory_space<semaphore_mem>>)
    %dma_start3A_100 = arith.constant 2 : i32
    %dma_start3A_101 = arith.constant 0 : i32
    %dma_start3A_102 = tpu.memref_slice %arg6[%dma_start3A_100, %dma_start3A_101] : memref<5x25xi32, #tpu.memory_space<vmem>> -> memref<1x25xi32, #tpu.memory_space<vmem>>
    %dma_start3A_103 = tpu.memref_squeeze %dma_start3A_102 : memref<1x25xi32, #tpu.memory_space<vmem>> -> memref<25xi32, #tpu.memory_space<vmem>>
    %dma_start3A_104 = arith.constant 0 : i32
    %dma_start3A_105 = arith.constant 0 : i32
    %dma_start3A_106 = tpu.memref_slice %arg2[%dma_start3A_104, %dma_start3A_105] : memref<10000x128xf32, #tpu.memory_space<hbm>> -> memref<10000x128xf32, #tpu.memory_space<hbm>>
    tpu.enqueue_indirect_dma source(%dma_start3A_106 : memref<10000x128xf32, #tpu.memory_space<hbm>>) target(%arg11 : memref<25x128xf32, #tpu.memory_space<vmem>>) offsets(%dma_start3A_103 : memref<25xi32, #tpu.memory_space<vmem>>) semaphore(%arg20 : memref<!tpu.dma_semaphore, #tpu.memory_space<semaphore_mem>>)
    %dma_start3A_107 = arith.constant 3 : i32
    %dma_start3A_108 = arith.constant 0 : i32
    %dma_start3A_109 = tpu.memref_slice %arg6[%dma_start3A_107, %dma_start3A_108] : memref<5x25xi32, #tpu.memory_space<vmem>> -> memref<1x25xi32, #tpu.memory_space<vmem>>
    %dma_start3A_110 = tpu.memref_squeeze %dma_start3A_109 : memref<1x25xi32, #tpu.memory_space<vmem>> -> memref<25xi32, #tpu.memory_space<vmem>>
    %dma_start3A_111 = arith.constant 0 : i32
    %dma_start3A_112 = arith.constant 0 : i32
    %dma_start3A_113 = tpu.memref_slice %arg2[%dma_start3A_111, %dma_start3A_112] : memref<10000x128xf32, #tpu.memory_space<hbm>> -> memref<10000x128xf32, #tpu.memory_space<hbm>>
    tpu.enqueue_indirect_dma source(%dma_start3A_113 : memref<10000x128xf32, #tpu.memory_space<hbm>>) target(%arg12 : memref<25x128xf32, #tpu.memory_space<vmem>>) offsets(%dma_start3A_110 : memref<25xi32, #tpu.memory_space<vmem>>) semaphore(%arg20 : memref<!tpu.dma_semaphore, #tpu.memory_space<semaphore_mem>>)
    %dma_start3A_114 = arith.constant 4 : i32
    %dma_start3A_115 = arith.constant 0 : i32
    %dma_start3A_116 = tpu.memref_slice %arg6[%dma_start3A_114, %dma_start3A_115] : memref<5x25xi32, #tpu.memory_space<vmem>> -> memref<1x25xi32, #tpu.memory_space<vmem>>
    %dma_start3A_117 = tpu.memref_squeeze %dma_start3A_116 : memref<1x25xi32, #tpu.memory_space<vmem>> -> memref<25xi32, #tpu.memory_space<vmem>>
    %dma_start3A_118 = arith.constant 0 : i32
    %dma_start3A_119 = arith.constant 0 : i32
    %dma_start3A_120 = tpu.memref_slice %arg2[%dma_start3A_118, %dma_start3A_119] : memref<10000x128xf32, #tpu.memory_space<hbm>> -> memref<10000x128xf32, #tpu.memory_space<hbm>>
    tpu.enqueue_indirect_dma source(%dma_start3A_120 : memref<10000x128xf32, #tpu.memory_space<hbm>>) target(%arg13 : memref<25x128xf32, #tpu.memory_space<vmem>>) offsets(%dma_start3A_117 : memref<25xi32, #tpu.memory_space<vmem>>) semaphore(%arg20 : memref<!tpu.dma_semaphore, #tpu.memory_space<semaphore_mem>>)
    %scan3A_121 = arith.constant 0 : i32
    %scan3A_122 = arith.constant 40 : i32
    %scan3A_123 = arith.addi %scan3A_121, %scan3A_122 : i32
    %scan3A_124 = arith.constant 1 : i32
    scf.for %scan3A_164 = %scan3A_121 to %scan3A_123 step %scan3A_124  : i32 {
      %mul3A_165 = arith.constant 2 : i32
      %mul3A_166 = arith.muli %scan3A_164, %mul3A_165 : i32
      %add3A_167 = arith.constant 0 : i32
      %add3A_168 = arith.addi %add3A_167, %mul3A_166 : i32
      %add3A_169 = arith.constant 1 : i32
      %add3A_170 = arith.addi %add3A_168, %add3A_169 : i32
      %mul3A_171 = arith.constant 80 : i32
      %mul3A_172 = arith.muli %add3A, %mul3A_171 : i32
      %add3A_173 = arith.addi %mul3A_172, %add3A_170 : i32
      %dma_start3A_174 = arith.constant 0 : i32
      %dma_start3A_175 = arith.constant 0 : i32
      %dma_start3A_176 = tpu.memref_slice %arg3[%add3A_173, %dma_start3A_174, %dma_start3A_175] : memref<2560x5x25xi32, #tpu.memory_space<hbm>> -> memref<1x5x25xi32, #tpu.memory_space<hbm>>
      %dma_start3A_177 = tpu.memref_squeeze %dma_start3A_176 : memref<1x5x25xi32, #tpu.memory_space<hbm>> -> memref<5x25xi32, #tpu.memory_space<hbm>>
      %dma_start3A_178 = arith.constant 0 : i32
      %dma_start3A_179 = arith.constant 0 : i32
      %dma_start3A_180 = tpu.memref_slice %arg3[%add3A_173, %dma_start3A_178, %dma_start3A_179] : memref<2560x5x25xi32, #tpu.memory_space<hbm>> -> memref<1x5x25xi32, #tpu.memory_space<hbm>>
      %dma_start3A_181 = tpu.memref_squeeze %dma_start3A_180 : memref<1x5x25xi32, #tpu.memory_space<hbm>> -> memref<5x25xi32, #tpu.memory_space<hbm>>
      tpu.enqueue_dma source(%dma_start3A_181 : memref<5x25xi32, #tpu.memory_space<hbm>>) target(%arg7 : memref<5x25xi32, #tpu.memory_space<vmem>>) target_semaphore(%arg23 : memref<!tpu.dma_semaphore, #tpu.memory_space<semaphore_mem>>)
      %dma_wait3A_182 = arith.constant 0 : i32
      %dma_wait3A_183 = arith.constant 0 : i32
      %dma_wait3A_184 = tpu.memref_slice %arg6[%dma_wait3A_182, %dma_wait3A_183] : memref<5x25xi32, #tpu.memory_space<vmem>> -> memref<1x25xi32, #tpu.memory_space<vmem>>
      %dma_wait3A_185 = tpu.memref_squeeze %dma_wait3A_184 : memref<1x25xi32, #tpu.memory_space<vmem>> -> memref<25xi32, #tpu.memory_space<vmem>>
      %dma_wait3A_186 = arith.constant 0 : i32
      %dma_wait3A_187 = arith.constant 0 : i32
      %dma_wait3A_188 = tpu.memref_slice %arg2[%dma_wait3A_186, %dma_wait3A_187] : memref<10000x128xf32, #tpu.memory_space<hbm>> -> memref<10000x128xf32, #tpu.memory_space<hbm>>
      tpu.wait_indirect_dma semaphore(%arg20 : memref<!tpu.dma_semaphore, #tpu.memory_space<semaphore_mem>>) src(%dma_wait3A_188 : memref<10000x128xf32, #tpu.memory_space<hbm>>) dst(%arg9 : memref<25x128xf32, #tpu.memory_space<vmem>>)
      %dma_wait3A_189 = arith.constant 1 : i32
      %dma_wait3A_190 = arith.constant 0 : i32
      %dma_wait3A_191 = tpu.memref_slice %arg6[%dma_wait3A_189, %dma_wait3A_190] : memref<5x25xi32, #tpu.memory_space<vmem>> -> memref<1x25xi32, #tpu.memory_space<vmem>>
      %dma_wait3A_192 = tpu.memref_squeeze %dma_wait3A_191 : memref<1x25xi32, #tpu.memory_space<vmem>> -> memref<25xi32, #tpu.memory_space<vmem>>
      %dma_wait3A_193 = arith.constant 0 : i32
      %dma_wait3A_194 = arith.constant 0 : i32
      %dma_wait3A_195 = tpu.memref_slice %arg2[%dma_wait3A_193, %dma_wait3A_194] : memref<10000x128xf32, #tpu.memory_space<hbm>> -> memref<10000x128xf32, #tpu.memory_space<hbm>>
      tpu.wait_indirect_dma semaphore(%arg20 : memref<!tpu.dma_semaphore, #tpu.memory_space<semaphore_mem>>) src(%dma_wait3A_195 : memref<10000x128xf32, #tpu.memory_space<hbm>>) dst(%arg10 : memref<25x128xf32, #tpu.memory_space<vmem>>)
      %dma_wait3A_196 = arith.constant 2 : i32
      %dma_wait3A_197 = arith.constant 0 : i32
      %dma_wait3A_198 = tpu.memref_slice %arg6[%dma_wait3A_196, %dma_wait3A_197] : memref<5x25xi32, #tpu.memory_space<vmem>> -> memref<1x25xi32, #tpu.memory_space<vmem>>
      %dma_wait3A_199 = tpu.memref_squeeze %dma_wait3A_198 : memref<1x25xi32, #tpu.memory_space<vmem>> -> memref<25xi32, #tpu.memory_space<vmem>>
      %dma_wait3A_200 = arith.constant 0 : i32
      %dma_wait3A_201 = arith.constant 0 : i32
      %dma_wait3A_202 = tpu.memref_slice %arg2[%dma_wait3A_200, %dma_wait3A_201] : memref<10000x128xf32, #tpu.memory_space<hbm>> -> memref<10000x128xf32, #tpu.memory_space<hbm>>
      tpu.wait_indirect_dma semaphore(%arg20 : memref<!tpu.dma_semaphore, #tpu.memory_space<semaphore_mem>>) src(%dma_wait3A_202 : memref<10000x128xf32, #tpu.memory_space<hbm>>) dst(%arg11 : memref<25x128xf32, #tpu.memory_space<vmem>>)
      %dma_wait3A_203 = arith.constant 3 : i32
      %dma_wait3A_204 = arith.constant 0 : i32
      %dma_wait3A_205 = tpu.memref_slice %arg6[%dma_wait3A_203, %dma_wait3A_204] : memref<5x25xi32, #tpu.memory_space<vmem>> -> memref<1x25xi32, #tpu.memory_space<vmem>>
      %dma_wait3A_206 = tpu.memref_squeeze %dma_wait3A_205 : memref<1x25xi32, #tpu.memory_space<vmem>> -> memref<25xi32, #tpu.memory_space<vmem>>
      %dma_wait3A_207 = arith.constant 0 : i32
      %dma_wait3A_208 = arith.constant 0 : i32
      %dma_wait3A_209 = tpu.memref_slice %arg2[%dma_wait3A_207, %dma_wait3A_208] : memref<10000x128xf32, #tpu.memory_space<hbm>> -> memref<10000x128xf32, #tpu.memory_space<hbm>>
      tpu.wait_indirect_dma semaphore(%arg20 : memref<!tpu.dma_semaphore, #tpu.memory_space<semaphore_mem>>) src(%dma_wait3A_209 : memref<10000x128xf32, #tpu.memory_space<hbm>>) dst(%arg12 : memref<25x128xf32, #tpu.memory_space<vmem>>)
      %dma_wait3A_210 = arith.constant 4 : i32
      %dma_wait3A_211 = arith.constant 0 : i32
      %dma_wait3A_212 = tpu.memref_slice %arg6[%dma_wait3A_210, %dma_wait3A_211] : memref<5x25xi32, #tpu.memory_space<vmem>> -> memref<1x25xi32, #tpu.memory_space<vmem>>
      %dma_wait3A_213 = tpu.memref_squeeze %dma_wait3A_212 : memref<1x25xi32, #tpu.memory_space<vmem>> -> memref<25xi32, #tpu.memory_space<vmem>>
      %dma_wait3A_214 = arith.constant 0 : i32
      %dma_wait3A_215 = arith.constant 0 : i32
      %dma_wait3A_216 = tpu.memref_slice %arg2[%dma_wait3A_214, %dma_wait3A_215] : memref<10000x128xf32, #tpu.memory_space<hbm>> -> memref<10000x128xf32, #tpu.memory_space<hbm>>
      tpu.wait_indirect_dma semaphore(%arg20 : memref<!tpu.dma_semaphore, #tpu.memory_space<semaphore_mem>>) src(%dma_wait3A_216 : memref<10000x128xf32, #tpu.memory_space<hbm>>) dst(%arg13 : memref<25x128xf32, #tpu.memory_space<vmem>>)
      %add3A_217 = arith.constant 2 : i32
      %add3A_218 = arith.addi %add3A_168, %add3A_217 : i32
      %lt3A = arith.constant 80 : i32
      %lt3A_219 = arith.cmpi slt, %add3A_218, %lt3A : i32
      %convert_element_type3A = arith.extui %lt3A_219 : i1 to i32
      %cond3A = arith.constant 0 : i32
      %cond3A_220 = arith.cmpi ne, %convert_element_type3A, %cond3A : i32
      scf.if %cond3A_220 {
        %add3A_467 = arith.constant 2 : i32
        %add3A_468 = arith.addi %add3A_168, %add3A_467 : i32
        %mul3A_469 = arith.constant 80 : i32
        %mul3A_470 = arith.muli %add3A, %mul3A_469 : i32
        %add3A_471 = arith.addi %mul3A_470, %add3A_468 : i32
        %dma_start3A_472 = arith.constant 0 : i32
        %dma_start3A_473 = arith.constant 0 : i32
        %dma_start3A_474 = tpu.memref_slice %arg3[%add3A_471, %dma_start3A_472, %dma_start3A_473] : memref<2560x5x25xi32, #tpu.memory_space<hbm>> -> memref<1x5x25xi32, #tpu.memory_space<hbm>>
        %dma_start3A_475 = tpu.memref_squeeze %dma_start3A_474 : memref<1x5x25xi32, #tpu.memory_space<hbm>> -> memref<5x25xi32, #tpu.memory_space<hbm>>
        %dma_start3A_476 = arith.constant 0 : i32
        %dma_start3A_477 = arith.constant 0 : i32
        %dma_start3A_478 = tpu.memref_slice %arg3[%add3A_471, %dma_start3A_476, %dma_start3A_477] : memref<2560x5x25xi32, #tpu.memory_space<hbm>> -> memref<1x5x25xi32, #tpu.memory_space<hbm>>
        %dma_start3A_479 = tpu.memref_squeeze %dma_start3A_478 : memref<1x5x25xi32, #tpu.memory_space<hbm>> -> memref<5x25xi32, #tpu.memory_space<hbm>>
        tpu.enqueue_dma source(%dma_start3A_479 : memref<5x25xi32, #tpu.memory_space<hbm>>) target(%arg6 : memref<5x25xi32, #tpu.memory_space<vmem>>) target_semaphore(%arg22 : memref<!tpu.dma_semaphore, #tpu.memory_space<semaphore_mem>>)
      } else {
      }
      %gt3A = arith.constant 0 : i32
      %gt3A_221 = arith.cmpi sgt, %add3A_168, %gt3A : i32
      %convert_element_type3A_222 = arith.extui %gt3A_221 : i1 to i32
      %cond3A_223 = arith.constant 0 : i32
      %cond3A_224 = arith.cmpi ne, %convert_element_type3A_222, %cond3A_223 : i32
      scf.if %cond3A_224 {
        %sub3A = arith.constant 1 : i32
        %sub3A_467 = arith.subi %add3A_168, %sub3A : i32
        %mul3A_468 = arith.constant 5 : i32
        %mul3A_469 = arith.muli %sub3A_467, %mul3A_468 : i32
        %add3A_470 = arith.constant 0 : i32
        %add3A_471 = arith.addi %mul3A_469, %add3A_470 : i32
        %dma_wait3A_472 = arith.constant 0 : i32
        %dma_wait3A_473 = tpu.memref_slice %arg8[%add3A_471, %dma_wait3A_472] : memref<400x25xi32, #tpu.memory_space<vmem>> -> memref<1x25xi32, #tpu.memory_space<vmem>>
        %dma_wait3A_474 = tpu.memref_squeeze %dma_wait3A_473 : memref<1x25xi32, #tpu.memory_space<vmem>> -> memref<25xi32, #tpu.memory_space<vmem>>
        %dma_wait3A_475 = arith.constant 0 : i32
        %dma_wait3A_476 = arith.constant 0 : i32
        %dma_wait3A_477 = tpu.memref_slice %arg19[%dma_wait3A_475, %dma_wait3A_476] : memref<10240x128xf32, #tpu.memory_space<vmem_shared>> -> memref<10240x128xf32, #tpu.memory_space<vmem_shared>>
        tpu.wait_indirect_dma semaphore(%arg21 : memref<!tpu.dma_semaphore, #tpu.memory_space<semaphore_mem>>) src(%arg14 : memref<25x128xf32, #tpu.memory_space<vmem>>) dst(%dma_wait3A_477 : memref<10240x128xf32, #tpu.memory_space<vmem_shared>>)
        %mul3A_478 = arith.constant 5 : i32
        %mul3A_479 = arith.muli %sub3A_467, %mul3A_478 : i32
        %add3A_480 = arith.constant 1 : i32
        %add3A_481 = arith.addi %mul3A_479, %add3A_480 : i32
        %dma_wait3A_482 = arith.constant 0 : i32
        %dma_wait3A_483 = tpu.memref_slice %arg8[%add3A_481, %dma_wait3A_482] : memref<400x25xi32, #tpu.memory_space<vmem>> -> memref<1x25xi32, #tpu.memory_space<vmem>>
        %dma_wait3A_484 = tpu.memref_squeeze %dma_wait3A_483 : memref<1x25xi32, #tpu.memory_space<vmem>> -> memref<25xi32, #tpu.memory_space<vmem>>
        %dma_wait3A_485 = arith.constant 0 : i32
        %dma_wait3A_486 = arith.constant 0 : i32
        %dma_wait3A_487 = tpu.memref_slice %arg19[%dma_wait3A_485, %dma_wait3A_486] : memref<10240x128xf32, #tpu.memory_space<vmem_shared>> -> memref<10240x128xf32, #tpu.memory_space<vmem_shared>>
        tpu.wait_indirect_dma semaphore(%arg21 : memref<!tpu.dma_semaphore, #tpu.memory_space<semaphore_mem>>) src(%arg15 : memref<25x128xf32, #tpu.memory_space<vmem>>) dst(%dma_wait3A_487 : memref<10240x128xf32, #tpu.memory_space<vmem_shared>>)
        %mul3A_488 = arith.constant 5 : i32
        %mul3A_489 = arith.muli %sub3A_467, %mul3A_488 : i32
        %add3A_490 = arith.constant 2 : i32
        %add3A_491 = arith.addi %mul3A_489, %add3A_490 : i32
        %dma_wait3A_492 = arith.constant 0 : i32
        %dma_wait3A_493 = tpu.memref_slice %arg8[%add3A_491, %dma_wait3A_492] : memref<400x25xi32, #tpu.memory_space<vmem>> -> memref<1x25xi32, #tpu.memory_space<vmem>>
        %dma_wait3A_494 = tpu.memref_squeeze %dma_wait3A_493 : memref<1x25xi32, #tpu.memory_space<vmem>> -> memref<25xi32, #tpu.memory_space<vmem>>
        %dma_wait3A_495 = arith.constant 0 : i32
        %dma_wait3A_496 = arith.constant 0 : i32
        %dma_wait3A_497 = tpu.memref_slice %arg19[%dma_wait3A_495, %dma_wait3A_496] : memref<10240x128xf32, #tpu.memory_space<vmem_shared>> -> memref<10240x128xf32, #tpu.memory_space<vmem_shared>>
        tpu.wait_indirect_dma semaphore(%arg21 : memref<!tpu.dma_semaphore, #tpu.memory_space<semaphore_mem>>) src(%arg16 : memref<25x128xf32, #tpu.memory_space<vmem>>) dst(%dma_wait3A_497 : memref<10240x128xf32, #tpu.memory_space<vmem_shared>>)
        %mul3A_498 = arith.constant 5 : i32
        %mul3A_499 = arith.muli %sub3A_467, %mul3A_498 : i32
        %add3A_500 = arith.constant 3 : i32
        %add3A_501 = arith.addi %mul3A_499, %add3A_500 : i32
        %dma_wait3A_502 = arith.constant 0 : i32
        %dma_wait3A_503 = tpu.memref_slice %arg8[%add3A_501, %dma_wait3A_502] : memref<400x25xi32, #tpu.memory_space<vmem>> -> memref<1x25xi32, #tpu.memory_space<vmem>>
        %dma_wait3A_504 = tpu.memref_squeeze %dma_wait3A_503 : memref<1x25xi32, #tpu.memory_space<vmem>> -> memref<25xi32, #tpu.memory_space<vmem>>
        %dma_wait3A_505 = arith.constant 0 : i32
        %dma_wait3A_506 = arith.constant 0 : i32
        %dma_wait3A_507 = tpu.memref_slice %arg19[%dma_wait3A_505, %dma_wait3A_506] : memref<10240x128xf32, #tpu.memory_space<vmem_shared>> -> memref<10240x128xf32, #tpu.memory_space<vmem_shared>>
        tpu.wait_indirect_dma semaphore(%arg21 : memref<!tpu.dma_semaphore, #tpu.memory_space<semaphore_mem>>) src(%arg17 : memref<25x128xf32, #tpu.memory_space<vmem>>) dst(%dma_wait3A_507 : memref<10240x128xf32, #tpu.memory_space<vmem_shared>>)
        %mul3A_508 = arith.constant 5 : i32
        %mul3A_509 = arith.muli %sub3A_467, %mul3A_508 : i32
        %add3A_510 = arith.constant 4 : i32
        %add3A_511 = arith.addi %mul3A_509, %add3A_510 : i32
        %dma_wait3A_512 = arith.constant 0 : i32
        %dma_wait3A_513 = tpu.memref_slice %arg8[%add3A_511, %dma_wait3A_512] : memref<400x25xi32, #tpu.memory_space<vmem>> -> memref<1x25xi32, #tpu.memory_space<vmem>>
        %dma_wait3A_514 = tpu.memref_squeeze %dma_wait3A_513 : memref<1x25xi32, #tpu.memory_space<vmem>> -> memref<25xi32, #tpu.memory_space<vmem>>
        %dma_wait3A_515 = arith.constant 0 : i32
        %dma_wait3A_516 = arith.constant 0 : i32
        %dma_wait3A_517 = tpu.memref_slice %arg19[%dma_wait3A_515, %dma_wait3A_516] : memref<10240x128xf32, #tpu.memory_space<vmem_shared>> -> memref<10240x128xf32, #tpu.memory_space<vmem_shared>>
        tpu.wait_indirect_dma semaphore(%arg21 : memref<!tpu.dma_semaphore, #tpu.memory_space<semaphore_mem>>) src(%arg18 : memref<25x128xf32, #tpu.memory_space<vmem>>) dst(%dma_wait3A_517 : memref<10240x128xf32, #tpu.memory_space<vmem_shared>>)
      } else {
      }
      %add3A_225 = arith.constant 1 : i32
      %add3A_226 = arith.addi %add3A_168, %add3A_225 : i32
      %mul3A_227 = arith.constant 80 : i32
      %mul3A_228 = arith.muli %add3A, %mul3A_227 : i32
      %add3A_229 = arith.addi %mul3A_228, %add3A_226 : i32
      %dma_wait3A_230 = arith.constant 0 : i32
      %dma_wait3A_231 = arith.constant 0 : i32
      %dma_wait3A_232 = tpu.memref_slice %arg3[%add3A_229, %dma_wait3A_230, %dma_wait3A_231] : memref<2560x5x25xi32, #tpu.memory_space<hbm>> -> memref<1x5x25xi32, #tpu.memory_space<hbm>>
      %dma_wait3A_233 = tpu.memref_squeeze %dma_wait3A_232 : memref<1x5x25xi32, #tpu.memory_space<hbm>> -> memref<5x25xi32, #tpu.memory_space<hbm>>
      %dma_wait3A_234 = arith.constant 0 : i32
      %dma_wait3A_235 = arith.constant 0 : i32
      %dma_wait3A_236 = tpu.memref_slice %arg3[%add3A_229, %dma_wait3A_234, %dma_wait3A_235] : memref<2560x5x25xi32, #tpu.memory_space<hbm>> -> memref<1x5x25xi32, #tpu.memory_space<hbm>>
      %dma_wait3A_237 = tpu.memref_squeeze %dma_wait3A_236 : memref<1x5x25xi32, #tpu.memory_space<hbm>> -> memref<5x25xi32, #tpu.memory_space<hbm>>
      tpu.wait_dma2 semaphore(%arg23 : memref<!tpu.dma_semaphore, #tpu.memory_space<semaphore_mem>>) src(%dma_wait3A_237 : memref<5x25xi32, #tpu.memory_space<hbm>>) dst(%arg7 : memref<5x25xi32, #tpu.memory_space<vmem>>)
      %dma_start3A_238 = arith.constant 0 : i32
      %dma_start3A_239 = arith.constant 0 : i32
      %dma_start3A_240 = tpu.memref_slice %arg7[%dma_start3A_238, %dma_start3A_239] : memref<5x25xi32, #tpu.memory_space<vmem>> -> memref<1x25xi32, #tpu.memory_space<vmem>>
      %dma_start3A_241 = tpu.memref_squeeze %dma_start3A_240 : memref<1x25xi32, #tpu.memory_space<vmem>> -> memref<25xi32, #tpu.memory_space<vmem>>
      %dma_start3A_242 = arith.constant 0 : i32
      %dma_start3A_243 = arith.constant 0 : i32
      %dma_start3A_244 = tpu.memref_slice %arg2[%dma_start3A_242, %dma_start3A_243] : memref<10000x128xf32, #tpu.memory_space<hbm>> -> memref<10000x128xf32, #tpu.memory_space<hbm>>
      tpu.enqueue_indirect_dma source(%dma_start3A_244 : memref<10000x128xf32, #tpu.memory_space<hbm>>) target(%arg14 : memref<25x128xf32, #tpu.memory_space<vmem>>) offsets(%dma_start3A_241 : memref<25xi32, #tpu.memory_space<vmem>>) semaphore(%arg20 : memref<!tpu.dma_semaphore, #tpu.memory_space<semaphore_mem>>)
      %dma_start3A_245 = arith.constant 1 : i32
      %dma_start3A_246 = arith.constant 0 : i32
      %dma_start3A_247 = tpu.memref_slice %arg7[%dma_start3A_245, %dma_start3A_246] : memref<5x25xi32, #tpu.memory_space<vmem>> -> memref<1x25xi32, #tpu.memory_space<vmem>>
      %dma_start3A_248 = tpu.memref_squeeze %dma_start3A_247 : memref<1x25xi32, #tpu.memory_space<vmem>> -> memref<25xi32, #tpu.memory_space<vmem>>
      %dma_start3A_249 = arith.constant 0 : i32
      %dma_start3A_250 = arith.constant 0 : i32
      %dma_start3A_251 = tpu.memref_slice %arg2[%dma_start3A_249, %dma_start3A_250] : memref<10000x128xf32, #tpu.memory_space<hbm>> -> memref<10000x128xf32, #tpu.memory_space<hbm>>
      tpu.enqueue_indirect_dma source(%dma_start3A_251 : memref<10000x128xf32, #tpu.memory_space<hbm>>) target(%arg15 : memref<25x128xf32, #tpu.memory_space<vmem>>) offsets(%dma_start3A_248 : memref<25xi32, #tpu.memory_space<vmem>>) semaphore(%arg20 : memref<!tpu.dma_semaphore, #tpu.memory_space<semaphore_mem>>)
      %dma_start3A_252 = arith.constant 2 : i32
      %dma_start3A_253 = arith.constant 0 : i32
      %dma_start3A_254 = tpu.memref_slice %arg7[%dma_start3A_252, %dma_start3A_253] : memref<5x25xi32, #tpu.memory_space<vmem>> -> memref<1x25xi32, #tpu.memory_space<vmem>>
      %dma_start3A_255 = tpu.memref_squeeze %dma_start3A_254 : memref<1x25xi32, #tpu.memory_space<vmem>> -> memref<25xi32, #tpu.memory_space<vmem>>
      %dma_start3A_256 = arith.constant 0 : i32
      %dma_start3A_257 = arith.constant 0 : i32
      %dma_start3A_258 = tpu.memref_slice %arg2[%dma_start3A_256, %dma_start3A_257] : memref<10000x128xf32, #tpu.memory_space<hbm>> -> memref<10000x128xf32, #tpu.memory_space<hbm>>
      tpu.enqueue_indirect_dma source(%dma_start3A_258 : memref<10000x128xf32, #tpu.memory_space<hbm>>) target(%arg16 : memref<25x128xf32, #tpu.memory_space<vmem>>) offsets(%dma_start3A_255 : memref<25xi32, #tpu.memory_space<vmem>>) semaphore(%arg20 : memref<!tpu.dma_semaphore, #tpu.memory_space<semaphore_mem>>)
      %dma_start3A_259 = arith.constant 3 : i32
      %dma_start3A_260 = arith.constant 0 : i32
      %dma_start3A_261 = tpu.memref_slice %arg7[%dma_start3A_259, %dma_start3A_260] : memref<5x25xi32, #tpu.memory_space<vmem>> -> memref<1x25xi32, #tpu.memory_space<vmem>>
      %dma_start3A_262 = tpu.memref_squeeze %dma_start3A_261 : memref<1x25xi32, #tpu.memory_space<vmem>> -> memref<25xi32, #tpu.memory_space<vmem>>
      %dma_start3A_263 = arith.constant 0 : i32
      %dma_start3A_264 = arith.constant 0 : i32
      %dma_start3A_265 = tpu.memref_slice %arg2[%dma_start3A_263, %dma_start3A_264] : memref<10000x128xf32, #tpu.memory_space<hbm>> -> memref<10000x128xf32, #tpu.memory_space<hbm>>
      tpu.enqueue_indirect_dma source(%dma_start3A_265 : memref<10000x128xf32, #tpu.memory_space<hbm>>) target(%arg17 : memref<25x128xf32, #tpu.memory_space<vmem>>) offsets(%dma_start3A_262 : memref<25xi32, #tpu.memory_space<vmem>>) semaphore(%arg20 : memref<!tpu.dma_semaphore, #tpu.memory_space<semaphore_mem>>)
      %dma_start3A_266 = arith.constant 4 : i32
      %dma_start3A_267 = arith.constant 0 : i32
      %dma_start3A_268 = tpu.memref_slice %arg7[%dma_start3A_266, %dma_start3A_267] : memref<5x25xi32, #tpu.memory_space<vmem>> -> memref<1x25xi32, #tpu.memory_space<vmem>>
      %dma_start3A_269 = tpu.memref_squeeze %dma_start3A_268 : memref<1x25xi32, #tpu.memory_space<vmem>> -> memref<25xi32, #tpu.memory_space<vmem>>
      %dma_start3A_270 = arith.constant 0 : i32
      %dma_start3A_271 = arith.constant 0 : i32
      %dma_start3A_272 = tpu.memref_slice %arg2[%dma_start3A_270, %dma_start3A_271] : memref<10000x128xf32, #tpu.memory_space<hbm>> -> memref<10000x128xf32, #tpu.memory_space<hbm>>
      tpu.enqueue_indirect_dma source(%dma_start3A_272 : memref<10000x128xf32, #tpu.memory_space<hbm>>) target(%arg18 : memref<25x128xf32, #tpu.memory_space<vmem>>) offsets(%dma_start3A_269 : memref<25xi32, #tpu.memory_space<vmem>>) semaphore(%arg20 : memref<!tpu.dma_semaphore, #tpu.memory_space<semaphore_mem>>)
      %mul3A_273 = arith.constant 5 : i32
      %mul3A_274 = arith.muli %add3A_168, %mul3A_273 : i32
      %add3A_275 = arith.constant 0 : i32
      %add3A_276 = arith.addi %mul3A_274, %add3A_275 : i32
      %dma_start3A_277 = arith.constant 0 : i32
      %dma_start3A_278 = tpu.memref_slice %arg8[%add3A_276, %dma_start3A_277] : memref<400x25xi32, #tpu.memory_space<vmem>> -> memref<1x25xi32, #tpu.memory_space<vmem>>
      %dma_start3A_279 = tpu.memref_squeeze %dma_start3A_278 : memref<1x25xi32, #tpu.memory_space<vmem>> -> memref<25xi32, #tpu.memory_space<vmem>>
      %dma_start3A_280 = arith.constant 0 : i32
      %dma_start3A_281 = arith.constant 0 : i32
      %dma_start3A_282 = tpu.memref_slice %arg19[%dma_start3A_280, %dma_start3A_281] : memref<10240x128xf32, #tpu.memory_space<vmem_shared>> -> memref<10240x128xf32, #tpu.memory_space<vmem_shared>>
      tpu.enqueue_indirect_dma source(%arg9 : memref<25x128xf32, #tpu.memory_space<vmem>>) target(%dma_start3A_282 : memref<10240x128xf32, #tpu.memory_space<vmem_shared>>) offsets(%dma_start3A_279 : memref<25xi32, #tpu.memory_space<vmem>>) semaphore(%arg21 : memref<!tpu.dma_semaphore, #tpu.memory_space<semaphore_mem>>) {add = true}
      %mul3A_283 = arith.constant 5 : i32
      %mul3A_284 = arith.muli %add3A_168, %mul3A_283 : i32
      %add3A_285 = arith.constant 1 : i32
      %add3A_286 = arith.addi %mul3A_284, %add3A_285 : i32
      %dma_start3A_287 = arith.constant 0 : i32
      %dma_start3A_288 = tpu.memref_slice %arg8[%add3A_286, %dma_start3A_287] : memref<400x25xi32, #tpu.memory_space<vmem>> -> memref<1x25xi32, #tpu.memory_space<vmem>>
      %dma_start3A_289 = tpu.memref_squeeze %dma_start3A_288 : memref<1x25xi32, #tpu.memory_space<vmem>> -> memref<25xi32, #tpu.memory_space<vmem>>
      %dma_start3A_290 = arith.constant 0 : i32
      %dma_start3A_291 = arith.constant 0 : i32
      %dma_start3A_292 = tpu.memref_slice %arg19[%dma_start3A_290, %dma_start3A_291] : memref<10240x128xf32, #tpu.memory_space<vmem_shared>> -> memref<10240x128xf32, #tpu.memory_space<vmem_shared>>
      tpu.enqueue_indirect_dma source(%arg10 : memref<25x128xf32, #tpu.memory_space<vmem>>) target(%dma_start3A_292 : memref<10240x128xf32, #tpu.memory_space<vmem_shared>>) offsets(%dma_start3A_289 : memref<25xi32, #tpu.memory_space<vmem>>) semaphore(%arg21 : memref<!tpu.dma_semaphore, #tpu.memory_space<semaphore_mem>>) {add = true}
      %mul3A_293 = arith.constant 5 : i32
      %mul3A_294 = arith.muli %add3A_168, %mul3A_293 : i32
      %add3A_295 = arith.constant 2 : i32
      %add3A_296 = arith.addi %mul3A_294, %add3A_295 : i32
      %dma_start3A_297 = arith.constant 0 : i32
      %dma_start3A_298 = tpu.memref_slice %arg8[%add3A_296, %dma_start3A_297] : memref<400x25xi32, #tpu.memory_space<vmem>> -> memref<1x25xi32, #tpu.memory_space<vmem>>
      %dma_start3A_299 = tpu.memref_squeeze %dma_start3A_298 : memref<1x25xi32, #tpu.memory_space<vmem>> -> memref<25xi32, #tpu.memory_space<vmem>>
      %dma_start3A_300 = arith.constant 0 : i32
      %dma_start3A_301 = arith.constant 0 : i32
      %dma_start3A_302 = tpu.memref_slice %arg19[%dma_start3A_300, %dma_start3A_301] : memref<10240x128xf32, #tpu.memory_space<vmem_shared>> -> memref<10240x128xf32, #tpu.memory_space<vmem_shared>>
      tpu.enqueue_indirect_dma source(%arg11 : memref<25x128xf32, #tpu.memory_space<vmem>>) target(%dma_start3A_302 : memref<10240x128xf32, #tpu.memory_space<vmem_shared>>) offsets(%dma_start3A_299 : memref<25xi32, #tpu.memory_space<vmem>>) semaphore(%arg21 : memref<!tpu.dma_semaphore, #tpu.memory_space<semaphore_mem>>) {add = true}
      %mul3A_303 = arith.constant 5 : i32
      %mul3A_304 = arith.muli %add3A_168, %mul3A_303 : i32
      %add3A_305 = arith.constant 3 : i32
      %add3A_306 = arith.addi %mul3A_304, %add3A_305 : i32
      %dma_start3A_307 = arith.constant 0 : i32
      %dma_start3A_308 = tpu.memref_slice %arg8[%add3A_306, %dma_start3A_307] : memref<400x25xi32, #tpu.memory_space<vmem>> -> memref<1x25xi32, #tpu.memory_space<vmem>>
      %dma_start3A_309 = tpu.memref_squeeze %dma_start3A_308 : memref<1x25xi32, #tpu.memory_space<vmem>> -> memref<25xi32, #tpu.memory_space<vmem>>
      %dma_start3A_310 = arith.constant 0 : i32
      %dma_start3A_311 = arith.constant 0 : i32
      %dma_start3A_312 = tpu.memref_slice %arg19[%dma_start3A_310, %dma_start3A_311] : memref<10240x128xf32, #tpu.memory_space<vmem_shared>> -> memref<10240x128xf32, #tpu.memory_space<vmem_shared>>
      tpu.enqueue_indirect_dma source(%arg12 : memref<25x128xf32, #tpu.memory_space<vmem>>) target(%dma_start3A_312 : memref<10240x128xf32, #tpu.memory_space<vmem_shared>>) offsets(%dma_start3A_309 : memref<25xi32, #tpu.memory_space<vmem>>) semaphore(%arg21 : memref<!tpu.dma_semaphore, #tpu.memory_space<semaphore_mem>>) {add = true}
      %mul3A_313 = arith.constant 5 : i32
      %mul3A_314 = arith.muli %add3A_168, %mul3A_313 : i32
      %add3A_315 = arith.constant 4 : i32
      %add3A_316 = arith.addi %mul3A_314, %add3A_315 : i32
      %dma_start3A_317 = arith.constant 0 : i32
      %dma_start3A_318 = tpu.memref_slice %arg8[%add3A_316, %dma_start3A_317] : memref<400x25xi32, #tpu.memory_space<vmem>> -> memref<1x25xi32, #tpu.memory_space<vmem>>
      %dma_start3A_319 = tpu.memref_squeeze %dma_start3A_318 : memref<1x25xi32, #tpu.memory_space<vmem>> -> memref<25xi32, #tpu.memory_space<vmem>>
      %dma_start3A_320 = arith.constant 0 : i32
      %dma_start3A_321 = arith.constant 0 : i32
      %dma_start3A_322 = tpu.memref_slice %arg19[%dma_start3A_320, %dma_start3A_321] : memref<10240x128xf32, #tpu.memory_space<vmem_shared>> -> memref<10240x128xf32, #tpu.memory_space<vmem_shared>>
      tpu.enqueue_indirect_dma source(%arg13 : memref<25x128xf32, #tpu.memory_space<vmem>>) target(%dma_start3A_322 : memref<10240x128xf32, #tpu.memory_space<vmem_shared>>) offsets(%dma_start3A_319 : memref<25xi32, #tpu.memory_space<vmem>>) semaphore(%arg21 : memref<!tpu.dma_semaphore, #tpu.memory_space<semaphore_mem>>) {add = true}
      %dma_wait3A_323 = arith.constant 0 : i32
      %dma_wait3A_324 = arith.constant 0 : i32
      %dma_wait3A_325 = tpu.memref_slice %arg7[%dma_wait3A_323, %dma_wait3A_324] : memref<5x25xi32, #tpu.memory_space<vmem>> -> memref<1x25xi32, #tpu.memory_space<vmem>>
      %dma_wait3A_326 = tpu.memref_squeeze %dma_wait3A_325 : memref<1x25xi32, #tpu.memory_space<vmem>> -> memref<25xi32, #tpu.memory_space<vmem>>
      %dma_wait3A_327 = arith.constant 0 : i32
      %dma_wait3A_328 = arith.constant 0 : i32
      %dma_wait3A_329 = tpu.memref_slice %arg2[%dma_wait3A_327, %dma_wait3A_328] : memref<10000x128xf32, #tpu.memory_space<hbm>> -> memref<10000x128xf32, #tpu.memory_space<hbm>>
      tpu.wait_indirect_dma semaphore(%arg20 : memref<!tpu.dma_semaphore, #tpu.memory_space<semaphore_mem>>) src(%dma_wait3A_329 : memref<10000x128xf32, #tpu.memory_space<hbm>>) dst(%arg14 : memref<25x128xf32, #tpu.memory_space<vmem>>)
      %dma_wait3A_330 = arith.constant 1 : i32
      %dma_wait3A_331 = arith.constant 0 : i32
      %dma_wait3A_332 = tpu.memref_slice %arg7[%dma_wait3A_330, %dma_wait3A_331] : memref<5x25xi32, #tpu.memory_space<vmem>> -> memref<1x25xi32, #tpu.memory_space<vmem>>
      %dma_wait3A_333 = tpu.memref_squeeze %dma_wait3A_332 : memref<1x25xi32, #tpu.memory_space<vmem>> -> memref<25xi32, #tpu.memory_space<vmem>>
      %dma_wait3A_334 = arith.constant 0 : i32
      %dma_wait3A_335 = arith.constant 0 : i32
      %dma_wait3A_336 = tpu.memref_slice %arg2[%dma_wait3A_334, %dma_wait3A_335] : memref<10000x128xf32, #tpu.memory_space<hbm>> -> memref<10000x128xf32, #tpu.memory_space<hbm>>
      tpu.wait_indirect_dma semaphore(%arg20 : memref<!tpu.dma_semaphore, #tpu.memory_space<semaphore_mem>>) src(%dma_wait3A_336 : memref<10000x128xf32, #tpu.memory_space<hbm>>) dst(%arg15 : memref<25x128xf32, #tpu.memory_space<vmem>>)
      %dma_wait3A_337 = arith.constant 2 : i32
      %dma_wait3A_338 = arith.constant 0 : i32
      %dma_wait3A_339 = tpu.memref_slice %arg7[%dma_wait3A_337, %dma_wait3A_338] : memref<5x25xi32, #tpu.memory_space<vmem>> -> memref<1x25xi32, #tpu.memory_space<vmem>>
      %dma_wait3A_340 = tpu.memref_squeeze %dma_wait3A_339 : memref<1x25xi32, #tpu.memory_space<vmem>> -> memref<25xi32, #tpu.memory_space<vmem>>
      %dma_wait3A_341 = arith.constant 0 : i32
      %dma_wait3A_342 = arith.constant 0 : i32
      %dma_wait3A_343 = tpu.memref_slice %arg2[%dma_wait3A_341, %dma_wait3A_342] : memref<10000x128xf32, #tpu.memory_space<hbm>> -> memref<10000x128xf32, #tpu.memory_space<hbm>>
      tpu.wait_indirect_dma semaphore(%arg20 : memref<!tpu.dma_semaphore, #tpu.memory_space<semaphore_mem>>) src(%dma_wait3A_343 : memref<10000x128xf32, #tpu.memory_space<hbm>>) dst(%arg16 : memref<25x128xf32, #tpu.memory_space<vmem>>)
      %dma_wait3A_344 = arith.constant 3 : i32
      %dma_wait3A_345 = arith.constant 0 : i32
      %dma_wait3A_346 = tpu.memref_slice %arg7[%dma_wait3A_344, %dma_wait3A_345] : memref<5x25xi32, #tpu.memory_space<vmem>> -> memref<1x25xi32, #tpu.memory_space<vmem>>
      %dma_wait3A_347 = tpu.memref_squeeze %dma_wait3A_346 : memref<1x25xi32, #tpu.memory_space<vmem>> -> memref<25xi32, #tpu.memory_space<vmem>>
      %dma_wait3A_348 = arith.constant 0 : i32
      %dma_wait3A_349 = arith.constant 0 : i32
      %dma_wait3A_350 = tpu.memref_slice %arg2[%dma_wait3A_348, %dma_wait3A_349] : memref<10000x128xf32, #tpu.memory_space<hbm>> -> memref<10000x128xf32, #tpu.memory_space<hbm>>
      tpu.wait_indirect_dma semaphore(%arg20 : memref<!tpu.dma_semaphore, #tpu.memory_space<semaphore_mem>>) src(%dma_wait3A_350 : memref<10000x128xf32, #tpu.memory_space<hbm>>) dst(%arg17 : memref<25x128xf32, #tpu.memory_space<vmem>>)
      %dma_wait3A_351 = arith.constant 4 : i32
      %dma_wait3A_352 = arith.constant 0 : i32
      %dma_wait3A_353 = tpu.memref_slice %arg7[%dma_wait3A_351, %dma_wait3A_352] : memref<5x25xi32, #tpu.memory_space<vmem>> -> memref<1x25xi32, #tpu.memory_space<vmem>>
      %dma_wait3A_354 = tpu.memref_squeeze %dma_wait3A_353 : memref<1x25xi32, #tpu.memory_space<vmem>> -> memref<25xi32, #tpu.memory_space<vmem>>
      %dma_wait3A_355 = arith.constant 0 : i32
      %dma_wait3A_356 = arith.constant 0 : i32
      %dma_wait3A_357 = tpu.memref_slice %arg2[%dma_wait3A_355, %dma_wait3A_356] : memref<10000x128xf32, #tpu.memory_space<hbm>> -> memref<10000x128xf32, #tpu.memory_space<hbm>>
      tpu.wait_indirect_dma semaphore(%arg20 : memref<!tpu.dma_semaphore, #tpu.memory_space<semaphore_mem>>) src(%dma_wait3A_357 : memref<10000x128xf32, #tpu.memory_space<hbm>>) dst(%arg18 : memref<25x128xf32, #tpu.memory_space<vmem>>)
      %mul3A_358 = arith.constant 5 : i32
      %mul3A_359 = arith.muli %add3A_168, %mul3A_358 : i32
      %add3A_360 = arith.constant 0 : i32
      %add3A_361 = arith.addi %mul3A_359, %add3A_360 : i32
      %dma_wait3A_362 = arith.constant 0 : i32
      %dma_wait3A_363 = tpu.memref_slice %arg8[%add3A_361, %dma_wait3A_362] : memref<400x25xi32, #tpu.memory_space<vmem>> -> memref<1x25xi32, #tpu.memory_space<vmem>>
      %dma_wait3A_364 = tpu.memref_squeeze %dma_wait3A_363 : memref<1x25xi32, #tpu.memory_space<vmem>> -> memref<25xi32, #tpu.memory_space<vmem>>
      %dma_wait3A_365 = arith.constant 0 : i32
      %dma_wait3A_366 = arith.constant 0 : i32
      %dma_wait3A_367 = tpu.memref_slice %arg19[%dma_wait3A_365, %dma_wait3A_366] : memref<10240x128xf32, #tpu.memory_space<vmem_shared>> -> memref<10240x128xf32, #tpu.memory_space<vmem_shared>>
      tpu.wait_indirect_dma semaphore(%arg21 : memref<!tpu.dma_semaphore, #tpu.memory_space<semaphore_mem>>) src(%arg9 : memref<25x128xf32, #tpu.memory_space<vmem>>) dst(%dma_wait3A_367 : memref<10240x128xf32, #tpu.memory_space<vmem_shared>>)
      %mul3A_368 = arith.constant 5 : i32
      %mul3A_369 = arith.muli %add3A_168, %mul3A_368 : i32
      %add3A_370 = arith.constant 1 : i32
      %add3A_371 = arith.addi %mul3A_369, %add3A_370 : i32
      %dma_wait3A_372 = arith.constant 0 : i32
      %dma_wait3A_373 = tpu.memref_slice %arg8[%add3A_371, %dma_wait3A_372] : memref<400x25xi32, #tpu.memory_space<vmem>> -> memref<1x25xi32, #tpu.memory_space<vmem>>
      %dma_wait3A_374 = tpu.memref_squeeze %dma_wait3A_373 : memref<1x25xi32, #tpu.memory_space<vmem>> -> memref<25xi32, #tpu.memory_space<vmem>>
      %dma_wait3A_375 = arith.constant 0 : i32
      %dma_wait3A_376 = arith.constant 0 : i32
      %dma_wait3A_377 = tpu.memref_slice %arg19[%dma_wait3A_375, %dma_wait3A_376] : memref<10240x128xf32, #tpu.memory_space<vmem_shared>> -> memref<10240x128xf32, #tpu.memory_space<vmem_shared>>
      tpu.wait_indirect_dma semaphore(%arg21 : memref<!tpu.dma_semaphore, #tpu.memory_space<semaphore_mem>>) src(%arg10 : memref<25x128xf32, #tpu.memory_space<vmem>>) dst(%dma_wait3A_377 : memref<10240x128xf32, #tpu.memory_space<vmem_shared>>)
      %mul3A_378 = arith.constant 5 : i32
      %mul3A_379 = arith.muli %add3A_168, %mul3A_378 : i32
      %add3A_380 = arith.constant 2 : i32
      %add3A_381 = arith.addi %mul3A_379, %add3A_380 : i32
      %dma_wait3A_382 = arith.constant 0 : i32
      %dma_wait3A_383 = tpu.memref_slice %arg8[%add3A_381, %dma_wait3A_382] : memref<400x25xi32, #tpu.memory_space<vmem>> -> memref<1x25xi32, #tpu.memory_space<vmem>>
      %dma_wait3A_384 = tpu.memref_squeeze %dma_wait3A_383 : memref<1x25xi32, #tpu.memory_space<vmem>> -> memref<25xi32, #tpu.memory_space<vmem>>
      %dma_wait3A_385 = arith.constant 0 : i32
      %dma_wait3A_386 = arith.constant 0 : i32
      %dma_wait3A_387 = tpu.memref_slice %arg19[%dma_wait3A_385, %dma_wait3A_386] : memref<10240x128xf32, #tpu.memory_space<vmem_shared>> -> memref<10240x128xf32, #tpu.memory_space<vmem_shared>>
      tpu.wait_indirect_dma semaphore(%arg21 : memref<!tpu.dma_semaphore, #tpu.memory_space<semaphore_mem>>) src(%arg11 : memref<25x128xf32, #tpu.memory_space<vmem>>) dst(%dma_wait3A_387 : memref<10240x128xf32, #tpu.memory_space<vmem_shared>>)
      %mul3A_388 = arith.constant 5 : i32
      %mul3A_389 = arith.muli %add3A_168, %mul3A_388 : i32
      %add3A_390 = arith.constant 3 : i32
      %add3A_391 = arith.addi %mul3A_389, %add3A_390 : i32
      %dma_wait3A_392 = arith.constant 0 : i32
      %dma_wait3A_393 = tpu.memref_slice %arg8[%add3A_391, %dma_wait3A_392] : memref<400x25xi32, #tpu.memory_space<vmem>> -> memref<1x25xi32, #tpu.memory_space<vmem>>
      %dma_wait3A_394 = tpu.memref_squeeze %dma_wait3A_393 : memref<1x25xi32, #tpu.memory_space<vmem>> -> memref<25xi32, #tpu.memory_space<vmem>>
      %dma_wait3A_395 = arith.constant 0 : i32
      %dma_wait3A_396 = arith.constant 0 : i32
      %dma_wait3A_397 = tpu.memref_slice %arg19[%dma_wait3A_395, %dma_wait3A_396] : memref<10240x128xf32, #tpu.memory_space<vmem_shared>> -> memref<10240x128xf32, #tpu.memory_space<vmem_shared>>
      tpu.wait_indirect_dma semaphore(%arg21 : memref<!tpu.dma_semaphore, #tpu.memory_space<semaphore_mem>>) src(%arg12 : memref<25x128xf32, #tpu.memory_space<vmem>>) dst(%dma_wait3A_397 : memref<10240x128xf32, #tpu.memory_space<vmem_shared>>)
      %mul3A_398 = arith.constant 5 : i32
      %mul3A_399 = arith.muli %add3A_168, %mul3A_398 : i32
      %add3A_400 = arith.constant 4 : i32
      %add3A_401 = arith.addi %mul3A_399, %add3A_400 : i32
      %dma_wait3A_402 = arith.constant 0 : i32
      %dma_wait3A_403 = tpu.memref_slice %arg8[%add3A_401, %dma_wait3A_402] : memref<400x25xi32, #tpu.memory_space<vmem>> -> memref<1x25xi32, #tpu.memory_space<vmem>>
      %dma_wait3A_404 = tpu.memref_squeeze %dma_wait3A_403 : memref<1x25xi32, #tpu.memory_space<vmem>> -> memref<25xi32, #tpu.memory_space<vmem>>
      %dma_wait3A_405 = arith.constant 0 : i32
      %dma_wait3A_406 = arith.constant 0 : i32
      %dma_wait3A_407 = tpu.memref_slice %arg19[%dma_wait3A_405, %dma_wait3A_406] : memref<10240x128xf32, #tpu.memory_space<vmem_shared>> -> memref<10240x128xf32, #tpu.memory_space<vmem_shared>>
      tpu.wait_indirect_dma semaphore(%arg21 : memref<!tpu.dma_semaphore, #tpu.memory_space<semaphore_mem>>) src(%arg13 : memref<25x128xf32, #tpu.memory_space<vmem>>) dst(%dma_wait3A_407 : memref<10240x128xf32, #tpu.memory_space<vmem_shared>>)
      %add3A_408 = arith.constant 2 : i32
      %add3A_409 = arith.addi %add3A_168, %add3A_408 : i32
      %lt3A_410 = arith.constant 80 : i32
      %lt3A_411 = arith.cmpi slt, %add3A_409, %lt3A_410 : i32
      %convert_element_type3A_412 = arith.extui %lt3A_411 : i1 to i32
      %cond3A_413 = arith.constant 0 : i32
      %cond3A_414 = arith.cmpi ne, %convert_element_type3A_412, %cond3A_413 : i32
      scf.if %cond3A_414 {
        %add3A_467 = arith.constant 2 : i32
        %add3A_468 = arith.addi %add3A_168, %add3A_467 : i32
        %mul3A_469 = arith.constant 80 : i32
        %mul3A_470 = arith.muli %add3A, %mul3A_469 : i32
        %add3A_471 = arith.addi %mul3A_470, %add3A_468 : i32
        %dma_wait3A_472 = arith.constant 0 : i32
        %dma_wait3A_473 = arith.constant 0 : i32
        %dma_wait3A_474 = tpu.memref_slice %arg3[%add3A_471, %dma_wait3A_472, %dma_wait3A_473] : memref<2560x5x25xi32, #tpu.memory_space<hbm>> -> memref<1x5x25xi32, #tpu.memory_space<hbm>>
        %dma_wait3A_475 = tpu.memref_squeeze %dma_wait3A_474 : memref<1x5x25xi32, #tpu.memory_space<hbm>> -> memref<5x25xi32, #tpu.memory_space<hbm>>
        %dma_wait3A_476 = arith.constant 0 : i32
        %dma_wait3A_477 = arith.constant 0 : i32
        %dma_wait3A_478 = tpu.memref_slice %arg3[%add3A_471, %dma_wait3A_476, %dma_wait3A_477] : memref<2560x5x25xi32, #tpu.memory_space<hbm>> -> memref<1x5x25xi32, #tpu.memory_space<hbm>>
        %dma_wait3A_479 = tpu.memref_squeeze %dma_wait3A_478 : memref<1x5x25xi32, #tpu.memory_space<hbm>> -> memref<5x25xi32, #tpu.memory_space<hbm>>
        tpu.wait_dma2 semaphore(%arg22 : memref<!tpu.dma_semaphore, #tpu.memory_space<semaphore_mem>>) src(%dma_wait3A_479 : memref<5x25xi32, #tpu.memory_space<hbm>>) dst(%arg6 : memref<5x25xi32, #tpu.memory_space<vmem>>)
        %dma_start3A_480 = arith.constant 0 : i32
        %dma_start3A_481 = arith.constant 0 : i32
        %dma_start3A_482 = tpu.memref_slice %arg6[%dma_start3A_480, %dma_start3A_481] : memref<5x25xi32, #tpu.memory_space<vmem>> -> memref<1x25xi32, #tpu.memory_space<vmem>>
        %dma_start3A_483 = tpu.memref_squeeze %dma_start3A_482 : memref<1x25xi32, #tpu.memory_space<vmem>> -> memref<25xi32, #tpu.memory_space<vmem>>
        %dma_start3A_484 = arith.constant 0 : i32
        %dma_start3A_485 = arith.constant 0 : i32
        %dma_start3A_486 = tpu.memref_slice %arg2[%dma_start3A_484, %dma_start3A_485] : memref<10000x128xf32, #tpu.memory_space<hbm>> -> memref<10000x128xf32, #tpu.memory_space<hbm>>
        tpu.enqueue_indirect_dma source(%dma_start3A_486 : memref<10000x128xf32, #tpu.memory_space<hbm>>) target(%arg9 : memref<25x128xf32, #tpu.memory_space<vmem>>) offsets(%dma_start3A_483 : memref<25xi32, #tpu.memory_space<vmem>>) semaphore(%arg20 : memref<!tpu.dma_semaphore, #tpu.memory_space<semaphore_mem>>)
        %dma_start3A_487 = arith.constant 1 : i32
        %dma_start3A_488 = arith.constant 0 : i32
        %dma_start3A_489 = tpu.memref_slice %arg6[%dma_start3A_487, %dma_start3A_488] : memref<5x25xi32, #tpu.memory_space<vmem>> -> memref<1x25xi32, #tpu.memory_space<vmem>>
        %dma_start3A_490 = tpu.memref_squeeze %dma_start3A_489 : memref<1x25xi32, #tpu.memory_space<vmem>> -> memref<25xi32, #tpu.memory_space<vmem>>
        %dma_start3A_491 = arith.constant 0 : i32
        %dma_start3A_492 = arith.constant 0 : i32
        %dma_start3A_493 = tpu.memref_slice %arg2[%dma_start3A_491, %dma_start3A_492] : memref<10000x128xf32, #tpu.memory_space<hbm>> -> memref<10000x128xf32, #tpu.memory_space<hbm>>
        tpu.enqueue_indirect_dma source(%dma_start3A_493 : memref<10000x128xf32, #tpu.memory_space<hbm>>) target(%arg10 : memref<25x128xf32, #tpu.memory_space<vmem>>) offsets(%dma_start3A_490 : memref<25xi32, #tpu.memory_space<vmem>>) semaphore(%arg20 : memref<!tpu.dma_semaphore, #tpu.memory_space<semaphore_mem>>)
        %dma_start3A_494 = arith.constant 2 : i32
        %dma_start3A_495 = arith.constant 0 : i32
        %dma_start3A_496 = tpu.memref_slice %arg6[%dma_start3A_494, %dma_start3A_495] : memref<5x25xi32, #tpu.memory_space<vmem>> -> memref<1x25xi32, #tpu.memory_space<vmem>>
        %dma_start3A_497 = tpu.memref_squeeze %dma_start3A_496 : memref<1x25xi32, #tpu.memory_space<vmem>> -> memref<25xi32, #tpu.memory_space<vmem>>
        %dma_start3A_498 = arith.constant 0 : i32
        %dma_start3A_499 = arith.constant 0 : i32
        %dma_start3A_500 = tpu.memref_slice %arg2[%dma_start3A_498, %dma_start3A_499] : memref<10000x128xf32, #tpu.memory_space<hbm>> -> memref<10000x128xf32, #tpu.memory_space<hbm>>
        tpu.enqueue_indirect_dma source(%dma_start3A_500 : memref<10000x128xf32, #tpu.memory_space<hbm>>) target(%arg11 : memref<25x128xf32, #tpu.memory_space<vmem>>) offsets(%dma_start3A_497 : memref<25xi32, #tpu.memory_space<vmem>>) semaphore(%arg20 : memref<!tpu.dma_semaphore, #tpu.memory_space<semaphore_mem>>)
        %dma_start3A_501 = arith.constant 3 : i32
        %dma_start3A_502 = arith.constant 0 : i32
        %dma_start3A_503 = tpu.memref_slice %arg6[%dma_start3A_501, %dma_start3A_502] : memref<5x25xi32, #tpu.memory_space<vmem>> -> memref<1x25xi32, #tpu.memory_space<vmem>>
        %dma_start3A_504 = tpu.memref_squeeze %dma_start3A_503 : memref<1x25xi32, #tpu.memory_space<vmem>> -> memref<25xi32, #tpu.memory_space<vmem>>
        %dma_start3A_505 = arith.constant 0 : i32
        %dma_start3A_506 = arith.constant 0 : i32
        %dma_start3A_507 = tpu.memref_slice %arg2[%dma_start3A_505, %dma_start3A_506] : memref<10000x128xf32, #tpu.memory_space<hbm>> -> memref<10000x128xf32, #tpu.memory_space<hbm>>
        tpu.enqueue_indirect_dma source(%dma_start3A_507 : memref<10000x128xf32, #tpu.memory_space<hbm>>) target(%arg12 : memref<25x128xf32, #tpu.memory_space<vmem>>) offsets(%dma_start3A_504 : memref<25xi32, #tpu.memory_space<vmem>>) semaphore(%arg20 : memref<!tpu.dma_semaphore, #tpu.memory_space<semaphore_mem>>)
        %dma_start3A_508 = arith.constant 4 : i32
        %dma_start3A_509 = arith.constant 0 : i32
        %dma_start3A_510 = tpu.memref_slice %arg6[%dma_start3A_508, %dma_start3A_509] : memref<5x25xi32, #tpu.memory_space<vmem>> -> memref<1x25xi32, #tpu.memory_space<vmem>>
        %dma_start3A_511 = tpu.memref_squeeze %dma_start3A_510 : memref<1x25xi32, #tpu.memory_space<vmem>> -> memref<25xi32, #tpu.memory_space<vmem>>
        %dma_start3A_512 = arith.constant 0 : i32
        %dma_start3A_513 = arith.constant 0 : i32
        %dma_start3A_514 = tpu.memref_slice %arg2[%dma_start3A_512, %dma_start3A_513] : memref<10000x128xf32, #tpu.memory_space<hbm>> -> memref<10000x128xf32, #tpu.memory_space<hbm>>
        tpu.enqueue_indirect_dma source(%dma_start3A_514 : memref<10000x128xf32, #tpu.memory_space<hbm>>) target(%arg13 : memref<25x128xf32, #tpu.memory_space<vmem>>) offsets(%dma_start3A_511 : memref<25xi32, #tpu.memory_space<vmem>>) semaphore(%arg20 : memref<!tpu.dma_semaphore, #tpu.memory_space<semaphore_mem>>)
      } else {
      }
      %add3A_415 = arith.constant 1 : i32
      %add3A_416 = arith.addi %add3A_168, %add3A_415 : i32
      %mul3A_417 = arith.constant 5 : i32
      %mul3A_418 = arith.muli %add3A_416, %mul3A_417 : i32
      %add3A_419 = arith.constant 0 : i32
      %add3A_420 = arith.addi %mul3A_418, %add3A_419 : i32
      %dma_start3A_421 = arith.constant 0 : i32
      %dma_start3A_422 = tpu.memref_slice %arg8[%add3A_420, %dma_start3A_421] : memref<400x25xi32, #tpu.memory_space<vmem>> -> memref<1x25xi32, #tpu.memory_space<vmem>>
      %dma_start3A_423 = tpu.memref_squeeze %dma_start3A_422 : memref<1x25xi32, #tpu.memory_space<vmem>> -> memref<25xi32, #tpu.memory_space<vmem>>
      %dma_start3A_424 = arith.constant 0 : i32
      %dma_start3A_425 = arith.constant 0 : i32
      %dma_start3A_426 = tpu.memref_slice %arg19[%dma_start3A_424, %dma_start3A_425] : memref<10240x128xf32, #tpu.memory_space<vmem_shared>> -> memref<10240x128xf32, #tpu.memory_space<vmem_shared>>
      tpu.enqueue_indirect_dma source(%arg14 : memref<25x128xf32, #tpu.memory_space<vmem>>) target(%dma_start3A_426 : memref<10240x128xf32, #tpu.memory_space<vmem_shared>>) offsets(%dma_start3A_423 : memref<25xi32, #tpu.memory_space<vmem>>) semaphore(%arg21 : memref<!tpu.dma_semaphore, #tpu.memory_space<semaphore_mem>>) {add = true}
      %mul3A_427 = arith.constant 5 : i32
      %mul3A_428 = arith.muli %add3A_416, %mul3A_427 : i32
      %add3A_429 = arith.constant 1 : i32
      %add3A_430 = arith.addi %mul3A_428, %add3A_429 : i32
      %dma_start3A_431 = arith.constant 0 : i32
      %dma_start3A_432 = tpu.memref_slice %arg8[%add3A_430, %dma_start3A_431] : memref<400x25xi32, #tpu.memory_space<vmem>> -> memref<1x25xi32, #tpu.memory_space<vmem>>
      %dma_start3A_433 = tpu.memref_squeeze %dma_start3A_432 : memref<1x25xi32, #tpu.memory_space<vmem>> -> memref<25xi32, #tpu.memory_space<vmem>>
      %dma_start3A_434 = arith.constant 0 : i32
      %dma_start3A_435 = arith.constant 0 : i32
      %dma_start3A_436 = tpu.memref_slice %arg19[%dma_start3A_434, %dma_start3A_435] : memref<10240x128xf32, #tpu.memory_space<vmem_shared>> -> memref<10240x128xf32, #tpu.memory_space<vmem_shared>>
      tpu.enqueue_indirect_dma source(%arg15 : memref<25x128xf32, #tpu.memory_space<vmem>>) target(%dma_start3A_436 : memref<10240x128xf32, #tpu.memory_space<vmem_shared>>) offsets(%dma_start3A_433 : memref<25xi32, #tpu.memory_space<vmem>>) semaphore(%arg21 : memref<!tpu.dma_semaphore, #tpu.memory_space<semaphore_mem>>) {add = true}
      %mul3A_437 = arith.constant 5 : i32
      %mul3A_438 = arith.muli %add3A_416, %mul3A_437 : i32
      %add3A_439 = arith.constant 2 : i32
      %add3A_440 = arith.addi %mul3A_438, %add3A_439 : i32
      %dma_start3A_441 = arith.constant 0 : i32
      %dma_start3A_442 = tpu.memref_slice %arg8[%add3A_440, %dma_start3A_441] : memref<400x25xi32, #tpu.memory_space<vmem>> -> memref<1x25xi32, #tpu.memory_space<vmem>>
      %dma_start3A_443 = tpu.memref_squeeze %dma_start3A_442 : memref<1x25xi32, #tpu.memory_space<vmem>> -> memref<25xi32, #tpu.memory_space<vmem>>
      %dma_start3A_444 = arith.constant 0 : i32
      %dma_start3A_445 = arith.constant 0 : i32
      %dma_start3A_446 = tpu.memref_slice %arg19[%dma_start3A_444, %dma_start3A_445] : memref<10240x128xf32, #tpu.memory_space<vmem_shared>> -> memref<10240x128xf32, #tpu.memory_space<vmem_shared>>
      tpu.enqueue_indirect_dma source(%arg16 : memref<25x128xf32, #tpu.memory_space<vmem>>) target(%dma_start3A_446 : memref<10240x128xf32, #tpu.memory_space<vmem_shared>>) offsets(%dma_start3A_443 : memref<25xi32, #tpu.memory_space<vmem>>) semaphore(%arg21 : memref<!tpu.dma_semaphore, #tpu.memory_space<semaphore_mem>>) {add = true}
      %mul3A_447 = arith.constant 5 : i32
      %mul3A_448 = arith.muli %add3A_416, %mul3A_447 : i32
      %add3A_449 = arith.constant 3 : i32
      %add3A_450 = arith.addi %mul3A_448, %add3A_449 : i32
      %dma_start3A_451 = arith.constant 0 : i32
      %dma_start3A_452 = tpu.memref_slice %arg8[%add3A_450, %dma_start3A_451] : memref<400x25xi32, #tpu.memory_space<vmem>> -> memref<1x25xi32, #tpu.memory_space<vmem>>
      %dma_start3A_453 = tpu.memref_squeeze %dma_start3A_452 : memref<1x25xi32, #tpu.memory_space<vmem>> -> memref<25xi32, #tpu.memory_space<vmem>>
      %dma_start3A_454 = arith.constant 0 : i32
      %dma_start3A_455 = arith.constant 0 : i32
      %dma_start3A_456 = tpu.memref_slice %arg19[%dma_start3A_454, %dma_start3A_455] : memref<10240x128xf32, #tpu.memory_space<vmem_shared>> -> memref<10240x128xf32, #tpu.memory_space<vmem_shared>>
      tpu.enqueue_indirect_dma source(%arg17 : memref<25x128xf32, #tpu.memory_space<vmem>>) target(%dma_start3A_456 : memref<10240x128xf32, #tpu.memory_space<vmem_shared>>) offsets(%dma_start3A_453 : memref<25xi32, #tpu.memory_space<vmem>>) semaphore(%arg21 : memref<!tpu.dma_semaphore, #tpu.memory_space<semaphore_mem>>) {add = true}
      %mul3A_457 = arith.constant 5 : i32
      %mul3A_458 = arith.muli %add3A_416, %mul3A_457 : i32
      %add3A_459 = arith.constant 4 : i32
      %add3A_460 = arith.addi %mul3A_458, %add3A_459 : i32
      %dma_start3A_461 = arith.constant 0 : i32
      %dma_start3A_462 = tpu.memref_slice %arg8[%add3A_460, %dma_start3A_461] : memref<400x25xi32, #tpu.memory_space<vmem>> -> memref<1x25xi32, #tpu.memory_space<vmem>>
      %dma_start3A_463 = tpu.memref_squeeze %dma_start3A_462 : memref<1x25xi32, #tpu.memory_space<vmem>> -> memref<25xi32, #tpu.memory_space<vmem>>
      %dma_start3A_464 = arith.constant 0 : i32
      %dma_start3A_465 = arith.constant 0 : i32
      %dma_start3A_466 = tpu.memref_slice %arg19[%dma_start3A_464, %dma_start3A_465] : memref<10240x128xf32, #tpu.memory_space<vmem_shared>> -> memref<10240x128xf32, #tpu.memory_space<vmem_shared>>
      tpu.enqueue_indirect_dma source(%arg18 : memref<25x128xf32, #tpu.memory_space<vmem>>) target(%dma_start3A_466 : memref<10240x128xf32, #tpu.memory_space<vmem_shared>>) offsets(%dma_start3A_463 : memref<25xi32, #tpu.memory_space<vmem>>) semaphore(%arg21 : memref<!tpu.dma_semaphore, #tpu.memory_space<semaphore_mem>>) {add = true}
    }
    %scan3A_125 = arith.constant 40 : i32
    %dma_wait3A_126 = arith.constant 395 : i32
    %dma_wait3A_127 = arith.constant 0 : i32
    %dma_wait3A_128 = tpu.memref_slice %arg8[%dma_wait3A_126, %dma_wait3A_127] : memref<400x25xi32, #tpu.memory_space<vmem>> -> memref<1x25xi32, #tpu.memory_space<vmem>>
    %dma_wait3A_129 = tpu.memref_squeeze %dma_wait3A_128 : memref<1x25xi32, #tpu.memory_space<vmem>> -> memref<25xi32, #tpu.memory_space<vmem>>
    %dma_wait3A_130 = arith.constant 0 : i32
    %dma_wait3A_131 = arith.constant 0 : i32
    %dma_wait3A_132 = tpu.memref_slice %arg19[%dma_wait3A_130, %dma_wait3A_131] : memref<10240x128xf32, #tpu.memory_space<vmem_shared>> -> memref<10240x128xf32, #tpu.memory_space<vmem_shared>>
    tpu.wait_indirect_dma semaphore(%arg21 : memref<!tpu.dma_semaphore, #tpu.memory_space<semaphore_mem>>) src(%arg14 : memref<25x128xf32, #tpu.memory_space<vmem>>) dst(%dma_wait3A_132 : memref<10240x128xf32, #tpu.memory_space<vmem_shared>>)
    %dma_wait3A_133 = arith.constant 396 : i32
    %dma_wait3A_134 = arith.constant 0 : i32
    %dma_wait3A_135 = tpu.memref_slice %arg8[%dma_wait3A_133, %dma_wait3A_134] : memref<400x25xi32, #tpu.memory_space<vmem>> -> memref<1x25xi32, #tpu.memory_space<vmem>>
    %dma_wait3A_136 = tpu.memref_squeeze %dma_wait3A_135 : memref<1x25xi32, #tpu.memory_space<vmem>> -> memref<25xi32, #tpu.memory_space<vmem>>
    %dma_wait3A_137 = arith.constant 0 : i32
    %dma_wait3A_138 = arith.constant 0 : i32
    %dma_wait3A_139 = tpu.memref_slice %arg19[%dma_wait3A_137, %dma_wait3A_138] : memref<10240x128xf32, #tpu.memory_space<vmem_shared>> -> memref<10240x128xf32, #tpu.memory_space<vmem_shared>>
    tpu.wait_indirect_dma semaphore(%arg21 : memref<!tpu.dma_semaphore, #tpu.memory_space<semaphore_mem>>) src(%arg15 : memref<25x128xf32, #tpu.memory_space<vmem>>) dst(%dma_wait3A_139 : memref<10240x128xf32, #tpu.memory_space<vmem_shared>>)
    %dma_wait3A_140 = arith.constant 397 : i32
    %dma_wait3A_141 = arith.constant 0 : i32
    %dma_wait3A_142 = tpu.memref_slice %arg8[%dma_wait3A_140, %dma_wait3A_141] : memref<400x25xi32, #tpu.memory_space<vmem>> -> memref<1x25xi32, #tpu.memory_space<vmem>>
    %dma_wait3A_143 = tpu.memref_squeeze %dma_wait3A_142 : memref<1x25xi32, #tpu.memory_space<vmem>> -> memref<25xi32, #tpu.memory_space<vmem>>
    %dma_wait3A_144 = arith.constant 0 : i32
    %dma_wait3A_145 = arith.constant 0 : i32
    %dma_wait3A_146 = tpu.memref_slice %arg19[%dma_wait3A_144, %dma_wait3A_145] : memref<10240x128xf32, #tpu.memory_space<vmem_shared>> -> memref<10240x128xf32, #tpu.memory_space<vmem_shared>>
    tpu.wait_indirect_dma semaphore(%arg21 : memref<!tpu.dma_semaphore, #tpu.memory_space<semaphore_mem>>) src(%arg16 : memref<25x128xf32, #tpu.memory_space<vmem>>) dst(%dma_wait3A_146 : memref<10240x128xf32, #tpu.memory_space<vmem_shared>>)
    %dma_wait3A_147 = arith.constant 398 : i32
    %dma_wait3A_148 = arith.constant 0 : i32
    %dma_wait3A_149 = tpu.memref_slice %arg8[%dma_wait3A_147, %dma_wait3A_148] : memref<400x25xi32, #tpu.memory_space<vmem>> -> memref<1x25xi32, #tpu.memory_space<vmem>>
    %dma_wait3A_150 = tpu.memref_squeeze %dma_wait3A_149 : memref<1x25xi32, #tpu.memory_space<vmem>> -> memref<25xi32, #tpu.memory_space<vmem>>
    %dma_wait3A_151 = arith.constant 0 : i32
    %dma_wait3A_152 = arith.constant 0 : i32
    %dma_wait3A_153 = tpu.memref_slice %arg19[%dma_wait3A_151, %dma_wait3A_152] : memref<10240x128xf32, #tpu.memory_space<vmem_shared>> -> memref<10240x128xf32, #tpu.memory_space<vmem_shared>>
    tpu.wait_indirect_dma semaphore(%arg21 : memref<!tpu.dma_semaphore, #tpu.memory_space<semaphore_mem>>) src(%arg17 : memref<25x128xf32, #tpu.memory_space<vmem>>) dst(%dma_wait3A_153 : memref<10240x128xf32, #tpu.memory_space<vmem_shared>>)
    %dma_wait3A_154 = arith.constant 399 : i32
    %dma_wait3A_155 = arith.constant 0 : i32
    %dma_wait3A_156 = tpu.memref_slice %arg8[%dma_wait3A_154, %dma_wait3A_155] : memref<400x25xi32, #tpu.memory_space<vmem>> -> memref<1x25xi32, #tpu.memory_space<vmem>>
    %dma_wait3A_157 = tpu.memref_squeeze %dma_wait3A_156 : memref<1x25xi32, #tpu.memory_space<vmem>> -> memref<25xi32, #tpu.memory_space<vmem>>
    %dma_wait3A_158 = arith.constant 0 : i32
    %dma_wait3A_159 = arith.constant 0 : i32
    %dma_wait3A_160 = tpu.memref_slice %arg19[%dma_wait3A_158, %dma_wait3A_159] : memref<10240x128xf32, #tpu.memory_space<vmem_shared>> -> memref<10240x128xf32, #tpu.memory_space<vmem_shared>>
    tpu.wait_indirect_dma semaphore(%arg21 : memref<!tpu.dma_semaphore, #tpu.memory_space<semaphore_mem>>) src(%arg18 : memref<25x128xf32, #tpu.memory_space<vmem>>) dst(%dma_wait3A_160 : memref<10240x128xf32, #tpu.memory_space<vmem_shared>>)
    %barrier3A_161 = arith.constant 0 : index
    tpu.barrier barrier_id(%barrier3A_161)
    %mul3A_162 = arith.constant 640 : i32
    %mul3A_163 = arith.muli %arg1, %mul3A_162 : i32
    "tpu.region"() ({
      %run_scoped3A = tpu.sem_alloc : memref<!tpu.dma_semaphore, #tpu.memory_space<semaphore_mem>>
      %dma_start3A_164 = arith.constant 0 : i32
      %dma_start3A_165 = tpu.memref_slice %arg5[%arg0, %mul3A_163, %dma_start3A_164] : memref<2x10240x128xf32, #tpu.memory_space<hbm>> -> memref<1x640x128xf32, #tpu.memory_space<hbm>>
      %dma_start3A_166 = tpu.memref_squeeze %dma_start3A_165 : memref<1x640x128xf32, #tpu.memory_space<hbm>> -> memref<640x128xf32, #tpu.memory_space<hbm>>
      %dma_start3A_167 = arith.constant 0 : i32
      %dma_start3A_168 = tpu.memref_slice %arg19[%mul3A_163, %dma_start3A_167] : memref<10240x128xf32, #tpu.memory_space<vmem_shared>> -> memref<640x128xf32, #tpu.memory_space<vmem_shared>>
      tpu.enqueue_dma source(%dma_start3A_168 : memref<640x128xf32, #tpu.memory_space<vmem_shared>>) target(%dma_start3A_166 : memref<640x128xf32, #tpu.memory_space<hbm>>) target_semaphore(%run_scoped3A : memref<!tpu.dma_semaphore, #tpu.memory_space<semaphore_mem>>)
      %dma_wait3A_169 = arith.constant 0 : i32
      %dma_wait3A_170 = tpu.memref_slice %arg5[%arg0, %mul3A_163, %dma_wait3A_169] : memref<2x10240x128xf32, #tpu.memory_space<hbm>> -> memref<1x640x128xf32, #tpu.memory_space<hbm>>
      %dma_wait3A_171 = tpu.memref_squeeze %dma_wait3A_170 : memref<1x640x128xf32, #tpu.memory_space<hbm>> -> memref<640x128xf32, #tpu.memory_space<hbm>>
      %dma_wait3A_172 = arith.constant 0 : i32
      %dma_wait3A_173 = tpu.memref_slice %arg19[%mul3A_163, %dma_wait3A_172] : memref<10240x128xf32, #tpu.memory_space<vmem_shared>> -> memref<640x128xf32, #tpu.memory_space<vmem_shared>>
      tpu.wait_dma2 semaphore(%run_scoped3A : memref<!tpu.dma_semaphore, #tpu.memory_space<semaphore_mem>>) src(%dma_wait3A_173 : memref<640x128xf32, #tpu.memory_space<vmem_shared>>) dst(%dma_wait3A_171 : memref<640x128xf32, #tpu.memory_space<hbm>>)
      tpu.yield
    }) : () -> ()
    return
  }
}

module attributes {stable_mosaic.version = 14 : i64} {
  func.func @body(%arg0: i32, %arg1: memref<2000x128xf32, #tpu.memory_space<vmem>>, %arg2: memref<2x2000x16xf32, #tpu.memory_space<vmem>>, %arg3: memref<2x2000x16xf32, #tpu.memory_space<vmem>>, %arg4: memref<2000x128xf32, #tpu.memory_space<vmem>>, %arg5: memref<2000x1xf32, #tpu.memory_space<vmem>>, %arg6: memref<2000x1xf32, #tpu.memory_space<vmem>>) attributes {dimension_semantics = [#tpu.dimension_semantics<arbitrary>], iteration_bounds = array<i64: 5>, scalar_prefetch = 0 : i64, scratch_operands = 0 : i64, tpu.core_type = #tpu.core_type<tc>, window_params = [{transform_indices = @transform_0, window_bounds = array<i64: 2000, 128>}, {transform_indices = @transform_1, window_bounds = array<i64: 2, 2000, 16>}, {transform_indices = @transform_2, window_bounds = array<i64: 2, 2000, 16>}, {transform_indices = @transform_3, window_bounds = array<i64: 2000, 128>}, {transform_indices = @transform_4, window_bounds = array<i64: 2000, 1>}, {transform_indices = @transform_5, window_bounds = array<i64: 2000, 1>}]} {
    %get3A = arith.constant 0 : index
    %get3A_0 = arith.constant 0 : index
    %get3A_1 = arith.constant 0 : index
    %get3A_2 = vector.load %arg2[%get3A, %get3A_0, %get3A_1] : memref<2x2000x16xf32, #tpu.memory_space<vmem>>, vector<1x2000x1xf32>
    %get3A_3 = vector.shape_cast %get3A_2 : vector<1x2000x1xf32> to vector<2000x1xf32>
    %get3A_4 = arith.constant 1 : index
    %get3A_5 = arith.constant 0 : index
    %get3A_6 = arith.constant 0 : index
    %get3A_7 = vector.load %arg2[%get3A_4, %get3A_5, %get3A_6] : memref<2x2000x16xf32, #tpu.memory_space<vmem>>, vector<1x2000x1xf32>
    %get3A_8 = vector.shape_cast %get3A_7 : vector<1x2000x1xf32> to vector<2000x1xf32>
    %add3A = arith.addf %get3A_3, %get3A_8 : vector<2000x1xf32>
    %get3A_9 = arith.constant 0 : index
    %get3A_10 = arith.constant 0 : index
    %get3A_11 = arith.constant 0 : index
    %get3A_12 = vector.load %arg3[%get3A_9, %get3A_10, %get3A_11] : memref<2x2000x16xf32, #tpu.memory_space<vmem>>, vector<1x2000x1xf32>
    %get3A_13 = vector.shape_cast %get3A_12 : vector<1x2000x1xf32> to vector<2000x1xf32>
    %get3A_14 = arith.constant 1 : index
    %get3A_15 = arith.constant 0 : index
    %get3A_16 = arith.constant 0 : index
    %get3A_17 = vector.load %arg3[%get3A_14, %get3A_15, %get3A_16] : memref<2x2000x16xf32, #tpu.memory_space<vmem>>, vector<1x2000x1xf32>
    %get3A_18 = vector.shape_cast %get3A_17 : vector<1x2000x1xf32> to vector<2000x1xf32>
    %add3A_19 = arith.addf %get3A_13, %get3A_18 : vector<2000x1xf32>
    %gt3A = arith.constant 0.000000e+00 : f32
    %gt3A_20 = vector.broadcast %gt3A : f32 to vector<2000x1xf32>
    %gt3A_21 = arith.cmpf ogt, %add3A, %gt3A_20 : vector<2000x1xf32>
    %max3A = arith.constant 1.000000e+00 : f32
    %max3A_22 = vector.broadcast %max3A : f32 to vector<2000x1xf32>
    %max3A_23 = arith.maximumf %add3A, %max3A_22 : vector<2000x1xf32>
    %rsqrt3A = math.rsqrt %max3A_23 : vector<2000x1xf32>
    %jit3A = arith.constant 0.000000e+00 : f32
    %broadcast_in_dim3A = vector.broadcast %jit3A : f32 to vector<2000x1xf32>
    %select_n3A = arith.select %gt3A_21, %rsqrt3A, %broadcast_in_dim3A : vector<2000x1xi1>, vector<2000x1xf32>
    %gt3A_24 = arith.constant 0.000000e+00 : f32
    %gt3A_25 = vector.broadcast %gt3A_24 : f32 to vector<2000x1xf32>
    %gt3A_26 = arith.cmpf ogt, %add3A_19, %gt3A_25 : vector<2000x1xf32>
    %max3A_27 = arith.constant 1.000000e+00 : f32
    %max3A_28 = vector.broadcast %max3A_27 : f32 to vector<2000x1xf32>
    %max3A_29 = arith.maximumf %add3A_19, %max3A_28 : vector<2000x1xf32>
    %rsqrt3A_30 = math.rsqrt %max3A_29 : vector<2000x1xf32>
    %jit3A_31 = arith.constant 0.000000e+00 : f32
    %broadcast_in_dim3A_32 = vector.broadcast %jit3A_31 : f32 to vector<2000x1xf32>
    %select_n3A_33 = arith.select %gt3A_26, %rsqrt3A_30, %broadcast_in_dim3A_32 : vector<2000x1xi1>, vector<2000x1xf32>
    %swap3A = arith.constant 0 : index
    %swap3A_34 = arith.constant 0 : index
    %swap3A_35 = vector.load %arg5[%swap3A, %swap3A_34] : memref<2000x1xf32, #tpu.memory_space<vmem>>, vector<2000x1xf32>
    tpu.vector_store %arg5[%swap3A, %swap3A_34], %select_n3A {strides = array<i32>} : memref<2000x1xf32, #tpu.memory_space<vmem>>, vector<2000x1xf32>,
    %swap3A_36 = arith.constant 0 : index
    %swap3A_37 = arith.constant 0 : index
    %swap3A_38 = vector.load %arg6[%swap3A_36, %swap3A_37] : memref<2000x1xf32, #tpu.memory_space<vmem>>, vector<2000x1xf32>
    tpu.vector_store %arg6[%swap3A_36, %swap3A_37], %select_n3A_33 {strides = array<i32>} : memref<2000x1xf32, #tpu.memory_space<vmem>>, vector<2000x1xf32>,
    %get3A_39 = arith.constant 0 : index
    %get3A_40 = arith.constant 0 : index
    %get3A_41 = vector.load %arg1[%get3A_39, %get3A_40] : memref<2000x128xf32, #tpu.memory_space<vmem>>, vector<2000x128xf32>
    %mul3A = vector.broadcast %select_n3A : vector<2000x1xf32> to vector<2000x128xf32>
    %mul3A_42 = arith.mulf %get3A_41, %mul3A : vector<2000x128xf32>
    %swap3A_43 = arith.constant 0 : index
    %swap3A_44 = arith.constant 0 : index
    %swap3A_45 = vector.load %arg4[%swap3A_43, %swap3A_44] : memref<2000x128xf32, #tpu.memory_space<vmem>>, vector<2000x128xf32>
    tpu.vector_store %arg4[%swap3A_43, %swap3A_44], %mul3A_42 {strides = array<i32>} : memref<2000x128xf32, #tpu.memory_space<vmem>>, vector<2000x128xf32>,
    return
  }
  func.func @transform_0(%arg0: i32) -> (i32, i32) {
    %c0_i32 = arith.constant 0 : i32
    %c0_i32_0 = arith.constant 0 : i32
    return %arg0, %c0_i32 : i32, i32
  }
  func.func @transform_1(%arg0: i32) -> (i32, i32, i32) {
    %c0_i32 = arith.constant 0 : i32
    %c0_i32_0 = arith.constant 0 : i32
    %c0_i32_1 = arith.constant 0 : i32
    return %c0_i32, %arg0, %c0_i32_0 : i32, i32, i32
  }
  func.func @transform_2(%arg0: i32) -> (i32, i32, i32) {
    %c0_i32 = arith.constant 0 : i32
    %c0_i32_0 = arith.constant 0 : i32
    %c0_i32_1 = arith.constant 0 : i32
    return %c0_i32, %arg0, %c0_i32_0 : i32, i32, i32
  }
  func.func @transform_3(%arg0: i32) -> (i32, i32) {
    %c0_i32 = arith.constant 0 : i32
    %c0_i32_0 = arith.constant 0 : i32
    return %arg0, %c0_i32 : i32, i32
  }
  func.func @transform_4(%arg0: i32) -> (i32, i32) {
    %c0_i32 = arith.constant 0 : i32
    %c0_i32_0 = arith.constant 0 : i32
    return %arg0, %c0_i32 : i32, i32
  }
  func.func @transform_5(%arg0: i32) -> (i32, i32) {
    %c0_i32 = arith.constant 0 : i32
    %c0_i32_0 = arith.constant 0 : i32
    return %arg0, %c0_i32 : i32, i32
  }
}

module attributes {stable_mosaic.version = 14 : i64} {
  func.func @body(%arg0: i32, %arg1: memref<2x2000x128xf32, #tpu.memory_space<vmem>>, %arg2: memref<2000x1xf32, #tpu.memory_space<vmem>>, %arg3: memref<2000x1xf32, #tpu.memory_space<vmem>>, %arg4: memref<128x128xf32, #tpu.memory_space<vmem>>, %arg5: memref<1x128xf32, #tpu.memory_space<vmem>>, %arg6: memref<2000x128xf32, #tpu.memory_space<vmem>>) attributes {dimension_semantics = [#tpu.dimension_semantics<arbitrary>], iteration_bounds = array<i64: 5>, scalar_prefetch = 0 : i64, scratch_operands = 0 : i64, tpu.core_type = #tpu.core_type<tc>, window_params = [{transform_indices = @transform_0, window_bounds = array<i64: 2, 2000, 128>}, {transform_indices = @transform_1, window_bounds = array<i64: 2000, 1>}, {transform_indices = @transform_2, window_bounds = array<i64: 2000, 1>}, {pipeline_mode = #tpu.pipeline_mode<synchronous>, transform_indices = @transform_3, window_bounds = array<i64: 128, 128>}, {pipeline_mode = #tpu.pipeline_mode<synchronous>, transform_indices = @transform_4, window_bounds = array<i64: 1, 128>}, {transform_indices = @transform_5, window_bounds = array<i64: 2000, 128>}]} {
    %get3A = arith.constant 0 : index
    %get3A_0 = arith.constant 0 : index
    %get3A_1 = arith.constant 0 : index
    %get3A_2 = vector.load %arg1[%get3A, %get3A_0, %get3A_1] : memref<2x2000x128xf32, #tpu.memory_space<vmem>>, vector<1x2000x128xf32>
    %get3A_3 = vector.shape_cast %get3A_2 : vector<1x2000x128xf32> to vector<2000x128xf32>
    %get3A_4 = arith.constant 1 : index
    %get3A_5 = arith.constant 0 : index
    %get3A_6 = arith.constant 0 : index
    %get3A_7 = vector.load %arg1[%get3A_4, %get3A_5, %get3A_6] : memref<2x2000x128xf32, #tpu.memory_space<vmem>>, vector<1x2000x128xf32>
    %get3A_8 = vector.shape_cast %get3A_7 : vector<1x2000x128xf32> to vector<2000x128xf32>
    %add3A = arith.addf %get3A_3, %get3A_8 : vector<2000x128xf32>
    %get3A_9 = arith.constant 0 : index
    %get3A_10 = arith.constant 0 : index
    %get3A_11 = vector.load %arg2[%get3A_9, %get3A_10] : memref<2000x1xf32, #tpu.memory_space<vmem>>, vector<2000x1xf32>
    %mul3A = vector.broadcast %get3A_11 : vector<2000x1xf32> to vector<2000x128xf32>
    %mul3A_12 = arith.mulf %add3A, %mul3A : vector<2000x128xf32>
    %get3A_13 = arith.constant 0 : index
    %get3A_14 = arith.constant 0 : index
    %get3A_15 = vector.load %arg4[%get3A_13, %get3A_14] : memref<128x128xf32, #tpu.memory_space<vmem>>, vector<128x128xf32>
    %dot_general3A = arith.constant dense<0.000000e+00> : vector<2000x128xf32>
    %dot_general3A_16 = tpu.matmul %mul3A_12, %get3A_15, %dot_general3A {dimension_numbers = #tpu.dot_dimension_numbers<[1], [0], [0], [1], [0, 0, 1, 1], [], []>, precision = #tpu.contract_precision<fp32>, transpose_lhs_hint = false} : vector<2000x128xf32>, vector<128x128xf32>, vector<2000x128xf32> -> vector<2000x128xf32>
    %get3A_17 = arith.constant 0 : index
    %get3A_18 = arith.constant 0 : index
    %get3A_19 = vector.load %arg5[%get3A_17, %get3A_18] : memref<1x128xf32, #tpu.memory_space<vmem>>, vector<1x128xf32>
    %add3A_20 = vector.broadcast %get3A_19 : vector<1x128xf32> to vector<2000x128xf32>
    %add3A_21 = arith.addf %dot_general3A_16, %add3A_20 : vector<2000x128xf32>
    %max3A = arith.constant 0.000000e+00 : f32
    %max3A_22 = vector.broadcast %max3A : f32 to vector<2000x128xf32>
    %max3A_23 = arith.maximumf %add3A_21, %max3A_22 : vector<2000x128xf32>
    %get3A_24 = arith.constant 0 : index
    %get3A_25 = arith.constant 0 : index
    %get3A_26 = vector.load %arg3[%get3A_24, %get3A_25] : memref<2000x1xf32, #tpu.memory_space<vmem>>, vector<2000x1xf32>
    %mul3A_27 = vector.broadcast %get3A_26 : vector<2000x1xf32> to vector<2000x128xf32>
    %mul3A_28 = arith.mulf %max3A_23, %mul3A_27 : vector<2000x128xf32>
    %swap3A = arith.constant 0 : index
    %swap3A_29 = arith.constant 0 : index
    %swap3A_30 = vector.load %arg6[%swap3A, %swap3A_29] : memref<2000x128xf32, #tpu.memory_space<vmem>>, vector<2000x128xf32>
    tpu.vector_store %arg6[%swap3A, %swap3A_29], %mul3A_28 {strides = array<i32>} : memref<2000x128xf32, #tpu.memory_space<vmem>>, vector<2000x128xf32>,
    return
  }
  func.func @transform_0(%arg0: i32) -> (i32, i32, i32) {
    %c0_i32 = arith.constant 0 : i32
    %c0_i32_0 = arith.constant 0 : i32
    %c0_i32_1 = arith.constant 0 : i32
    return %c0_i32, %arg0, %c0_i32_0 : i32, i32, i32
  }
  func.func @transform_1(%arg0: i32) -> (i32, i32) {
    %c0_i32 = arith.constant 0 : i32
    %c0_i32_0 = arith.constant 0 : i32
    return %arg0, %c0_i32 : i32, i32
  }
  func.func @transform_2(%arg0: i32) -> (i32, i32) {
    %c0_i32 = arith.constant 0 : i32
    %c0_i32_0 = arith.constant 0 : i32
    return %arg0, %c0_i32 : i32, i32
  }
  func.func @transform_3(%arg0: i32) -> (i32, i32) {
    %c0_i32 = arith.constant 0 : i32
    %c0_i32_0 = arith.constant 0 : i32
    %c0_i32_1 = arith.constant 0 : i32
    return %c0_i32, %c0_i32_0 : i32, i32
  }
  func.func @transform_4(%arg0: i32) -> (i32, i32) {
    %c0_i32 = arith.constant 0 : i32
    %c0_i32_0 = arith.constant 0 : i32
    %c0_i32_1 = arith.constant 0 : i32
    return %c0_i32, %c0_i32_0 : i32, i32
  }
  func.func @transform_5(%arg0: i32) -> (i32, i32) {
    %c0_i32 = arith.constant 0 : i32
    %c0_i32_0 = arith.constant 0 : i32
    return %arg0, %c0_i32 : i32, i32
  }
}

module attributes {stable_mosaic.version = 14 : i64} {
  func.func @body(%arg0: i32, %arg1: memref<2x2000x128xf32, #tpu.memory_space<vmem>>, %arg2: memref<2000x1xf32, #tpu.memory_space<vmem>>, %arg3: memref<2000x1xf32, #tpu.memory_space<vmem>>, %arg4: memref<128x128xf32, #tpu.memory_space<vmem>>, %arg5: memref<1x128xf32, #tpu.memory_space<vmem>>, %arg6: memref<128x128xf32, #tpu.memory_space<vmem>>, %arg7: memref<2000x128xf32, #tpu.memory_space<vmem>>) attributes {dimension_semantics = [#tpu.dimension_semantics<arbitrary>], iteration_bounds = array<i64: 5>, scalar_prefetch = 0 : i64, scratch_operands = 0 : i64, tpu.core_type = #tpu.core_type<tc>, window_params = [{transform_indices = @transform_0, window_bounds = array<i64: 2, 2000, 128>}, {transform_indices = @transform_1, window_bounds = array<i64: 2000, 1>}, {transform_indices = @transform_2, window_bounds = array<i64: 2000, 1>}, {pipeline_mode = #tpu.pipeline_mode<synchronous>, transform_indices = @transform_3, window_bounds = array<i64: 128, 128>}, {pipeline_mode = #tpu.pipeline_mode<synchronous>, transform_indices = @transform_4, window_bounds = array<i64: 1, 128>}, {pipeline_mode = #tpu.pipeline_mode<synchronous>, transform_indices = @transform_5, window_bounds = array<i64: 128, 128>}, {transform_indices = @transform_6, window_bounds = array<i64: 2000, 128>}]} {
    %get3A = arith.constant 0 : index
    %get3A_0 = arith.constant 0 : index
    %get3A_1 = arith.constant 0 : index
    %get3A_2 = vector.load %arg1[%get3A, %get3A_0, %get3A_1] : memref<2x2000x128xf32, #tpu.memory_space<vmem>>, vector<1x2000x128xf32>
    %get3A_3 = vector.shape_cast %get3A_2 : vector<1x2000x128xf32> to vector<2000x128xf32>
    %get3A_4 = arith.constant 1 : index
    %get3A_5 = arith.constant 0 : index
    %get3A_6 = arith.constant 0 : index
    %get3A_7 = vector.load %arg1[%get3A_4, %get3A_5, %get3A_6] : memref<2x2000x128xf32, #tpu.memory_space<vmem>>, vector<1x2000x128xf32>
    %get3A_8 = vector.shape_cast %get3A_7 : vector<1x2000x128xf32> to vector<2000x128xf32>
    %add3A = arith.addf %get3A_3, %get3A_8 : vector<2000x128xf32>
    %get3A_9 = arith.constant 0 : index
    %get3A_10 = arith.constant 0 : index
    %get3A_11 = vector.load %arg2[%get3A_9, %get3A_10] : memref<2000x1xf32, #tpu.memory_space<vmem>>, vector<2000x1xf32>
    %mul3A = vector.broadcast %get3A_11 : vector<2000x1xf32> to vector<2000x128xf32>
    %mul3A_12 = arith.mulf %add3A, %mul3A : vector<2000x128xf32>
    %get3A_13 = arith.constant 0 : index
    %get3A_14 = arith.constant 0 : index
    %get3A_15 = vector.load %arg4[%get3A_13, %get3A_14] : memref<128x128xf32, #tpu.memory_space<vmem>>, vector<128x128xf32>
    %dot_general3A = arith.constant dense<0.000000e+00> : vector<2000x128xf32>
    %dot_general3A_16 = tpu.matmul %mul3A_12, %get3A_15, %dot_general3A {dimension_numbers = #tpu.dot_dimension_numbers<[1], [0], [0], [1], [0, 0, 1, 1], [], []>, precision = #tpu.contract_precision<fp32>, transpose_lhs_hint = false} : vector<2000x128xf32>, vector<128x128xf32>, vector<2000x128xf32> -> vector<2000x128xf32>
    %get3A_17 = arith.constant 0 : index
    %get3A_18 = arith.constant 0 : index
    %get3A_19 = vector.load %arg5[%get3A_17, %get3A_18] : memref<1x128xf32, #tpu.memory_space<vmem>>, vector<1x128xf32>
    %add3A_20 = vector.broadcast %get3A_19 : vector<1x128xf32> to vector<2000x128xf32>
    %add3A_21 = arith.addf %dot_general3A_16, %add3A_20 : vector<2000x128xf32>
    %max3A = arith.constant 0.000000e+00 : f32
    %max3A_22 = vector.broadcast %max3A : f32 to vector<2000x128xf32>
    %max3A_23 = arith.maximumf %add3A_21, %max3A_22 : vector<2000x128xf32>
    %get3A_24 = arith.constant 0 : index
    %get3A_25 = arith.constant 0 : index
    %get3A_26 = vector.load %arg6[%get3A_24, %get3A_25] : memref<128x128xf32, #tpu.memory_space<vmem>>, vector<128x128xf32>
    %dot_general3A_27 = arith.constant dense<0.000000e+00> : vector<2000x128xf32>
    %dot_general3A_28 = tpu.matmul %max3A_23, %get3A_26, %dot_general3A_27 {dimension_numbers = #tpu.dot_dimension_numbers<[1], [0], [0], [1], [0, 0, 1, 1], [], []>, precision = #tpu.contract_precision<fp32>, transpose_lhs_hint = false} : vector<2000x128xf32>, vector<128x128xf32>, vector<2000x128xf32> -> vector<2000x128xf32>
    %get3A_29 = arith.constant 0 : index
    %get3A_30 = arith.constant 0 : index
    %get3A_31 = vector.load %arg3[%get3A_29, %get3A_30] : memref<2000x1xf32, #tpu.memory_space<vmem>>, vector<2000x1xf32>
    %mul3A_32 = vector.broadcast %get3A_31 : vector<2000x1xf32> to vector<2000x128xf32>
    %mul3A_33 = arith.mulf %dot_general3A_28, %mul3A_32 : vector<2000x128xf32>
    %swap3A = arith.constant 0 : index
    %swap3A_34 = arith.constant 0 : index
    %swap3A_35 = vector.load %arg7[%swap3A, %swap3A_34] : memref<2000x128xf32, #tpu.memory_space<vmem>>, vector<2000x128xf32>
    tpu.vector_store %arg7[%swap3A, %swap3A_34], %mul3A_33 {strides = array<i32>} : memref<2000x128xf32, #tpu.memory_space<vmem>>, vector<2000x128xf32>,
    return
  }
  func.func @transform_0(%arg0: i32) -> (i32, i32, i32) {
    %c0_i32 = arith.constant 0 : i32
    %c0_i32_0 = arith.constant 0 : i32
    %c0_i32_1 = arith.constant 0 : i32
    return %c0_i32, %arg0, %c0_i32_0 : i32, i32, i32
  }
  func.func @transform_1(%arg0: i32) -> (i32, i32) {
    %c0_i32 = arith.constant 0 : i32
    %c0_i32_0 = arith.constant 0 : i32
    return %arg0, %c0_i32 : i32, i32
  }
  func.func @transform_2(%arg0: i32) -> (i32, i32) {
    %c0_i32 = arith.constant 0 : i32
    %c0_i32_0 = arith.constant 0 : i32
    return %arg0, %c0_i32 : i32, i32
  }
  func.func @transform_3(%arg0: i32) -> (i32, i32) {
    %c0_i32 = arith.constant 0 : i32
    %c0_i32_0 = arith.constant 0 : i32
    %c0_i32_1 = arith.constant 0 : i32
    return %c0_i32, %c0_i32_0 : i32, i32
  }
  func.func @transform_4(%arg0: i32) -> (i32, i32) {
    %c0_i32 = arith.constant 0 : i32
    %c0_i32_0 = arith.constant 0 : i32
    %c0_i32_1 = arith.constant 0 : i32
    return %c0_i32, %c0_i32_0 : i32, i32
  }
  func.func @transform_5(%arg0: i32) -> (i32, i32) {
    %c0_i32 = arith.constant 0 : i32
    %c0_i32_0 = arith.constant 0 : i32
    %c0_i32_1 = arith.constant 0 : i32
    return %c0_i32, %c0_i32_0 : i32, i32
  }
  func.func @transform_6(%arg0: i32) -> (i32, i32) {
    %c0_i32 = arith.constant 0 : i32
    %c0_i32_0 = arith.constant 0 : i32
    return %arg0, %c0_i32 : i32, i32
  }
}

module attributes {stable_mosaic.version = 14 : i64} {
  func.func @body(%arg0: i32, %arg1: memref<2x2000x128xf32, #tpu.memory_space<vmem>>, %arg2: memref<2000x1xf32, #tpu.memory_space<vmem>>, %arg3: memref<1x40xf32, #tpu.memory_space<vmem>>, %arg4: memref<2000x40xf32, #tpu.memory_space<vmem>>) attributes {dimension_semantics = [#tpu.dimension_semantics<arbitrary>], iteration_bounds = array<i64: 5>, scalar_prefetch = 0 : i64, scratch_operands = 0 : i64, tpu.core_type = #tpu.core_type<tc>, window_params = [{transform_indices = @transform_0, window_bounds = array<i64: 2, 2000, 128>}, {transform_indices = @transform_1, window_bounds = array<i64: 2000, 1>}, {pipeline_mode = #tpu.pipeline_mode<synchronous>, transform_indices = @transform_2, window_bounds = array<i64: 1, 40>}, {transform_indices = @transform_3, window_bounds = array<i64: 2000, 40>}]} {
    %get3A = arith.constant 0 : index
    %get3A_0 = arith.constant 0 : index
    %get3A_1 = arith.constant 0 : index
    %get3A_2 = vector.load %arg1[%get3A, %get3A_0, %get3A_1] : memref<2x2000x128xf32, #tpu.memory_space<vmem>>, vector<1x2000x40xf32>
    %get3A_3 = vector.shape_cast %get3A_2 : vector<1x2000x40xf32> to vector<2000x40xf32>
    %get3A_4 = arith.constant 1 : index
    %get3A_5 = arith.constant 0 : index
    %get3A_6 = arith.constant 0 : index
    %get3A_7 = vector.load %arg1[%get3A_4, %get3A_5, %get3A_6] : memref<2x2000x128xf32, #tpu.memory_space<vmem>>, vector<1x2000x40xf32>
    %get3A_8 = vector.shape_cast %get3A_7 : vector<1x2000x40xf32> to vector<2000x40xf32>
    %add3A = arith.addf %get3A_3, %get3A_8 : vector<2000x40xf32>
    %get3A_9 = arith.constant 0 : index
    %get3A_10 = arith.constant 0 : index
    %get3A_11 = vector.load %arg2[%get3A_9, %get3A_10] : memref<2000x1xf32, #tpu.memory_space<vmem>>, vector<2000x1xf32>
    %mul3A = vector.broadcast %get3A_11 : vector<2000x1xf32> to vector<2000x40xf32>
    %mul3A_12 = arith.mulf %add3A, %mul3A : vector<2000x40xf32>
    %get3A_13 = arith.constant 0 : index
    %get3A_14 = arith.constant 0 : index
    %get3A_15 = vector.load %arg3[%get3A_13, %get3A_14] : memref<1x40xf32, #tpu.memory_space<vmem>>, vector<1x40xf32>
    %add3A_16 = vector.broadcast %get3A_15 : vector<1x40xf32> to vector<2000x40xf32>
    %add3A_17 = arith.addf %mul3A_12, %add3A_16 : vector<2000x40xf32>
    %swap3A = arith.constant 0 : index
    %swap3A_18 = arith.constant 0 : index
    %swap3A_19 = vector.load %arg4[%swap3A, %swap3A_18] : memref<2000x40xf32, #tpu.memory_space<vmem>>, vector<2000x40xf32>
    tpu.vector_store %arg4[%swap3A, %swap3A_18], %add3A_17 {strides = array<i32>} : memref<2000x40xf32, #tpu.memory_space<vmem>>, vector<2000x40xf32>,
    return
  }
  func.func @transform_0(%arg0: i32) -> (i32, i32, i32) {
    %c0_i32 = arith.constant 0 : i32
    %c0_i32_0 = arith.constant 0 : i32
    %c0_i32_1 = arith.constant 0 : i32
    return %c0_i32, %arg0, %c0_i32_0 : i32, i32, i32
  }
  func.func @transform_1(%arg0: i32) -> (i32, i32) {
    %c0_i32 = arith.constant 0 : i32
    %c0_i32_0 = arith.constant 0 : i32
    return %arg0, %c0_i32 : i32, i32
  }
  func.func @transform_2(%arg0: i32) -> (i32, i32) {
    %c0_i32 = arith.constant 0 : i32
    %c0_i32_0 = arith.constant 0 : i32
    %c0_i32_1 = arith.constant 0 : i32
    return %c0_i32, %c0_i32_0 : i32, i32
  }
  func.func @transform_3(%arg0: i32) -> (i32, i32) {
    %c0_i32 = arith.constant 0 : i32
    %c0_i32_0 = arith.constant 0 : i32
    return %arg0, %c0_i32 : i32, i32
  }
}

</mosaic_0001>

<sc_bundles>
// kernel: kernel.10.cloned.1.call-start
scs
__scs_entry_jumppad:
0x0: {  	(pc) =	sbr.rel $0x88, $3  }
0x1: {  	(tag) =	ssettag $0x0;
	lr =	simm.s32 $0x1  }
0x2: {  	[smem:$0x3F99] =	sst lr;
	_ =	strace $0xD0000000  }
0x3: {  	_ = 	snop  }
0x4: {  	_ = 	snop  }
0x5: {  	_ = 	snop  }
0x6: {  	_ = 	snop  }
0x7: {  	_ = 	snop  }
__scs_overlays_trampoline_lowered:
0x8: {  	[smem:$0x3FA8] =	sst s0  }
0x9: {  	[smem:$0x3FA9] =	sst s1  }
0xa: {  	[smem:$0x3FAA] =	sst s2  }
0xb: {  	[smem:$0x3FAB] =	sst s3  }
0xc: {  	[smem:$0x3FAC] =	sst s4  }
0xd: {  	[smem:$0x3FAD] =	sst s5  }
0xe: {  	[smem:$0x3FAE] =	sst s6  }
0xf: {  	[smem:$0x3FAF] =	sst s7  }
0x10: {  	[smem:$0x3FB0] =	sst s8  }
0x11: {  	[smem:$0x3FB1] =	sst s9;
	s0 =	simm.s32 @!p0 $0x0  }
0x12: {  	s1 =	sld [smem:$0x3F97];
	s0 =	simm.s32 @p0 $0x1  }
0x13: {  	[smem:$0x3FB2] =	sst s0;
	s0 =	simm.s32 @!p1 $0x0  }
0x14: {  	s2 =	sld [smem:$0x3F96];
	s0 =	simm.s32 @p1 $0x1  }
0x15: {  	[smem:$0x3FB3] =	sst s0;
	s0 =	simm.s32 @!p2 $0x0  }
0x16: {  	s3 =	sld [smem:$0x3FDB];
	s0 =	simm.s32 @p2 $0x1  }
0x17: {  	s4 =	simm.s32 $0x1BF5;
	[smem:$0x3FB5] =	sst s0  }
0x18: {  	s0 =	sld [smem:$0x3F98];
	_ =	swait.ge [sflag:s4], $0x0  }
0x19: {  	s7 =	sld [smem:$0x3F99]  }
0x1a: {  	s8 =	sadd.s32 $0xFFFFE003, lr  }
0x1b: {  	s9 =	sadd.s32 $0xFFFFFEF7, lr;
	s5 =	simm.s32 $0xFFFFFFFF;
	p2 =	slt.u32 s8, $0xFFFFF086  }
0x1c: {  	p1 =	slt.u32 s9, $0xF7A;
	s5 =	simm.s32 @!p2 $0x0  }
0x1d: {  	s5 =	simm.s32 @p1 $0x1;
	p0 =	seq.s32 s7, s2  }
0x1e: {  	s7 =	smul.u32 @!p0 $0xF7A, s2;
	p2 =	seq.s32 @!p0 s5, $0x0  }
0x1f: {  	s9 =	smul.u32 $0xF7A, s1;
	s8 =	simm.s32 @!p0 $0x1BF5;
	p2 =	por !p2, p0  }
0x20: {  	[sflag:s8] =	ssyncset.s32 @!p0 $0xFFFFF086;
	s6 =	sadd.s32 @!p0 s3, s7;
	s7 =	simm.s32 @!p0 $0x108  }
0x21: {  	s3 =	sadd.s32 s3, s9;
	s6 =	sadd.s32 @!p0 $0x88, s6;
	s7 =	simm.s32 @p2 $0x1082  }
0x22: {  	[simem:s7], [sflag:s8] =	dma.local @!p0 [hbm:s6], $0xF7A  }
0x23: {  	s9 =	sor.u32 $0xD0000000, s2;
	s6 =	simm.s32 $0x108;
	_ =	swait.ge @!p0 [sflag:s8], $0x0  }
0x24: {  	s3 =	sadd.s32 $0x88, s3;
	s6 =	simm.s32 @!p1 $0x1082;
	[sflag:s4] =	ssyncset.s32 $0xFFFFF086  }
0x25: {  	[simem:s6], [sflag:s4] =	dma.local [hbm:s3], $0xF7A  }
0x26: {  	[smem:$0x3F99] =	sst s1;
	(tag) =	ssettag s2;
	_ =	strace s9  }
0x27: {  	s1 =	sld [smem:$0x3FA9]  }
0x28: {  	s2 =	sld [smem:$0x3FAA]  }
0x29: {  	s4 =	sld [smem:$0x3FAC]  }
0x2a: {  	p0 =	seq.s32 s5, $0x0;
	s5 =	sld [smem:$0x3FAD]  }
0x2b: {  	s6 =	sld [smem:$0x3FAE]  }
0x2c: {  	s7 =	sld [smem:$0x3FAF]  }
0x2d: {  	s3 =	simm.s32 $0x108;
	s8 =	sld [smem:$0x3FB0]  }
0x2e: {  	s3 =	simm.s32 @!p0 $0x1082;
	s9 =	sld [smem:$0x3FB1]  }
0x2f: {  	lr =	sadd.s32 s0, s3;
	s0 =	sld [smem:$0x3FA8]  }
0x30: {  	s3 =	sld [smem:$0x3FAB]  }
0x31: {  	[smem:$0x3FB4] =	sst s10  }
0x32: {  	s10 =	sld [smem:$0x3FB2];
	_ =	sdelay $0x3  }
0x33: {  	p0 =	seq.s32 s10, $0x1;
	s10 =	sld [smem:$0x3FB4];
	_ =	sdelay $0x3  }
0x34: {  	[smem:$0x3FB4] =	sst s10  }
0x35: {  	s10 =	sld [smem:$0x3FB3];
	_ =	sdelay $0x3  }
0x36: {  	p1 =	seq.s32 s10, $0x1;
	s10 =	sld [smem:$0x3FB4];
	_ =	sdelay $0x3  }
0x37: {  	[smem:$0x3FB4] =	sst s10  }
0x38: {  	s10 =	sld [smem:$0x3FB5]  }
0x39: {  	_ = 	snop;
	(pc) =	sbr.ind lr, $3  }
0x3a: {  	_ = 	snop  }
0x3b: {  	_ = 	snop  }
0x3c: {  	p2 =	seq.s32 s10, $0x1;
	s10 =	sld [smem:$0x3FB4]  }
0x3d: {  	_ =	shalt  }
0x3e: {  	_ =	shalt  }
0x3f: {  	_ =	shalt  }
0x40: {  	_ =	shalt  }
0x41: {  	_ =	shalt  }
0x42: {  	_ =	shalt  }
0x43: {  	_ =	shalt  }
0x44: {  	_ =	shalt  }
0x45: {  	_ =	shalt  }
0x46: {  	_ =	shalt  }
0x47: {  	_ =	shalt  }
0x48: {  	_ =	shalt  }
0x49: {  	_ =	shalt  }
0x4a: {  	_ =	shalt  }
0x4b: {  	_ =	shalt  }
0x4c: {  	_ =	shalt  }
0x4d: {  	_ =	shalt  }
0x4e: {  	_ =	shalt  }
0x4f: {  	_ =	shalt  }
0x50: {  	_ =	shalt  }
0x51: {  	_ =	shalt  }
0x52: {  	_ =	shalt  }
0x53: {  	_ =	shalt  }
0x54: {  	_ =	shalt  }
0x55: {  	_ =	shalt  }
0x56: {  	_ =	shalt  }
0x57: {  	_ =	shalt  }
0x58: {  	_ =	shalt  }
0x59: {  	_ =	shalt  }
0x5a: {  	_ =	shalt  }
0x5b: {  	_ =	shalt  }
0x5c: {  	_ =	shalt  }
0x5d: {  	_ =	shalt  }
0x5e: {  	_ =	shalt  }
0x5f: {  	_ =	shalt  }
0x60: {  	_ =	shalt  }
0x61: {  	_ =	shalt  }
0x62: {  	_ =	shalt  }
0x63: {  	_ =	shalt  }
0x64: {  	_ =	shalt  }
0x65: {  	_ =	shalt  }
0x66: {  	_ =	shalt  }
0x67: {  	_ =	shalt  }
0x68: {  	_ =	shalt  }
0x69: {  	_ =	shalt  }
0x6a: {  	_ =	shalt  }
0x6b: {  	_ =	shalt  }
0x6c: {  	_ =	shalt  }
0x6d: {  	_ =	shalt  }
0x6e: {  	_ =	shalt  }
0x6f: {  	_ =	shalt  }
0x70: {  	_ =	shalt  }
0x71: {  	_ =	shalt  }
0x72: {  	_ =	shalt  }
0x73: {  	_ =	shalt  }
0x74: {  	_ =	shalt  }
0x75: {  	_ =	shalt  }
0x76: {  	_ =	shalt  }
0x77: {  	_ =	shalt  }
0x78: {  	_ =	shalt  }
0x79: {  	_ =	shalt  }
0x7a: {  	_ =	shalt  }
0x7b: {  	_ =	shalt  }
0x7c: {  	_ =	shalt  }
0x7d: {  	_ =	shalt  }
0x7e: {  	_ =	shalt  }
0x7f: {  	_ =	shalt  }
0x80: {  	_ =	shalt  }
0x81: {  	_ =	shalt  }
0x82: {  	_ =	shalt  }
0x83: {  	_ =	shalt  }
0x84: {  	_ =	shalt  }
0x85: {  	_ =	shalt  }
0x86: {  	_ =	shalt  }
0x87: {  	_ =	shalt  }
.Lfunc_end0:
.L_simem_size_0:
called_computation_lowered:
.L_overlay_start_0:
0x88: {  	s2 =	sld [smem:$0x3FD9]  }
0x89: {  	s3 =	sld [smem:$0x3FFE];
	_ =	sdelay $0x1  }
0x8a: {  	s1 =	srdreg.scid  }
0x8b: {  	s0 =	sand.u32 $0x1, s1  }
0x8c: {  	s17 =	sshll.u32 s0, $0xA;
	s2 =	sadd.s32 s3, s2  }
0x8d: {  	s2 =	sadd.s32 s2, s17  }
0x8e: {  	[smem:$0x3FC0] =	sst s2  }
0x8f: {  	_ = 	snop  }
0x90: {  	s2 =	sld [smem:$0x3FD0];
	(tm) =	ssettm $0x1  }
0x91: {  	s18 =	sld [smem:$0x3FFB];
	_ =	sdelay $0x3  }
0x92: {  	_ =	strace s18  }
0x93: {  	s3 =	sld [smem:$0x3FFC];
	_ =	sdelay $0x3  }
0x94: {  	_ =	strace s3  }
0x95: {  	s3 =	sld [smem:$0x3FFD];
	_ =	sdelay $0x3  }
0x96: {  	_ =	strace s3  }
0x97: {  	_ =	strace $0x8FFFFFFF  }
0x98: {  	s19 =	sld [smem:$0x3FDB];
	_ =	sdelay $0x1  }
0x99: {  	s4 =	simm.s32 $_scs_section_size  }
0x9a: {  	s5 =	simm.s32 $_size__tile_overlayer_lowered;
	s6 =	simm.s32 $_tile_overlayer_lowered  }
0x9b: {  	s22 =	simm.s32 $0x1BFF;
	s21 =	sshll.u32 s6, $0x1;
	s3 =	sadd.s32 s4, s19  }
0x9c: {  	s7 =	simm.s32 $0x0;
	s20 =	sshll.u32 s5, $0x1;
	s5 =	sadd.s32 s21, s3  }
0x9d: {  	[timem:s7], [sflag:s22] =	dma.local [hbm:s5], s20  }
0x9e: {  	_ =	swait.ge [sflag:s22], s20  }
0x9f: {  	s4 =	ssub.s32 $0x0, s20;
	[sflag:s22] =	ssyncset.done $0x0  }
0xa0: {  	[sflag:s22] =	ssyncadd.s32 s4;
	_ =	sdelay $0x1  }
0xa1: {  	s23 =	simm.s32 $0x1B8B  }
0xa2: {  	_ =	swait.ge [sflag:s23], $0x1  }
0xa3: {  	[sflag:s23] =	ssyncset.done $0x0  }
0xa4: {  	s25 =	simm.s32 $0x1B8E;
	s24 =	sld [smem:$0x3FFE];
	[sflag:s23] =	ssyncadd.s32 $0xFFFFFFFF  }
0xa5: {  	s26 =	simm.s32 $execute0_lowered;
	[smem:$0x3FD2] =	sst s25  }
0xa6: {  	s5 =	sshll.u32 s26, $0x1;
	_ =	strace $0x80000046;
	[dreg:$0x1] =	wrdreg $0xFFFFFFFF  }
0xa7: {  	s28 =	simm.s32 $_size_execute0_lowered;
	s3 =	sadd.s32 s3, s5;
	[dreg:$0x0] =	wrdreg $0x0  }
0xa8: {  	s5 =	sshll.u32 s28, $0x1;
	[dreg:$0x2] =	wrdreg s3  }
0xa9: {  	[dreg:$0x3] =	wrdreg s5  }
0xaa: {  	[dreg:$0x4] =	wrdreg $0xC0  }
0xab: {  	_ =	task [dreg:s7], $0x5FFFF  }
0xac: {  	[dreg:$0x1] =	wrdreg $0xFFFFFFFF  }
0xad: {  	[dreg:$0x0] =	wrdreg $0x60  }
0xae: {  	[dreg:$0x2] =	wrdreg s24  }
0xaf: {  	[dreg:$0x3] =	wrdreg s2  }
0xb0: {  	[dreg:$0x4] =	wrdreg $0x6A900  }
0xb1: {  	[dreg:$0x5] =	wrdreg $0x92900  }
0xb2: {  	[dreg:$0x6] =	wrdreg $0x9  }
0xb3: {  	_ =	task.clear_ibuf [dreg:s7], $0x7FFFF;
	_ =	strace $0x90000046  }
0xb4: {  	s29 =	simm.s32 $0x9;
	_ =	strace $0x80000048  }
0xb5: {  	_ =	swait.ge [sflag:s29], $0x1  }
0xb6: {  	[sflag:s29] =	ssyncadd.s32 $0xFFFFFFFF  }
0xb7: {  	_ =	strace $0x90000048  }
0xb8: {  	_ =	sfence  }
0xb9: {  	s30 =	sld [smem:$0x0];
	_ =	sdelay $0x2  }
0xba: {  	s31 =	sshll.u32 s1, $0xD;
	s1 =	sshrl.u32 s1, $0x2  }
0xbb: {  	s3 =	sand.u32 $0x4000, s31;
	s1 =	sadd.s32 s1, s30  }
0xbc: {  	s0 =	sor.u32 s3, s0;
	s1 =	sshll.u32 s1, $0x11  }
0xbd: {  	s0 =	sor.u32 s1, s0  }
0xbe: {  	s0 =	sadd.s32 $0x8F2B, s0  }
0xbf: {  	[sflag:s0] =	ssyncadd.remote.s32 $0x1  }
0xc0: {  	_ =	sfence.sel $0xFFFF  }
0xc1: {  	[dreg:$0x0] =	wrdreg $0xFFFFFFFF;
	(pc) =	sbr.abs _section_cstart, $3  }
0xc2: {  	[dreg:$0x1] =	wrdreg $0xFFFFFFFF  }
0xc3: {  	_ =	task.clear_ibuf [dreg:s7], $0x2FFFF;
	_ =	strace $0x9FFFFFFF  }
0xc4: {  	(tm) =	ssettm $0x7FFFFFFF  }
0xc5: {  	_ =	shalt  }
tec
execute0_lowered:
.L_overlay_start_1:
0x0: {  	(tag) =	ssettag $0x1  }
0x1: {  	s0 =	rddreg [dreg:$0x0]  }
0x2: {  	s1 =	rddreg [dreg:$0x1]  }
0x3: {  	s2 =	rddreg [dreg:$0x2]  }
0x4: {  	s3 =	rddreg [dreg:$0x3]  }
0x5: {  	s4 =	srdreg.scid;
	s6 =	stileid.u32;
	s8 =	simm.s32 $0x0  }
0x6: {  	s28 =	simm.s32 $0x3200;
	s29 =	simm.s32 $0x6590;
	s30 =	simm.s32 $0x19  }
0x7: {  	s31 =	simm.s32 $0x6400;
	s4 =	sand.u32 $0x1, s4;
	s5 =	sshll.u32 s6, $0x1  }
0x8: {  	s6 =	smul.u32 $0x2800, s6;
	[smem:$0x7FF] =	sst s8;
	s5 =	sor.u32 s4, s5  }
0x9: {  	s7 =	smul.u32 $0x28000, s4;
	_ =	strace $0x80000047;
	s4 =	ssub.s32 $0x2, s4  }
0xa: {  	s5 =	smul.u32 $0x640, s5;
	s18 =	sshrl.u32 s4, $0x1;
	s8 =	sadd.s32 s6, s2  }
0xb: {  	s10 =	sadd.s32 s6, s3;
	s20 =	sor.u32 $0x500, s6;
	s21 =	sadd.s32 $0xA00, s6  }
0xc: {  	s22 =	sadd.s32 $0xF00, s6;
	s23 =	sadd.s32 $0x1400, s6;
	s24 =	sadd.s32 $0x1900, s6  }
0xd: {  	s25 =	sadd.s32 $0x1E00, s6;
	s26 =	sadd.s32 $0x2300, s6;
	s7 =	sadd.s32 s6, s7  }
0xe: {  	s4 =	ssub.s32 s4, s18;
	s12 =	sadd.s32 s20, s2;
	s13 =	sadd.s32 s20, s3  }
0xf: {  	s14 =	sadd.s32 s21, s2;
	s15 =	sadd.s32 s21, s3;
	s16 =	sadd.s32 s22, s2  }
0x10: {  	s17 =	sadd.s32 s22, s3;
	s18 =	sadd.s32 s23, s2;
	s20 =	sadd.s32 s24, s2  }
0x11: {  	s21 =	sadd.s32 s24, s3;
	s22 =	sadd.s32 s25, s2;
	s5 =	sadd.s32 s5, s0  }
0x12: {  	s24 =	sadd.s32 s26, s2;
	s7 =	sshrl.u32 s7, $0x3;
	s19 =	sadd.s32 $0xF400, s5  }
0x13: {  	s11 =	smax.u32 s4, $0x1;
	s5 =	sadd.s32 $0x2C00, s5;
	[dreg:$0x5] =	wrdreg s19  }
0x14: {  	s0 =	sadd.s32 s7, s0;
	s1 =	sadd.s32 s1, s7;
	[dreg:$0x6] =	wrdreg s5  }
0x15: {  	[dreg:$0x7] =	wrdreg s1;
	s0 =	sadd.s32 $0x1BC00, s0;
	s19 =	sadd.s32 s23, s3  }
0x16: {  	s23 =	sadd.s32 s25, s3;
	s25 =	sadd.s32 s26, s3;
	s26 =	simm.s32 $0x2  }
0x17: {  	v0 =	vimm.f32 $1.000000000e+00;
	v1 =	vimm.f32 $0.0e+00;
	s1 =	simm.s32 $0x0;
	[dreg:$0x8] =	wrdreg s0;
	s0 =	simm.s32 $0x1  }
.LBB2_1:
0x18: {  	s4 =	simm.s32 $0x0;
	s5 =	rddreg [dreg:$0x5]  }
0x19: {  	[tilespmem:s4], [sflag:$0x2] =	stream.linear.gather [hbm4b:s5+s4], $0x3200, $0x38;
	[tilespmem:$0xBA90] =	vst v63  }
0x1a: {  	_ =	swait.ge [sflag:s26], $0x3200  }
0x1b: {  	[sflag:s26] =	ssyncset.done $0x0  }
0x1c: {  	s9 =	rddreg [dreg:$0x6];
	[sflag:s26] =	ssyncadd.s32 $0xFFFFCE00  }
0x1d: {  	[tilespmem:s28], [sflag:$0x2] =	stream.linear.gather [hbm4b:s9+s4], $0x3200, $0x38;
	[tilespmem:$0xBA90] =	vst v63  }
0x1e: {  	_ =	swait.ge [sflag:s26], $0x3200  }
0x1f: {  	[sflag:s26] =	ssyncset.done $0x0  }
0x20: {  	[sflag:s26] =	ssyncadd.s32 $0xFFFFCE00  }
0x21: {  	[tilespmem:$0x6400] =	vst v0  }
0x22: {  	[tilespmem:$0x6410] =	vst v0  }
0x23: {  	[tilespmem:$0x6420] =	vst v0  }
0x24: {  	[tilespmem:$0x6430] =	vst v0  }
0x25: {  	[tilespmem:$0x6440] =	vst v0  }
0x26: {  	[tilespmem:$0x6450] =	vst v0  }
0x27: {  	[tilespmem:$0x6460] =	vst v0  }
0x28: {  	[tilespmem:$0x6470] =	vst v0  }
0x29: {  	[tilespmem:$0x6480] =	vst v0  }
0x2a: {  	[tilespmem:$0x6490] =	vst v0  }
0x2b: {  	[tilespmem:$0x64A0] =	vst v0  }
0x2c: {  	[tilespmem:$0x64B0] =	vst v0  }
0x2d: {  	[tilespmem:$0x64C0] =	vst v0  }
0x2e: {  	[tilespmem:$0x64D0] =	vst v0  }
0x2f: {  	[tilespmem:$0x64E0] =	vst v0  }
0x30: {  	[tilespmem:$0x64F0] =	vst v0  }
0x31: {  	[tilespmem:$0x6500] =	vst v0  }
0x32: {  	[tilespmem:$0x6510] =	vst v0  }
0x33: {  	[tilespmem:$0x6520] =	vst v0  }
0x34: {  	[tilespmem:$0x6530] =	vst v0  }
0x35: {  	[tilespmem:$0x6540] =	vst v0  }
0x36: {  	[tilespmem:$0x6550] =	vst v0  }
0x37: {  	[tilespmem:$0x6560] =	vst v0  }
0x38: {  	[tilespmem:$0x6570] =	vst v0  }
0x39: {  	s5 =	simm.s32 $0x0;
	s4 =	simm.s32 $0x40;
	[tilespmem:$0x6580] =	vst v0  }
.LBB2_2:
0x3a: {  	p0 =	sne.s32 s4, $0x13C0;
	[tilespmem:s5+$0x6590] =	vst v1;
	s5 =	smov.u32 s4;
	s4 =	sadd.s32 $0x40, s4  }
.Ltmp0:
0x3b: {  	(pc) =	sbr.rel @p0 .LBB2_2-.Ltmp0, $2  }
0x3c: {  	_ =	sdelay $0x2  }
0x3d: {  	s5 =	sshra.s32 s5, $0x2  }
0x3e: {  	[tilespmem:s5+$0x6590] =	vst v1  }
0x3f: {  	[spmem:s8] =	stream.linear.scatter [tilespmem:s29], [sflag:$0x2], $0x500, $0x38;
	[tilespmem:$0xBA90] =	vst v63  }
0x40: {  	_ =	swait.ge [sflag:s26], $0x500  }
0x41: {  	[sflag:s26] =	ssyncset.done $0x0  }
0x42: {  	[sflag:s26] =	ssyncadd.s32 $0xFFFFFB00  }
0x43: {  	[spmem:s10] =	stream.linear.scatter [tilespmem:s29], [sflag:$0x2], $0x500, $0x38;
	[tilespmem:$0xBA90] =	vst v63  }
0x44: {  	_ =	swait.ge [sflag:s26], $0x500  }
0x45: {  	[sflag:s26] =	ssyncset.done $0x0  }
0x46: {  	[sflag:s26] =	ssyncadd.s32 $0xFFFFFB00  }
0x47: {  	[spmem:s12] =	stream.linear.scatter [tilespmem:s29], [sflag:$0x2], $0x500, $0x38;
	[tilespmem:$0xBA90] =	vst v63  }
0x48: {  	_ =	swait.ge [sflag:s26], $0x500  }
0x49: {  	[sflag:s26] =	ssyncset.done $0x0  }
0x4a: {  	[sflag:s26] =	ssyncadd.s32 $0xFFFFFB00  }
0x4b: {  	[spmem:s13] =	stream.linear.scatter [tilespmem:s29], [sflag:$0x2], $0x500, $0x38;
	[tilespmem:$0xBA90] =	vst v63  }
0x4c: {  	_ =	swait.ge [sflag:s26], $0x500  }
0x4d: {  	[sflag:s26] =	ssyncset.done $0x0  }
0x4e: {  	[sflag:s26] =	ssyncadd.s32 $0xFFFFFB00  }
0x4f: {  	[spmem:s14] =	stream.linear.scatter [tilespmem:s29], [sflag:$0x2], $0x500, $0x38;
	[tilespmem:$0xBA90] =	vst v63  }
0x50: {  	_ =	swait.ge [sflag:s26], $0x500  }
0x51: {  	[sflag:s26] =	ssyncset.done $0x0  }
0x52: {  	[sflag:s26] =	ssyncadd.s32 $0xFFFFFB00  }
0x53: {  	[spmem:s15] =	stream.linear.scatter [tilespmem:s29], [sflag:$0x2], $0x500, $0x38;
	[tilespmem:$0xBA90] =	vst v63  }
0x54: {  	_ =	swait.ge [sflag:s26], $0x500  }
0x55: {  	[sflag:s26] =	ssyncset.done $0x0  }
0x56: {  	[sflag:s26] =	ssyncadd.s32 $0xFFFFFB00  }
0x57: {  	[spmem:s16] =	stream.linear.scatter [tilespmem:s29], [sflag:$0x2], $0x500, $0x38;
	[tilespmem:$0xBA90] =	vst v63  }
0x58: {  	_ =	swait.ge [sflag:s26], $0x500  }
0x59: {  	[sflag:s26] =	ssyncset.done $0x0  }
0x5a: {  	[sflag:s26] =	ssyncadd.s32 $0xFFFFFB00  }
0x5b: {  	[spmem:s17] =	stream.linear.scatter [tilespmem:s29], [sflag:$0x2], $0x500, $0x38;
	[tilespmem:$0xBA90] =	vst v63  }
0x5c: {  	_ =	swait.ge [sflag:s26], $0x500  }
0x5d: {  	[sflag:s26] =	ssyncset.done $0x0  }
0x5e: {  	[sflag:s26] =	ssyncadd.s32 $0xFFFFFB00  }
0x5f: {  	[spmem:s18] =	stream.linear.scatter [tilespmem:s29], [sflag:$0x2], $0x500, $0x38;
	[tilespmem:$0xBA90] =	vst v63  }
0x60: {  	_ =	swait.ge [sflag:s26], $0x500  }
0x61: {  	[sflag:s26] =	ssyncset.done $0x0  }
0x62: {  	[sflag:s26] =	ssyncadd.s32 $0xFFFFFB00  }
0x63: {  	[spmem:s19] =	stream.linear.scatter [tilespmem:s29], [sflag:$0x2], $0x500, $0x38;
	[tilespmem:$0xBA90] =	vst v63  }
0x64: {  	_ =	swait.ge [sflag:s26], $0x500  }
0x65: {  	[sflag:s26] =	ssyncset.done $0x0  }
0x66: {  	[sflag:s26] =	ssyncadd.s32 $0xFFFFFB00  }
0x67: {  	[spmem:s20] =	stream.linear.scatter [tilespmem:s29], [sflag:$0x2], $0x500, $0x38;
	[tilespmem:$0xBA90] =	vst v63  }
0x68: {  	_ =	swait.ge [sflag:s26], $0x500  }
0x69: {  	[sflag:s26] =	ssyncset.done $0x0  }
0x6a: {  	[sflag:s26] =	ssyncadd.s32 $0xFFFFFB00  }
0x6b: {  	[spmem:s21] =	stream.linear.scatter [tilespmem:s29], [sflag:$0x2], $0x500, $0x38;
	[tilespmem:$0xBA90] =	vst v63  }
0x6c: {  	_ =	swait.ge [sflag:s26], $0x500  }
0x6d: {  	[sflag:s26] =	ssyncset.done $0x0  }
0x6e: {  	[sflag:s26] =	ssyncadd.s32 $0xFFFFFB00  }
0x6f: {  	[spmem:s22] =	stream.linear.scatter [tilespmem:s29], [sflag:$0x2], $0x500, $0x38;
	[tilespmem:$0xBA90] =	vst v63  }
0x70: {  	_ =	swait.ge [sflag:s26], $0x500  }
0x71: {  	[sflag:s26] =	ssyncset.done $0x0  }
0x72: {  	[sflag:s26] =	ssyncadd.s32 $0xFFFFFB00  }
0x73: {  	[spmem:s23] =	stream.linear.scatter [tilespmem:s29], [sflag:$0x2], $0x500, $0x38;
	[tilespmem:$0xBA90] =	vst v63  }
0x74: {  	_ =	swait.ge [sflag:s26], $0x500  }
0x75: {  	[sflag:s26] =	ssyncset.done $0x0  }
0x76: {  	[sflag:s26] =	ssyncadd.s32 $0xFFFFFB00  }
0x77: {  	[spmem:s24] =	stream.linear.scatter [tilespmem:s29], [sflag:$0x2], $0x500, $0x38;
	[tilespmem:$0xBA90] =	vst v63  }
0x78: {  	_ =	swait.ge [sflag:s26], $0x500  }
0x79: {  	[sflag:s26] =	ssyncset.done $0x0  }
0x7a: {  	[sflag:s26] =	ssyncadd.s32 $0xFFFFFB00  }
0x7b: {  	[spmem:s25] =	stream.linear.scatter [tilespmem:s29], [sflag:$0x2], $0x500, $0x38;
	[tilespmem:$0xBA90] =	vst v63  }
0x7c: {  	_ =	swait.ge [sflag:s26], $0x500  }
0x7d: {  	[sflag:s26] =	ssyncset.done $0x0  }
0x7e: {  	[sflag:s26] =	ssyncadd.s32 $0xFFFFFB00  }
0x7f: {  	s4 =	simm.s32 $0x0;
	[bflag:$0x0] =	sbarrier.arrive $0xFFFF  }
0x80: {  	[spmem:s2] =	stream.indirect.scatter.add.f32 [tilespmem:s31], [sflag:$0x1], $0x10, s4, s30, $0xb8;
	[tilespmem:$0xBA90] =	vst v63  }
0x81: {  	_ = 	snop  }
0x82: {  	[spmem:s3] =	stream.indirect.scatter.add.f32 [tilespmem:s31], [sflag:$0x1], $0x10, s28, s30, $0xb8;
	[tilespmem:$0xBA90] =	vst v63  }
0x83: {  	s7 =	simm.s32 $0x20  }
0x84: {  	[spmem:s2] =	stream.indirect.scatter.add.f32 [tilespmem:s31], [sflag:$0x1], $0x10, s7, s30, $0xb8;
	[tilespmem:$0xBA90] =	vst v63  }
0x85: {  	s9 =	simm.s32 $0x3220  }
0x86: {  	[spmem:s3] =	stream.indirect.scatter.add.f32 [tilespmem:s31], [sflag:$0x1], $0x10, s9, s30, $0xb8;
	[tilespmem:$0xBA90] =	vst v63  }
0x87: {  	s5 =	simm.s32 $0x40  }
0x88: {  	[spmem:s2] =	stream.indirect.scatter.add.f32 [tilespmem:s31], [sflag:$0x1], $0x10, s5, s30, $0xb8;
	[tilespmem:$0xBA90] =	vst v63  }
0x89: {  	s6 =	simm.s32 $0x3240  }
0x8a: {  	[spmem:s3] =	stream.indirect.scatter.add.f32 [tilespmem:s31], [sflag:$0x1], $0x10, s6, s30, $0xb8;
	[tilespmem:$0xBA90] =	vst v63  }
0x8b: {  	s7 =	simm.s32 $0x60  }
0x8c: {  	[spmem:s2] =	stream.indirect.scatter.add.f32 [tilespmem:s31], [sflag:$0x1], $0x10, s7, s30, $0xb8;
	[tilespmem:$0xBA90] =	vst v63  }
0x8d: {  	s9 =	simm.s32 $0x3260  }
0x8e: {  	[spmem:s3] =	stream.indirect.scatter.add.f32 [tilespmem:s31], [sflag:$0x1], $0x10, s9, s30, $0xb8;
	[tilespmem:$0xBA90] =	vst v63  }
0x8f: {  	s5 =	simm.s32 $0x80  }
0x90: {  	[spmem:s2] =	stream.indirect.scatter.add.f32 [tilespmem:s31], [sflag:$0x1], $0x10, s5, s30, $0xb8;
	[tilespmem:$0xBA90] =	vst v63  }
0x91: {  	s6 =	simm.s32 $0x3280  }
0x92: {  	[spmem:s3] =	stream.indirect.scatter.add.f32 [tilespmem:s31], [sflag:$0x1], $0x10, s6, s30, $0xb8;
	[tilespmem:$0xBA90] =	vst v63  }
0x93: {  	s7 =	simm.s32 $0xA0  }
0x94: {  	[spmem:s2] =	stream.indirect.scatter.add.f32 [tilespmem:s31], [sflag:$0x1], $0x10, s7, s30, $0xb8;
	[tilespmem:$0xBA90] =	vst v63  }
0x95: {  	s9 =	simm.s32 $0x32A0  }
0x96: {  	[spmem:s3] =	stream.indirect.scatter.add.f32 [tilespmem:s31], [sflag:$0x1], $0x10, s9, s30, $0xb8;
	[tilespmem:$0xBA90] =	vst v63  }
0x97: {  	s5 =	simm.s32 $0xC0  }
0x98: {  	[spmem:s2] =	stream.indirect.scatter.add.f32 [tilespmem:s31], [sflag:$0x1], $0x10, s5, s30, $0xb8;
	[tilespmem:$0xBA90] =	vst v63  }
0x99: {  	s6 =	simm.s32 $0x32C0  }
0x9a: {  	[spmem:s3] =	stream.indirect.scatter.add.f32 [tilespmem:s31], [sflag:$0x1], $0x10, s6, s30, $0xb8;
	[tilespmem:$0xBA90] =	vst v63  }
0x9b: {  	s7 =	simm.s32 $0xE0  }
0x9c: {  	[spmem:s2] =	stream.indirect.scatter.add.f32 [tilespmem:s31], [sflag:$0x1], $0x10, s7, s30, $0xb8;
	[tilespmem:$0xBA90] =	vst v63  }
0x9d: {  	s9 =	simm.s32 $0x32E0  }
0x9e: {  	[spmem:s3] =	stream.indirect.scatter.add.f32 [tilespmem:s31], [sflag:$0x1], $0x10, s9, s30, $0xb8;
	[tilespmem:$0xBA90] =	vst v63  }
0x9f: {  	s5 =	simm.s32 $0x100  }
0xa0: {  	[spmem:s2] =	stream.indirect.scatter.add.f32 [tilespmem:s31], [sflag:$0x1], $0x10, s5, s30, $0xb8;
	[tilespmem:$0xBA90] =	vst v63  }
0xa1: {  	s6 =	simm.s32 $0x3300  }
0xa2: {  	[spmem:s3] =	stream.indirect.scatter.add.f32 [tilespmem:s31], [sflag:$0x1], $0x10, s6, s30, $0xb8;
	[tilespmem:$0xBA90] =	vst v63  }
0xa3: {  	s7 =	simm.s32 $0x120  }
0xa4: {  	[spmem:s2] =	stream.indirect.scatter.add.f32 [tilespmem:s31], [sflag:$0x1], $0x10, s7, s30, $0xb8;
	[tilespmem:$0xBA90] =	vst v63  }
0xa5: {  	s9 =	simm.s32 $0x3320  }
0xa6: {  	[spmem:s3] =	stream.indirect.scatter.add.f32 [tilespmem:s31], [sflag:$0x1], $0x10, s9, s30, $0xb8;
	[tilespmem:$0xBA90] =	vst v63  }
0xa7: {  	_ =	swait.ge [sflag:s0], $0x190  }
0xa8: {  	[sflag:s0] =	ssyncset.done $0x0  }
0xa9: {  	[sflag:s0] =	ssyncadd.s32 $0xFFFFFE70  }
0xaa: {  	_ =	swait.ge [sflag:s0], $0x190  }
0xab: {  	[sflag:s0] =	ssyncset.done $0x0  }
0xac: {  	[sflag:s0] =	ssyncadd.s32 $0xFFFFFE70  }
0xad: {  	_ =	swait.ge [sflag:s0], $0x190  }
0xae: {  	[sflag:s0] =	ssyncset.done $0x0  }
0xaf: {  	[sflag:s0] =	ssyncadd.s32 $0xFFFFFE70  }
0xb0: {  	_ =	swait.ge [sflag:s0], $0x190  }
0xb1: {  	[sflag:s0] =	ssyncset.done $0x0  }
0xb2: {  	[sflag:s0] =	ssyncadd.s32 $0xFFFFFE70  }
0xb3: {  	_ =	swait.ge [sflag:s0], $0x190  }
0xb4: {  	[sflag:s0] =	ssyncset.done $0x0  }
0xb5: {  	[sflag:s0] =	ssyncadd.s32 $0xFFFFFE70  }
0xb6: {  	_ =	swait.ge [sflag:s0], $0x190  }
0xb7: {  	[sflag:s0] =	ssyncset.done $0x0  }
0xb8: {  	[sflag:s0] =	ssyncadd.s32 $0xFFFFFE70  }
0xb9: {  	_ =	swait.ge [sflag:s0], $0x190  }
0xba: {  	[sflag:s0] =	ssyncset.done $0x0  }
0xbb: {  	[sflag:s0] =	ssyncadd.s32 $0xFFFFFE70  }
0xbc: {  	_ =	swait.ge [sflag:s0], $0x190  }
0xbd: {  	[sflag:s0] =	ssyncset.done $0x0  }
0xbe: {  	[sflag:s0] =	ssyncadd.s32 $0xFFFFFE70  }
0xbf: {  	_ =	swait.ge [sflag:s0], $0x190  }
0xc0: {  	[sflag:s0] =	ssyncset.done $0x0  }
0xc1: {  	[sflag:s0] =	ssyncadd.s32 $0xFFFFFE70  }
0xc2: {  	_ =	swait.ge [sflag:s0], $0x190  }
0xc3: {  	s4 =	simm.s32 $0x500;
	s6 =	simm.s32 $0xA0;
	[sflag:s0] =	ssyncset.done $0x0  }
.LBB2_4:
0xc4: {  	s9 =	sadd.s32 $0xA0, s6  }
0xc5: {  	[sflag:s0] =	ssyncadd.s32 $0xFFFFFE70;
	s5 =	smov.u32 s4;
	s7 =	sadd.s32 $0x280, s4  }
0xc6: {  	[spmem:s2] =	stream.indirect.scatter.add.f32 [tilespmem:s31], [sflag:$0x1], $0x10, s9, s30, $0xb8;
	[tilespmem:$0xBA90] =	vst v63  }
0xc7: {  	p0 =	sne.s32 s4, $0xC300;
	s4 =	sadd.s32 $0x32A0, s6  }
0xc8: {  	[spmem:s3] =	stream.indirect.scatter.add.f32 [tilespmem:s31], [sflag:$0x1], $0x10, s4, s30, $0xb8;
	[tilespmem:$0xBA90] =	vst v63  }
0xc9: {  	s4 =	sadd.s32 $0xC0, s6  }
0xca: {  	[spmem:s2] =	stream.indirect.scatter.add.f32 [tilespmem:s31], [sflag:$0x1], $0x10, s4, s30, $0xb8;
	[tilespmem:$0xBA90] =	vst v63  }
0xcb: {  	s4 =	sadd.s32 $0x32C0, s6  }
0xcc: {  	[spmem:s3] =	stream.indirect.scatter.add.f32 [tilespmem:s31], [sflag:$0x1], $0x10, s4, s30, $0xb8;
	[tilespmem:$0xBA90] =	vst v63  }
0xcd: {  	s4 =	sadd.s32 $0xE0, s6  }
0xce: {  	[spmem:s2] =	stream.indirect.scatter.add.f32 [tilespmem:s31], [sflag:$0x1], $0x10, s4, s30, $0xb8;
	[tilespmem:$0xBA90] =	vst v63  }
0xcf: {  	s4 =	sadd.s32 $0x32E0, s6  }
0xd0: {  	[spmem:s3] =	stream.indirect.scatter.add.f32 [tilespmem:s31], [sflag:$0x1], $0x10, s4, s30, $0xb8;
	[tilespmem:$0xBA90] =	vst v63  }
0xd1: {  	s4 =	sadd.s32 $0x100, s6  }
0xd2: {  	[spmem:s2] =	stream.indirect.scatter.add.f32 [tilespmem:s31], [sflag:$0x1], $0x10, s4, s30, $0xb8;
	[tilespmem:$0xBA90] =	vst v63  }
0xd3: {  	s4 =	sadd.s32 $0x3300, s6  }
0xd4: {  	[spmem:s3] =	stream.indirect.scatter.add.f32 [tilespmem:s31], [sflag:$0x1], $0x10, s4, s30, $0xb8;
	[tilespmem:$0xBA90] =	vst v63  }
0xd5: {  	s4 =	sadd.s32 $0x120, s6  }
0xd6: {  	[spmem:s2] =	stream.indirect.scatter.add.f32 [tilespmem:s31], [sflag:$0x1], $0x10, s4, s30, $0xb8;
	[tilespmem:$0xBA90] =	vst v63  }
0xd7: {  	s4 =	sadd.s32 $0x3320, s6  }
0xd8: {  	[spmem:s3] =	stream.indirect.scatter.add.f32 [tilespmem:s31], [sflag:$0x1], $0x10, s4, s30, $0xb8;
	[tilespmem:$0xBA90] =	vst v63  }
0xd9: {  	_ =	swait.ge [sflag:s0], $0x190  }
0xda: {  	[sflag:s0] =	ssyncset.done $0x0  }
0xdb: {  	[sflag:s0] =	ssyncadd.s32 $0xFFFFFE70  }
0xdc: {  	_ =	swait.ge [sflag:s0], $0x190  }
0xdd: {  	[sflag:s0] =	ssyncset.done $0x0  }
0xde: {  	[sflag:s0] =	ssyncadd.s32 $0xFFFFFE70  }
0xdf: {  	_ =	swait.ge [sflag:s0], $0x190  }
0xe0: {  	[sflag:s0] =	ssyncset.done $0x0  }
0xe1: {  	[sflag:s0] =	ssyncadd.s32 $0xFFFFFE70  }
0xe2: {  	_ =	swait.ge [sflag:s0], $0x190  }
0xe3: {  	[sflag:s0] =	ssyncset.done $0x0  }
0xe4: {  	[sflag:s0] =	ssyncadd.s32 $0xFFFFFE70  }
0xe5: {  	_ =	swait.ge [sflag:s0], $0x190  }
0xe6: {  	[sflag:s0] =	ssyncset.done $0x0  }
0xe7: {  	[sflag:s0] =	ssyncadd.s32 $0xFFFFFE70  }
0xe8: {  	_ =	swait.ge [sflag:s0], $0x190  }
0xe9: {  	[sflag:s0] =	ssyncset.done $0x0  }
0xea: {  	[sflag:s0] =	ssyncadd.s32 $0xFFFFFE70  }
0xeb: {  	_ =	swait.ge [sflag:s0], $0x190  }
0xec: {  	[sflag:s0] =	ssyncset.done $0x0  }
0xed: {  	[sflag:s0] =	ssyncadd.s32 $0xFFFFFE70  }
0xee: {  	_ =	swait.ge [sflag:s0], $0x190  }
0xef: {  	[sflag:s0] =	ssyncset.done $0x0  }
0xf0: {  	[sflag:s0] =	ssyncadd.s32 $0xFFFFFE70  }
.Ltmp1:
0xf1: {  	_ =	swait.ge [sflag:s0], $0x190;
	(pc) =	sbr.rel @p0 .LBB2_4-.Ltmp1, $4  }
0xf2: {  	[sflag:s0] =	ssyncset.done $0x0  }
0xf3: {  	[sflag:s0] =	ssyncadd.s32 $0xFFFFFE70  }
0xf4: {  	_ =	swait.ge [sflag:s0], $0x190  }
0xf5: {  	s6 =	sshra.s32 s5, $0x2;
	s4 =	smov.u32 s7;
	[sflag:s0] =	ssyncset.done $0x0  }
0xf6: {  	s4 =	sadd.s32 $0xA0, s6;
	[sflag:s0] =	ssyncadd.s32 $0xFFFFFE70  }
0xf7: {  	[spmem:s2] =	stream.indirect.scatter.add.f32 [tilespmem:s31], [sflag:$0x1], $0x10, s4, s30, $0xb8;
	[tilespmem:$0xBA90] =	vst v63  }
0xf8: {  	s9 =	sadd.s32 $0x32A0, s6  }
0xf9: {  	[spmem:s3] =	stream.indirect.scatter.add.f32 [tilespmem:s31], [sflag:$0x1], $0x10, s9, s30, $0xb8;
	[tilespmem:$0xBA90] =	vst v63  }
0xfa: {  	s5 =	sadd.s32 $0xC0, s6  }
0xfb: {  	[spmem:s2] =	stream.indirect.scatter.add.f32 [tilespmem:s31], [sflag:$0x1], $0x10, s5, s30, $0xb8;
	[tilespmem:$0xBA90] =	vst v63  }
0xfc: {  	s7 =	sadd.s32 $0x32C0, s6  }
0xfd: {  	[spmem:s3] =	stream.indirect.scatter.add.f32 [tilespmem:s31], [sflag:$0x1], $0x10, s7, s30, $0xb8;
	[tilespmem:$0xBA90] =	vst v63  }
0xfe: {  	s9 =	sadd.s32 $0xE0, s6  }
0xff: {  	[spmem:s2] =	stream.indirect.scatter.add.f32 [tilespmem:s31], [sflag:$0x1], $0x10, s9, s30, $0xb8;
	[tilespmem:$0xBA90] =	vst v63  }
0x100: {  	s5 =	sadd.s32 $0x32E0, s6  }
0x101: {  	[spmem:s3] =	stream.indirect.scatter.add.f32 [tilespmem:s31], [sflag:$0x1], $0x10, s5, s30, $0xb8;
	[tilespmem:$0xBA90] =	vst v63  }
0x102: {  	s7 =	sadd.s32 $0x100, s6  }
0x103: {  	[spmem:s2] =	stream.indirect.scatter.add.f32 [tilespmem:s31], [sflag:$0x1], $0x10, s7, s30, $0xb8;
	[tilespmem:$0xBA90] =	vst v63  }
0x104: {  	s9 =	sadd.s32 $0x3300, s6  }
0x105: {  	[spmem:s3] =	stream.indirect.scatter.add.f32 [tilespmem:s31], [sflag:$0x1], $0x10, s9, s30, $0xb8;
	[tilespmem:$0xBA90] =	vst v63  }
0x106: {  	s5 =	sadd.s32 $0x120, s6  }
0x107: {  	[spmem:s2] =	stream.indirect.scatter.add.f32 [tilespmem:s31], [sflag:$0x1], $0x10, s5, s30, $0xb8;
	[tilespmem:$0xBA90] =	vst v63  }
0x108: {  	s6 =	sadd.s32 $0x3320, s6  }
0x109: {  	[spmem:s3] =	stream.indirect.scatter.add.f32 [tilespmem:s31], [sflag:$0x1], $0x10, s6, s30, $0xb8;
	[tilespmem:$0xBA90] =	vst v63  }
0x10a: {  	_ =	swait.ge [sflag:s0], $0x190  }
0x10b: {  	[sflag:s0] =	ssyncset.done $0x0  }
0x10c: {  	[sflag:s0] =	ssyncadd.s32 $0xFFFFFE70  }
0x10d: {  	_ =	swait.ge [sflag:s0], $0x190  }
0x10e: {  	[sflag:s0] =	ssyncset.done $0x0  }
0x10f: {  	[sflag:s0] =	ssyncadd.s32 $0xFFFFFE70  }
0x110: {  	_ =	swait.ge [sflag:s0], $0x190  }
0x111: {  	[sflag:s0] =	ssyncset.done $0x0  }
0x112: {  	[sflag:s0] =	ssyncadd.s32 $0xFFFFFE70  }
0x113: {  	_ =	swait.ge [sflag:s0], $0x190  }
0x114: {  	[sflag:s0] =	ssyncset.done $0x0  }
0x115: {  	[sflag:s0] =	ssyncadd.s32 $0xFFFFFE70  }
0x116: {  	_ =	swait.ge [sflag:s0], $0x190  }
0x117: {  	[sflag:s0] =	ssyncset.done $0x0  }
0x118: {  	[sflag:s0] =	ssyncadd.s32 $0xFFFFFE70  }
0x119: {  	_ =	swait.ge [sflag:s0], $0x190  }
0x11a: {  	[sflag:s0] =	ssyncset.done $0x0  }
0x11b: {  	[sflag:s0] =	ssyncadd.s32 $0xFFFFFE70  }
0x11c: {  	_ =	swait.ge [sflag:s0], $0x190  }
0x11d: {  	[sflag:s0] =	ssyncset.done $0x0  }
0x11e: {  	[sflag:s0] =	ssyncadd.s32 $0xFFFFFE70  }
0x11f: {  	_ =	swait.ge [sflag:s0], $0x190  }
0x120: {  	[sflag:s0] =	ssyncset.done $0x0  }
0x121: {  	[sflag:s0] =	ssyncadd.s32 $0xFFFFFE70  }
0x122: {  	_ =	swait.ge [sflag:s0], $0x190  }
0x123: {  	[sflag:s0] =	ssyncset.done $0x0  }
0x124: {  	[sflag:s0] =	ssyncadd.s32 $0xFFFFFE70  }
0x125: {  	_ =	swait.ge [sflag:s0], $0x190  }
0x126: {  	[sflag:s0] =	ssyncset.done $0x0  }
0x127: {  	[sflag:s0] =	ssyncadd.s32 $0xFFFFFE70  }
0x128: {  	_ =	swait.ge [sflag:s0], $0x190  }
0x129: {  	[sflag:s0] =	ssyncset.done $0x0  }
0x12a: {  	[sflag:s0] =	ssyncadd.s32 $0xFFFFFE70  }
0x12b: {  	_ =	swait.ge [sflag:s0], $0x190  }
0x12c: {  	[sflag:s0] =	ssyncset.done $0x0  }
0x12d: {  	[sflag:s0] =	ssyncadd.s32 $0xFFFFFE70  }
0x12e: {  	_ =	swait.ge [sflag:s0], $0x190  }
0x12f: {  	[sflag:s0] =	ssyncset.done $0x0  }
0x130: {  	[sflag:s0] =	ssyncadd.s32 $0xFFFFFE70  }
0x131: {  	_ =	swait.ge [sflag:s0], $0x190  }
0x132: {  	[sflag:s0] =	ssyncset.done $0x0  }
0x133: {  	[sflag:s0] =	ssyncadd.s32 $0xFFFFFE70  }
0x134: {  	_ =	swait.ge [sflag:s0], $0x190  }
0x135: {  	[sflag:s0] =	ssyncset.done $0x0  }
0x136: {  	[sflag:s0] =	ssyncadd.s32 $0xFFFFFE70  }
0x137: {  	_ =	swait.ge [sflag:s0], $0x190  }
0x138: {  	[sflag:s0] =	ssyncset.done $0x0  }
0x139: {  	[sflag:s0] =	ssyncadd.s32 $0xFFFFFE70  }
0x13a: {  	_ =	swait.ge [sflag:s0], $0x190  }
0x13b: {  	[sflag:s0] =	ssyncset.done $0x0  }
0x13c: {  	[sflag:s0] =	ssyncadd.s32 $0xFFFFFE70  }
0x13d: {  	_ =	swait.ge [sflag:s0], $0x190  }
0x13e: {  	[sflag:s0] =	ssyncset.done $0x0  }
0x13f: {  	[sflag:s0] =	ssyncadd.s32 $0xFFFFFE70  }
0x140: {  	_ =	swait.ge [sflag:s0], $0x190  }
0x141: {  	[sflag:s0] =	ssyncset.done $0x0  }
0x142: {  	[sflag:s0] =	ssyncadd.s32 $0xFFFFFE70  }
0x143: {  	_ =	swait.ge [sflag:s0], $0x190  }
0x144: {  	[sflag:s0] =	ssyncset.done $0x0  }
0x145: {  	s7 =	stileid.u32;
	[sflag:s0] =	ssyncadd.s32 $0xFFFFFE70  }
0x146: {  	s4 =	sshll.u32 s7, $0x6;
	[bflag:$0x0] =	sbarrier.arrive $0xFFFF  }
0x147: {  	s4 =	sor.u32 $0x1C02, s4;
	s5 =	sshrl.u32 s8, $0x3;
	s9 =	rddreg [dreg:$0x7]  }
0x148: {  	[hbm:s9], [sflag:s4] =	dma.local [spmem:s5], $0x500  }
0x149: {  	s1 =	sadd.s32 $0x1, s1;
	_ =	swait.ge [sflag:s26], $0x500  }
0x14a: {  	p0 =	sne.s32 s1, s11;
	s7 =	sshrl.u32 s10, $0x3;
	[sflag:s26] =	ssyncset.done $0x0  }
.Ltmp2:
0x14b: {  	s9 =	rddreg [dreg:$0x8];
	[sflag:s26] =	ssyncadd.s32 $0xFFFFFB00;
	(pc) =	sbr.rel @p0 .LBB2_1-.Ltmp2, $4  }
0x14c: {  	[hbm:s9], [sflag:s4] =	dma.local [spmem:s7], $0x500  }
0x14d: {  	_ =	swait.ge [sflag:s26], $0x500  }
0x14e: {  	[sflag:s26] =	ssyncset.done $0x0  }
0x14f: {  	[sflag:s26] =	ssyncadd.s32 $0xFFFFFB00  }
0x150: {  	_ =	sfence.sel $0x180000  }
0x151: {  	[bflag:$0x0] =	sbarrier.arrive $0xFFFF  }
0x152: {  	_ =	strace $0x90000047  }
0x153: {  	s0 =	stileid.u32;
	[bflag:$0x2] =	sbarrier.arrive $0xFFFF  }
0x154: {  	p0 =	sne.s32 s0, $0x0;
	s0 =	rddreg [dreg:$0x4]  }
0x155: {  	s0 =	sadd.s32 @!p0 $0x100000, s0  }
0x156: {  	[sflag:s0] =	ssyncadd.tile.s32 @!p0 $0x1;
	_ =	shalt  }
.Lfunc_end2:
_tile_overlayer_lowered:
.L_overlay_start_2:
0x157: {  	(tag) =	ssettag $0x2  }
0x158: {  	s0 =	rddreg [dreg:$0x0];
	s2 =	stileid.u32  }
0x159: {  	s1 =	rddreg [dreg:$0x1];
	p0 =	sne.s32 s2, $0x0  }
0x15a: {  	s3 =	rddreg [dreg:$0x2];
	[bflag:$0x3] =	sbarrier.arrive $0xFFFF;
	s2 =	simm.s32 @!p0 $0x1C02  }
0x15b: {  	[timem:s3], [sflag:s2] =	dma.local @!p0 [hbm:s0], s1  }
0x15c: {  	s0 =	simm.s32 @!p0 $0x2  }
0x15d: {  	_ =	swait.ge @!p0 [sflag:s0], s1  }
0x15e: {  	s1 =	ssub.s32 @!p0 $0x0, s1;
	[sflag:s0] =	ssyncset.done @!p0 $0x0  }
0x15f: {  	[sflag:s0] =	ssyncadd.s32 @!p0 s1  }
0x160: {  	[bflag:$0x3] =	sbarrier.arrive $0xFFFF  }
0x161: {  	_ =	shalt  }

// kernel: kernel.13.cloned.1.call-start
scs
__scs_entry_jumppad:
0x0: {  	(pc) =	sbr.rel $0x88, $3  }
0x1: {  	(tag) =	ssettag $0x0;
	lr =	simm.s32 $0x1  }
0x2: {  	[smem:$0x3F99] =	sst lr;
	_ =	strace $0xD0000000  }
0x3: {  	_ = 	snop  }
0x4: {  	_ = 	snop  }
0x5: {  	_ = 	snop  }
0x6: {  	_ = 	snop  }
0x7: {  	_ = 	snop  }
__scs_overlays_trampoline_lowered:
0x8: {  	[smem:$0x3FA8] =	sst s0  }
0x9: {  	[smem:$0x3FA9] =	sst s1  }
0xa: {  	[smem:$0x3FAA] =	sst s2  }
0xb: {  	[smem:$0x3FAB] =	sst s3  }
0xc: {  	[smem:$0x3FAC] =	sst s4  }
0xd: {  	[smem:$0x3FAD] =	sst s5  }
0xe: {  	[smem:$0x3FAE] =	sst s6  }
0xf: {  	[smem:$0x3FAF] =	sst s7  }
0x10: {  	[smem:$0x3FB0] =	sst s8  }
0x11: {  	[smem:$0x3FB1] =	sst s9;
	s0 =	simm.s32 @!p0 $0x0  }
0x12: {  	s1 =	sld [smem:$0x3F97];
	s0 =	simm.s32 @p0 $0x1  }
0x13: {  	[smem:$0x3FB2] =	sst s0;
	s0 =	simm.s32 @!p1 $0x0  }
0x14: {  	s2 =	sld [smem:$0x3F96];
	s0 =	simm.s32 @p1 $0x1  }
0x15: {  	[smem:$0x3FB3] =	sst s0;
	s0 =	simm.s32 @!p2 $0x0  }
0x16: {  	s3 =	sld [smem:$0x3FDB];
	s0 =	simm.s32 @p2 $0x1  }
0x17: {  	s4 =	simm.s32 $0x1BF5;
	[smem:$0x3FB5] =	sst s0  }
0x18: {  	s0 =	sld [smem:$0x3F98];
	_ =	swait.ge [sflag:s4], $0x0  }
0x19: {  	s7 =	sld [smem:$0x3F99]  }
0x1a: {  	s8 =	sadd.s32 $0xFFFFE003, lr  }
0x1b: {  	s9 =	sadd.s32 $0xFFFFFEF7, lr;
	s5 =	simm.s32 $0xFFFFFFFF;
	p2 =	slt.u32 s8, $0xFFFFF086  }
0x1c: {  	p1 =	slt.u32 s9, $0xF7A;
	s5 =	simm.s32 @!p2 $0x0  }
0x1d: {  	s5 =	simm.s32 @p1 $0x1;
	p0 =	seq.s32 s7, s2  }
0x1e: {  	s7 =	smul.u32 @!p0 $0xF7A, s2;
	p2 =	seq.s32 @!p0 s5, $0x0  }
0x1f: {  	s9 =	smul.u32 $0xF7A, s1;
	s8 =	simm.s32 @!p0 $0x1BF5;
	p2 =	por !p2, p0  }
0x20: {  	[sflag:s8] =	ssyncset.s32 @!p0 $0xFFFFF086;
	s6 =	sadd.s32 @!p0 s3, s7;
	s7 =	simm.s32 @!p0 $0x108  }
0x21: {  	s3 =	sadd.s32 s3, s9;
	s6 =	sadd.s32 @!p0 $0x88, s6;
	s7 =	simm.s32 @p2 $0x1082  }
0x22: {  	[simem:s7], [sflag:s8] =	dma.local @!p0 [hbm:s6], $0xF7A  }
0x23: {  	s9 =	sor.u32 $0xD0000000, s2;
	s6 =	simm.s32 $0x108;
	_ =	swait.ge @!p0 [sflag:s8], $0x0  }
0x24: {  	s3 =	sadd.s32 $0x88, s3;
	s6 =	simm.s32 @!p1 $0x1082;
	[sflag:s4] =	ssyncset.s32 $0xFFFFF086  }
0x25: {  	[simem:s6], [sflag:s4] =	dma.local [hbm:s3], $0xF7A  }
0x26: {  	[smem:$0x3F99] =	sst s1;
	(tag) =	ssettag s2;
	_ =	strace s9  }
0x27: {  	s1 =	sld [smem:$0x3FA9]  }
0x28: {  	s2 =	sld [smem:$0x3FAA]  }
0x29: {  	s4 =	sld [smem:$0x3FAC]  }
0x2a: {  	p0 =	seq.s32 s5, $0x0;
	s5 =	sld [smem:$0x3FAD]  }
0x2b: {  	s6 =	sld [smem:$0x3FAE]  }
0x2c: {  	s7 =	sld [smem:$0x3FAF]  }
0x2d: {  	s3 =	simm.s32 $0x108;
	s8 =	sld [smem:$0x3FB0]  }
0x2e: {  	s3 =	simm.s32 @!p0 $0x1082;
	s9 =	sld [smem:$0x3FB1]  }
0x2f: {  	lr =	sadd.s32 s0, s3;
	s0 =	sld [smem:$0x3FA8]  }
0x30: {  	s3 =	sld [smem:$0x3FAB]  }
0x31: {  	[smem:$0x3FB4] =	sst s10  }
0x32: {  	s10 =	sld [smem:$0x3FB2];
	_ =	sdelay $0x3  }
0x33: {  	p0 =	seq.s32 s10, $0x1;
	s10 =	sld [smem:$0x3FB4];
	_ =	sdelay $0x3  }
0x34: {  	[smem:$0x3FB4] =	sst s10  }
0x35: {  	s10 =	sld [smem:$0x3FB3];
	_ =	sdelay $0x3  }
0x36: {  	p1 =	seq.s32 s10, $0x1;
	s10 =	sld [smem:$0x3FB4];
	_ =	sdelay $0x3  }
0x37: {  	[smem:$0x3FB4] =	sst s10  }
0x38: {  	s10 =	sld [smem:$0x3FB5]  }
0x39: {  	_ = 	snop;
	(pc) =	sbr.ind lr, $3  }
0x3a: {  	_ = 	snop  }
0x3b: {  	_ = 	snop  }
0x3c: {  	p2 =	seq.s32 s10, $0x1;
	s10 =	sld [smem:$0x3FB4]  }
0x3d: {  	_ =	shalt  }
0x3e: {  	_ =	shalt  }
0x3f: {  	_ =	shalt  }
0x40: {  	_ =	shalt  }
0x41: {  	_ =	shalt  }
0x42: {  	_ =	shalt  }
0x43: {  	_ =	shalt  }
0x44: {  	_ =	shalt  }
0x45: {  	_ =	shalt  }
0x46: {  	_ =	shalt  }
0x47: {  	_ =	shalt  }
0x48: {  	_ =	shalt  }
0x49: {  	_ =	shalt  }
0x4a: {  	_ =	shalt  }
0x4b: {  	_ =	shalt  }
0x4c: {  	_ =	shalt  }
0x4d: {  	_ =	shalt  }
0x4e: {  	_ =	shalt  }
0x4f: {  	_ =	shalt  }
0x50: {  	_ =	shalt  }
0x51: {  	_ =	shalt  }
0x52: {  	_ =	shalt  }
0x53: {  	_ =	shalt  }
0x54: {  	_ =	shalt  }
0x55: {  	_ =	shalt  }
0x56: {  	_ =	shalt  }
0x57: {  	_ =	shalt  }
0x58: {  	_ =	shalt  }
0x59: {  	_ =	shalt  }
0x5a: {  	_ =	shalt  }
0x5b: {  	_ =	shalt  }
0x5c: {  	_ =	shalt  }
0x5d: {  	_ =	shalt  }
0x5e: {  	_ =	shalt  }
0x5f: {  	_ =	shalt  }
0x60: {  	_ =	shalt  }
0x61: {  	_ =	shalt  }
0x62: {  	_ =	shalt  }
0x63: {  	_ =	shalt  }
0x64: {  	_ =	shalt  }
0x65: {  	_ =	shalt  }
0x66: {  	_ =	shalt  }
0x67: {  	_ =	shalt  }
0x68: {  	_ =	shalt  }
0x69: {  	_ =	shalt  }
0x6a: {  	_ =	shalt  }
0x6b: {  	_ =	shalt  }
0x6c: {  	_ =	shalt  }
0x6d: {  	_ =	shalt  }
0x6e: {  	_ =	shalt  }
0x6f: {  	_ =	shalt  }
0x70: {  	_ =	shalt  }
0x71: {  	_ =	shalt  }
0x72: {  	_ =	shalt  }
0x73: {  	_ =	shalt  }
0x74: {  	_ =	shalt  }
0x75: {  	_ =	shalt  }
0x76: {  	_ =	shalt  }
0x77: {  	_ =	shalt  }
0x78: {  	_ =	shalt  }
0x79: {  	_ =	shalt  }
0x7a: {  	_ =	shalt  }
0x7b: {  	_ =	shalt  }
0x7c: {  	_ =	shalt  }
0x7d: {  	_ =	shalt  }
0x7e: {  	_ =	shalt  }
0x7f: {  	_ =	shalt  }
0x80: {  	_ =	shalt  }
0x81: {  	_ =	shalt  }
0x82: {  	_ =	shalt  }
0x83: {  	_ =	shalt  }
0x84: {  	_ =	shalt  }
0x85: {  	_ =	shalt  }
0x86: {  	_ =	shalt  }
0x87: {  	_ =	shalt  }
.Lfunc_end0:
.L_simem_size_0:
called_computation.1_lowered:
.L_overlay_start_0:
0x88: {  	s2 =	sld [smem:$0x3FD9]  }
0x89: {  	s3 =	sld [smem:$0x3FFE];
	_ =	sdelay $0x1  }
0x8a: {  	s1 =	srdreg.scid  }
0x8b: {  	s0 =	sand.u32 $0x1, s1  }
0x8c: {  	s16 =	sshll.u32 s0, $0xA;
	s2 =	sadd.s32 s3, s2  }
0x8d: {  	s2 =	sadd.s32 s2, s16  }
0x8e: {  	[smem:$0x3FC0] =	sst s2  }
0x8f: {  	_ = 	snop  }
0x90: {  	(tm) =	ssettm $0x1  }
0x91: {  	s17 =	sld [smem:$0x3FFB];
	_ =	sdelay $0x3  }
0x92: {  	_ =	strace s17  }
0x93: {  	s2 =	sld [smem:$0x3FFC];
	_ =	sdelay $0x3  }
0x94: {  	_ =	strace s2  }
0x95: {  	s2 =	sld [smem:$0x3FFD];
	_ =	sdelay $0x3  }
0x96: {  	_ =	strace s2  }
0x97: {  	_ =	strace $0x8FFFFFFF  }
0x98: {  	s18 =	sld [smem:$0x3FDB];
	_ =	sdelay $0x1  }
0x99: {  	s19 =	simm.s32 $_scs_section_size  }
0x9a: {  	s4 =	simm.s32 $_size__tile_overlayer_lowered;
	s5 =	simm.s32 $_tile_overlayer_lowered  }
0x9b: {  	s22 =	simm.s32 $0x1BFF;
	s21 =	sshll.u32 s5, $0x1;
	s2 =	sadd.s32 s19, s18  }
0x9c: {  	s6 =	simm.s32 $0x0;
	s20 =	sshll.u32 s4, $0x1;
	s4 =	sadd.s32 s21, s2  }
0x9d: {  	[timem:s6], [sflag:s22] =	dma.local [hbm:s4], s20  }
0x9e: {  	_ =	swait.ge [sflag:s22], s20  }
0x9f: {  	s3 =	ssub.s32 $0x0, s20;
	[sflag:s22] =	ssyncset.done $0x0  }
0xa0: {  	[sflag:s22] =	ssyncadd.s32 s3;
	_ =	sdelay $0x1  }
0xa1: {  	s23 =	simm.s32 $0x1B8B  }
0xa2: {  	_ =	swait.ge [sflag:s23], $0x1  }
0xa3: {  	[sflag:s23] =	ssyncset.done $0x0  }
0xa4: {  	s25 =	simm.s32 $0x1B8E;
	s24 =	sld [smem:$0x3FFE];
	[sflag:s23] =	ssyncadd.s32 $0xFFFFFFFF  }
0xa5: {  	s26 =	simm.s32 $execute0_lowered;
	[smem:$0x3FD2] =	sst s25  }
0xa6: {  	s4 =	sshll.u32 s26, $0x1;
	_ =	strace $0x80000049;
	[dreg:$0x1] =	wrdreg $0xFFFFFFFF  }
0xa7: {  	s28 =	simm.s32 $_size_execute0_lowered;
	s2 =	sadd.s32 s2, s4;
	[dreg:$0x0] =	wrdreg $0x0  }
0xa8: {  	s4 =	sshll.u32 s28, $0x1;
	[dreg:$0x2] =	wrdreg s2  }
0xa9: {  	[dreg:$0x3] =	wrdreg s4  }
0xaa: {  	[dreg:$0x4] =	wrdreg $0xC0  }
0xab: {  	_ =	task [dreg:s6], $0x5FFFF  }
0xac: {  	[dreg:$0x1] =	wrdreg $0xFFFFFFFF  }
0xad: {  	[dreg:$0x0] =	wrdreg $0x60  }
0xae: {  	[dreg:$0x2] =	wrdreg s24  }
0xaf: {  	[dreg:$0x3] =	wrdreg $0xB0400  }
0xb0: {  	[dreg:$0x4] =	wrdreg $0x9  }
0xb1: {  	_ =	task.clear_ibuf [dreg:s6], $0x5FFFF;
	_ =	strace $0x90000049  }
0xb2: {  	s29 =	simm.s32 $0x9;
	_ =	strace $0x8000004B  }
0xb3: {  	_ =	swait.ge [sflag:s29], $0x1  }
0xb4: {  	[sflag:s29] =	ssyncadd.s32 $0xFFFFFFFF  }
0xb5: {  	_ =	strace $0x9000004B  }
0xb6: {  	_ =	sfence  }
0xb7: {  	s30 =	sld [smem:$0x0];
	_ =	sdelay $0x2  }
0xb8: {  	s31 =	sshll.u32 s1, $0xD;
	s1 =	sshrl.u32 s1, $0x2  }
0xb9: {  	s3 =	sand.u32 $0x4000, s31;
	s1 =	sadd.s32 s1, s30  }
0xba: {  	s0 =	sor.u32 s3, s0;
	s1 =	sshll.u32 s1, $0x11  }
0xbb: {  	s0 =	sor.u32 s1, s0  }
0xbc: {  	s0 =	sadd.s32 $0x8F2B, s0  }
0xbd: {  	[sflag:s0] =	ssyncadd.remote.s32 $0x1  }
0xbe: {  	_ =	sfence.sel $0xFFFF  }
0xbf: {  	[dreg:$0x0] =	wrdreg $0xFFFFFFFF;
	(pc) =	sbr.abs _section_cstart, $3  }
0xc0: {  	[dreg:$0x1] =	wrdreg $0xFFFFFFFF  }
0xc1: {  	_ =	task.clear_ibuf [dreg:s6], $0x2FFFF;
	_ =	strace $0x9FFFFFFF  }
0xc2: {  	(tm) =	ssettm $0x7FFFFFFF  }
0xc3: {  	_ =	shalt  }
tec
execute0_lowered:
.L_overlay_start_1:
0x0: {  	(tag) =	ssettag $0x1  }
0x1: {  	s0 =	srdreg.scid  }
0x2: {  	s13 =	stileid.u32;
	s1 =	rddreg [dreg:$0x0]  }
0x3: {  	s2 =	rddreg [dreg:$0x1];
	s0 =	sand.u32 $0x1, s0;
	s7 =	smul.u32 $0x14000, s13  }
0x4: {  	s3 =	sshll.u32 s13, $0x1;
	s8 =	sadd.s32 $0x25C00, s1;
	s9 =	smul.u32 $0x50000, s13  }
0x5: {  	s4 =	sor.u32 s0, s3;
	s3 =	simm.s32 $0x0;
	s5 =	smul.u32 $0x140000, s0  }
0x6: {  	s11 =	ssub.s32 $0x2, s0;
	s6 =	smul.u32 $0x640, s4;
	[smem:$0x7FF] =	sst s3  }
0x7: {  	s4 =	sadd.s32 $0x32400, s1;
	s12 =	sshrl.u32 s11, $0x1;
	s9 =	sshrl.u32 s9, $0x2  }
0x8: {  	_ =	strace $0x8000004A;
	s5 =	sadd.s32 s7, s5;
	s11 =	ssub.s32 s11, s12  }
0x9: {  	s10 =	sadd.s32 s6, s1;
	s5 =	sshrl.u32 s5, $0x3;
	s6 =	sadd.s32 s8, s6  }
0xa: {  	s18 =	smax.u32 s11, $0x1;
	s1 =	sadd.s32 s5, s1;
	[dreg:$0x5] =	wrdreg s6  }
0xb: {  	s5 =	sadd.s32 s9, s2;
	s15 =	sadd.s32 $0x2C00, s10;
	[dreg:$0x7] =	wrdreg s18  }
0xc: {  	[dreg:$0x3] =	wrdreg s15;
	s16 =	sadd.s32 $0x13880, s5  }
0xd: {  	s1 =	sadd.s32 $0x59600, s1;
	[dreg:$0x4] =	wrdreg s16  }
0xe: {  	s19 =	sadd.s32 $0xC80, s5;
	[dreg:$0x6] =	wrdreg s1  }
0xf: {  	s20 =	sadd.s32 $0x1900, s5;
	[dreg:$0x8] =	wrdreg s19  }
0x10: {  	s21 =	sadd.s32 $0x2580, s5;
	[dreg:$0x9] =	wrdreg s20  }
0x11: {  	s22 =	sadd.s32 $0x3200, s5;
	[dreg:$0xa] =	wrdreg s21  }
0x12: {  	s23 =	sadd.s32 $0x3E80, s5;
	[dreg:$0xb] =	wrdreg s22  }
0x13: {  	s25 =	sadd.s32 $0x4B00, s5;
	[dreg:$0xc] =	wrdreg s23  }
0x14: {  	s26 =	sadd.s32 $0x5780, s5;
	[dreg:$0xd] =	wrdreg s25  }
0x15: {  	s9 =	sadd.s32 $0x6400, s5;
	[dreg:$0xe] =	wrdreg s26  }
0x16: {  	s28 =	simm.s32 $0x100;
	s10 =	sadd.s32 $0x7080, s5;
	[dreg:$0xf] =	wrdreg s9  }
0x17: {  	s29 =	simm.s32 $0x9740;
	s11 =	sadd.s32 $0x7D00, s5;
	[dreg:$0x10] =	wrdreg s10  }
0x18: {  	s30 =	simm.s32 $0xA3C0;
	s12 =	sadd.s32 $0x8980, s5;
	[dreg:$0x11] =	wrdreg s11  }
0x19: {  	s24 =	smul.u32 $0xC80, s13;
	s13 =	sadd.s32 $0x9600, s5;
	[dreg:$0x12] =	wrdreg s12  }
0x1a: {  	s17 =	sadd.s32 s7, s2;
	s14 =	sadd.s32 $0xA280, s5;
	[dreg:$0x13] =	wrdreg s13  }
0x1b: {  	s31 =	simm.s32 $0x5;
	s15 =	sshrl.u32 s17, $0x3;
	[dreg:$0x14] =	wrdreg s14  }
0x1c: {  	s0 =	smul.u32 $0x640, s0;
	s17 =	sadd.s32 $0xBB80, s5;
	[dreg:$0x16] =	wrdreg s15  }
0x1d: {  	s6 =	sadd.s32 s24, s8;
	s18 =	sadd.s32 $0xC800, s5;
	[dreg:$0x18] =	wrdreg s17  }
0x1e: {  	s0 =	sadd.s32 s0, s6;
	s24 =	sadd.s32 $0x11300, s5;
	[dreg:$0x19] =	wrdreg s18  }
0x1f: {  	s0 =	sadd.s32 $0x28, s0;
	s16 =	sadd.s32 $0xAF00, s5;
	[dreg:$0x1f] =	wrdreg s24  }
0x20: {  	s19 =	sadd.s32 $0xD480, s5;
	s20 =	sadd.s32 $0xE100, s5;
	[dreg:$0x15] =	wrdreg s0  }
0x21: {  	s21 =	sadd.s32 $0xED80, s5;
	s22 =	sadd.s32 $0xFA00, s5;
	[dreg:$0x17] =	wrdreg s16  }
0x22: {  	s23 =	sadd.s32 $0x10680, s5;
	s25 =	sadd.s32 $0x11F80, s5;
	[dreg:$0x1a] =	wrdreg s19  }
0x23: {  	s26 =	sadd.s32 $0x12C00, s5;
	s10 =	simm.s32 $0x3340;
	[dreg:$0x1b] =	wrdreg s20  }
0x24: {  	s11 =	simm.s32 $0x3FC0;
	s12 =	simm.s32 $0x1;
	[dreg:$0x1c] =	wrdreg s21  }
0x25: {  	s13 =	simm.s32 $0x2;
	s15 =	simm.s32 $0x19;
	[dreg:$0x1d] =	wrdreg s22  }
0x26: {  	s17 =	simm.s32 $0x58C0;
	s18 =	simm.s32 $0x6540;
	[dreg:$0x1e] =	wrdreg s23  }
0x27: {  	s24 =	simm.s32 $0x120;
	s1 =	simm.s32 $0x0;
	[smem:$0x7FC] =	sst s25  }
0x28: {  	[smem:$0x7FD] =	sst s26;
	s16 =	simm.s32 $0x4C40;
	s19 =	simm.s32 $0xA0  }
0x29: {  	s20 =	simm.s32 $0x4;
	s21 =	simm.s32 $0x71C0;
	s22 =	simm.s32 $0xC0  }
0x2a: {  	v0 =	vimm.f32 $0.0e+00;
	s23 =	simm.s32 $0x7E40;
	s25 =	simm.s32 $0xE0;
	s26 =	simm.s32 $0x8AC0  }
.LBB2_1:
0x2b: {  	s0 =	rddreg [dreg:$0x3];
	s6 =	simm.s32 $0x140  }
0x2c: {  	[tilespmem:s6], [sflag:$0x2] =	stream.linear.gather [hbm4b:s0+s3], $0x3200, $0x38;
	[tilespmem:$0x1F040] =	vst v63  }
0x2d: {  	s0 =	simm.s32 $0x70;
	s6 =	simm.s32 $0x3C0  }
.LBB2_2:
0x2e: {  	p0 =	sne.s32 s6, $0x31C0;
	[tilespmem:s0+$0x3340] =	vst v0  }
0x2f: {  	[tilespmem:s0+$0x32D0] =	vst v0  }
0x30: {  	[tilespmem:s0+$0x32E0] =	vst v0  }
.Ltmp0:
0x31: {  	[tilespmem:s0+$0x32F0] =	vst v0;
	(pc) =	sbr.rel @p0 .LBB2_2-.Ltmp0, $4  }
0x32: {  	[tilespmem:s0+$0x3300] =	vst v0  }
0x33: {  	[tilespmem:s0+$0x3310] =	vst v0  }
0x34: {  	[tilespmem:s0+$0x3320] =	vst v0  }
0x35: {  	[tilespmem:s0+$0x3330] =	vst v0;
	s0 =	sshra.s32 s6, $0x2;
	s6 =	sadd.s32 $0x200, s6  }
0x36: {  	[tilespmem:s0+$0x3340] =	vst v0  }
0x37: {  	[tilespmem:s0+$0x32D0] =	vst v0  }
0x38: {  	[tilespmem:s0+$0x32E0] =	vst v0  }
0x39: {  	[tilespmem:s0+$0x32F0] =	vst v0  }
0x3a: {  	[tilespmem:s0+$0x3300] =	vst v0  }
0x3b: {  	[tilespmem:s0+$0x3310] =	vst v0  }
0x3c: {  	[tilespmem:s0+$0x3320] =	vst v0  }
0x3d: {  	[tilespmem:s0+$0x3330] =	vst v0;
	s0 =	simm.s32 $0x70;
	s6 =	simm.s32 $0x3C0  }
.LBB2_4:
0x3e: {  	p0 =	sne.s32 s6, $0x31C0;
	[tilespmem:s0+$0x3FC0] =	vst v0  }
0x3f: {  	[tilespmem:s0+$0x3F50] =	vst v0  }
0x40: {  	[tilespmem:s0+$0x3F60] =	vst v0  }
.Ltmp1:
0x41: {  	[tilespmem:s0+$0x3F70] =	vst v0;
	(pc) =	sbr.rel @p0 .LBB2_4-.Ltmp1, $4  }
0x42: {  	[tilespmem:s0+$0x3F80] =	vst v0  }
0x43: {  	[tilespmem:s0+$0x3F90] =	vst v0  }
0x44: {  	[tilespmem:s0+$0x3FA0] =	vst v0  }
0x45: {  	[tilespmem:s0+$0x3FB0] =	vst v0;
	s0 =	sshra.s32 s6, $0x2;
	s6 =	sadd.s32 $0x200, s6  }
0x46: {  	[tilespmem:s0+$0x3FC0] =	vst v0  }
0x47: {  	[tilespmem:s0+$0x3F50] =	vst v0  }
0x48: {  	[tilespmem:s0+$0x3F60] =	vst v0  }
0x49: {  	[tilespmem:s0+$0x3F70] =	vst v0  }
0x4a: {  	[tilespmem:s0+$0x3F80] =	vst v0  }
0x4b: {  	[tilespmem:s0+$0x3F90] =	vst v0  }
0x4c: {  	[tilespmem:s0+$0x3FA0] =	vst v0  }
0x4d: {  	[tilespmem:s0+$0x3FB0] =	vst v0;
	s14 =	rddreg [dreg:$0x8]  }
0x4e: {  	[spmem:s5] =	stream.linear.scatter [tilespmem:s10], [sflag:$0x1], $0xC80, $0x38;
	[tilespmem:$0x1F040] =	vst v63  }
0x4f: {  	s6 =	rddreg [dreg:$0x9]  }
0x50: {  	[spmem:s14] =	stream.linear.scatter [tilespmem:s10], [sflag:$0x1], $0xC80, $0x38;
	[tilespmem:$0x1F040] =	vst v63  }
0x51: {  	s7 =	rddreg [dreg:$0xa]  }
0x52: {  	[spmem:s6] =	stream.linear.scatter [tilespmem:s10], [sflag:$0x1], $0xC80, $0x38;
	[tilespmem:$0x1F040] =	vst v63  }
0x53: {  	s8 =	rddreg [dreg:$0xb]  }
0x54: {  	[spmem:s7] =	stream.linear.scatter [tilespmem:s10], [sflag:$0x1], $0xC80, $0x38;
	[tilespmem:$0x1F040] =	vst v63  }
0x55: {  	s9 =	rddreg [dreg:$0xc]  }
0x56: {  	[spmem:s8] =	stream.linear.scatter [tilespmem:s10], [sflag:$0x1], $0xC80, $0x38;
	[tilespmem:$0x1F040] =	vst v63  }
0x57: {  	s14 =	rddreg [dreg:$0xd]  }
0x58: {  	[spmem:s9] =	stream.linear.scatter [tilespmem:s10], [sflag:$0x1], $0xC80, $0x38;
	[tilespmem:$0x1F040] =	vst v63  }
0x59: {  	s6 =	rddreg [dreg:$0xe]  }
0x5a: {  	[spmem:s14] =	stream.linear.scatter [tilespmem:s10], [sflag:$0x1], $0xC80, $0x38;
	[tilespmem:$0x1F040] =	vst v63  }
0x5b: {  	s7 =	rddreg [dreg:$0xf]  }
0x5c: {  	[spmem:s6] =	stream.linear.scatter [tilespmem:s10], [sflag:$0x1], $0xC80, $0x38;
	[tilespmem:$0x1F040] =	vst v63  }
0x5d: {  	s8 =	rddreg [dreg:$0x10]  }
0x5e: {  	[spmem:s7] =	stream.linear.scatter [tilespmem:s10], [sflag:$0x1], $0xC80, $0x38;
	[tilespmem:$0x1F040] =	vst v63  }
0x5f: {  	s9 =	rddreg [dreg:$0x11]  }
0x60: {  	[spmem:s8] =	stream.linear.scatter [tilespmem:s10], [sflag:$0x1], $0xC80, $0x38;
	[tilespmem:$0x1F040] =	vst v63  }
0x61: {  	s14 =	rddreg [dreg:$0x12]  }
0x62: {  	[spmem:s9] =	stream.linear.scatter [tilespmem:s10], [sflag:$0x1], $0xC80, $0x38;
	[tilespmem:$0x1F040] =	vst v63  }
0x63: {  	s6 =	rddreg [dreg:$0x13]  }
0x64: {  	[spmem:s14] =	stream.linear.scatter [tilespmem:s10], [sflag:$0x1], $0xC80, $0x38;
	[tilespmem:$0x1F040] =	vst v63  }
0x65: {  	s7 =	rddreg [dreg:$0x14]  }
0x66: {  	[spmem:s6] =	stream.linear.scatter [tilespmem:s10], [sflag:$0x1], $0xC80, $0x38;
	[tilespmem:$0x1F040] =	vst v63  }
0x67: {  	s8 =	rddreg [dreg:$0x17]  }
0x68: {  	[spmem:s7] =	stream.linear.scatter [tilespmem:s10], [sflag:$0x1], $0xC80, $0x38;
	[tilespmem:$0x1F040] =	vst v63  }
0x69: {  	s9 =	rddreg [dreg:$0x18]  }
0x6a: {  	[spmem:s8] =	stream.linear.scatter [tilespmem:s10], [sflag:$0x1], $0xC80, $0x38;
	[tilespmem:$0x1F040] =	vst v63  }
0x6b: {  	s14 =	rddreg [dreg:$0x19]  }
0x6c: {  	[spmem:s9] =	stream.linear.scatter [tilespmem:s10], [sflag:$0x1], $0xC80, $0x38;
	[tilespmem:$0x1F040] =	vst v63  }
0x6d: {  	s6 =	rddreg [dreg:$0x1a]  }
0x6e: {  	[spmem:s14] =	stream.linear.scatter [tilespmem:s10], [sflag:$0x1], $0xC80, $0x38;
	[tilespmem:$0x1F040] =	vst v63  }
0x6f: {  	s7 =	rddreg [dreg:$0x1b]  }
0x70: {  	[spmem:s6] =	stream.linear.scatter [tilespmem:s10], [sflag:$0x1], $0xC80, $0x38;
	[tilespmem:$0x1F040] =	vst v63  }
0x71: {  	s8 =	rddreg [dreg:$0x1c]  }
0x72: {  	[spmem:s7] =	stream.linear.scatter [tilespmem:s10], [sflag:$0x1], $0xC80, $0x38;
	[tilespmem:$0x1F040] =	vst v63  }
0x73: {  	s9 =	rddreg [dreg:$0x1d]  }
0x74: {  	[spmem:s8] =	stream.linear.scatter [tilespmem:s10], [sflag:$0x1], $0xC80, $0x38;
	[tilespmem:$0x1F040] =	vst v63  }
0x75: {  	s14 =	rddreg [dreg:$0x1e]  }
0x76: {  	[spmem:s9] =	stream.linear.scatter [tilespmem:s10], [sflag:$0x1], $0xC80, $0x38;
	[tilespmem:$0x1F040] =	vst v63  }
0x77: {  	s6 =	rddreg [dreg:$0x1f]  }
0x78: {  	[spmem:s14] =	stream.linear.scatter [tilespmem:s10], [sflag:$0x1], $0xC80, $0x38;
	[tilespmem:$0x1F040] =	vst v63  }
0x79: {  	s7 =	sld [smem:$0x7FC]  }
0x7a: {  	[spmem:s6] =	stream.linear.scatter [tilespmem:s10], [sflag:$0x1], $0xC80, $0x38;
	[tilespmem:$0x1F040] =	vst v63  }
0x7b: {  	s8 =	sld [smem:$0x7FD]  }
0x7c: {  	[spmem:s7] =	stream.linear.scatter [tilespmem:s10], [sflag:$0x1], $0xC80, $0x38;
	[tilespmem:$0x1F040] =	vst v63  }
0x7d: {  	_ = 	snop  }
0x7e: {  	[spmem:s8] =	stream.linear.scatter [tilespmem:s10], [sflag:$0x1], $0xC80, $0x38;
	[tilespmem:$0x1F040] =	vst v63  }
0x7f: {  	s9 =	rddreg [dreg:$0x4]  }
0x80: {  	[spmem:s9] =	stream.linear.scatter [tilespmem:s11], [sflag:$0x1], $0x780, $0x38;
	[tilespmem:$0x1F040] =	vst v63  }
0x81: {  	_ =	swait.ge [sflag:s12], $0xC80  }
0x82: {  	[sflag:s12] =	ssyncset.done $0x0  }
0x83: {  	[sflag:s12] =	ssyncadd.s32 $0xFFFFF380  }
0x84: {  	_ =	swait.ge [sflag:s12], $0xC80  }
0x85: {  	[sflag:s12] =	ssyncset.done $0x0  }
0x86: {  	[sflag:s12] =	ssyncadd.s32 $0xFFFFF380  }
0x87: {  	_ =	swait.ge [sflag:s12], $0xC80  }
0x88: {  	[sflag:s12] =	ssyncset.done $0x0  }
0x89: {  	[sflag:s12] =	ssyncadd.s32 $0xFFFFF380  }
0x8a: {  	_ =	swait.ge [sflag:s12], $0xC80  }
0x8b: {  	[sflag:s12] =	ssyncset.done $0x0  }
0x8c: {  	[sflag:s12] =	ssyncadd.s32 $0xFFFFF380  }
0x8d: {  	_ =	swait.ge [sflag:s12], $0xC80  }
0x8e: {  	[sflag:s12] =	ssyncset.done $0x0  }
0x8f: {  	[sflag:s12] =	ssyncadd.s32 $0xFFFFF380  }
0x90: {  	_ =	swait.ge [sflag:s12], $0xC80  }
0x91: {  	[sflag:s12] =	ssyncset.done $0x0  }
0x92: {  	[sflag:s12] =	ssyncadd.s32 $0xFFFFF380  }
0x93: {  	_ =	swait.ge [sflag:s12], $0xC80  }
0x94: {  	[sflag:s12] =	ssyncset.done $0x0  }
0x95: {  	[sflag:s12] =	ssyncadd.s32 $0xFFFFF380  }
0x96: {  	_ =	swait.ge [sflag:s12], $0xC80  }
0x97: {  	[sflag:s12] =	ssyncset.done $0x0  }
0x98: {  	[sflag:s12] =	ssyncadd.s32 $0xFFFFF380  }
0x99: {  	_ =	swait.ge [sflag:s12], $0xC80  }
0x9a: {  	[sflag:s12] =	ssyncset.done $0x0  }
0x9b: {  	[sflag:s12] =	ssyncadd.s32 $0xFFFFF380  }
0x9c: {  	_ =	swait.ge [sflag:s12], $0xC80  }
0x9d: {  	[sflag:s12] =	ssyncset.done $0x0  }
0x9e: {  	[sflag:s12] =	ssyncadd.s32 $0xFFFFF380  }
0x9f: {  	_ =	swait.ge [sflag:s12], $0xC80  }
0xa0: {  	[sflag:s12] =	ssyncset.done $0x0  }
0xa1: {  	[sflag:s12] =	ssyncadd.s32 $0xFFFFF380  }
0xa2: {  	_ =	swait.ge [sflag:s12], $0xC80  }
0xa3: {  	[sflag:s12] =	ssyncset.done $0x0  }
0xa4: {  	[sflag:s12] =	ssyncadd.s32 $0xFFFFF380  }
0xa5: {  	_ =	swait.ge [sflag:s12], $0xC80  }
0xa6: {  	[sflag:s12] =	ssyncset.done $0x0  }
0xa7: {  	[sflag:s12] =	ssyncadd.s32 $0xFFFFF380  }
0xa8: {  	_ =	swait.ge [sflag:s12], $0xC80  }
0xa9: {  	[sflag:s12] =	ssyncset.done $0x0  }
0xaa: {  	[sflag:s12] =	ssyncadd.s32 $0xFFFFF380  }
0xab: {  	_ =	swait.ge [sflag:s12], $0xC80  }
0xac: {  	[sflag:s12] =	ssyncset.done $0x0  }
0xad: {  	[sflag:s12] =	ssyncadd.s32 $0xFFFFF380  }
0xae: {  	_ =	swait.ge [sflag:s12], $0xC80  }
0xaf: {  	[sflag:s12] =	ssyncset.done $0x0  }
0xb0: {  	[sflag:s12] =	ssyncadd.s32 $0xFFFFF380  }
0xb1: {  	_ =	swait.ge [sflag:s12], $0xC80  }
0xb2: {  	[sflag:s12] =	ssyncset.done $0x0  }
0xb3: {  	[sflag:s12] =	ssyncadd.s32 $0xFFFFF380  }
0xb4: {  	_ =	swait.ge [sflag:s12], $0xC80  }
0xb5: {  	[sflag:s12] =	ssyncset.done $0x0  }
0xb6: {  	[sflag:s12] =	ssyncadd.s32 $0xFFFFF380  }
0xb7: {  	_ =	swait.ge [sflag:s12], $0xC80  }
0xb8: {  	[sflag:s12] =	ssyncset.done $0x0  }
0xb9: {  	[sflag:s12] =	ssyncadd.s32 $0xFFFFF380  }
0xba: {  	_ =	swait.ge [sflag:s12], $0xC80  }
0xbb: {  	[sflag:s12] =	ssyncset.done $0x0  }
0xbc: {  	[sflag:s12] =	ssyncadd.s32 $0xFFFFF380  }
0xbd: {  	_ =	swait.ge [sflag:s12], $0xC80  }
0xbe: {  	[sflag:s12] =	ssyncset.done $0x0  }
0xbf: {  	[sflag:s12] =	ssyncadd.s32 $0xFFFFF380  }
0xc0: {  	_ =	swait.ge [sflag:s12], $0xC80  }
0xc1: {  	[sflag:s12] =	ssyncset.done $0x0  }
0xc2: {  	[sflag:s12] =	ssyncadd.s32 $0xFFFFF380  }
0xc3: {  	_ =	swait.ge [sflag:s12], $0xC80  }
0xc4: {  	[sflag:s12] =	ssyncset.done $0x0  }
0xc5: {  	[sflag:s12] =	ssyncadd.s32 $0xFFFFF380  }
0xc6: {  	_ =	swait.ge [sflag:s12], $0xC80  }
0xc7: {  	[sflag:s12] =	ssyncset.done $0x0  }
0xc8: {  	[sflag:s12] =	ssyncadd.s32 $0xFFFFF380  }
0xc9: {  	_ =	swait.ge [sflag:s12], $0xC80  }
0xca: {  	[sflag:s12] =	ssyncset.done $0x0  }
0xcb: {  	[sflag:s12] =	ssyncadd.s32 $0xFFFFF380  }
0xcc: {  	_ =	swait.ge [sflag:s12], $0x780  }
0xcd: {  	[sflag:s12] =	ssyncset.done $0x0  }
0xce: {  	[sflag:s12] =	ssyncadd.s32 $0xFFFFF880  }
0xcf: {  	_ =	swait.ge [sflag:s13], $0x3200  }
0xd0: {  	[sflag:s13] =	ssyncset.done $0x0  }
0xd1: {  	[sflag:s13] =	ssyncadd.s32 $0xFFFFCE00  }
0xd2: {  	[bflag:$0x0] =	sbarrier.arrive $0xFFFF  }
0xd3: {  	s0 =	simm.s32 $0x0;
	s14 =	simm.s32 $0x3;
	s6 =	rddreg [dreg:$0x5]  }
0xd4: {  	[tilespmem:s0], [sflag:$0x3] =	stream.linear.gather [hbm4b:s6+s0], $0xA0, $0x38;
	[tilespmem:$0x1F040] =	vst v63  }
0xd5: {  	_ =	swait.ge [sflag:s14], $0xA0  }
0xd6: {  	[sflag:s14] =	ssyncset.done $0x0  }
0xd7: {  	[sflag:s14] =	ssyncadd.s32 $0xFFFFFF60  }
0xd8: {  	[tilespmem:s10], [sflag:$0x1] =	stream.indirect.gather [hbm4b:s4+s15], $0x80, s0, s15, $0xb8;
	[tilespmem:$0x1F040] =	vst v63  }
0xd9: {  	s7 =	simm.s32 $0x20  }
0xda: {  	[tilespmem:s11], [sflag:$0x1] =	stream.indirect.gather [hbm4b:s4+s15], $0x80, s7, s15, $0xb8;
	[tilespmem:$0x1F040] =	vst v63  }
0xdb: {  	s8 =	simm.s32 $0x40  }
0xdc: {  	[tilespmem:s16], [sflag:$0x1] =	stream.indirect.gather [hbm4b:s4+s15], $0x80, s8, s15, $0xb8;
	[tilespmem:$0x1F040] =	vst v63  }
0xdd: {  	s9 =	simm.s32 $0x60  }
0xde: {  	[tilespmem:s17], [sflag:$0x1] =	stream.indirect.gather [hbm4b:s4+s15], $0x80, s9, s15, $0xb8;
	[tilespmem:$0x1F040] =	vst v63  }
0xdf: {  	s6 =	rddreg [dreg:$0x15];
	s14 =	simm.s32 $0x80  }
0xe0: {  	[tilespmem:s18], [sflag:$0x1] =	stream.indirect.gather [hbm4b:s4+s15], $0x80, s14, s15, $0xb8;
	[tilespmem:$0x1F040] =	vst v63  }
.LBB2_6:
0xe1: {  	s7 =	sadd.s32 $0xFFFFFFEC, s6  }
0xe2: {  	[tilespmem:s19], [sflag:$0x4] =	stream.linear.gather [hbm4b:s7+s3], $0xA0, $0x38;
	[tilespmem:$0x1F040] =	vst v63  }
0xe3: {  	_ =	swait.ge [sflag:s12], $0xC80  }
0xe4: {  	[sflag:s12] =	ssyncset.done $0x0  }
0xe5: {  	[sflag:s12] =	ssyncadd.s32 $0xFFFFF380  }
0xe6: {  	_ =	swait.ge [sflag:s12], $0xC80  }
0xe7: {  	[sflag:s12] =	ssyncset.done $0x0  }
0xe8: {  	[sflag:s12] =	ssyncadd.s32 $0xFFFFF380  }
0xe9: {  	_ =	swait.ge [sflag:s12], $0xC80  }
0xea: {  	[sflag:s12] =	ssyncset.done $0x0  }
0xeb: {  	[sflag:s12] =	ssyncadd.s32 $0xFFFFF380  }
0xec: {  	_ =	swait.ge [sflag:s12], $0xC80  }
0xed: {  	[sflag:s12] =	ssyncset.done $0x0  }
0xee: {  	[sflag:s12] =	ssyncadd.s32 $0xFFFFF380  }
0xef: {  	p0 =	seq.s32 s0, $0xC300;
	_ =	swait.ge [sflag:s12], $0xC80  }
0xf0: {  	p1 =	seq.s32 @!p0 s0, $0x0;
	[sflag:s12] =	ssyncset.done $0x0  }
0xf1: {  	s7 =	simm.s32 @!p0 $0x0;
	p1 =	por p0, !p1;
	[sflag:s12] =	ssyncadd.s32 $0xFFFFF380  }
0xf2: {  	[tilespmem:s7], [sflag:$0x3] =	stream.linear.gather @!p0 [hbm4b:s6+s7], $0xA0, $0x38;
	[tilespmem:$0x1F040] =	vst v63  }
0xf3: {  	_ =	swait.ge @p1 [sflag:s13], $0xC80  }
0xf4: {  	[sflag:s13] =	ssyncset.done @p1 $0x0  }
0xf5: {  	[sflag:s13] =	ssyncadd.s32 @p1 $0xFFFFF380  }
0xf6: {  	_ =	swait.ge @p1 [sflag:s13], $0xC80  }
0xf7: {  	[sflag:s13] =	ssyncset.done @p1 $0x0  }
0xf8: {  	[sflag:s13] =	ssyncadd.s32 @p1 $0xFFFFF380  }
0xf9: {  	_ =	swait.ge @p1 [sflag:s13], $0xC80  }
0xfa: {  	[sflag:s13] =	ssyncset.done @p1 $0x0  }
0xfb: {  	[sflag:s13] =	ssyncadd.s32 @p1 $0xFFFFF380  }
0xfc: {  	_ =	swait.ge @p1 [sflag:s13], $0xC80  }
0xfd: {  	[sflag:s13] =	ssyncset.done @p1 $0x0  }
0xfe: {  	[sflag:s13] =	ssyncadd.s32 @p1 $0xFFFFF380  }
0xff: {  	_ =	swait.ge @p1 [sflag:s13], $0xC80  }
0x100: {  	[sflag:s13] =	ssyncset.done @p1 $0x0  }
0x101: {  	[sflag:s13] =	ssyncadd.s32 @p1 $0xFFFFF380  }
0x102: {  	_ =	swait.ge [sflag:s20], $0xA0  }
0x103: {  	[sflag:s20] =	ssyncset.done $0x0  }
0x104: {  	[sflag:s20] =	ssyncadd.s32 $0xFFFFFF60  }
0x105: {  	[tilespmem:s21], [sflag:$0x1] =	stream.indirect.gather [hbm4b:s4+s15], $0x80, s19, s15, $0xb8;
	[tilespmem:$0x1F040] =	vst v63  }
0x106: {  	_ = 	snop  }
0x107: {  	[tilespmem:s23], [sflag:$0x1] =	stream.indirect.gather [hbm4b:s4+s15], $0x80, s22, s15, $0xb8;
	[tilespmem:$0x1F040] =	vst v63  }
0x108: {  	_ = 	snop  }
0x109: {  	[tilespmem:s26], [sflag:$0x1] =	stream.indirect.gather [hbm4b:s4+s15], $0x80, s25, s15, $0xb8;
	[tilespmem:$0x1F040] =	vst v63  }
0x10a: {  	_ = 	snop  }
0x10b: {  	[tilespmem:s29], [sflag:$0x1] =	stream.indirect.gather [hbm4b:s4+s15], $0x80, s28, s15, $0xb8;
	[tilespmem:$0x1F040] =	vst v63  }
0x10c: {  	s8 =	sshra.s32 s0, $0x2  }
0x10d: {  	[tilespmem:s30], [sflag:$0x1] =	stream.indirect.gather [hbm4b:s4+s15], $0x80, s24, s15, $0xb8;
	[tilespmem:$0x1F040] =	vst v63  }
0x10e: {  	s9 =	sadd.s32 $0x140, s8  }
0x10f: {  	[spmem:s2] =	stream.indirect.scatter.add.f32 [tilespmem:s10], [sflag:$0x2], $0x80, s9, s15, $0xb8;
	[tilespmem:$0x1F040] =	vst v63  }
0x110: {  	s14 =	sadd.s32 $0x160, s8  }
0x111: {  	[spmem:s2] =	stream.indirect.scatter.add.f32 [tilespmem:s11], [sflag:$0x2], $0x80, s14, s15, $0xb8;
	[tilespmem:$0x1F040] =	vst v63  }
0x112: {  	s14 =	sadd.s32 $0x180, s8  }
0x113: {  	[spmem:s2] =	stream.indirect.scatter.add.f32 [tilespmem:s16], [sflag:$0x2], $0x80, s14, s15, $0xb8;
	[tilespmem:$0x1F040] =	vst v63  }
0x114: {  	s14 =	sadd.s32 $0x1A0, s8  }
0x115: {  	[spmem:s2] =	stream.indirect.scatter.add.f32 [tilespmem:s17], [sflag:$0x2], $0x80, s14, s15, $0xb8;
	[tilespmem:$0x1F040] =	vst v63  }
0x116: {  	s14 =	sadd.s32 $0x1C0, s8  }
0x117: {  	[spmem:s2] =	stream.indirect.scatter.add.f32 [tilespmem:s18], [sflag:$0x2], $0x80, s14, s15, $0xb8;
	[tilespmem:$0x1F040] =	vst v63  }
0x118: {  	_ =	swait.ge [sflag:s12], $0xC80  }
0x119: {  	[sflag:s12] =	ssyncset.done $0x0  }
0x11a: {  	[sflag:s12] =	ssyncadd.s32 $0xFFFFF380  }
0x11b: {  	_ =	swait.ge [sflag:s12], $0xC80  }
0x11c: {  	[sflag:s12] =	ssyncset.done $0x0  }
0x11d: {  	[sflag:s12] =	ssyncadd.s32 $0xFFFFF380  }
0x11e: {  	_ =	swait.ge [sflag:s12], $0xC80  }
0x11f: {  	[sflag:s12] =	ssyncset.done $0x0  }
0x120: {  	[sflag:s12] =	ssyncadd.s32 $0xFFFFF380  }
0x121: {  	_ =	swait.ge [sflag:s12], $0xC80  }
0x122: {  	[sflag:s12] =	ssyncset.done $0x0  }
0x123: {  	[sflag:s12] =	ssyncadd.s32 $0xFFFFF380  }
0x124: {  	_ =	swait.ge [sflag:s12], $0xC80  }
0x125: {  	[sflag:s12] =	ssyncset.done $0x0  }
0x126: {  	[sflag:s12] =	ssyncadd.s32 $0xFFFFF380  }
0x127: {  	_ =	swait.ge [sflag:s13], $0xC80  }
0x128: {  	[sflag:s13] =	ssyncset.done $0x0  }
0x129: {  	[sflag:s13] =	ssyncadd.s32 $0xFFFFF380  }
0x12a: {  	_ =	swait.ge [sflag:s13], $0xC80  }
0x12b: {  	[sflag:s13] =	ssyncset.done $0x0  }
0x12c: {  	[sflag:s13] =	ssyncadd.s32 $0xFFFFF380  }
0x12d: {  	_ =	swait.ge [sflag:s13], $0xC80  }
0x12e: {  	[sflag:s13] =	ssyncset.done $0x0  }
0x12f: {  	[sflag:s13] =	ssyncadd.s32 $0xFFFFF380  }
0x130: {  	_ =	swait.ge [sflag:s13], $0xC80  }
0x131: {  	[sflag:s13] =	ssyncset.done $0x0  }
0x132: {  	[sflag:s13] =	ssyncadd.s32 $0xFFFFF380  }
0x133: {  	_ =	swait.ge [sflag:s13], $0xC80  }
0x134: {  	[sflag:s13] =	ssyncset.done $0x0  }
0x135: {  	s9 =	simm.s32 @!p0 $0x3;
	[sflag:s13] =	ssyncadd.s32 $0xFFFFF380  }
0x136: {  	_ =	swait.ge @!p0 [sflag:s9], $0xA0  }
0x137: {  	[sflag:s9] =	ssyncset.done @!p0 $0x0  }
0x138: {  	s14 =	simm.s32 @!p0 $0x3340;
	[sflag:s9] =	ssyncadd.s32 @!p0 $0xFFFFFF60;
	s9 =	simm.s32 @!p0 $0x19  }
0x139: {  	[tilespmem:s14], [sflag:$0x1] =	stream.indirect.gather @!p0 [hbm4b:s4+s9], $0x80, s7, s9, $0xb8;
	[tilespmem:$0x1F040] =	vst v63  }
0x13a: {  	s7 =	simm.s32 @!p0 $0x20;
	s14 =	simm.s32 @!p0 $0x3FC0  }
0x13b: {  	[tilespmem:s14], [sflag:$0x1] =	stream.indirect.gather @!p0 [hbm4b:s4+s9], $0x80, s7, s9, $0xb8;
	[tilespmem:$0x1F040] =	vst v63  }
0x13c: {  	s7 =	simm.s32 @!p0 $0x40;
	s14 =	simm.s32 @!p0 $0x4C40  }
0x13d: {  	[tilespmem:s14], [sflag:$0x1] =	stream.indirect.gather @!p0 [hbm4b:s4+s9], $0x80, s7, s9, $0xb8;
	[tilespmem:$0x1F040] =	vst v63  }
0x13e: {  	s7 =	simm.s32 @!p0 $0x60;
	s14 =	simm.s32 @!p0 $0x58C0  }
0x13f: {  	[tilespmem:s14], [sflag:$0x1] =	stream.indirect.gather @!p0 [hbm4b:s4+s9], $0x80, s7, s9, $0xb8;
	[tilespmem:$0x1F040] =	vst v63  }
0x140: {  	s7 =	simm.s32 @!p0 $0x80;
	s14 =	simm.s32 @!p0 $0x6540  }
0x141: {  	[tilespmem:s14], [sflag:$0x1] =	stream.indirect.gather @!p0 [hbm4b:s4+s9], $0x80, s7, s9, $0xb8;
	[tilespmem:$0x1F040] =	vst v63  }
0x142: {  	s14 =	sadd.s32 $0x1E0, s8  }
0x143: {  	[spmem:s2] =	stream.indirect.scatter.add.f32 [tilespmem:s21], [sflag:$0x2], $0x80, s14, s15, $0xb8;
	[tilespmem:$0x1F040] =	vst v63  }
0x144: {  	s0 =	sadd.s32 $0x500, s0;
	s9 =	sadd.s32 $0x200, s8  }
0x145: {  	[spmem:s2] =	stream.indirect.scatter.add.f32 [tilespmem:s23], [sflag:$0x2], $0x80, s9, s15, $0xb8;
	[tilespmem:$0x1F040] =	vst v63  }
0x146: {  	p0 =	sne.s32 s0, $0xC800;
	s14 =	sadd.s32 $0x220, s8  }
0x147: {  	[spmem:s2] =	stream.indirect.scatter.add.f32 [tilespmem:s26], [sflag:$0x2], $0x80, s14, s15, $0xb8;
	[tilespmem:$0x1F040] =	vst v63  }
.Ltmp2:
0x148: {  	_ = 	snop;
	(pc) =	sbr.rel @p0 .LBB2_6-.Ltmp2, $4  }
0x149: {  	s9 =	sadd.s32 $0x240, s8  }
0x14a: {  	[spmem:s2] =	stream.indirect.scatter.add.f32 [tilespmem:s29], [sflag:$0x2], $0x80, s9, s15, $0xb8;
	[tilespmem:$0x1F040] =	vst v63  }
0x14b: {  	s6 =	sadd.s32 $0x28, s6;
	s14 =	sadd.s32 $0x260, s8  }
0x14c: {  	[spmem:s2] =	stream.indirect.scatter.add.f32 [tilespmem:s30], [sflag:$0x2], $0x80, s14, s15, $0xb8;
	[tilespmem:$0x1F040] =	vst v63  }
0x14d: {  	_ =	swait.ge [sflag:s13], $0xC80  }
0x14e: {  	[sflag:s13] =	ssyncset.done $0x0  }
0x14f: {  	[sflag:s13] =	ssyncadd.s32 $0xFFFFF380  }
0x150: {  	_ =	swait.ge [sflag:s13], $0xC80  }
0x151: {  	[sflag:s13] =	ssyncset.done $0x0  }
0x152: {  	[sflag:s13] =	ssyncadd.s32 $0xFFFFF380  }
0x153: {  	_ =	swait.ge [sflag:s13], $0xC80  }
0x154: {  	[sflag:s13] =	ssyncset.done $0x0  }
0x155: {  	[sflag:s13] =	ssyncadd.s32 $0xFFFFF380  }
0x156: {  	_ =	swait.ge [sflag:s13], $0xC80  }
0x157: {  	[sflag:s13] =	ssyncset.done $0x0  }
0x158: {  	[sflag:s13] =	ssyncadd.s32 $0xFFFFF380  }
0x159: {  	_ =	swait.ge [sflag:s13], $0xC80  }
0x15a: {  	[sflag:s13] =	ssyncset.done $0x0  }
0x15b: {  	[sflag:s13] =	ssyncadd.s32 $0xFFFFF380  }
0x15c: {  	s0 =	stileid.u32;
	[bflag:$0x0] =	sbarrier.arrive $0xFFFF  }
0x15d: {  	s0 =	sshll.u32 s0, $0x6;
	s6 =	rddreg [dreg:$0x6]  }
0x15e: {  	s0 =	sor.u32 $0x1C05, s0;
	s7 =	rddreg [dreg:$0x16]  }
0x15f: {  	[hbm:s6], [sflag:s0] =	dma.local [spmem:s7], $0x2800  }
0x160: {  	_ =	swait.ge [sflag:s31], $0x2800  }
0x161: {  	s1 =	sadd.s32 $0x1, s1;
	s14 =	rddreg [dreg:$0x7]  }
0x162: {  	p0 =	sne.s32 s1, s14  }
.Ltmp3:
0x163: {  	_ = 	snop;
	(pc) =	sbr.rel @p0 .LBB2_1-.Ltmp3, $3  }
0x164: {  	_ =	sdelay $0x1  }
0x165: {  	[sflag:s31] =	ssyncset.done $0x0  }
0x166: {  	[sflag:s31] =	ssyncadd.s32 $0xFFFFD800  }
0x167: {  	_ =	sfence.sel $0x180000  }
0x168: {  	[bflag:$0x0] =	sbarrier.arrive $0xFFFF  }
0x169: {  	_ =	strace $0x9000004A  }
0x16a: {  	s0 =	stileid.u32;
	[bflag:$0x2] =	sbarrier.arrive $0xFFFF  }
0x16b: {  	p0 =	sne.s32 s0, $0x0;
	s0 =	rddreg [dreg:$0x2]  }
0x16c: {  	s0 =	sadd.s32 @!p0 $0x100000, s0  }
0x16d: {  	[sflag:s0] =	ssyncadd.tile.s32 @!p0 $0x1;
	_ =	shalt  }
.Lfunc_end2:
_tile_overlayer_lowered:
.L_overlay_start_2:
0x16e: {  	(tag) =	ssettag $0x2  }
0x16f: {  	s0 =	rddreg [dreg:$0x0];
	s2 =	stileid.u32  }
0x170: {  	s1 =	rddreg [dreg:$0x1];
	p0 =	sne.s32 s2, $0x0  }
0x171: {  	s3 =	rddreg [dreg:$0x2];
	[bflag:$0x3] =	sbarrier.arrive $0xFFFF;
	s2 =	simm.s32 @!p0 $0x1C05  }
0x172: {  	[timem:s3], [sflag:s2] =	dma.local @!p0 [hbm:s0], s1  }
0x173: {  	s0 =	simm.s32 @!p0 $0x5  }
0x174: {  	_ =	swait.ge @!p0 [sflag:s0], s1  }
0x175: {  	s1 =	ssub.s32 @!p0 $0x0, s1;
	[sflag:s0] =	ssyncset.done @!p0 $0x0  }
0x176: {  	[sflag:s0] =	ssyncadd.s32 @!p0 s1  }
0x177: {  	[bflag:$0x3] =	sbarrier.arrive $0xFFFF  }
0x178: {  	_ =	shalt  }

// kernel: kernel.16.cloned.1.call-start
scs
__scs_entry_jumppad:
0x0: {  	(pc) =	sbr.rel $0x88, $3  }
0x1: {  	(tag) =	ssettag $0x0;
	lr =	simm.s32 $0x1  }
0x2: {  	[smem:$0x3F99] =	sst lr;
	_ =	strace $0xD0000000  }
0x3: {  	_ = 	snop  }
0x4: {  	_ = 	snop  }
0x5: {  	_ = 	snop  }
0x6: {  	_ = 	snop  }
0x7: {  	_ = 	snop  }
__scs_overlays_trampoline_lowered:
0x8: {  	[smem:$0x3FA8] =	sst s0  }
0x9: {  	[smem:$0x3FA9] =	sst s1  }
0xa: {  	[smem:$0x3FAA] =	sst s2  }
0xb: {  	[smem:$0x3FAB] =	sst s3  }
0xc: {  	[smem:$0x3FAC] =	sst s4  }
0xd: {  	[smem:$0x3FAD] =	sst s5  }
0xe: {  	[smem:$0x3FAE] =	sst s6  }
0xf: {  	[smem:$0x3FAF] =	sst s7  }
0x10: {  	[smem:$0x3FB0] =	sst s8  }
0x11: {  	[smem:$0x3FB1] =	sst s9;
	s0 =	simm.s32 @!p0 $0x0  }
0x12: {  	s1 =	sld [smem:$0x3F97];
	s0 =	simm.s32 @p0 $0x1  }
0x13: {  	[smem:$0x3FB2] =	sst s0;
	s0 =	simm.s32 @!p1 $0x0  }
0x14: {  	s2 =	sld [smem:$0x3F96];
	s0 =	simm.s32 @p1 $0x1  }
0x15: {  	[smem:$0x3FB3] =	sst s0;
	s0 =	simm.s32 @!p2 $0x0  }
0x16: {  	s3 =	sld [smem:$0x3FDB];
	s0 =	simm.s32 @p2 $0x1  }
0x17: {  	s4 =	simm.s32 $0x1BF5;
	[smem:$0x3FB5] =	sst s0  }
0x18: {  	s0 =	sld [smem:$0x3F98];
	_ =	swait.ge [sflag:s4], $0x0  }
0x19: {  	s7 =	sld [smem:$0x3F99]  }
0x1a: {  	s8 =	sadd.s32 $0xFFFFE003, lr  }
0x1b: {  	s9 =	sadd.s32 $0xFFFFFEF7, lr;
	s5 =	simm.s32 $0xFFFFFFFF;
	p2 =	slt.u32 s8, $0xFFFFF086  }
0x1c: {  	p1 =	slt.u32 s9, $0xF7A;
	s5 =	simm.s32 @!p2 $0x0  }
0x1d: {  	s5 =	simm.s32 @p1 $0x1;
	p0 =	seq.s32 s7, s2  }
0x1e: {  	s7 =	smul.u32 @!p0 $0xF7A, s2;
	p2 =	seq.s32 @!p0 s5, $0x0  }
0x1f: {  	s9 =	smul.u32 $0xF7A, s1;
	s8 =	simm.s32 @!p0 $0x1BF5;
	p2 =	por !p2, p0  }
0x20: {  	[sflag:s8] =	ssyncset.s32 @!p0 $0xFFFFF086;
	s6 =	sadd.s32 @!p0 s3, s7;
	s7 =	simm.s32 @!p0 $0x108  }
0x21: {  	s3 =	sadd.s32 s3, s9;
	s6 =	sadd.s32 @!p0 $0x88, s6;
	s7 =	simm.s32 @p2 $0x1082  }
0x22: {  	[simem:s7], [sflag:s8] =	dma.local @!p0 [hbm:s6], $0xF7A  }
0x23: {  	s9 =	sor.u32 $0xD0000000, s2;
	s6 =	simm.s32 $0x108;
	_ =	swait.ge @!p0 [sflag:s8], $0x0  }
0x24: {  	s3 =	sadd.s32 $0x88, s3;
	s6 =	simm.s32 @!p1 $0x1082;
	[sflag:s4] =	ssyncset.s32 $0xFFFFF086  }
0x25: {  	[simem:s6], [sflag:s4] =	dma.local [hbm:s3], $0xF7A  }
0x26: {  	[smem:$0x3F99] =	sst s1;
	(tag) =	ssettag s2;
	_ =	strace s9  }
0x27: {  	s1 =	sld [smem:$0x3FA9]  }
0x28: {  	s2 =	sld [smem:$0x3FAA]  }
0x29: {  	s4 =	sld [smem:$0x3FAC]  }
0x2a: {  	p0 =	seq.s32 s5, $0x0;
	s5 =	sld [smem:$0x3FAD]  }
0x2b: {  	s6 =	sld [smem:$0x3FAE]  }
0x2c: {  	s7 =	sld [smem:$0x3FAF]  }
0x2d: {  	s3 =	simm.s32 $0x108;
	s8 =	sld [smem:$0x3FB0]  }
0x2e: {  	s3 =	simm.s32 @!p0 $0x1082;
	s9 =	sld [smem:$0x3FB1]  }
0x2f: {  	lr =	sadd.s32 s0, s3;
	s0 =	sld [smem:$0x3FA8]  }
0x30: {  	s3 =	sld [smem:$0x3FAB]  }
0x31: {  	[smem:$0x3FB4] =	sst s10  }
0x32: {  	s10 =	sld [smem:$0x3FB2];
	_ =	sdelay $0x3  }
0x33: {  	p0 =	seq.s32 s10, $0x1;
	s10 =	sld [smem:$0x3FB4];
	_ =	sdelay $0x3  }
0x34: {  	[smem:$0x3FB4] =	sst s10  }
0x35: {  	s10 =	sld [smem:$0x3FB3];
	_ =	sdelay $0x3  }
0x36: {  	p1 =	seq.s32 s10, $0x1;
	s10 =	sld [smem:$0x3FB4];
	_ =	sdelay $0x3  }
0x37: {  	[smem:$0x3FB4] =	sst s10  }
0x38: {  	s10 =	sld [smem:$0x3FB5]  }
0x39: {  	_ = 	snop;
	(pc) =	sbr.ind lr, $3  }
0x3a: {  	_ = 	snop  }
0x3b: {  	_ = 	snop  }
0x3c: {  	p2 =	seq.s32 s10, $0x1;
	s10 =	sld [smem:$0x3FB4]  }
0x3d: {  	_ =	shalt  }
0x3e: {  	_ =	shalt  }
0x3f: {  	_ =	shalt  }
0x40: {  	_ =	shalt  }
0x41: {  	_ =	shalt  }
0x42: {  	_ =	shalt  }
0x43: {  	_ =	shalt  }
0x44: {  	_ =	shalt  }
0x45: {  	_ =	shalt  }
0x46: {  	_ =	shalt  }
0x47: {  	_ =	shalt  }
0x48: {  	_ =	shalt  }
0x49: {  	_ =	shalt  }
0x4a: {  	_ =	shalt  }
0x4b: {  	_ =	shalt  }
0x4c: {  	_ =	shalt  }
0x4d: {  	_ =	shalt  }
0x4e: {  	_ =	shalt  }
0x4f: {  	_ =	shalt  }
0x50: {  	_ =	shalt  }
0x51: {  	_ =	shalt  }
0x52: {  	_ =	shalt  }
0x53: {  	_ =	shalt  }
0x54: {  	_ =	shalt  }
0x55: {  	_ =	shalt  }
0x56: {  	_ =	shalt  }
0x57: {  	_ =	shalt  }
0x58: {  	_ =	shalt  }
0x59: {  	_ =	shalt  }
0x5a: {  	_ =	shalt  }
0x5b: {  	_ =	shalt  }
0x5c: {  	_ =	shalt  }
0x5d: {  	_ =	shalt  }
0x5e: {  	_ =	shalt  }
0x5f: {  	_ =	shalt  }
0x60: {  	_ =	shalt  }
0x61: {  	_ =	shalt  }
0x62: {  	_ =	shalt  }
0x63: {  	_ =	shalt  }
0x64: {  	_ =	shalt  }
0x65: {  	_ =	shalt  }
0x66: {  	_ =	shalt  }
0x67: {  	_ =	shalt  }
0x68: {  	_ =	shalt  }
0x69: {  	_ =	shalt  }
0x6a: {  	_ =	shalt  }
0x6b: {  	_ =	shalt  }
0x6c: {  	_ =	shalt  }
0x6d: {  	_ =	shalt  }
0x6e: {  	_ =	shalt  }
0x6f: {  	_ =	shalt  }
0x70: {  	_ =	shalt  }
0x71: {  	_ =	shalt  }
0x72: {  	_ =	shalt  }
0x73: {  	_ =	shalt  }
0x74: {  	_ =	shalt  }
0x75: {  	_ =	shalt  }
0x76: {  	_ =	shalt  }
0x77: {  	_ =	shalt  }
0x78: {  	_ =	shalt  }
0x79: {  	_ =	shalt  }
0x7a: {  	_ =	shalt  }
0x7b: {  	_ =	shalt  }
0x7c: {  	_ =	shalt  }
0x7d: {  	_ =	shalt  }
0x7e: {  	_ =	shalt  }
0x7f: {  	_ =	shalt  }
0x80: {  	_ =	shalt  }
0x81: {  	_ =	shalt  }
0x82: {  	_ =	shalt  }
0x83: {  	_ =	shalt  }
0x84: {  	_ =	shalt  }
0x85: {  	_ =	shalt  }
0x86: {  	_ =	shalt  }
0x87: {  	_ =	shalt  }
.Lfunc_end0:
.L_simem_size_0:
called_computation.2_lowered:
.L_overlay_start_0:
0x88: {  	s2 =	sld [smem:$0x3FD9]  }
0x89: {  	s3 =	sld [smem:$0x3FFE];
	_ =	sdelay $0x1  }
0x8a: {  	s1 =	srdreg.scid  }
0x8b: {  	s0 =	sand.u32 $0x1, s1  }
0x8c: {  	s16 =	sshll.u32 s0, $0xA;
	s2 =	sadd.s32 s3, s2  }
0x8d: {  	s2 =	sadd.s32 s2, s16  }
0x8e: {  	[smem:$0x3FC0] =	sst s2  }
0x8f: {  	_ = 	snop  }
0x90: {  	(tm) =	ssettm $0x1  }
0x91: {  	s17 =	sld [smem:$0x3FFB];
	_ =	sdelay $0x3  }
0x92: {  	_ =	strace s17  }
0x93: {  	s2 =	sld [smem:$0x3FFC];
	_ =	sdelay $0x3  }
0x94: {  	_ =	strace s2  }
0x95: {  	s2 =	sld [smem:$0x3FFD];
	_ =	sdelay $0x3  }
0x96: {  	_ =	strace s2  }
0x97: {  	_ =	strace $0x8FFFFFFF  }
0x98: {  	s18 =	sld [smem:$0x3FDB];
	_ =	sdelay $0x1  }
0x99: {  	s19 =	simm.s32 $_scs_section_size  }
0x9a: {  	s4 =	simm.s32 $_size__tile_overlayer_lowered;
	s5 =	simm.s32 $_tile_overlayer_lowered  }
0x9b: {  	s22 =	simm.s32 $0x1BFF;
	s21 =	sshll.u32 s5, $0x1;
	s2 =	sadd.s32 s19, s18  }
0x9c: {  	s6 =	simm.s32 $0x0;
	s20 =	sshll.u32 s4, $0x1;
	s4 =	sadd.s32 s21, s2  }
0x9d: {  	[timem:s6], [sflag:s22] =	dma.local [hbm:s4], s20  }
0x9e: {  	_ =	swait.ge [sflag:s22], s20  }
0x9f: {  	s3 =	ssub.s32 $0x0, s20;
	[sflag:s22] =	ssyncset.done $0x0  }
0xa0: {  	[sflag:s22] =	ssyncadd.s32 s3;
	_ =	sdelay $0x1  }
0xa1: {  	s23 =	simm.s32 $0x1B8B  }
0xa2: {  	_ =	swait.ge [sflag:s23], $0x1  }
0xa3: {  	[sflag:s23] =	ssyncset.done $0x0  }
0xa4: {  	s25 =	simm.s32 $0x1B8E;
	s24 =	sld [smem:$0x3FFE];
	[sflag:s23] =	ssyncadd.s32 $0xFFFFFFFF  }
0xa5: {  	s26 =	simm.s32 $execute0_lowered;
	[smem:$0x3FD2] =	sst s25  }
0xa6: {  	s4 =	sshll.u32 s26, $0x1;
	_ =	strace $0x8000004C;
	[dreg:$0x1] =	wrdreg $0xFFFFFFFF  }
0xa7: {  	s28 =	simm.s32 $_size_execute0_lowered;
	s2 =	sadd.s32 s2, s4;
	[dreg:$0x0] =	wrdreg $0x0  }
0xa8: {  	s4 =	sshll.u32 s28, $0x1;
	[dreg:$0x2] =	wrdreg s2  }
0xa9: {  	[dreg:$0x3] =	wrdreg s4  }
0xaa: {  	[dreg:$0x4] =	wrdreg $0xC0  }
0xab: {  	_ =	task [dreg:s6], $0x5FFFF  }
0xac: {  	[dreg:$0x1] =	wrdreg $0xFFFFFFFF  }
0xad: {  	[dreg:$0x0] =	wrdreg $0x60  }
0xae: {  	[dreg:$0x2] =	wrdreg s24  }
0xaf: {  	[dreg:$0x3] =	wrdreg $0xB0400  }
0xb0: {  	[dreg:$0x4] =	wrdreg $0x9  }
0xb1: {  	_ =	task.clear_ibuf [dreg:s6], $0x5FFFF;
	_ =	strace $0x9000004C  }
0xb2: {  	s29 =	simm.s32 $0x9;
	_ =	strace $0x8000004E  }
0xb3: {  	_ =	swait.ge [sflag:s29], $0x1  }
0xb4: {  	[sflag:s29] =	ssyncadd.s32 $0xFFFFFFFF  }
0xb5: {  	_ =	strace $0x9000004E  }
0xb6: {  	_ =	sfence  }
0xb7: {  	s30 =	sld [smem:$0x0];
	_ =	sdelay $0x2  }
0xb8: {  	s31 =	sshll.u32 s1, $0xD;
	s1 =	sshrl.u32 s1, $0x2  }
0xb9: {  	s3 =	sand.u32 $0x4000, s31;
	s1 =	sadd.s32 s1, s30  }
0xba: {  	s0 =	sor.u32 s3, s0;
	s1 =	sshll.u32 s1, $0x11  }
0xbb: {  	s0 =	sor.u32 s1, s0  }
0xbc: {  	s0 =	sadd.s32 $0x8F2B, s0  }
0xbd: {  	[sflag:s0] =	ssyncadd.remote.s32 $0x1  }
0xbe: {  	_ =	sfence.sel $0xFFFF  }
0xbf: {  	[dreg:$0x0] =	wrdreg $0xFFFFFFFF;
	(pc) =	sbr.abs _section_cstart, $3  }
0xc0: {  	[dreg:$0x1] =	wrdreg $0xFFFFFFFF  }
0xc1: {  	_ =	task.clear_ibuf [dreg:s6], $0x2FFFF;
	_ =	strace $0x9FFFFFFF  }
0xc2: {  	(tm) =	ssettm $0x7FFFFFFF  }
0xc3: {  	_ =	shalt  }
tec
execute0_lowered:
.L_overlay_start_1:
0x0: {  	(tag) =	ssettag $0x1  }
0x1: {  	s0 =	srdreg.scid  }
0x2: {  	s13 =	stileid.u32;
	s1 =	rddreg [dreg:$0x0]  }
0x3: {  	s2 =	rddreg [dreg:$0x1];
	s0 =	sand.u32 $0x1, s0;
	s7 =	smul.u32 $0x14000, s13  }
0x4: {  	s3 =	sshll.u32 s13, $0x1;
	s8 =	sadd.s32 $0x25C00, s1;
	s9 =	smul.u32 $0x50000, s13  }
0x5: {  	s4 =	sor.u32 s0, s3;
	s3 =	simm.s32 $0x0;
	s5 =	smul.u32 $0x140000, s0  }
0x6: {  	s11 =	ssub.s32 $0x2, s0;
	s6 =	smul.u32 $0x640, s4;
	[smem:$0x7FF] =	sst s3  }
0x7: {  	s4 =	sadd.s32 $0x32400, s1;
	s12 =	sshrl.u32 s11, $0x1;
	s9 =	sshrl.u32 s9, $0x2  }
0x8: {  	_ =	strace $0x8000004D;
	s5 =	sadd.s32 s7, s5;
	s11 =	ssub.s32 s11, s12  }
0x9: {  	s10 =	sadd.s32 s6, s1;
	s5 =	sshrl.u32 s5, $0x3;
	s6 =	sadd.s32 s8, s6  }
0xa: {  	s18 =	smax.u32 s11, $0x1;
	s1 =	sadd.s32 s5, s1;
	[dreg:$0x5] =	wrdreg s6  }
0xb: {  	s5 =	sadd.s32 s9, s2;
	s15 =	sadd.s32 $0x2C00, s10;
	[dreg:$0x7] =	wrdreg s18  }
0xc: {  	[dreg:$0x3] =	wrdreg s15;
	s16 =	sadd.s32 $0x13880, s5  }
0xd: {  	s1 =	sadd.s32 $0x59600, s1;
	[dreg:$0x4] =	wrdreg s16  }
0xe: {  	s19 =	sadd.s32 $0xC80, s5;
	[dreg:$0x6] =	wrdreg s1  }
0xf: {  	s20 =	sadd.s32 $0x1900, s5;
	[dreg:$0x8] =	wrdreg s19  }
0x10: {  	s21 =	sadd.s32 $0x2580, s5;
	[dreg:$0x9] =	wrdreg s20  }
0x11: {  	s22 =	sadd.s32 $0x3200, s5;
	[dreg:$0xa] =	wrdreg s21  }
0x12: {  	s23 =	sadd.s32 $0x3E80, s5;
	[dreg:$0xb] =	wrdreg s22  }
0x13: {  	s25 =	sadd.s32 $0x4B00, s5;
	[dreg:$0xc] =	wrdreg s23  }
0x14: {  	s26 =	sadd.s32 $0x5780, s5;
	[dreg:$0xd] =	wrdreg s25  }
0x15: {  	s9 =	sadd.s32 $0x6400, s5;
	[dreg:$0xe] =	wrdreg s26  }
0x16: {  	s28 =	simm.s32 $0x100;
	s10 =	sadd.s32 $0x7080, s5;
	[dreg:$0xf] =	wrdreg s9  }
0x17: {  	s29 =	simm.s32 $0x9740;
	s11 =	sadd.s32 $0x7D00, s5;
	[dreg:$0x10] =	wrdreg s10  }
0x18: {  	s30 =	simm.s32 $0xA3C0;
	s12 =	sadd.s32 $0x8980, s5;
	[dreg:$0x11] =	wrdreg s11  }
0x19: {  	s24 =	smul.u32 $0xC80, s13;
	s13 =	sadd.s32 $0x9600, s5;
	[dreg:$0x12] =	wrdreg s12  }
0x1a: {  	s17 =	sadd.s32 s7, s2;
	s14 =	sadd.s32 $0xA280, s5;
	[dreg:$0x13] =	wrdreg s13  }
0x1b: {  	s31 =	simm.s32 $0x5;
	s15 =	sshrl.u32 s17, $0x3;
	[dreg:$0x14] =	wrdreg s14  }
0x1c: {  	s0 =	smul.u32 $0x640, s0;
	s17 =	sadd.s32 $0xBB80, s5;
	[dreg:$0x16] =	wrdreg s15  }
0x1d: {  	s6 =	sadd.s32 s24, s8;
	s18 =	sadd.s32 $0xC800, s5;
	[dreg:$0x18] =	wrdreg s17  }
0x1e: {  	s0 =	sadd.s32 s0, s6;
	s24 =	sadd.s32 $0x11300, s5;
	[dreg:$0x19] =	wrdreg s18  }
0x1f: {  	s0 =	sadd.s32 $0x28, s0;
	s16 =	sadd.s32 $0xAF00, s5;
	[dreg:$0x1f] =	wrdreg s24  }
0x20: {  	s19 =	sadd.s32 $0xD480, s5;
	s20 =	sadd.s32 $0xE100, s5;
	[dreg:$0x15] =	wrdreg s0  }
0x21: {  	s21 =	sadd.s32 $0xED80, s5;
	s22 =	sadd.s32 $0xFA00, s5;
	[dreg:$0x17] =	wrdreg s16  }
0x22: {  	s23 =	sadd.s32 $0x10680, s5;
	s25 =	sadd.s32 $0x11F80, s5;
	[dreg:$0x1a] =	wrdreg s19  }
0x23: {  	s26 =	sadd.s32 $0x12C00, s5;
	s10 =	simm.s32 $0x3340;
	[dreg:$0x1b] =	wrdreg s20  }
0x24: {  	s11 =	simm.s32 $0x3FC0;
	s12 =	simm.s32 $0x1;
	[dreg:$0x1c] =	wrdreg s21  }
0x25: {  	s13 =	simm.s32 $0x2;
	s15 =	simm.s32 $0x19;
	[dreg:$0x1d] =	wrdreg s22  }
0x26: {  	s17 =	simm.s32 $0x58C0;
	s18 =	simm.s32 $0x6540;
	[dreg:$0x1e] =	wrdreg s23  }
0x27: {  	s24 =	simm.s32 $0x120;
	s1 =	simm.s32 $0x0;
	[smem:$0x7FC] =	sst s25  }
0x28: {  	[smem:$0x7FD] =	sst s26;
	s16 =	simm.s32 $0x4C40;
	s19 =	simm.s32 $0xA0  }
0x29: {  	s20 =	simm.s32 $0x4;
	s21 =	simm.s32 $0x71C0;
	s22 =	simm.s32 $0xC0  }
0x2a: {  	v0 =	vimm.f32 $0.0e+00;
	s23 =	simm.s32 $0x7E40;
	s25 =	simm.s32 $0xE0;
	s26 =	simm.s32 $0x8AC0  }
.LBB2_1:
0x2b: {  	s0 =	rddreg [dreg:$0x3];
	s6 =	simm.s32 $0x140  }
0x2c: {  	[tilespmem:s6], [sflag:$0x2] =	stream.linear.gather [hbm4b:s0+s3], $0x3200, $0x38;
	[tilespmem:$0x1F040] =	vst v63  }
0x2d: {  	s0 =	simm.s32 $0x70;
	s6 =	simm.s32 $0x3C0  }
.LBB2_2:
0x2e: {  	p0 =	sne.s32 s6, $0x31C0;
	[tilespmem:s0+$0x3340] =	vst v0  }
0x2f: {  	[tilespmem:s0+$0x32D0] =	vst v0  }
0x30: {  	[tilespmem:s0+$0x32E0] =	vst v0  }
.Ltmp0:
0x31: {  	[tilespmem:s0+$0x32F0] =	vst v0;
	(pc) =	sbr.rel @p0 .LBB2_2-.Ltmp0, $4  }
0x32: {  	[tilespmem:s0+$0x3300] =	vst v0  }
0x33: {  	[tilespmem:s0+$0x3310] =	vst v0  }
0x34: {  	[tilespmem:s0+$0x3320] =	vst v0  }
0x35: {  	[tilespmem:s0+$0x3330] =	vst v0;
	s0 =	sshra.s32 s6, $0x2;
	s6 =	sadd.s32 $0x200, s6  }
0x36: {  	[tilespmem:s0+$0x3340] =	vst v0  }
0x37: {  	[tilespmem:s0+$0x32D0] =	vst v0  }
0x38: {  	[tilespmem:s0+$0x32E0] =	vst v0  }
0x39: {  	[tilespmem:s0+$0x32F0] =	vst v0  }
0x3a: {  	[tilespmem:s0+$0x3300] =	vst v0  }
0x3b: {  	[tilespmem:s0+$0x3310] =	vst v0  }
0x3c: {  	[tilespmem:s0+$0x3320] =	vst v0  }
0x3d: {  	[tilespmem:s0+$0x3330] =	vst v0;
	s0 =	simm.s32 $0x70;
	s6 =	simm.s32 $0x3C0  }
.LBB2_4:
0x3e: {  	p0 =	sne.s32 s6, $0x31C0;
	[tilespmem:s0+$0x3FC0] =	vst v0  }
0x3f: {  	[tilespmem:s0+$0x3F50] =	vst v0  }
0x40: {  	[tilespmem:s0+$0x3F60] =	vst v0  }
.Ltmp1:
0x41: {  	[tilespmem:s0+$0x3F70] =	vst v0;
	(pc) =	sbr.rel @p0 .LBB2_4-.Ltmp1, $4  }
0x42: {  	[tilespmem:s0+$0x3F80] =	vst v0  }
0x43: {  	[tilespmem:s0+$0x3F90] =	vst v0  }
0x44: {  	[tilespmem:s0+$0x3FA0] =	vst v0  }
0x45: {  	[tilespmem:s0+$0x3FB0] =	vst v0;
	s0 =	sshra.s32 s6, $0x2;
	s6 =	sadd.s32 $0x200, s6  }
0x46: {  	[tilespmem:s0+$0x3FC0] =	vst v0  }
0x47: {  	[tilespmem:s0+$0x3F50] =	vst v0  }
0x48: {  	[tilespmem:s0+$0x3F60] =	vst v0  }
0x49: {  	[tilespmem:s0+$0x3F70] =	vst v0  }
0x4a: {  	[tilespmem:s0+$0x3F80] =	vst v0  }
0x4b: {  	[tilespmem:s0+$0x3F90] =	vst v0  }
0x4c: {  	[tilespmem:s0+$0x3FA0] =	vst v0  }
0x4d: {  	[tilespmem:s0+$0x3FB0] =	vst v0;
	s14 =	rddreg [dreg:$0x8]  }
0x4e: {  	[spmem:s5] =	stream.linear.scatter [tilespmem:s10], [sflag:$0x1], $0xC80, $0x38;
	[tilespmem:$0x1F040] =	vst v63  }
0x4f: {  	s6 =	rddreg [dreg:$0x9]  }
0x50: {  	[spmem:s14] =	stream.linear.scatter [tilespmem:s10], [sflag:$0x1], $0xC80, $0x38;
	[tilespmem:$0x1F040] =	vst v63  }
0x51: {  	s7 =	rddreg [dreg:$0xa]  }
0x52: {  	[spmem:s6] =	stream.linear.scatter [tilespmem:s10], [sflag:$0x1], $0xC80, $0x38;
	[tilespmem:$0x1F040] =	vst v63  }
0x53: {  	s8 =	rddreg [dreg:$0xb]  }
0x54: {  	[spmem:s7] =	stream.linear.scatter [tilespmem:s10], [sflag:$0x1], $0xC80, $0x38;
	[tilespmem:$0x1F040] =	vst v63  }
0x55: {  	s9 =	rddreg [dreg:$0xc]  }
0x56: {  	[spmem:s8] =	stream.linear.scatter [tilespmem:s10], [sflag:$0x1], $0xC80, $0x38;
	[tilespmem:$0x1F040] =	vst v63  }
0x57: {  	s14 =	rddreg [dreg:$0xd]  }
0x58: {  	[spmem:s9] =	stream.linear.scatter [tilespmem:s10], [sflag:$0x1], $0xC80, $0x38;
	[tilespmem:$0x1F040] =	vst v63  }
0x59: {  	s6 =	rddreg [dreg:$0xe]  }
0x5a: {  	[spmem:s14] =	stream.linear.scatter [tilespmem:s10], [sflag:$0x1], $0xC80, $0x38;
	[tilespmem:$0x1F040] =	vst v63  }
0x5b: {  	s7 =	rddreg [dreg:$0xf]  }
0x5c: {  	[spmem:s6] =	stream.linear.scatter [tilespmem:s10], [sflag:$0x1], $0xC80, $0x38;
	[tilespmem:$0x1F040] =	vst v63  }
0x5d: {  	s8 =	rddreg [dreg:$0x10]  }
0x5e: {  	[spmem:s7] =	stream.linear.scatter [tilespmem:s10], [sflag:$0x1], $0xC80, $0x38;
	[tilespmem:$0x1F040] =	vst v63  }
0x5f: {  	s9 =	rddreg [dreg:$0x11]  }
0x60: {  	[spmem:s8] =	stream.linear.scatter [tilespmem:s10], [sflag:$0x1], $0xC80, $0x38;
	[tilespmem:$0x1F040] =	vst v63  }
0x61: {  	s14 =	rddreg [dreg:$0x12]  }
0x62: {  	[spmem:s9] =	stream.linear.scatter [tilespmem:s10], [sflag:$0x1], $0xC80, $0x38;
	[tilespmem:$0x1F040] =	vst v63  }
0x63: {  	s6 =	rddreg [dreg:$0x13]  }
0x64: {  	[spmem:s14] =	stream.linear.scatter [tilespmem:s10], [sflag:$0x1], $0xC80, $0x38;
	[tilespmem:$0x1F040] =	vst v63  }
0x65: {  	s7 =	rddreg [dreg:$0x14]  }
0x66: {  	[spmem:s6] =	stream.linear.scatter [tilespmem:s10], [sflag:$0x1], $0xC80, $0x38;
	[tilespmem:$0x1F040] =	vst v63  }
0x67: {  	s8 =	rddreg [dreg:$0x17]  }
0x68: {  	[spmem:s7] =	stream.linear.scatter [tilespmem:s10], [sflag:$0x1], $0xC80, $0x38;
	[tilespmem:$0x1F040] =	vst v63  }
0x69: {  	s9 =	rddreg [dreg:$0x18]  }
0x6a: {  	[spmem:s8] =	stream.linear.scatter [tilespmem:s10], [sflag:$0x1], $0xC80, $0x38;
	[tilespmem:$0x1F040] =	vst v63  }
0x6b: {  	s14 =	rddreg [dreg:$0x19]  }
0x6c: {  	[spmem:s9] =	stream.linear.scatter [tilespmem:s10], [sflag:$0x1], $0xC80, $0x38;
	[tilespmem:$0x1F040] =	vst v63  }
0x6d: {  	s6 =	rddreg [dreg:$0x1a]  }
0x6e: {  	[spmem:s14] =	stream.linear.scatter [tilespmem:s10], [sflag:$0x1], $0xC80, $0x38;
	[tilespmem:$0x1F040] =	vst v63  }
0x6f: {  	s7 =	rddreg [dreg:$0x1b]  }
0x70: {  	[spmem:s6] =	stream.linear.scatter [tilespmem:s10], [sflag:$0x1], $0xC80, $0x38;
	[tilespmem:$0x1F040] =	vst v63  }
0x71: {  	s8 =	rddreg [dreg:$0x1c]  }
0x72: {  	[spmem:s7] =	stream.linear.scatter [tilespmem:s10], [sflag:$0x1], $0xC80, $0x38;
	[tilespmem:$0x1F040] =	vst v63  }
0x73: {  	s9 =	rddreg [dreg:$0x1d]  }
0x74: {  	[spmem:s8] =	stream.linear.scatter [tilespmem:s10], [sflag:$0x1], $0xC80, $0x38;
	[tilespmem:$0x1F040] =	vst v63  }
0x75: {  	s14 =	rddreg [dreg:$0x1e]  }
0x76: {  	[spmem:s9] =	stream.linear.scatter [tilespmem:s10], [sflag:$0x1], $0xC80, $0x38;
	[tilespmem:$0x1F040] =	vst v63  }
0x77: {  	s6 =	rddreg [dreg:$0x1f]  }
0x78: {  	[spmem:s14] =	stream.linear.scatter [tilespmem:s10], [sflag:$0x1], $0xC80, $0x38;
	[tilespmem:$0x1F040] =	vst v63  }
0x79: {  	s7 =	sld [smem:$0x7FC]  }
0x7a: {  	[spmem:s6] =	stream.linear.scatter [tilespmem:s10], [sflag:$0x1], $0xC80, $0x38;
	[tilespmem:$0x1F040] =	vst v63  }
0x7b: {  	s8 =	sld [smem:$0x7FD]  }
0x7c: {  	[spmem:s7] =	stream.linear.scatter [tilespmem:s10], [sflag:$0x1], $0xC80, $0x38;
	[tilespmem:$0x1F040] =	vst v63  }
0x7d: {  	_ = 	snop  }
0x7e: {  	[spmem:s8] =	stream.linear.scatter [tilespmem:s10], [sflag:$0x1], $0xC80, $0x38;
	[tilespmem:$0x1F040] =	vst v63  }
0x7f: {  	s9 =	rddreg [dreg:$0x4]  }
0x80: {  	[spmem:s9] =	stream.linear.scatter [tilespmem:s11], [sflag:$0x1], $0x780, $0x38;
	[tilespmem:$0x1F040] =	vst v63  }
0x81: {  	_ =	swait.ge [sflag:s12], $0xC80  }
0x82: {  	[sflag:s12] =	ssyncset.done $0x0  }
0x83: {  	[sflag:s12] =	ssyncadd.s32 $0xFFFFF380  }
0x84: {  	_ =	swait.ge [sflag:s12], $0xC80  }
0x85: {  	[sflag:s12] =	ssyncset.done $0x0  }
0x86: {  	[sflag:s12] =	ssyncadd.s32 $0xFFFFF380  }
0x87: {  	_ =	swait.ge [sflag:s12], $0xC80  }
0x88: {  	[sflag:s12] =	ssyncset.done $0x0  }
0x89: {  	[sflag:s12] =	ssyncadd.s32 $0xFFFFF380  }
0x8a: {  	_ =	swait.ge [sflag:s12], $0xC80  }
0x8b: {  	[sflag:s12] =	ssyncset.done $0x0  }
0x8c: {  	[sflag:s12] =	ssyncadd.s32 $0xFFFFF380  }
0x8d: {  	_ =	swait.ge [sflag:s12], $0xC80  }
0x8e: {  	[sflag:s12] =	ssyncset.done $0x0  }
0x8f: {  	[sflag:s12] =	ssyncadd.s32 $0xFFFFF380  }
0x90: {  	_ =	swait.ge [sflag:s12], $0xC80  }
0x91: {  	[sflag:s12] =	ssyncset.done $0x0  }
0x92: {  	[sflag:s12] =	ssyncadd.s32 $0xFFFFF380  }
0x93: {  	_ =	swait.ge [sflag:s12], $0xC80  }
0x94: {  	[sflag:s12] =	ssyncset.done $0x0  }
0x95: {  	[sflag:s12] =	ssyncadd.s32 $0xFFFFF380  }
0x96: {  	_ =	swait.ge [sflag:s12], $0xC80  }
0x97: {  	[sflag:s12] =	ssyncset.done $0x0  }
0x98: {  	[sflag:s12] =	ssyncadd.s32 $0xFFFFF380  }
0x99: {  	_ =	swait.ge [sflag:s12], $0xC80  }
0x9a: {  	[sflag:s12] =	ssyncset.done $0x0  }
0x9b: {  	[sflag:s12] =	ssyncadd.s32 $0xFFFFF380  }
0x9c: {  	_ =	swait.ge [sflag:s12], $0xC80  }
0x9d: {  	[sflag:s12] =	ssyncset.done $0x0  }
0x9e: {  	[sflag:s12] =	ssyncadd.s32 $0xFFFFF380  }
0x9f: {  	_ =	swait.ge [sflag:s12], $0xC80  }
0xa0: {  	[sflag:s12] =	ssyncset.done $0x0  }
0xa1: {  	[sflag:s12] =	ssyncadd.s32 $0xFFFFF380  }
0xa2: {  	_ =	swait.ge [sflag:s12], $0xC80  }
0xa3: {  	[sflag:s12] =	ssyncset.done $0x0  }
0xa4: {  	[sflag:s12] =	ssyncadd.s32 $0xFFFFF380  }
0xa5: {  	_ =	swait.ge [sflag:s12], $0xC80  }
0xa6: {  	[sflag:s12] =	ssyncset.done $0x0  }
0xa7: {  	[sflag:s12] =	ssyncadd.s32 $0xFFFFF380  }
0xa8: {  	_ =	swait.ge [sflag:s12], $0xC80  }
0xa9: {  	[sflag:s12] =	ssyncset.done $0x0  }
0xaa: {  	[sflag:s12] =	ssyncadd.s32 $0xFFFFF380  }
0xab: {  	_ =	swait.ge [sflag:s12], $0xC80  }
0xac: {  	[sflag:s12] =	ssyncset.done $0x0  }
0xad: {  	[sflag:s12] =	ssyncadd.s32 $0xFFFFF380  }
0xae: {  	_ =	swait.ge [sflag:s12], $0xC80  }
0xaf: {  	[sflag:s12] =	ssyncset.done $0x0  }
0xb0: {  	[sflag:s12] =	ssyncadd.s32 $0xFFFFF380  }
0xb1: {  	_ =	swait.ge [sflag:s12], $0xC80  }
0xb2: {  	[sflag:s12] =	ssyncset.done $0x0  }
0xb3: {  	[sflag:s12] =	ssyncadd.s32 $0xFFFFF380  }
0xb4: {  	_ =	swait.ge [sflag:s12], $0xC80  }
0xb5: {  	[sflag:s12] =	ssyncset.done $0x0  }
0xb6: {  	[sflag:s12] =	ssyncadd.s32 $0xFFFFF380  }
0xb7: {  	_ =	swait.ge [sflag:s12], $0xC80  }
0xb8: {  	[sflag:s12] =	ssyncset.done $0x0  }
0xb9: {  	[sflag:s12] =	ssyncadd.s32 $0xFFFFF380  }
0xba: {  	_ =	swait.ge [sflag:s12], $0xC80  }
0xbb: {  	[sflag:s12] =	ssyncset.done $0x0  }
0xbc: {  	[sflag:s12] =	ssyncadd.s32 $0xFFFFF380  }
0xbd: {  	_ =	swait.ge [sflag:s12], $0xC80  }
0xbe: {  	[sflag:s12] =	ssyncset.done $0x0  }
0xbf: {  	[sflag:s12] =	ssyncadd.s32 $0xFFFFF380  }
0xc0: {  	_ =	swait.ge [sflag:s12], $0xC80  }
0xc1: {  	[sflag:s12] =	ssyncset.done $0x0  }
0xc2: {  	[sflag:s12] =	ssyncadd.s32 $0xFFFFF380  }
0xc3: {  	_ =	swait.ge [sflag:s12], $0xC80  }
0xc4: {  	[sflag:s12] =	ssyncset.done $0x0  }
0xc5: {  	[sflag:s12] =	ssyncadd.s32 $0xFFFFF380  }
0xc6: {  	_ =	swait.ge [sflag:s12], $0xC80  }
0xc7: {  	[sflag:s12] =	ssyncset.done $0x0  }
0xc8: {  	[sflag:s12] =	ssyncadd.s32 $0xFFFFF380  }
0xc9: {  	_ =	swait.ge [sflag:s12], $0xC80  }
0xca: {  	[sflag:s12] =	ssyncset.done $0x0  }
0xcb: {  	[sflag:s12] =	ssyncadd.s32 $0xFFFFF380  }
0xcc: {  	_ =	swait.ge [sflag:s12], $0x780  }
0xcd: {  	[sflag:s12] =	ssyncset.done $0x0  }
0xce: {  	[sflag:s12] =	ssyncadd.s32 $0xFFFFF880  }
0xcf: {  	_ =	swait.ge [sflag:s13], $0x3200  }
0xd0: {  	[sflag:s13] =	ssyncset.done $0x0  }
0xd1: {  	[sflag:s13] =	ssyncadd.s32 $0xFFFFCE00  }
0xd2: {  	[bflag:$0x0] =	sbarrier.arrive $0xFFFF  }
0xd3: {  	s0 =	simm.s32 $0x0;
	s14 =	simm.s32 $0x3;
	s6 =	rddreg [dreg:$0x5]  }
0xd4: {  	[tilespmem:s0], [sflag:$0x3] =	stream.linear.gather [hbm4b:s6+s0], $0xA0, $0x38;
	[tilespmem:$0x1F040] =	vst v63  }
0xd5: {  	_ =	swait.ge [sflag:s14], $0xA0  }
0xd6: {  	[sflag:s14] =	ssyncset.done $0x0  }
0xd7: {  	[sflag:s14] =	ssyncadd.s32 $0xFFFFFF60  }
0xd8: {  	[tilespmem:s10], [sflag:$0x1] =	stream.indirect.gather [hbm4b:s4+s15], $0x80, s0, s15, $0xb8;
	[tilespmem:$0x1F040] =	vst v63  }
0xd9: {  	s7 =	simm.s32 $0x20  }
0xda: {  	[tilespmem:s11], [sflag:$0x1] =	stream.indirect.gather [hbm4b:s4+s15], $0x80, s7, s15, $0xb8;
	[tilespmem:$0x1F040] =	vst v63  }
0xdb: {  	s8 =	simm.s32 $0x40  }
0xdc: {  	[tilespmem:s16], [sflag:$0x1] =	stream.indirect.gather [hbm4b:s4+s15], $0x80, s8, s15, $0xb8;
	[tilespmem:$0x1F040] =	vst v63  }
0xdd: {  	s9 =	simm.s32 $0x60  }
0xde: {  	[tilespmem:s17], [sflag:$0x1] =	stream.indirect.gather [hbm4b:s4+s15], $0x80, s9, s15, $0xb8;
	[tilespmem:$0x1F040] =	vst v63  }
0xdf: {  	s6 =	rddreg [dreg:$0x15];
	s14 =	simm.s32 $0x80  }
0xe0: {  	[tilespmem:s18], [sflag:$0x1] =	stream.indirect.gather [hbm4b:s4+s15], $0x80, s14, s15, $0xb8;
	[tilespmem:$0x1F040] =	vst v63  }
.LBB2_6:
0xe1: {  	s7 =	sadd.s32 $0xFFFFFFEC, s6  }
0xe2: {  	[tilespmem:s19], [sflag:$0x4] =	stream.linear.gather [hbm4b:s7+s3], $0xA0, $0x38;
	[tilespmem:$0x1F040] =	vst v63  }
0xe3: {  	_ =	swait.ge [sflag:s12], $0xC80  }
0xe4: {  	[sflag:s12] =	ssyncset.done $0x0  }
0xe5: {  	[sflag:s12] =	ssyncadd.s32 $0xFFFFF380  }
0xe6: {  	_ =	swait.ge [sflag:s12], $0xC80  }
0xe7: {  	[sflag:s12] =	ssyncset.done $0x0  }
0xe8: {  	[sflag:s12] =	ssyncadd.s32 $0xFFFFF380  }
0xe9: {  	_ =	swait.ge [sflag:s12], $0xC80  }
0xea: {  	[sflag:s12] =	ssyncset.done $0x0  }
0xeb: {  	[sflag:s12] =	ssyncadd.s32 $0xFFFFF380  }
0xec: {  	_ =	swait.ge [sflag:s12], $0xC80  }
0xed: {  	[sflag:s12] =	ssyncset.done $0x0  }
0xee: {  	[sflag:s12] =	ssyncadd.s32 $0xFFFFF380  }
0xef: {  	p0 =	seq.s32 s0, $0xC300;
	_ =	swait.ge [sflag:s12], $0xC80  }
0xf0: {  	p1 =	seq.s32 @!p0 s0, $0x0;
	[sflag:s12] =	ssyncset.done $0x0  }
0xf1: {  	s7 =	simm.s32 @!p0 $0x0;
	p1 =	por p0, !p1;
	[sflag:s12] =	ssyncadd.s32 $0xFFFFF380  }
0xf2: {  	[tilespmem:s7], [sflag:$0x3] =	stream.linear.gather @!p0 [hbm4b:s6+s7], $0xA0, $0x38;
	[tilespmem:$0x1F040] =	vst v63  }
0xf3: {  	_ =	swait.ge @p1 [sflag:s13], $0xC80  }
0xf4: {  	[sflag:s13] =	ssyncset.done @p1 $0x0  }
0xf5: {  	[sflag:s13] =	ssyncadd.s32 @p1 $0xFFFFF380  }
0xf6: {  	_ =	swait.ge @p1 [sflag:s13], $0xC80  }
0xf7: {  	[sflag:s13] =	ssyncset.done @p1 $0x0  }
0xf8: {  	[sflag:s13] =	ssyncadd.s32 @p1 $0xFFFFF380  }
0xf9: {  	_ =	swait.ge @p1 [sflag:s13], $0xC80  }
0xfa: {  	[sflag:s13] =	ssyncset.done @p1 $0x0  }
0xfb: {  	[sflag:s13] =	ssyncadd.s32 @p1 $0xFFFFF380  }
0xfc: {  	_ =	swait.ge @p1 [sflag:s13], $0xC80  }
0xfd: {  	[sflag:s13] =	ssyncset.done @p1 $0x0  }
0xfe: {  	[sflag:s13] =	ssyncadd.s32 @p1 $0xFFFFF380  }
0xff: {  	_ =	swait.ge @p1 [sflag:s13], $0xC80  }
0x100: {  	[sflag:s13] =	ssyncset.done @p1 $0x0  }
0x101: {  	[sflag:s13] =	ssyncadd.s32 @p1 $0xFFFFF380  }
0x102: {  	_ =	swait.ge [sflag:s20], $0xA0  }
0x103: {  	[sflag:s20] =	ssyncset.done $0x0  }
0x104: {  	[sflag:s20] =	ssyncadd.s32 $0xFFFFFF60  }
0x105: {  	[tilespmem:s21], [sflag:$0x1] =	stream.indirect.gather [hbm4b:s4+s15], $0x80, s19, s15, $0xb8;
	[tilespmem:$0x1F040] =	vst v63  }
0x106: {  	_ = 	snop  }
0x107: {  	[tilespmem:s23], [sflag:$0x1] =	stream.indirect.gather [hbm4b:s4+s15], $0x80, s22, s15, $0xb8;
	[tilespmem:$0x1F040] =	vst v63  }
0x108: {  	_ = 	snop  }
0x109: {  	[tilespmem:s26], [sflag:$0x1] =	stream.indirect.gather [hbm4b:s4+s15], $0x80, s25, s15, $0xb8;
	[tilespmem:$0x1F040] =	vst v63  }
0x10a: {  	_ = 	snop  }
0x10b: {  	[tilespmem:s29], [sflag:$0x1] =	stream.indirect.gather [hbm4b:s4+s15], $0x80, s28, s15, $0xb8;
	[tilespmem:$0x1F040] =	vst v63  }
0x10c: {  	s8 =	sshra.s32 s0, $0x2  }
0x10d: {  	[tilespmem:s30], [sflag:$0x1] =	stream.indirect.gather [hbm4b:s4+s15], $0x80, s24, s15, $0xb8;
	[tilespmem:$0x1F040] =	vst v63  }
0x10e: {  	s9 =	sadd.s32 $0x140, s8  }
0x10f: {  	[spmem:s2] =	stream.indirect.scatter.add.f32 [tilespmem:s10], [sflag:$0x2], $0x80, s9, s15, $0xb8;
	[tilespmem:$0x1F040] =	vst v63  }
0x110: {  	s14 =	sadd.s32 $0x160, s8  }
0x111: {  	[spmem:s2] =	stream.indirect.scatter.add.f32 [tilespmem:s11], [sflag:$0x2], $0x80, s14, s15, $0xb8;
	[tilespmem:$0x1F040] =	vst v63  }
0x112: {  	s14 =	sadd.s32 $0x180, s8  }
0x113: {  	[spmem:s2] =	stream.indirect.scatter.add.f32 [tilespmem:s16], [sflag:$0x2], $0x80, s14, s15, $0xb8;
	[tilespmem:$0x1F040] =	vst v63  }
0x114: {  	s14 =	sadd.s32 $0x1A0, s8  }
0x115: {  	[spmem:s2] =	stream.indirect.scatter.add.f32 [tilespmem:s17], [sflag:$0x2], $0x80, s14, s15, $0xb8;
	[tilespmem:$0x1F040] =	vst v63  }
0x116: {  	s14 =	sadd.s32 $0x1C0, s8  }
0x117: {  	[spmem:s2] =	stream.indirect.scatter.add.f32 [tilespmem:s18], [sflag:$0x2], $0x80, s14, s15, $0xb8;
	[tilespmem:$0x1F040] =	vst v63  }
0x118: {  	_ =	swait.ge [sflag:s12], $0xC80  }
0x119: {  	[sflag:s12] =	ssyncset.done $0x0  }
0x11a: {  	[sflag:s12] =	ssyncadd.s32 $0xFFFFF380  }
0x11b: {  	_ =	swait.ge [sflag:s12], $0xC80  }
0x11c: {  	[sflag:s12] =	ssyncset.done $0x0  }
0x11d: {  	[sflag:s12] =	ssyncadd.s32 $0xFFFFF380  }
0x11e: {  	_ =	swait.ge [sflag:s12], $0xC80  }
0x11f: {  	[sflag:s12] =	ssyncset.done $0x0  }
0x120: {  	[sflag:s12] =	ssyncadd.s32 $0xFFFFF380  }
0x121: {  	_ =	swait.ge [sflag:s12], $0xC80  }
0x122: {  	[sflag:s12] =	ssyncset.done $0x0  }
0x123: {  	[sflag:s12] =	ssyncadd.s32 $0xFFFFF380  }
0x124: {  	_ =	swait.ge [sflag:s12], $0xC80  }
0x125: {  	[sflag:s12] =	ssyncset.done $0x0  }
0x126: {  	[sflag:s12] =	ssyncadd.s32 $0xFFFFF380  }
0x127: {  	_ =	swait.ge [sflag:s13], $0xC80  }
0x128: {  	[sflag:s13] =	ssyncset.done $0x0  }
0x129: {  	[sflag:s13] =	ssyncadd.s32 $0xFFFFF380  }
0x12a: {  	_ =	swait.ge [sflag:s13], $0xC80  }
0x12b: {  	[sflag:s13] =	ssyncset.done $0x0  }
0x12c: {  	[sflag:s13] =	ssyncadd.s32 $0xFFFFF380  }
0x12d: {  	_ =	swait.ge [sflag:s13], $0xC80  }
0x12e: {  	[sflag:s13] =	ssyncset.done $0x0  }
0x12f: {  	[sflag:s13] =	ssyncadd.s32 $0xFFFFF380  }
0x130: {  	_ =	swait.ge [sflag:s13], $0xC80  }
0x131: {  	[sflag:s13] =	ssyncset.done $0x0  }
0x132: {  	[sflag:s13] =	ssyncadd.s32 $0xFFFFF380  }
0x133: {  	_ =	swait.ge [sflag:s13], $0xC80  }
0x134: {  	[sflag:s13] =	ssyncset.done $0x0  }
0x135: {  	s9 =	simm.s32 @!p0 $0x3;
	[sflag:s13] =	ssyncadd.s32 $0xFFFFF380  }
0x136: {  	_ =	swait.ge @!p0 [sflag:s9], $0xA0  }
0x137: {  	[sflag:s9] =	ssyncset.done @!p0 $0x0  }
0x138: {  	s14 =	simm.s32 @!p0 $0x3340;
	[sflag:s9] =	ssyncadd.s32 @!p0 $0xFFFFFF60;
	s9 =	simm.s32 @!p0 $0x19  }
0x139: {  	[tilespmem:s14], [sflag:$0x1] =	stream.indirect.gather @!p0 [hbm4b:s4+s9], $0x80, s7, s9, $0xb8;
	[tilespmem:$0x1F040] =	vst v63  }
0x13a: {  	s7 =	simm.s32 @!p0 $0x20;
	s14 =	simm.s32 @!p0 $0x3FC0  }
0x13b: {  	[tilespmem:s14], [sflag:$0x1] =	stream.indirect.gather @!p0 [hbm4b:s4+s9], $0x80, s7, s9, $0xb8;
	[tilespmem:$0x1F040] =	vst v63  }
0x13c: {  	s7 =	simm.s32 @!p0 $0x40;
	s14 =	simm.s32 @!p0 $0x4C40  }
0x13d: {  	[tilespmem:s14], [sflag:$0x1] =	stream.indirect.gather @!p0 [hbm4b:s4+s9], $0x80, s7, s9, $0xb8;
	[tilespmem:$0x1F040] =	vst v63  }
0x13e: {  	s7 =	simm.s32 @!p0 $0x60;
	s14 =	simm.s32 @!p0 $0x58C0  }
0x13f: {  	[tilespmem:s14], [sflag:$0x1] =	stream.indirect.gather @!p0 [hbm4b:s4+s9], $0x80, s7, s9, $0xb8;
	[tilespmem:$0x1F040] =	vst v63  }
0x140: {  	s7 =	simm.s32 @!p0 $0x80;
	s14 =	simm.s32 @!p0 $0x6540  }
0x141: {  	[tilespmem:s14], [sflag:$0x1] =	stream.indirect.gather @!p0 [hbm4b:s4+s9], $0x80, s7, s9, $0xb8;
	[tilespmem:$0x1F040] =	vst v63  }
0x142: {  	s14 =	sadd.s32 $0x1E0, s8  }
0x143: {  	[spmem:s2] =	stream.indirect.scatter.add.f32 [tilespmem:s21], [sflag:$0x2], $0x80, s14, s15, $0xb8;
	[tilespmem:$0x1F040] =	vst v63  }
0x144: {  	s0 =	sadd.s32 $0x500, s0;
	s9 =	sadd.s32 $0x200, s8  }
0x145: {  	[spmem:s2] =	stream.indirect.scatter.add.f32 [tilespmem:s23], [sflag:$0x2], $0x80, s9, s15, $0xb8;
	[tilespmem:$0x1F040] =	vst v63  }
0x146: {  	p0 =	sne.s32 s0, $0xC800;
	s14 =	sadd.s32 $0x220, s8  }
0x147: {  	[spmem:s2] =	stream.indirect.scatter.add.f32 [tilespmem:s26], [sflag:$0x2], $0x80, s14, s15, $0xb8;
	[tilespmem:$0x1F040] =	vst v63  }
.Ltmp2:
0x148: {  	_ = 	snop;
	(pc) =	sbr.rel @p0 .LBB2_6-.Ltmp2, $4  }
0x149: {  	s9 =	sadd.s32 $0x240, s8  }
0x14a: {  	[spmem:s2] =	stream.indirect.scatter.add.f32 [tilespmem:s29], [sflag:$0x2], $0x80, s9, s15, $0xb8;
	[tilespmem:$0x1F040] =	vst v63  }
0x14b: {  	s6 =	sadd.s32 $0x28, s6;
	s14 =	sadd.s32 $0x260, s8  }
0x14c: {  	[spmem:s2] =	stream.indirect.scatter.add.f32 [tilespmem:s30], [sflag:$0x2], $0x80, s14, s15, $0xb8;
	[tilespmem:$0x1F040] =	vst v63  }
0x14d: {  	_ =	swait.ge [sflag:s13], $0xC80  }
0x14e: {  	[sflag:s13] =	ssyncset.done $0x0  }
0x14f: {  	[sflag:s13] =	ssyncadd.s32 $0xFFFFF380  }
0x150: {  	_ =	swait.ge [sflag:s13], $0xC80  }
0x151: {  	[sflag:s13] =	ssyncset.done $0x0  }
0x152: {  	[sflag:s13] =	ssyncadd.s32 $0xFFFFF380  }
0x153: {  	_ =	swait.ge [sflag:s13], $0xC80  }
0x154: {  	[sflag:s13] =	ssyncset.done $0x0  }
0x155: {  	[sflag:s13] =	ssyncadd.s32 $0xFFFFF380  }
0x156: {  	_ =	swait.ge [sflag:s13], $0xC80  }
0x157: {  	[sflag:s13] =	ssyncset.done $0x0  }
0x158: {  	[sflag:s13] =	ssyncadd.s32 $0xFFFFF380  }
0x159: {  	_ =	swait.ge [sflag:s13], $0xC80  }
0x15a: {  	[sflag:s13] =	ssyncset.done $0x0  }
0x15b: {  	[sflag:s13] =	ssyncadd.s32 $0xFFFFF380  }
0x15c: {  	s0 =	stileid.u32;
	[bflag:$0x0] =	sbarrier.arrive $0xFFFF  }
0x15d: {  	s0 =	sshll.u32 s0, $0x6;
	s6 =	rddreg [dreg:$0x6]  }
0x15e: {  	s0 =	sor.u32 $0x1C05, s0;
	s7 =	rddreg [dreg:$0x16]  }
0x15f: {  	[hbm:s6], [sflag:s0] =	dma.local [spmem:s7], $0x2800  }
0x160: {  	_ =	swait.ge [sflag:s31], $0x2800  }
0x161: {  	s1 =	sadd.s32 $0x1, s1;
	s14 =	rddreg [dreg:$0x7]  }
0x162: {  	p0 =	sne.s32 s1, s14  }
.Ltmp3:
0x163: {  	_ = 	snop;
	(pc) =	sbr.rel @p0 .LBB2_1-.Ltmp3, $3  }
0x164: {  	_ =	sdelay $0x1  }
0x165: {  	[sflag:s31] =	ssyncset.done $0x0  }
0x166: {  	[sflag:s31] =	ssyncadd.s32 $0xFFFFD800  }
0x167: {  	_ =	sfence.sel $0x180000  }
0x168: {  	[bflag:$0x0] =	sbarrier.arrive $0xFFFF  }
0x169: {  	_ =	strace $0x9000004D  }
0x16a: {  	s0 =	stileid.u32;
	[bflag:$0x2] =	sbarrier.arrive $0xFFFF  }
0x16b: {  	p0 =	sne.s32 s0, $0x0;
	s0 =	rddreg [dreg:$0x2]  }
0x16c: {  	s0 =	sadd.s32 @!p0 $0x100000, s0  }
0x16d: {  	[sflag:s0] =	ssyncadd.tile.s32 @!p0 $0x1;
	_ =	shalt  }
.Lfunc_end2:
_tile_overlayer_lowered:
.L_overlay_start_2:
0x16e: {  	(tag) =	ssettag $0x2  }
0x16f: {  	s0 =	rddreg [dreg:$0x0];
	s2 =	stileid.u32  }
0x170: {  	s1 =	rddreg [dreg:$0x1];
	p0 =	sne.s32 s2, $0x0  }
0x171: {  	s3 =	rddreg [dreg:$0x2];
	[bflag:$0x3] =	sbarrier.arrive $0xFFFF;
	s2 =	simm.s32 @!p0 $0x1C05  }
0x172: {  	[timem:s3], [sflag:s2] =	dma.local @!p0 [hbm:s0], s1  }
0x173: {  	s0 =	simm.s32 @!p0 $0x5  }
0x174: {  	_ =	swait.ge @!p0 [sflag:s0], s1  }
0x175: {  	s1 =	ssub.s32 @!p0 $0x0, s1;
	[sflag:s0] =	ssyncset.done @!p0 $0x0  }
0x176: {  	[sflag:s0] =	ssyncadd.s32 @!p0 s1  }
0x177: {  	[bflag:$0x3] =	sbarrier.arrive $0xFFFF  }
0x178: {  	_ =	shalt  }

// kernel: kernel.19.cloned.1.call-start
scs
__scs_entry_jumppad:
0x0: {  	(pc) =	sbr.rel $0x88, $3  }
0x1: {  	(tag) =	ssettag $0x0;
	lr =	simm.s32 $0x1  }
0x2: {  	[smem:$0x3F99] =	sst lr;
	_ =	strace $0xD0000000  }
0x3: {  	_ = 	snop  }
0x4: {  	_ = 	snop  }
0x5: {  	_ = 	snop  }
0x6: {  	_ = 	snop  }
0x7: {  	_ = 	snop  }
__scs_overlays_trampoline_lowered:
0x8: {  	[smem:$0x3FA8] =	sst s0  }
0x9: {  	[smem:$0x3FA9] =	sst s1  }
0xa: {  	[smem:$0x3FAA] =	sst s2  }
0xb: {  	[smem:$0x3FAB] =	sst s3  }
0xc: {  	[smem:$0x3FAC] =	sst s4  }
0xd: {  	[smem:$0x3FAD] =	sst s5  }
0xe: {  	[smem:$0x3FAE] =	sst s6  }
0xf: {  	[smem:$0x3FAF] =	sst s7  }
0x10: {  	[smem:$0x3FB0] =	sst s8  }
0x11: {  	[smem:$0x3FB1] =	sst s9;
	s0 =	simm.s32 @!p0 $0x0  }
0x12: {  	s1 =	sld [smem:$0x3F97];
	s0 =	simm.s32 @p0 $0x1  }
0x13: {  	[smem:$0x3FB2] =	sst s0;
	s0 =	simm.s32 @!p1 $0x0  }
0x14: {  	s2 =	sld [smem:$0x3F96];
	s0 =	simm.s32 @p1 $0x1  }
0x15: {  	[smem:$0x3FB3] =	sst s0;
	s0 =	simm.s32 @!p2 $0x0  }
0x16: {  	s3 =	sld [smem:$0x3FDB];
	s0 =	simm.s32 @p2 $0x1  }
0x17: {  	s4 =	simm.s32 $0x1BF5;
	[smem:$0x3FB5] =	sst s0  }
0x18: {  	s0 =	sld [smem:$0x3F98];
	_ =	swait.ge [sflag:s4], $0x0  }
0x19: {  	s7 =	sld [smem:$0x3F99]  }
0x1a: {  	s8 =	sadd.s32 $0xFFFFE003, lr  }
0x1b: {  	s9 =	sadd.s32 $0xFFFFFEF7, lr;
	s5 =	simm.s32 $0xFFFFFFFF;
	p2 =	slt.u32 s8, $0xFFFFF086  }
0x1c: {  	p1 =	slt.u32 s9, $0xF7A;
	s5 =	simm.s32 @!p2 $0x0  }
0x1d: {  	s5 =	simm.s32 @p1 $0x1;
	p0 =	seq.s32 s7, s2  }
0x1e: {  	s7 =	smul.u32 @!p0 $0xF7A, s2;
	p2 =	seq.s32 @!p0 s5, $0x0  }
0x1f: {  	s9 =	smul.u32 $0xF7A, s1;
	s8 =	simm.s32 @!p0 $0x1BF5;
	p2 =	por !p2, p0  }
0x20: {  	[sflag:s8] =	ssyncset.s32 @!p0 $0xFFFFF086;
	s6 =	sadd.s32 @!p0 s3, s7;
	s7 =	simm.s32 @!p0 $0x108  }
0x21: {  	s3 =	sadd.s32 s3, s9;
	s6 =	sadd.s32 @!p0 $0x88, s6;
	s7 =	simm.s32 @p2 $0x1082  }
0x22: {  	[simem:s7], [sflag:s8] =	dma.local @!p0 [hbm:s6], $0xF7A  }
0x23: {  	s9 =	sor.u32 $0xD0000000, s2;
	s6 =	simm.s32 $0x108;
	_ =	swait.ge @!p0 [sflag:s8], $0x0  }
0x24: {  	s3 =	sadd.s32 $0x88, s3;
	s6 =	simm.s32 @!p1 $0x1082;
	[sflag:s4] =	ssyncset.s32 $0xFFFFF086  }
0x25: {  	[simem:s6], [sflag:s4] =	dma.local [hbm:s3], $0xF7A  }
0x26: {  	[smem:$0x3F99] =	sst s1;
	(tag) =	ssettag s2;
	_ =	strace s9  }
0x27: {  	s1 =	sld [smem:$0x3FA9]  }
0x28: {  	s2 =	sld [smem:$0x3FAA]  }
0x29: {  	s4 =	sld [smem:$0x3FAC]  }
0x2a: {  	p0 =	seq.s32 s5, $0x0;
	s5 =	sld [smem:$0x3FAD]  }
0x2b: {  	s6 =	sld [smem:$0x3FAE]  }
0x2c: {  	s7 =	sld [smem:$0x3FAF]  }
0x2d: {  	s3 =	simm.s32 $0x108;
	s8 =	sld [smem:$0x3FB0]  }
0x2e: {  	s3 =	simm.s32 @!p0 $0x1082;
	s9 =	sld [smem:$0x3FB1]  }
0x2f: {  	lr =	sadd.s32 s0, s3;
	s0 =	sld [smem:$0x3FA8]  }
0x30: {  	s3 =	sld [smem:$0x3FAB]  }
0x31: {  	[smem:$0x3FB4] =	sst s10  }
0x32: {  	s10 =	sld [smem:$0x3FB2];
	_ =	sdelay $0x3  }
0x33: {  	p0 =	seq.s32 s10, $0x1;
	s10 =	sld [smem:$0x3FB4];
	_ =	sdelay $0x3  }
0x34: {  	[smem:$0x3FB4] =	sst s10  }
0x35: {  	s10 =	sld [smem:$0x3FB3];
	_ =	sdelay $0x3  }
0x36: {  	p1 =	seq.s32 s10, $0x1;
	s10 =	sld [smem:$0x3FB4];
	_ =	sdelay $0x3  }
0x37: {  	[smem:$0x3FB4] =	sst s10  }
0x38: {  	s10 =	sld [smem:$0x3FB5]  }
0x39: {  	_ = 	snop;
	(pc) =	sbr.ind lr, $3  }
0x3a: {  	_ = 	snop  }
0x3b: {  	_ = 	snop  }
0x3c: {  	p2 =	seq.s32 s10, $0x1;
	s10 =	sld [smem:$0x3FB4]  }
0x3d: {  	_ =	shalt  }
0x3e: {  	_ =	shalt  }
0x3f: {  	_ =	shalt  }
0x40: {  	_ =	shalt  }
0x41: {  	_ =	shalt  }
0x42: {  	_ =	shalt  }
0x43: {  	_ =	shalt  }
0x44: {  	_ =	shalt  }
0x45: {  	_ =	shalt  }
0x46: {  	_ =	shalt  }
0x47: {  	_ =	shalt  }
0x48: {  	_ =	shalt  }
0x49: {  	_ =	shalt  }
0x4a: {  	_ =	shalt  }
0x4b: {  	_ =	shalt  }
0x4c: {  	_ =	shalt  }
0x4d: {  	_ =	shalt  }
0x4e: {  	_ =	shalt  }
0x4f: {  	_ =	shalt  }
0x50: {  	_ =	shalt  }
0x51: {  	_ =	shalt  }
0x52: {  	_ =	shalt  }
0x53: {  	_ =	shalt  }
0x54: {  	_ =	shalt  }
0x55: {  	_ =	shalt  }
0x56: {  	_ =	shalt  }
0x57: {  	_ =	shalt  }
0x58: {  	_ =	shalt  }
0x59: {  	_ =	shalt  }
0x5a: {  	_ =	shalt  }
0x5b: {  	_ =	shalt  }
0x5c: {  	_ =	shalt  }
0x5d: {  	_ =	shalt  }
0x5e: {  	_ =	shalt  }
0x5f: {  	_ =	shalt  }
0x60: {  	_ =	shalt  }
0x61: {  	_ =	shalt  }
0x62: {  	_ =	shalt  }
0x63: {  	_ =	shalt  }
0x64: {  	_ =	shalt  }
0x65: {  	_ =	shalt  }
0x66: {  	_ =	shalt  }
0x67: {  	_ =	shalt  }
0x68: {  	_ =	shalt  }
0x69: {  	_ =	shalt  }
0x6a: {  	_ =	shalt  }
0x6b: {  	_ =	shalt  }
0x6c: {  	_ =	shalt  }
0x6d: {  	_ =	shalt  }
0x6e: {  	_ =	shalt  }
0x6f: {  	_ =	shalt  }
0x70: {  	_ =	shalt  }
0x71: {  	_ =	shalt  }
0x72: {  	_ =	shalt  }
0x73: {  	_ =	shalt  }
0x74: {  	_ =	shalt  }
0x75: {  	_ =	shalt  }
0x76: {  	_ =	shalt  }
0x77: {  	_ =	shalt  }
0x78: {  	_ =	shalt  }
0x79: {  	_ =	shalt  }
0x7a: {  	_ =	shalt  }
0x7b: {  	_ =	shalt  }
0x7c: {  	_ =	shalt  }
0x7d: {  	_ =	shalt  }
0x7e: {  	_ =	shalt  }
0x7f: {  	_ =	shalt  }
0x80: {  	_ =	shalt  }
0x81: {  	_ =	shalt  }
0x82: {  	_ =	shalt  }
0x83: {  	_ =	shalt  }
0x84: {  	_ =	shalt  }
0x85: {  	_ =	shalt  }
0x86: {  	_ =	shalt  }
0x87: {  	_ =	shalt  }
.Lfunc_end0:
.L_simem_size_0:
called_computation.3_lowered:
.L_overlay_start_0:
0x88: {  	s2 =	sld [smem:$0x3FD9]  }
0x89: {  	s3 =	sld [smem:$0x3FFE];
	_ =	sdelay $0x1  }
0x8a: {  	s1 =	srdreg.scid  }
0x8b: {  	s0 =	sand.u32 $0x1, s1  }
0x8c: {  	s16 =	sshll.u32 s0, $0xA;
	s2 =	sadd.s32 s3, s2  }
0x8d: {  	s2 =	sadd.s32 s2, s16  }
0x8e: {  	[smem:$0x3FC0] =	sst s2  }
0x8f: {  	_ = 	snop  }
0x90: {  	(tm) =	ssettm $0x1  }
0x91: {  	s17 =	sld [smem:$0x3FFB];
	_ =	sdelay $0x3  }
0x92: {  	_ =	strace s17  }
0x93: {  	s2 =	sld [smem:$0x3FFC];
	_ =	sdelay $0x3  }
0x94: {  	_ =	strace s2  }
0x95: {  	s2 =	sld [smem:$0x3FFD];
	_ =	sdelay $0x3  }
0x96: {  	_ =	strace s2  }
0x97: {  	_ =	strace $0x8FFFFFFF  }
0x98: {  	s18 =	sld [smem:$0x3FDB];
	_ =	sdelay $0x1  }
0x99: {  	s19 =	simm.s32 $_scs_section_size  }
0x9a: {  	s4 =	simm.s32 $_size__tile_overlayer_lowered;
	s5 =	simm.s32 $_tile_overlayer_lowered  }
0x9b: {  	s22 =	simm.s32 $0x1BFF;
	s21 =	sshll.u32 s5, $0x1;
	s2 =	sadd.s32 s19, s18  }
0x9c: {  	s6 =	simm.s32 $0x0;
	s20 =	sshll.u32 s4, $0x1;
	s4 =	sadd.s32 s21, s2  }
0x9d: {  	[timem:s6], [sflag:s22] =	dma.local [hbm:s4], s20  }
0x9e: {  	_ =	swait.ge [sflag:s22], s20  }
0x9f: {  	s3 =	ssub.s32 $0x0, s20;
	[sflag:s22] =	ssyncset.done $0x0  }
0xa0: {  	[sflag:s22] =	ssyncadd.s32 s3;
	_ =	sdelay $0x1  }
0xa1: {  	s23 =	simm.s32 $0x1B8B  }
0xa2: {  	_ =	swait.ge [sflag:s23], $0x1  }
0xa3: {  	[sflag:s23] =	ssyncset.done $0x0  }
0xa4: {  	s25 =	simm.s32 $0x1B8E;
	s24 =	sld [smem:$0x3FFE];
	[sflag:s23] =	ssyncadd.s32 $0xFFFFFFFF  }
0xa5: {  	s26 =	simm.s32 $execute0_lowered;
	[smem:$0x3FD2] =	sst s25  }
0xa6: {  	s4 =	sshll.u32 s26, $0x1;
	_ =	strace $0x8000004F;
	[dreg:$0x1] =	wrdreg $0xFFFFFFFF  }
0xa7: {  	s28 =	simm.s32 $_size_execute0_lowered;
	s2 =	sadd.s32 s2, s4;
	[dreg:$0x0] =	wrdreg $0x0  }
0xa8: {  	s4 =	sshll.u32 s28, $0x1;
	[dreg:$0x2] =	wrdreg s2  }
0xa9: {  	[dreg:$0x3] =	wrdreg s4  }
0xaa: {  	[dreg:$0x4] =	wrdreg $0xC0  }
0xab: {  	_ =	task [dreg:s6], $0x5FFFF  }
0xac: {  	[dreg:$0x1] =	wrdreg $0xFFFFFFFF  }
0xad: {  	[dreg:$0x0] =	wrdreg $0x60  }
0xae: {  	[dreg:$0x2] =	wrdreg s24  }
0xaf: {  	[dreg:$0x3] =	wrdreg $0xB0400  }
0xb0: {  	[dreg:$0x4] =	wrdreg $0x9  }
0xb1: {  	_ =	task.clear_ibuf [dreg:s6], $0x5FFFF;
	_ =	strace $0x9000004F  }
0xb2: {  	s29 =	simm.s32 $0x9;
	_ =	strace $0x80000051  }
0xb3: {  	_ =	swait.ge [sflag:s29], $0x1  }
0xb4: {  	[sflag:s29] =	ssyncadd.s32 $0xFFFFFFFF  }
0xb5: {  	_ =	strace $0x90000051  }
0xb6: {  	_ =	sfence  }
0xb7: {  	s30 =	sld [smem:$0x0];
	_ =	sdelay $0x2  }
0xb8: {  	s31 =	sshll.u32 s1, $0xD;
	s1 =	sshrl.u32 s1, $0x2  }
0xb9: {  	s3 =	sand.u32 $0x4000, s31;
	s1 =	sadd.s32 s1, s30  }
0xba: {  	s0 =	sor.u32 s3, s0;
	s1 =	sshll.u32 s1, $0x11  }
0xbb: {  	s0 =	sor.u32 s1, s0  }
0xbc: {  	s0 =	sadd.s32 $0x8F2B, s0  }
0xbd: {  	[sflag:s0] =	ssyncadd.remote.s32 $0x1  }
0xbe: {  	_ =	sfence.sel $0xFFFF  }
0xbf: {  	[dreg:$0x0] =	wrdreg $0xFFFFFFFF;
	(pc) =	sbr.abs _section_cstart, $3  }
0xc0: {  	[dreg:$0x1] =	wrdreg $0xFFFFFFFF  }
0xc1: {  	_ =	task.clear_ibuf [dreg:s6], $0x2FFFF;
	_ =	strace $0x9FFFFFFF  }
0xc2: {  	(tm) =	ssettm $0x7FFFFFFF  }
0xc3: {  	_ =	shalt  }
tec
execute0_lowered:
.L_overlay_start_1:
0x0: {  	(tag) =	ssettag $0x1  }
0x1: {  	s0 =	srdreg.scid  }
0x2: {  	s13 =	stileid.u32;
	s1 =	rddreg [dreg:$0x0]  }
0x3: {  	s2 =	rddreg [dreg:$0x1];
	s0 =	sand.u32 $0x1, s0;
	s7 =	smul.u32 $0x14000, s13  }
0x4: {  	s3 =	sshll.u32 s13, $0x1;
	s8 =	sadd.s32 $0x25C00, s1;
	s9 =	smul.u32 $0x50000, s13  }
0x5: {  	s4 =	sor.u32 s0, s3;
	s3 =	simm.s32 $0x0;
	s5 =	smul.u32 $0x140000, s0  }
0x6: {  	s11 =	ssub.s32 $0x2, s0;
	s6 =	smul.u32 $0x640, s4;
	[smem:$0x7FF] =	sst s3  }
0x7: {  	s4 =	sadd.s32 $0x32400, s1;
	s12 =	sshrl.u32 s11, $0x1;
	s9 =	sshrl.u32 s9, $0x2  }
0x8: {  	_ =	strace $0x80000050;
	s5 =	sadd.s32 s7, s5;
	s11 =	ssub.s32 s11, s12  }
0x9: {  	s10 =	sadd.s32 s6, s1;
	s5 =	sshrl.u32 s5, $0x3;
	s6 =	sadd.s32 s8, s6  }
0xa: {  	s18 =	smax.u32 s11, $0x1;
	s1 =	sadd.s32 s5, s1;
	[dreg:$0x5] =	wrdreg s6  }
0xb: {  	s5 =	sadd.s32 s9, s2;
	s15 =	sadd.s32 $0x2C00, s10;
	[dreg:$0x7] =	wrdreg s18  }
0xc: {  	[dreg:$0x3] =	wrdreg s15;
	s16 =	sadd.s32 $0x13880, s5  }
0xd: {  	s1 =	sadd.s32 $0x59600, s1;
	[dreg:$0x4] =	wrdreg s16  }
0xe: {  	s19 =	sadd.s32 $0xC80, s5;
	[dreg:$0x6] =	wrdreg s1  }
0xf: {  	s20 =	sadd.s32 $0x1900, s5;
	[dreg:$0x8] =	wrdreg s19  }
0x10: {  	s21 =	sadd.s32 $0x2580, s5;
	[dreg:$0x9] =	wrdreg s20  }
0x11: {  	s22 =	sadd.s32 $0x3200, s5;
	[dreg:$0xa] =	wrdreg s21  }
0x12: {  	s23 =	sadd.s32 $0x3E80, s5;
	[dreg:$0xb] =	wrdreg s22  }
0x13: {  	s25 =	sadd.s32 $0x4B00, s5;
	[dreg:$0xc] =	wrdreg s23  }
0x14: {  	s26 =	sadd.s32 $0x5780, s5;
	[dreg:$0xd] =	wrdreg s25  }
0x15: {  	s9 =	sadd.s32 $0x6400, s5;
	[dreg:$0xe] =	wrdreg s26  }
0x16: {  	s28 =	simm.s32 $0x100;
	s10 =	sadd.s32 $0x7080, s5;
	[dreg:$0xf] =	wrdreg s9  }
0x17: {  	s29 =	simm.s32 $0x9740;
	s11 =	sadd.s32 $0x7D00, s5;
	[dreg:$0x10] =	wrdreg s10  }
0x18: {  	s30 =	simm.s32 $0xA3C0;
	s12 =	sadd.s32 $0x8980, s5;
	[dreg:$0x11] =	wrdreg s11  }
0x19: {  	s24 =	smul.u32 $0xC80, s13;
	s13 =	sadd.s32 $0x9600, s5;
	[dreg:$0x12] =	wrdreg s12  }
0x1a: {  	s17 =	sadd.s32 s7, s2;
	s14 =	sadd.s32 $0xA280, s5;
	[dreg:$0x13] =	wrdreg s13  }
0x1b: {  	s31 =	simm.s32 $0x5;
	s15 =	sshrl.u32 s17, $0x3;
	[dreg:$0x14] =	wrdreg s14  }
0x1c: {  	s0 =	smul.u32 $0x640, s0;
	s17 =	sadd.s32 $0xBB80, s5;
	[dreg:$0x16] =	wrdreg s15  }
0x1d: {  	s6 =	sadd.s32 s24, s8;
	s18 =	sadd.s32 $0xC800, s5;
	[dreg:$0x18] =	wrdreg s17  }
0x1e: {  	s0 =	sadd.s32 s0, s6;
	s24 =	sadd.s32 $0x11300, s5;
	[dreg:$0x19] =	wrdreg s18  }
0x1f: {  	s0 =	sadd.s32 $0x28, s0;
	s16 =	sadd.s32 $0xAF00, s5;
	[dreg:$0x1f] =	wrdreg s24  }
0x20: {  	s19 =	sadd.s32 $0xD480, s5;
	s20 =	sadd.s32 $0xE100, s5;
	[dreg:$0x15] =	wrdreg s0  }
0x21: {  	s21 =	sadd.s32 $0xED80, s5;
	s22 =	sadd.s32 $0xFA00, s5;
	[dreg:$0x17] =	wrdreg s16  }
0x22: {  	s23 =	sadd.s32 $0x10680, s5;
	s25 =	sadd.s32 $0x11F80, s5;
	[dreg:$0x1a] =	wrdreg s19  }
0x23: {  	s26 =	sadd.s32 $0x12C00, s5;
	s10 =	simm.s32 $0x3340;
	[dreg:$0x1b] =	wrdreg s20  }
0x24: {  	s11 =	simm.s32 $0x3FC0;
	s12 =	simm.s32 $0x1;
	[dreg:$0x1c] =	wrdreg s21  }
0x25: {  	s13 =	simm.s32 $0x2;
	s15 =	simm.s32 $0x19;
	[dreg:$0x1d] =	wrdreg s22  }
0x26: {  	s17 =	simm.s32 $0x58C0;
	s18 =	simm.s32 $0x6540;
	[dreg:$0x1e] =	wrdreg s23  }
0x27: {  	s24 =	simm.s32 $0x120;
	s1 =	simm.s32 $0x0;
	[smem:$0x7FC] =	sst s25  }
0x28: {  	[smem:$0x7FD] =	sst s26;
	s16 =	simm.s32 $0x4C40;
	s19 =	simm.s32 $0xA0  }
0x29: {  	s20 =	simm.s32 $0x4;
	s21 =	simm.s32 $0x71C0;
	s22 =	simm.s32 $0xC0  }
0x2a: {  	v0 =	vimm.f32 $0.0e+00;
	s23 =	simm.s32 $0x7E40;
	s25 =	simm.s32 $0xE0;
	s26 =	simm.s32 $0x8AC0  }
.LBB2_1:
0x2b: {  	s0 =	rddreg [dreg:$0x3];
	s6 =	simm.s32 $0x140  }
0x2c: {  	[tilespmem:s6], [sflag:$0x2] =	stream.linear.gather [hbm4b:s0+s3], $0x3200, $0x38;
	[tilespmem:$0x1F040] =	vst v63  }
0x2d: {  	s0 =	simm.s32 $0x70;
	s6 =	simm.s32 $0x3C0  }
.LBB2_2:
0x2e: {  	p0 =	sne.s32 s6, $0x31C0;
	[tilespmem:s0+$0x3340] =	vst v0  }
0x2f: {  	[tilespmem:s0+$0x32D0] =	vst v0  }
0x30: {  	[tilespmem:s0+$0x32E0] =	vst v0  }
.Ltmp0:
0x31: {  	[tilespmem:s0+$0x32F0] =	vst v0;
	(pc) =	sbr.rel @p0 .LBB2_2-.Ltmp0, $4  }
0x32: {  	[tilespmem:s0+$0x3300] =	vst v0  }
0x33: {  	[tilespmem:s0+$0x3310] =	vst v0  }
0x34: {  	[tilespmem:s0+$0x3320] =	vst v0  }
0x35: {  	[tilespmem:s0+$0x3330] =	vst v0;
	s0 =	sshra.s32 s6, $0x2;
	s6 =	sadd.s32 $0x200, s6  }
0x36: {  	[tilespmem:s0+$0x3340] =	vst v0  }
0x37: {  	[tilespmem:s0+$0x32D0] =	vst v0  }
0x38: {  	[tilespmem:s0+$0x32E0] =	vst v0  }
0x39: {  	[tilespmem:s0+$0x32F0] =	vst v0  }
0x3a: {  	[tilespmem:s0+$0x3300] =	vst v0  }
0x3b: {  	[tilespmem:s0+$0x3310] =	vst v0  }
0x3c: {  	[tilespmem:s0+$0x3320] =	vst v0  }
0x3d: {  	[tilespmem:s0+$0x3330] =	vst v0;
	s0 =	simm.s32 $0x70;
	s6 =	simm.s32 $0x3C0  }
.LBB2_4:
0x3e: {  	p0 =	sne.s32 s6, $0x31C0;
	[tilespmem:s0+$0x3FC0] =	vst v0  }
0x3f: {  	[tilespmem:s0+$0x3F50] =	vst v0  }
0x40: {  	[tilespmem:s0+$0x3F60] =	vst v0  }
.Ltmp1:
0x41: {  	[tilespmem:s0+$0x3F70] =	vst v0;
	(pc) =	sbr.rel @p0 .LBB2_4-.Ltmp1, $4  }
0x42: {  	[tilespmem:s0+$0x3F80] =	vst v0  }
0x43: {  	[tilespmem:s0+$0x3F90] =	vst v0  }
0x44: {  	[tilespmem:s0+$0x3FA0] =	vst v0  }
0x45: {  	[tilespmem:s0+$0x3FB0] =	vst v0;
	s0 =	sshra.s32 s6, $0x2;
	s6 =	sadd.s32 $0x200, s6  }
0x46: {  	[tilespmem:s0+$0x3FC0] =	vst v0  }
0x47: {  	[tilespmem:s0+$0x3F50] =	vst v0  }
0x48: {  	[tilespmem:s0+$0x3F60] =	vst v0  }
0x49: {  	[tilespmem:s0+$0x3F70] =	vst v0  }
0x4a: {  	[tilespmem:s0+$0x3F80] =	vst v0  }
0x4b: {  	[tilespmem:s0+$0x3F90] =	vst v0  }
0x4c: {  	[tilespmem:s0+$0x3FA0] =	vst v0  }
0x4d: {  	[tilespmem:s0+$0x3FB0] =	vst v0;
	s14 =	rddreg [dreg:$0x8]  }
0x4e: {  	[spmem:s5] =	stream.linear.scatter [tilespmem:s10], [sflag:$0x1], $0xC80, $0x38;
	[tilespmem:$0x1F040] =	vst v63  }
0x4f: {  	s6 =	rddreg [dreg:$0x9]  }
0x50: {  	[spmem:s14] =	stream.linear.scatter [tilespmem:s10], [sflag:$0x1], $0xC80, $0x38;
	[tilespmem:$0x1F040] =	vst v63  }
0x51: {  	s7 =	rddreg [dreg:$0xa]  }
0x52: {  	[spmem:s6] =	stream.linear.scatter [tilespmem:s10], [sflag:$0x1], $0xC80, $0x38;
	[tilespmem:$0x1F040] =	vst v63  }
0x53: {  	s8 =	rddreg [dreg:$0xb]  }
0x54: {  	[spmem:s7] =	stream.linear.scatter [tilespmem:s10], [sflag:$0x1], $0xC80, $0x38;
	[tilespmem:$0x1F040] =	vst v63  }
0x55: {  	s9 =	rddreg [dreg:$0xc]  }
0x56: {  	[spmem:s8] =	stream.linear.scatter [tilespmem:s10], [sflag:$0x1], $0xC80, $0x38;
	[tilespmem:$0x1F040] =	vst v63  }
0x57: {  	s14 =	rddreg [dreg:$0xd]  }
0x58: {  	[spmem:s9] =	stream.linear.scatter [tilespmem:s10], [sflag:$0x1], $0xC80, $0x38;
	[tilespmem:$0x1F040] =	vst v63  }
0x59: {  	s6 =	rddreg [dreg:$0xe]  }
0x5a: {  	[spmem:s14] =	stream.linear.scatter [tilespmem:s10], [sflag:$0x1], $0xC80, $0x38;
	[tilespmem:$0x1F040] =	vst v63  }
0x5b: {  	s7 =	rddreg [dreg:$0xf]  }
0x5c: {  	[spmem:s6] =	stream.linear.scatter [tilespmem:s10], [sflag:$0x1], $0xC80, $0x38;
	[tilespmem:$0x1F040] =	vst v63  }
0x5d: {  	s8 =	rddreg [dreg:$0x10]  }
0x5e: {  	[spmem:s7] =	stream.linear.scatter [tilespmem:s10], [sflag:$0x1], $0xC80, $0x38;
	[tilespmem:$0x1F040] =	vst v63  }
0x5f: {  	s9 =	rddreg [dreg:$0x11]  }
0x60: {  	[spmem:s8] =	stream.linear.scatter [tilespmem:s10], [sflag:$0x1], $0xC80, $0x38;
	[tilespmem:$0x1F040] =	vst v63  }
0x61: {  	s14 =	rddreg [dreg:$0x12]  }
0x62: {  	[spmem:s9] =	stream.linear.scatter [tilespmem:s10], [sflag:$0x1], $0xC80, $0x38;
	[tilespmem:$0x1F040] =	vst v63  }
0x63: {  	s6 =	rddreg [dreg:$0x13]  }
0x64: {  	[spmem:s14] =	stream.linear.scatter [tilespmem:s10], [sflag:$0x1], $0xC80, $0x38;
	[tilespmem:$0x1F040] =	vst v63  }
0x65: {  	s7 =	rddreg [dreg:$0x14]  }
0x66: {  	[spmem:s6] =	stream.linear.scatter [tilespmem:s10], [sflag:$0x1], $0xC80, $0x38;
	[tilespmem:$0x1F040] =	vst v63  }
0x67: {  	s8 =	rddreg [dreg:$0x17]  }
0x68: {  	[spmem:s7] =	stream.linear.scatter [tilespmem:s10], [sflag:$0x1], $0xC80, $0x38;
	[tilespmem:$0x1F040] =	vst v63  }
0x69: {  	s9 =	rddreg [dreg:$0x18]  }
0x6a: {  	[spmem:s8] =	stream.linear.scatter [tilespmem:s10], [sflag:$0x1], $0xC80, $0x38;
	[tilespmem:$0x1F040] =	vst v63  }
0x6b: {  	s14 =	rddreg [dreg:$0x19]  }
0x6c: {  	[spmem:s9] =	stream.linear.scatter [tilespmem:s10], [sflag:$0x1], $0xC80, $0x38;
	[tilespmem:$0x1F040] =	vst v63  }
0x6d: {  	s6 =	rddreg [dreg:$0x1a]  }
0x6e: {  	[spmem:s14] =	stream.linear.scatter [tilespmem:s10], [sflag:$0x1], $0xC80, $0x38;
	[tilespmem:$0x1F040] =	vst v63  }
0x6f: {  	s7 =	rddreg [dreg:$0x1b]  }
0x70: {  	[spmem:s6] =	stream.linear.scatter [tilespmem:s10], [sflag:$0x1], $0xC80, $0x38;
	[tilespmem:$0x1F040] =	vst v63  }
0x71: {  	s8 =	rddreg [dreg:$0x1c]  }
0x72: {  	[spmem:s7] =	stream.linear.scatter [tilespmem:s10], [sflag:$0x1], $0xC80, $0x38;
	[tilespmem:$0x1F040] =	vst v63  }
0x73: {  	s9 =	rddreg [dreg:$0x1d]  }
0x74: {  	[spmem:s8] =	stream.linear.scatter [tilespmem:s10], [sflag:$0x1], $0xC80, $0x38;
	[tilespmem:$0x1F040] =	vst v63  }
0x75: {  	s14 =	rddreg [dreg:$0x1e]  }
0x76: {  	[spmem:s9] =	stream.linear.scatter [tilespmem:s10], [sflag:$0x1], $0xC80, $0x38;
	[tilespmem:$0x1F040] =	vst v63  }
0x77: {  	s6 =	rddreg [dreg:$0x1f]  }
0x78: {  	[spmem:s14] =	stream.linear.scatter [tilespmem:s10], [sflag:$0x1], $0xC80, $0x38;
	[tilespmem:$0x1F040] =	vst v63  }
0x79: {  	s7 =	sld [smem:$0x7FC]  }
0x7a: {  	[spmem:s6] =	stream.linear.scatter [tilespmem:s10], [sflag:$0x1], $0xC80, $0x38;
	[tilespmem:$0x1F040] =	vst v63  }
0x7b: {  	s8 =	sld [smem:$0x7FD]  }
0x7c: {  	[spmem:s7] =	stream.linear.scatter [tilespmem:s10], [sflag:$0x1], $0xC80, $0x38;
	[tilespmem:$0x1F040] =	vst v63  }
0x7d: {  	_ = 	snop  }
0x7e: {  	[spmem:s8] =	stream.linear.scatter [tilespmem:s10], [sflag:$0x1], $0xC80, $0x38;
	[tilespmem:$0x1F040] =	vst v63  }
0x7f: {  	s9 =	rddreg [dreg:$0x4]  }
0x80: {  	[spmem:s9] =	stream.linear.scatter [tilespmem:s11], [sflag:$0x1], $0x780, $0x38;
	[tilespmem:$0x1F040] =	vst v63  }
0x81: {  	_ =	swait.ge [sflag:s12], $0xC80  }
0x82: {  	[sflag:s12] =	ssyncset.done $0x0  }
0x83: {  	[sflag:s12] =	ssyncadd.s32 $0xFFFFF380  }
0x84: {  	_ =	swait.ge [sflag:s12], $0xC80  }
0x85: {  	[sflag:s12] =	ssyncset.done $0x0  }
0x86: {  	[sflag:s12] =	ssyncadd.s32 $0xFFFFF380  }
0x87: {  	_ =	swait.ge [sflag:s12], $0xC80  }
0x88: {  	[sflag:s12] =	ssyncset.done $0x0  }
0x89: {  	[sflag:s12] =	ssyncadd.s32 $0xFFFFF380  }
0x8a: {  	_ =	swait.ge [sflag:s12], $0xC80  }
0x8b: {  	[sflag:s12] =	ssyncset.done $0x0  }
0x8c: {  	[sflag:s12] =	ssyncadd.s32 $0xFFFFF380  }
0x8d: {  	_ =	swait.ge [sflag:s12], $0xC80  }
0x8e: {  	[sflag:s12] =	ssyncset.done $0x0  }
0x8f: {  	[sflag:s12] =	ssyncadd.s32 $0xFFFFF380  }
0x90: {  	_ =	swait.ge [sflag:s12], $0xC80  }
0x91: {  	[sflag:s12] =	ssyncset.done $0x0  }
0x92: {  	[sflag:s12] =	ssyncadd.s32 $0xFFFFF380  }
0x93: {  	_ =	swait.ge [sflag:s12], $0xC80  }
0x94: {  	[sflag:s12] =	ssyncset.done $0x0  }
0x95: {  	[sflag:s12] =	ssyncadd.s32 $0xFFFFF380  }
0x96: {  	_ =	swait.ge [sflag:s12], $0xC80  }
0x97: {  	[sflag:s12] =	ssyncset.done $0x0  }
0x98: {  	[sflag:s12] =	ssyncadd.s32 $0xFFFFF380  }
0x99: {  	_ =	swait.ge [sflag:s12], $0xC80  }
0x9a: {  	[sflag:s12] =	ssyncset.done $0x0  }
0x9b: {  	[sflag:s12] =	ssyncadd.s32 $0xFFFFF380  }
0x9c: {  	_ =	swait.ge [sflag:s12], $0xC80  }
0x9d: {  	[sflag:s12] =	ssyncset.done $0x0  }
0x9e: {  	[sflag:s12] =	ssyncadd.s32 $0xFFFFF380  }
0x9f: {  	_ =	swait.ge [sflag:s12], $0xC80  }
0xa0: {  	[sflag:s12] =	ssyncset.done $0x0  }
0xa1: {  	[sflag:s12] =	ssyncadd.s32 $0xFFFFF380  }
0xa2: {  	_ =	swait.ge [sflag:s12], $0xC80  }
0xa3: {  	[sflag:s12] =	ssyncset.done $0x0  }
0xa4: {  	[sflag:s12] =	ssyncadd.s32 $0xFFFFF380  }
0xa5: {  	_ =	swait.ge [sflag:s12], $0xC80  }
0xa6: {  	[sflag:s12] =	ssyncset.done $0x0  }
0xa7: {  	[sflag:s12] =	ssyncadd.s32 $0xFFFFF380  }
0xa8: {  	_ =	swait.ge [sflag:s12], $0xC80  }
0xa9: {  	[sflag:s12] =	ssyncset.done $0x0  }
0xaa: {  	[sflag:s12] =	ssyncadd.s32 $0xFFFFF380  }
0xab: {  	_ =	swait.ge [sflag:s12], $0xC80  }
0xac: {  	[sflag:s12] =	ssyncset.done $0x0  }
0xad: {  	[sflag:s12] =	ssyncadd.s32 $0xFFFFF380  }
0xae: {  	_ =	swait.ge [sflag:s12], $0xC80  }
0xaf: {  	[sflag:s12] =	ssyncset.done $0x0  }
0xb0: {  	[sflag:s12] =	ssyncadd.s32 $0xFFFFF380  }
0xb1: {  	_ =	swait.ge [sflag:s12], $0xC80  }
0xb2: {  	[sflag:s12] =	ssyncset.done $0x0  }
0xb3: {  	[sflag:s12] =	ssyncadd.s32 $0xFFFFF380  }
0xb4: {  	_ =	swait.ge [sflag:s12], $0xC80  }
0xb5: {  	[sflag:s12] =	ssyncset.done $0x0  }
0xb6: {  	[sflag:s12] =	ssyncadd.s32 $0xFFFFF380  }
0xb7: {  	_ =	swait.ge [sflag:s12], $0xC80  }
0xb8: {  	[sflag:s12] =	ssyncset.done $0x0  }
0xb9: {  	[sflag:s12] =	ssyncadd.s32 $0xFFFFF380  }
0xba: {  	_ =	swait.ge [sflag:s12], $0xC80  }
0xbb: {  	[sflag:s12] =	ssyncset.done $0x0  }
0xbc: {  	[sflag:s12] =	ssyncadd.s32 $0xFFFFF380  }
0xbd: {  	_ =	swait.ge [sflag:s12], $0xC80  }
0xbe: {  	[sflag:s12] =	ssyncset.done $0x0  }
0xbf: {  	[sflag:s12] =	ssyncadd.s32 $0xFFFFF380  }
0xc0: {  	_ =	swait.ge [sflag:s12], $0xC80  }
0xc1: {  	[sflag:s12] =	ssyncset.done $0x0  }
0xc2: {  	[sflag:s12] =	ssyncadd.s32 $0xFFFFF380  }
0xc3: {  	_ =	swait.ge [sflag:s12], $0xC80  }
0xc4: {  	[sflag:s12] =	ssyncset.done $0x0  }
0xc5: {  	[sflag:s12] =	ssyncadd.s32 $0xFFFFF380  }
0xc6: {  	_ =	swait.ge [sflag:s12], $0xC80  }
0xc7: {  	[sflag:s12] =	ssyncset.done $0x0  }
0xc8: {  	[sflag:s12] =	ssyncadd.s32 $0xFFFFF380  }
0xc9: {  	_ =	swait.ge [sflag:s12], $0xC80  }
0xca: {  	[sflag:s12] =	ssyncset.done $0x0  }
0xcb: {  	[sflag:s12] =	ssyncadd.s32 $0xFFFFF380  }
0xcc: {  	_ =	swait.ge [sflag:s12], $0x780  }
0xcd: {  	[sflag:s12] =	ssyncset.done $0x0  }
0xce: {  	[sflag:s12] =	ssyncadd.s32 $0xFFFFF880  }
0xcf: {  	_ =	swait.ge [sflag:s13], $0x3200  }
0xd0: {  	[sflag:s13] =	ssyncset.done $0x0  }
0xd1: {  	[sflag:s13] =	ssyncadd.s32 $0xFFFFCE00  }
0xd2: {  	[bflag:$0x0] =	sbarrier.arrive $0xFFFF  }
0xd3: {  	s0 =	simm.s32 $0x0;
	s14 =	simm.s32 $0x3;
	s6 =	rddreg [dreg:$0x5]  }
0xd4: {  	[tilespmem:s0], [sflag:$0x3] =	stream.linear.gather [hbm4b:s6+s0], $0xA0, $0x38;
	[tilespmem:$0x1F040] =	vst v63  }
0xd5: {  	_ =	swait.ge [sflag:s14], $0xA0  }
0xd6: {  	[sflag:s14] =	ssyncset.done $0x0  }
0xd7: {  	[sflag:s14] =	ssyncadd.s32 $0xFFFFFF60  }
0xd8: {  	[tilespmem:s10], [sflag:$0x1] =	stream.indirect.gather [hbm4b:s4+s15], $0x80, s0, s15, $0xb8;
	[tilespmem:$0x1F040] =	vst v63  }
0xd9: {  	s7 =	simm.s32 $0x20  }
0xda: {  	[tilespmem:s11], [sflag:$0x1] =	stream.indirect.gather [hbm4b:s4+s15], $0x80, s7, s15, $0xb8;
	[tilespmem:$0x1F040] =	vst v63  }
0xdb: {  	s8 =	simm.s32 $0x40  }
0xdc: {  	[tilespmem:s16], [sflag:$0x1] =	stream.indirect.gather [hbm4b:s4+s15], $0x80, s8, s15, $0xb8;
	[tilespmem:$0x1F040] =	vst v63  }
0xdd: {  	s9 =	simm.s32 $0x60  }
0xde: {  	[tilespmem:s17], [sflag:$0x1] =	stream.indirect.gather [hbm4b:s4+s15], $0x80, s9, s15, $0xb8;
	[tilespmem:$0x1F040] =	vst v63  }
0xdf: {  	s6 =	rddreg [dreg:$0x15];
	s14 =	simm.s32 $0x80  }
0xe0: {  	[tilespmem:s18], [sflag:$0x1] =	stream.indirect.gather [hbm4b:s4+s15], $0x80, s14, s15, $0xb8;
	[tilespmem:$0x1F040] =	vst v63  }
.LBB2_6:
0xe1: {  	s7 =	sadd.s32 $0xFFFFFFEC, s6  }
0xe2: {  	[tilespmem:s19], [sflag:$0x4] =	stream.linear.gather [hbm4b:s7+s3], $0xA0, $0x38;
	[tilespmem:$0x1F040] =	vst v63  }
0xe3: {  	_ =	swait.ge [sflag:s12], $0xC80  }
0xe4: {  	[sflag:s12] =	ssyncset.done $0x0  }
0xe5: {  	[sflag:s12] =	ssyncadd.s32 $0xFFFFF380  }
0xe6: {  	_ =	swait.ge [sflag:s12], $0xC80  }
0xe7: {  	[sflag:s12] =	ssyncset.done $0x0  }
0xe8: {  	[sflag:s12] =	ssyncadd.s32 $0xFFFFF380  }
0xe9: {  	_ =	swait.ge [sflag:s12], $0xC80  }
0xea: {  	[sflag:s12] =	ssyncset.done $0x0  }
0xeb: {  	[sflag:s12] =	ssyncadd.s32 $0xFFFFF380  }
0xec: {  	_ =	swait.ge [sflag:s12], $0xC80  }
0xed: {  	[sflag:s12] =	ssyncset.done $0x0  }
0xee: {  	[sflag:s12] =	ssyncadd.s32 $0xFFFFF380  }
0xef: {  	p0 =	seq.s32 s0, $0xC300;
	_ =	swait.ge [sflag:s12], $0xC80  }
0xf0: {  	p1 =	seq.s32 @!p0 s0, $0x0;
	[sflag:s12] =	ssyncset.done $0x0  }
0xf1: {  	s7 =	simm.s32 @!p0 $0x0;
	p1 =	por p0, !p1;
	[sflag:s12] =	ssyncadd.s32 $0xFFFFF380  }
0xf2: {  	[tilespmem:s7], [sflag:$0x3] =	stream.linear.gather @!p0 [hbm4b:s6+s7], $0xA0, $0x38;
	[tilespmem:$0x1F040] =	vst v63  }
0xf3: {  	_ =	swait.ge @p1 [sflag:s13], $0xC80  }
0xf4: {  	[sflag:s13] =	ssyncset.done @p1 $0x0  }
0xf5: {  	[sflag:s13] =	ssyncadd.s32 @p1 $0xFFFFF380  }
0xf6: {  	_ =	swait.ge @p1 [sflag:s13], $0xC80  }
0xf7: {  	[sflag:s13] =	ssyncset.done @p1 $0x0  }
0xf8: {  	[sflag:s13] =	ssyncadd.s32 @p1 $0xFFFFF380  }
0xf9: {  	_ =	swait.ge @p1 [sflag:s13], $0xC80  }
0xfa: {  	[sflag:s13] =	ssyncset.done @p1 $0x0  }
0xfb: {  	[sflag:s13] =	ssyncadd.s32 @p1 $0xFFFFF380  }
0xfc: {  	_ =	swait.ge @p1 [sflag:s13], $0xC80  }
0xfd: {  	[sflag:s13] =	ssyncset.done @p1 $0x0  }
0xfe: {  	[sflag:s13] =	ssyncadd.s32 @p1 $0xFFFFF380  }
0xff: {  	_ =	swait.ge @p1 [sflag:s13], $0xC80  }
0x100: {  	[sflag:s13] =	ssyncset.done @p1 $0x0  }
0x101: {  	[sflag:s13] =	ssyncadd.s32 @p1 $0xFFFFF380  }
0x102: {  	_ =	swait.ge [sflag:s20], $0xA0  }
0x103: {  	[sflag:s20] =	ssyncset.done $0x0  }
0x104: {  	[sflag:s20] =	ssyncadd.s32 $0xFFFFFF60  }
0x105: {  	[tilespmem:s21], [sflag:$0x1] =	stream.indirect.gather [hbm4b:s4+s15], $0x80, s19, s15, $0xb8;
	[tilespmem:$0x1F040] =	vst v63  }
0x106: {  	_ = 	snop  }
0x107: {  	[tilespmem:s23], [sflag:$0x1] =	stream.indirect.gather [hbm4b:s4+s15], $0x80, s22, s15, $0xb8;
	[tilespmem:$0x1F040] =	vst v63  }
0x108: {  	_ = 	snop  }
0x109: {  	[tilespmem:s26], [sflag:$0x1] =	stream.indirect.gather [hbm4b:s4+s15], $0x80, s25, s15, $0xb8;
	[tilespmem:$0x1F040] =	vst v63  }
0x10a: {  	_ = 	snop  }
0x10b: {  	[tilespmem:s29], [sflag:$0x1] =	stream.indirect.gather [hbm4b:s4+s15], $0x80, s28, s15, $0xb8;
	[tilespmem:$0x1F040] =	vst v63  }
0x10c: {  	s8 =	sshra.s32 s0, $0x2  }
0x10d: {  	[tilespmem:s30], [sflag:$0x1] =	stream.indirect.gather [hbm4b:s4+s15], $0x80, s24, s15, $0xb8;
	[tilespmem:$0x1F040] =	vst v63  }
0x10e: {  	s9 =	sadd.s32 $0x140, s8  }
0x10f: {  	[spmem:s2] =	stream.indirect.scatter.add.f32 [tilespmem:s10], [sflag:$0x2], $0x80, s9, s15, $0xb8;
	[tilespmem:$0x1F040] =	vst v63  }
0x110: {  	s14 =	sadd.s32 $0x160, s8  }
0x111: {  	[spmem:s2] =	stream.indirect.scatter.add.f32 [tilespmem:s11], [sflag:$0x2], $0x80, s14, s15, $0xb8;
	[tilespmem:$0x1F040] =	vst v63  }
0x112: {  	s14 =	sadd.s32 $0x180, s8  }
0x113: {  	[spmem:s2] =	stream.indirect.scatter.add.f32 [tilespmem:s16], [sflag:$0x2], $0x80, s14, s15, $0xb8;
	[tilespmem:$0x1F040] =	vst v63  }
0x114: {  	s14 =	sadd.s32 $0x1A0, s8  }
0x115: {  	[spmem:s2] =	stream.indirect.scatter.add.f32 [tilespmem:s17], [sflag:$0x2], $0x80, s14, s15, $0xb8;
	[tilespmem:$0x1F040] =	vst v63  }
0x116: {  	s14 =	sadd.s32 $0x1C0, s8  }
0x117: {  	[spmem:s2] =	stream.indirect.scatter.add.f32 [tilespmem:s18], [sflag:$0x2], $0x80, s14, s15, $0xb8;
	[tilespmem:$0x1F040] =	vst v63  }
0x118: {  	_ =	swait.ge [sflag:s12], $0xC80  }
0x119: {  	[sflag:s12] =	ssyncset.done $0x0  }
0x11a: {  	[sflag:s12] =	ssyncadd.s32 $0xFFFFF380  }
0x11b: {  	_ =	swait.ge [sflag:s12], $0xC80  }
0x11c: {  	[sflag:s12] =	ssyncset.done $0x0  }
0x11d: {  	[sflag:s12] =	ssyncadd.s32 $0xFFFFF380  }
0x11e: {  	_ =	swait.ge [sflag:s12], $0xC80  }
0x11f: {  	[sflag:s12] =	ssyncset.done $0x0  }
0x120: {  	[sflag:s12] =	ssyncadd.s32 $0xFFFFF380  }
0x121: {  	_ =	swait.ge [sflag:s12], $0xC80  }
0x122: {  	[sflag:s12] =	ssyncset.done $0x0  }
0x123: {  	[sflag:s12] =	ssyncadd.s32 $0xFFFFF380  }
0x124: {  	_ =	swait.ge [sflag:s12], $0xC80  }
0x125: {  	[sflag:s12] =	ssyncset.done $0x0  }
0x126: {  	[sflag:s12] =	ssyncadd.s32 $0xFFFFF380  }
0x127: {  	_ =	swait.ge [sflag:s13], $0xC80  }
0x128: {  	[sflag:s13] =	ssyncset.done $0x0  }
0x129: {  	[sflag:s13] =	ssyncadd.s32 $0xFFFFF380  }
0x12a: {  	_ =	swait.ge [sflag:s13], $0xC80  }
0x12b: {  	[sflag:s13] =	ssyncset.done $0x0  }
0x12c: {  	[sflag:s13] =	ssyncadd.s32 $0xFFFFF380  }
0x12d: {  	_ =	swait.ge [sflag:s13], $0xC80  }
0x12e: {  	[sflag:s13] =	ssyncset.done $0x0  }
0x12f: {  	[sflag:s13] =	ssyncadd.s32 $0xFFFFF380  }
0x130: {  	_ =	swait.ge [sflag:s13], $0xC80  }
0x131: {  	[sflag:s13] =	ssyncset.done $0x0  }
0x132: {  	[sflag:s13] =	ssyncadd.s32 $0xFFFFF380  }
0x133: {  	_ =	swait.ge [sflag:s13], $0xC80  }
0x134: {  	[sflag:s13] =	ssyncset.done $0x0  }
0x135: {  	s9 =	simm.s32 @!p0 $0x3;
	[sflag:s13] =	ssyncadd.s32 $0xFFFFF380  }
0x136: {  	_ =	swait.ge @!p0 [sflag:s9], $0xA0  }
0x137: {  	[sflag:s9] =	ssyncset.done @!p0 $0x0  }
0x138: {  	s14 =	simm.s32 @!p0 $0x3340;
	[sflag:s9] =	ssyncadd.s32 @!p0 $0xFFFFFF60;
	s9 =	simm.s32 @!p0 $0x19  }
0x139: {  	[tilespmem:s14], [sflag:$0x1] =	stream.indirect.gather @!p0 [hbm4b:s4+s9], $0x80, s7, s9, $0xb8;
	[tilespmem:$0x1F040] =	vst v63  }
0x13a: {  	s7 =	simm.s32 @!p0 $0x20;
	s14 =	simm.s32 @!p0 $0x3FC0  }
0x13b: {  	[tilespmem:s14], [sflag:$0x1] =	stream.indirect.gather @!p0 [hbm4b:s4+s9], $0x80, s7, s9, $0xb8;
	[tilespmem:$0x1F040] =	vst v63  }
0x13c: {  	s7 =	simm.s32 @!p0 $0x40;
	s14 =	simm.s32 @!p0 $0x4C40  }
0x13d: {  	[tilespmem:s14], [sflag:$0x1] =	stream.indirect.gather @!p0 [hbm4b:s4+s9], $0x80, s7, s9, $0xb8;
	[tilespmem:$0x1F040] =	vst v63  }
0x13e: {  	s7 =	simm.s32 @!p0 $0x60;
	s14 =	simm.s32 @!p0 $0x58C0  }
0x13f: {  	[tilespmem:s14], [sflag:$0x1] =	stream.indirect.gather @!p0 [hbm4b:s4+s9], $0x80, s7, s9, $0xb8;
	[tilespmem:$0x1F040] =	vst v63  }
0x140: {  	s7 =	simm.s32 @!p0 $0x80;
	s14 =	simm.s32 @!p0 $0x6540  }
0x141: {  	[tilespmem:s14], [sflag:$0x1] =	stream.indirect.gather @!p0 [hbm4b:s4+s9], $0x80, s7, s9, $0xb8;
	[tilespmem:$0x1F040] =	vst v63  }
0x142: {  	s14 =	sadd.s32 $0x1E0, s8  }
0x143: {  	[spmem:s2] =	stream.indirect.scatter.add.f32 [tilespmem:s21], [sflag:$0x2], $0x80, s14, s15, $0xb8;
	[tilespmem:$0x1F040] =	vst v63  }
0x144: {  	s0 =	sadd.s32 $0x500, s0;
	s9 =	sadd.s32 $0x200, s8  }
0x145: {  	[spmem:s2] =	stream.indirect.scatter.add.f32 [tilespmem:s23], [sflag:$0x2], $0x80, s9, s15, $0xb8;
	[tilespmem:$0x1F040] =	vst v63  }
0x146: {  	p0 =	sne.s32 s0, $0xC800;
	s14 =	sadd.s32 $0x220, s8  }
0x147: {  	[spmem:s2] =	stream.indirect.scatter.add.f32 [tilespmem:s26], [sflag:$0x2], $0x80, s14, s15, $0xb8;
	[tilespmem:$0x1F040] =	vst v63  }
.Ltmp2:
0x148: {  	_ = 	snop;
	(pc) =	sbr.rel @p0 .LBB2_6-.Ltmp2, $4  }
0x149: {  	s9 =	sadd.s32 $0x240, s8  }
0x14a: {  	[spmem:s2] =	stream.indirect.scatter.add.f32 [tilespmem:s29], [sflag:$0x2], $0x80, s9, s15, $0xb8;
	[tilespmem:$0x1F040] =	vst v63  }
0x14b: {  	s6 =	sadd.s32 $0x28, s6;
	s14 =	sadd.s32 $0x260, s8  }
0x14c: {  	[spmem:s2] =	stream.indirect.scatter.add.f32 [tilespmem:s30], [sflag:$0x2], $0x80, s14, s15, $0xb8;
	[tilespmem:$0x1F040] =	vst v63  }
0x14d: {  	_ =	swait.ge [sflag:s13], $0xC80  }
0x14e: {  	[sflag:s13] =	ssyncset.done $0x0  }
0x14f: {  	[sflag:s13] =	ssyncadd.s32 $0xFFFFF380  }
0x150: {  	_ =	swait.ge [sflag:s13], $0xC80  }
0x151: {  	[sflag:s13] =	ssyncset.done $0x0  }
0x152: {  	[sflag:s13] =	ssyncadd.s32 $0xFFFFF380  }
0x153: {  	_ =	swait.ge [sflag:s13], $0xC80  }
0x154: {  	[sflag:s13] =	ssyncset.done $0x0  }
0x155: {  	[sflag:s13] =	ssyncadd.s32 $0xFFFFF380  }
0x156: {  	_ =	swait.ge [sflag:s13], $0xC80  }
0x157: {  	[sflag:s13] =	ssyncset.done $0x0  }
0x158: {  	[sflag:s13] =	ssyncadd.s32 $0xFFFFF380  }
0x159: {  	_ =	swait.ge [sflag:s13], $0xC80  }
0x15a: {  	[sflag:s13] =	ssyncset.done $0x0  }
0x15b: {  	[sflag:s13] =	ssyncadd.s32 $0xFFFFF380  }
0x15c: {  	s0 =	stileid.u32;
	[bflag:$0x0] =	sbarrier.arrive $0xFFFF  }
0x15d: {  	s0 =	sshll.u32 s0, $0x6;
	s6 =	rddreg [dreg:$0x6]  }
0x15e: {  	s0 =	sor.u32 $0x1C05, s0;
	s7 =	rddreg [dreg:$0x16]  }
0x15f: {  	[hbm:s6], [sflag:s0] =	dma.local [spmem:s7], $0x2800  }
0x160: {  	_ =	swait.ge [sflag:s31], $0x2800  }
0x161: {  	s1 =	sadd.s32 $0x1, s1;
	s14 =	rddreg [dreg:$0x7]  }
0x162: {  	p0 =	sne.s32 s1, s14  }
.Ltmp3:
0x163: {  	_ = 	snop;
	(pc) =	sbr.rel @p0 .LBB2_1-.Ltmp3, $3  }
0x164: {  	_ =	sdelay $0x1  }
0x165: {  	[sflag:s31] =	ssyncset.done $0x0  }
0x166: {  	[sflag:s31] =	ssyncadd.s32 $0xFFFFD800  }
0x167: {  	_ =	sfence.sel $0x180000  }
0x168: {  	[bflag:$0x0] =	sbarrier.arrive $0xFFFF  }
0x169: {  	_ =	strace $0x90000050  }
0x16a: {  	s0 =	stileid.u32;
	[bflag:$0x2] =	sbarrier.arrive $0xFFFF  }
0x16b: {  	p0 =	sne.s32 s0, $0x0;
	s0 =	rddreg [dreg:$0x2]  }
0x16c: {  	s0 =	sadd.s32 @!p0 $0x100000, s0  }
0x16d: {  	[sflag:s0] =	ssyncadd.tile.s32 @!p0 $0x1;
	_ =	shalt  }
.Lfunc_end2:
_tile_overlayer_lowered:
.L_overlay_start_2:
0x16e: {  	(tag) =	ssettag $0x2  }
0x16f: {  	s0 =	rddreg [dreg:$0x0];
	s2 =	stileid.u32  }
0x170: {  	s1 =	rddreg [dreg:$0x1];
	p0 =	sne.s32 s2, $0x0  }
0x171: {  	s3 =	rddreg [dreg:$0x2];
	[bflag:$0x3] =	sbarrier.arrive $0xFFFF;
	s2 =	simm.s32 @!p0 $0x1C05  }
0x172: {  	[timem:s3], [sflag:s2] =	dma.local @!p0 [hbm:s0], s1  }
0x173: {  	s0 =	simm.s32 @!p0 $0x5  }
0x174: {  	_ =	swait.ge @!p0 [sflag:s0], s1  }
0x175: {  	s1 =	ssub.s32 @!p0 $0x0, s1;
	[sflag:s0] =	ssyncset.done @!p0 $0x0  }
0x176: {  	[sflag:s0] =	ssyncadd.s32 @!p0 s1  }
0x177: {  	[bflag:$0x3] =	sbarrier.arrive $0xFFFF  }
0x178: {  	_ =	shalt  }

</sc_bundles>
